<compile_context>
chip_gen: v7x
topology: tpu7x:2x2x1
jax: 0.10.2.dev20260603
libtpu: 0.0.44.dev20260713+nightly
codegen_flags: <defaults>
</compile_context>

<pallas_src>
import functools

import jax
import jax.numpy as jnp
from jax import lax
from jax.experimental import pallas as pl
from jax.experimental.pallas import tpu as pltpu
from jax.experimental.pallas import tpu_sc as plsc

_NC = 2
_NS = 16
_NW = _NC * _NS
_L = 16
_CH = 128


def _round_up(v, m):
    return (v + m - 1) // m * m



def _sc_gather_body(tbl_p, tbl_q, src, dst, g_out,
                    idx_s, idx_d, idx_s2, idx_d2, idx_iota,
                    ga, gd, ga2, gd2, acc_sh,
                    sem_a, sem_b, sem_a2, sem_b2,
                    *, n_chunks, h):
    c = lax.axis_index("c")
    s = lax.axis_index("s")
    w = c * _NS + s
    reps = n_chunks // _NW
    extra = n_chunks - reps * _NW

    base_iota = lax.iota(jnp.int32, _L)

    def _init_idx(i, carry):
        idx_iota[pl.ds(i * _L, _L)] = base_iota + i * _L
        return carry

    lax.fori_loop(0, _CH // _L, _init_idx, 0)

    acc0 = acc_sh.at[pl.ds(pl.multiple_of(s * 2 * _CH, _CH), _CH), :]
    acc1 = acc_sh.at[pl.ds(pl.multiple_of(s * 2 * _CH + _CH, _CH), _CH), :]

    def _issue(k, islot):
        idx_s, idx_d, ga, gd, sem_a, sem_b = islot
        b = pl.multiple_of((w + k * _NW) * _CH, _CH)
        pltpu.sync_copy(src.at[pl.ds(b, _CH)], idx_s)
        pltpu.sync_copy(dst.at[pl.ds(b, _CH)], idx_d)
        da = pltpu.async_copy(tbl_p.at[idx_s], ga, sem_a)
        db = pltpu.async_copy(tbl_q.at[idx_d], gd, sem_b)
        return b, da, db

    def _finish(binfo, islot, acc):
        idx_s, idx_d, ga, gd, _, _ = islot
        b, da, db = binfo
        da.wait()
        pltpu.sync_copy(ga, acc.at[idx_iota])
        db.wait()
        pltpu.sync_copy(gd, acc.at[idx_iota], add=True)
        pltpu.sync_copy(acc, g_out.at[pl.ds(b, _CH), :])

    slot0 = (idx_s, idx_d, ga, gd, sem_a, sem_b)
    slot1 = (idx_s2, idx_d2, ga2, gd2, sem_a2, sem_b2)

    def _step2(k2, carry):
        i0 = _issue(2 * k2, slot0)
        i1 = _issue(2 * k2 + 1, slot1)
        _finish(i0, slot0, acc0)
        _finish(i1, slot1, acc1)
        return carry

    lax.fori_loop(0, reps // 2, _step2, 0)
    if reps % 2:
        _finish(_issue(reps - 1, slot0), slot0, acc0)
    if extra:
        @pl.when(w < extra)
        def _():
            _finish(_issue(reps, slot0), slot0, acc0)


def _make_sc_gather(n_nodes, n_edges, h):
    n_chunks = n_edges // _CH
    mesh = plsc.VectorSubcoreMesh(core_axis_name="c", subcore_axis_name="s")
    body = functools.partial(_sc_gather_body, n_chunks=n_chunks, h=h)
    return pl.kernel(
        body,
        out_type=jax.ShapeDtypeStruct((n_edges, 2 * h), jnp.float32),
        mesh=mesh,
        scratch_types=[
            pltpu.VMEM((_CH,), jnp.int32),
            pltpu.VMEM((_CH,), jnp.int32),
            pltpu.VMEM((_CH,), jnp.int32),
            pltpu.VMEM((_CH,), jnp.int32),
            pltpu.VMEM((_CH,), jnp.int32),
            pltpu.VMEM((_CH, 2 * h), jnp.float32),
            pltpu.VMEM((_CH, 2 * h), jnp.float32),
            pltpu.VMEM((_CH, 2 * h), jnp.float32),
            pltpu.VMEM((_CH, 2 * h), jnp.float32),
            pltpu.VMEM_SHARED((_NS * 2 * _CH, 2 * h), jnp.float32),
            pltpu.SemaphoreType.DMA,
            pltpu.SemaphoreType.DMA,
            pltpu.SemaphoreType.DMA,
            pltpu.SemaphoreType.DMA,
        ],
    )


def _sc_scatter_body(t_in, dst, s_out,
                     idx_d, idx_d2, t_st, t_st2, s_sh, sem_t, sem_t2,
                     *, n_pad, n_chunks, h):
    c = lax.axis_index("c")
    s = lax.axis_index("s")
    w = c * _NS + s
    rows_per_tile = n_pad // _NS
    reps = n_chunks // _NW
    extra = n_chunks - reps * _NW
    zv = jnp.zeros((_L,), jnp.float32)

    def _zb(i, carry):
        for q in range(2 * h // _L):
            t_st[i, pl.ds(q * _L, _L)] = zv
        return carry

    lax.fori_loop(0, _CH, _zb, 0)
    base_row = pl.multiple_of(s * rows_per_tile, _CH)
    for j in range(rows_per_tile // _CH):
        pltpu.sync_copy(t_st, s_sh.at[pl.ds(base_row + j * _CH, _CH), :])
    plsc.subcore_barrier()

    def _issue(k, islot):
        idxb, tb, semb = islot
        b = pl.multiple_of((w + k * _NW) * _CH, _CH)
        dt = pltpu.async_copy(t_in.at[pl.ds(b, _CH), :], tb, semb)
        pltpu.sync_copy(dst.at[pl.ds(b, _CH)], idxb)
        return dt

    def _finish(dt, islot):
        idxb, tb, _ = islot
        dt.wait()
        pltpu.sync_copy(tb, s_sh.at[idxb], add=True)

    slot0 = (idx_d, t_st, sem_t)
    slot1 = (idx_d2, t_st2, sem_t2)

    def _step2(k2, carry):
        d0 = _issue(2 * k2, slot0)
        d1 = _issue(2 * k2 + 1, slot1)
        _finish(d0, slot0)
        _finish(d1, slot1)
        return carry

    lax.fori_loop(0, reps // 2, _step2, 0)
    if reps % 2:
        _finish(_issue(reps - 1, slot0), slot0)
    if extra:
        @pl.when(w < extra)
        def _():
            _finish(_issue(reps, slot0), slot0)
    plsc.subcore_barrier()
    pltpu.sync_copy(s_sh.at[pl.ds(base_row, rows_per_tile), :],
                    s_out.at[c, pl.ds(base_row, rows_per_tile), :])


def _make_sc_scatter(n_nodes, n_edges, h):
    n_chunks = n_edges // _CH
    n_pad = _round_up(n_nodes, _NS * _CH)
    mesh = plsc.VectorSubcoreMesh(core_axis_name="c", subcore_axis_name="s")
    body = functools.partial(_sc_scatter_body, n_pad=n_pad,
                             n_chunks=n_chunks, h=h)
    return pl.kernel(
        body,
        out_type=jax.ShapeDtypeStruct((_NC, n_pad, 2 * h), jnp.float32),
        mesh=mesh,
        scratch_types=[
            pltpu.VMEM((_CH,), jnp.int32),
            pltpu.VMEM((_CH,), jnp.int32),
            pltpu.VMEM((_CH, 2 * h), jnp.float32),
            pltpu.VMEM((_CH, 2 * h), jnp.float32),
            pltpu.VMEM_SHARED((n_pad, 2 * h), jnp.float32),
            pltpu.SemaphoreType.DMA,
            pltpu.SemaphoreType.DMA,
        ],
    )


def _sc_deg_body(dst, deg_out, idx_d, ones_b, zbuf, deg_sh,
                 *, n_pad, e_per_sub, chunk):
    c = lax.axis_index("c")
    s = lax.axis_index("s")
    rows_per_tile = n_pad // _NS
    zrows = zbuf.shape[0]

    onehot = jnp.where(lax.iota(jnp.int32, _L) == 0,
                       jnp.float32(1.0), jnp.float32(0.0))
    zv = jnp.zeros((_L,), jnp.float32)

    def _fill(i, carry):
        ones_b[i, :] = onehot
        return carry

    lax.fori_loop(0, chunk, _fill, 0)

    def _zb(i, carry):
        zbuf[i, :] = zv
        return carry

    lax.fori_loop(0, zrows, _zb, 0)
    base_row = pl.multiple_of(s * rows_per_tile, zrows)
    for j in range(rows_per_tile // zrows):
        pltpu.sync_copy(zbuf, deg_sh.at[pl.ds(base_row + j * zrows, zrows), :])
    plsc.subcore_barrier()

    ebase = (c * _NS + s) * e_per_sub

    def _step(k, carry):
        b = pl.multiple_of(ebase + k * chunk, chunk)
        pltpu.sync_copy(dst.at[pl.ds(b, chunk)], idx_d)
        pltpu.sync_copy(ones_b, deg_sh.at[idx_d], add=True)
        return carry

    lax.fori_loop(0, e_per_sub // chunk, _step, 0)
    plsc.subcore_barrier()
    pltpu.sync_copy(deg_sh.at[pl.ds(base_row, rows_per_tile), :],
                    deg_out.at[c, pl.ds(base_row, rows_per_tile), :])


def _make_sc_deg(n_nodes, n_edges):
    e_per_sub = n_edges // _NW
    chunk = 80
    zrows = 128
    n_pad = _round_up(n_nodes, _NS * zrows)
    mesh = plsc.VectorSubcoreMesh(core_axis_name="c", subcore_axis_name="s")
    body = functools.partial(_sc_deg_body, n_pad=n_pad,
                             e_per_sub=e_per_sub, chunk=chunk)
    return pl.kernel(
        body,
        out_type=jax.ShapeDtypeStruct((_NC, n_pad, _L), jnp.float32),
        mesh=mesh,
        scratch_types=[
            pltpu.VMEM((chunk,), jnp.int32),
            pltpu.VMEM((chunk, _L), jnp.float32),
            pltpu.VMEM((zrows, _L), jnp.float32),
            pltpu.VMEM_SHARED((n_pad, _L), jnp.float32),
        ],
    )



def _tc_edge_enc_body(ef, v, cv, o0, o1, o2, *, h):
    t = jnp.dot(ef[...], v[...], preferred_element_type=jnp.float32) + cv[...]
    o0[...] = t[:, :h]
    o1[...] = t[:, h:2 * h]
    o2[...] = t[:, 2 * h:]


def _tc_relu_body(g, eb, o, *, h):
    t = jnp.maximum(g[..., :h] + eb[...], 0.0)
    o[...] = jnp.concatenate([t, jnp.zeros_like(t)], axis=1)


def _tc_encode_pre_body(nf, wn, bn, wac, o_x, o_p, o_q, *, h):
    x = jnp.dot(nf[...], wn[...], preferred_element_type=jnp.float32) + bn[...]
    o_x[...] = x
    hac = jnp.dot(x, wac[...], preferred_element_type=jnp.float32)
    z = jnp.zeros_like(hac[:, :h])
    o_p[...] = jnp.concatenate([hac[:, :h], z], axis=1)
    o_q[...] = jnp.concatenate([hac[:, h:], z], axis=1)


def _tc_update_body(x, spa, degp, w2, b2, u1, c1, u2, c2, wac,
                    o_x, o_p=None, o_q=None, *, h, n, has_next):
    ssum = spa[0, :n, :h] + spa[1, :n, :h]
    deg = degp[0, :n, 0] + degp[1, :n, 0]
    agg = (jnp.dot(ssum, w2[...], preferred_element_type=jnp.float32)
           + deg[:, None] * b2[...])
    u1v = u1[...]
    hid = jnp.maximum(
        jnp.dot(x[...], u1v[:h, :], preferred_element_type=jnp.float32)
        + jnp.dot(agg, u1v[h:, :], preferred_element_type=jnp.float32)
        + c1[...], 0.0)
    xo = jnp.dot(hid, u2[...], preferred_element_type=jnp.float32) + c2[...]
    o_x[...] = xo
    if has_next:
        hac = jnp.dot(xo, wac[...], preferred_element_type=jnp.float32)
        z = jnp.zeros_like(hac[:, :h])
        o_p[...] = jnp.concatenate([hac[:, :h], z], axis=1)
        o_q[...] = jnp.concatenate([hac[:, h:], z], axis=1)



def kernel(node_features, edge_features, params, edge_index):
    n, nd = node_features.shape
    e, ed = edge_features.shape
    wn, bn = params['node_enc']
    we, be = params['edge_enc']
    h = wn.shape[1]
    msg = params['msg']
    upd = params['upd']
    nl = len(msg)
    f32 = jnp.float32

    vs, cs, wacs = [], [], []
    for l in range(nl):
        w1, b1, _, _ = msg[l]
        w1b = w1[h:2 * h]
        vs.append(we @ w1b)
        cs.append(be @ w1b + b1)
        wacs.append(jnp.concatenate([w1[:h], w1[2 * h:]], axis=1))
    vmat = jnp.concatenate(vs, axis=1)
    cvec = jnp.concatenate(cs)[None, :]

    src = edge_index[0].astype(jnp.int32)
    dst = edge_index[1].astype(jnp.int32)

    be_rows = 8000
    eb_list = pl.pallas_call(
        functools.partial(_tc_edge_enc_body, h=h),
        grid=(e // be_rows,),
        in_specs=[
            pl.BlockSpec((be_rows, ed), lambda i: (i, 0)),
            pl.BlockSpec((ed, nl * h), lambda i: (0, 0)),
            pl.BlockSpec((1, nl * h), lambda i: (0, 0)),
        ],
        out_specs=[pl.BlockSpec((be_rows, h), lambda i: (i, 0))] * nl,
        out_shape=[jax.ShapeDtypeStruct((e, h), f32)] * nl,
    )(edge_features, vmat, cvec)

    deg_parts = _make_sc_deg(n, e)(dst)

    x, tp, tq = pl.pallas_call(
        functools.partial(_tc_encode_pre_body, h=h),
        out_shape=[jax.ShapeDtypeStruct((n, h), f32),
                   jax.ShapeDtypeStruct((n, 2 * h), f32),
                   jax.ShapeDtypeStruct((n, 2 * h), f32)],
    )(node_features, wn, bn.reshape(1, h), wacs[0])

    sc_gather = _make_sc_gather(n, e, h)
    sc_scatter = _make_sc_scatter(n, e, h)
    relu_rows = 8000
    relu_call = pl.pallas_call(
        functools.partial(_tc_relu_body, h=h),
        grid=(e // relu_rows,),
        in_specs=[
            pl.BlockSpec((relu_rows, 2 * h), lambda i: (i, 0)),
            pl.BlockSpec((relu_rows, h), lambda i: (i, 0)),
        ],
        out_specs=pl.BlockSpec((relu_rows, 2 * h), lambda i: (i, 0)),
        out_shape=jax.ShapeDtypeStruct((e, 2 * h), f32),
    )
    for l in range(nl):
        g = sc_gather(tp, tq, src, dst)
        t = relu_call(g, eb_list[l])
        s_parts = sc_scatter(t, dst)
        _, _, w2, b2 = msg[l]
        u1, c1, u2, c2 = upd[l]
        has_next = l + 1 < nl
        wac_next = wacs[l + 1] if has_next else wacs[0]
        out_shapes = [jax.ShapeDtypeStruct((n, h), f32)]
        if has_next:
            out_shapes += [jax.ShapeDtypeStruct((n, 2 * h), f32)] * 2
        outs = pl.pallas_call(
            functools.partial(_tc_update_body, h=h, n=n, has_next=has_next),
            out_shape=out_shapes,
        )(x, s_parts, deg_parts, w2, b2.reshape(1, h),
          u1, c1.reshape(1, h), u2, c2.reshape(1, h), wac_next)
        if has_next:
            x, tp, tq = outs
        else:
            x = outs[0]
    return x

# --- scband reference (transcript-rebuilt; emitter-appended) ---
"""Pipeline reference for scband-logic-graph-network-81003083202898 (READ-ONLY COPY).

The authoritative reference and input builder live on the scoring server;
editing this copy changes nothing except your own understanding.
"""

import jax, jax.numpy as jnp
import numpy as np

N = 10000
E = 320000
ND = 128
ED = 16
H = 64
NL = 3


def _glorot(k, shape):
    fan_in = shape[0]
    return (jax.random.normal(k, shape, dtype=jnp.float32) / np.sqrt(fan_in)).astype(jnp.float32)


def setup_inputs(seed: int = 0) -> dict:
    key = jax.random.key(seed)
    ks = jax.random.split(key, 40)
    node_features = jax.random.normal(ks[0], (N, ND), dtype=jnp.float32)
    edge_features = jax.random.normal(ks[1], (E, ED), dtype=jnp.float32)
    edge_index = jax.random.randint(ks[2], (2, E), 0, N)
    ki = 3
    params = {}
    params['node_enc'] = (_glorot(ks[ki], (ND, H)), jnp.zeros((H,), jnp.float32)); ki += 1
    params['edge_enc'] = (_glorot(ks[ki], (ED, H)), jnp.zeros((H,), jnp.float32)); ki += 1
    msg = []
    upd = []
    for _ in range(NL):
        msg.append((_glorot(ks[ki], (3 * H, H)), jnp.zeros((H,), jnp.float32),
                    _glorot(ks[ki + 1], (H, H)), jnp.zeros((H,), jnp.float32)))
        ki += 2
        upd.append((_glorot(ks[ki], (2 * H, H)), jnp.zeros((H,), jnp.float32),
                    _glorot(ks[ki + 1], (H, H)), jnp.zeros((H,), jnp.float32)))
        ki += 2
    params['msg'] = msg
    params['upd'] = upd
    return {'node_features': node_features, 'edge_features': edge_features,
            'params': params, 'edge_index': edge_index}


def reference(node_features, edge_features, params, edge_index):
    Wn, bn = params['node_enc']
    We, be = params['edge_enc']
    x = node_features @ Wn + bn
    e = edge_features @ We + be
    src = edge_index[0]
    dst = edge_index[1]
    for l in range(NL):
        # message passing: gather src/dst node states, MLP, scatter-add to dst
        msg_in = jnp.concatenate([x[src], e, x[dst]], axis=-1)
        W1, b1, W2, b2 = params['msg'][l]
        m = jax.nn.relu(msg_in @ W1 + b1) @ W2 + b2
        agg = jnp.zeros((x.shape[0], H), dtype=x.dtype).at[dst].add(m)
        U1, c1, U2, c2 = params['upd'][l]
        h = jnp.concatenate([x, agg], axis=-1)
        x = jax.nn.relu(h @ U1 + c1) @ U2 + c2
    # use_logical_constraints=False -> constraints is None; return node representations
    return x

if __name__ == "__main__":
    import jax
    _d = setup_inputs()
    print(jax.jit(kernel)(*tuple(_d.values())))

</pallas_src>

<mosaic_0001>
#map = affine_map<(d0, d1) -> (0, 0)>
#map1 = affine_map<(d0, d1) -> (0)>
#map2 = affine_map<(d0, d1) -> (0, 0, 0)>
module attributes {stable_mosaic.version = 14 : i64} {
  func.func @_sc_scatter_body(%arg0: i32, %arg1: i32, %arg2: memref<320000x128xf32, #tpu.memory_space<hbm>>, %arg3: memref<320000xi32, #tpu.memory_space<hbm>>, %arg4: memref<2x10240x128xf32, #tpu.memory_space<hbm>>, %arg5: memref<128xi32, #tpu.memory_space<vmem>>, %arg6: memref<128xi32, #tpu.memory_space<vmem>>, %arg7: memref<128x128xf32, #tpu.memory_space<vmem>>, %arg8: memref<128x128xf32, #tpu.memory_space<vmem>>, %arg9: memref<10240x128xf32, #tpu.memory_space<vmem_shared>>, %arg10: memref<!tpu.dma_semaphore, #tpu.memory_space<semaphore_mem>>, %arg11: memref<!tpu.dma_semaphore, #tpu.memory_space<semaphore_mem>>) attributes {dimension_semantics = [#tpu.dimension_semantics<core_parallel>, #tpu.dimension_semantics<subcore_parallel>], iteration_bounds = array<i64: 2, 16>, scalar_prefetch = 0 : i64, scratch_operands = 7 : i64, tpu.core_type = #tpu.core_type<sc_vector_subcore>, window_params = [{transform_indices = #map}, {transform_indices = #map1}, {transform_indices = #map2}]} {
    %mul3A = arith.constant 16 : i32
    %mul3A_0 = arith.muli %arg0, %mul3A : i32
    %add3A = arith.addi %mul3A_0, %arg1 : i32
    %broadcast_in_dim3A = arith.constant 0.000000e+00 : f32
    %broadcast_in_dim3A_1 = vector.broadcast %broadcast_in_dim3A : f32 to vector<16xf32>
    %scan3A = arith.constant 0 : i32
    %scan3A_2 = arith.constant 0 : i32
    %scan3A_3 = arith.constant 128 : i32
    %scan3A_4 = arith.addi %scan3A_2, %scan3A_3 : i32
    %scan3A_5 = arith.constant 1 : i32
    scf.for %scan3A_28 = %scan3A_2 to %scan3A_4 step %scan3A_5  : i32 {
      %swap3A = arith.index_cast %scan3A_28 : i32 to index
      %swap3A_29 = arith.constant 0 : index
      %swap3A_30 = tpu.vector_load %arg7[%swap3A, %swap3A_29] {strides = array<i32>} : memref<128x128xf32, #tpu.memory_space<vmem>>, vector<1x16xf32>,
      %swap3A_31 = vector.shape_cast %swap3A_30 : vector<1x16xf32> to vector<16xf32>
      %swap3A_32 = vector.shape_cast %broadcast_in_dim3A_1 : vector<16xf32> to vector<1x16xf32>
      tpu.vector_store %arg7[%swap3A, %swap3A_29], %swap3A_32 {strides = array<i32>} : memref<128x128xf32, #tpu.memory_space<vmem>>, vector<1x16xf32>,
      %swap3A_33 = arith.index_cast %scan3A_28 : i32 to index
      %swap3A_34 = arith.constant 16 : index
      %swap3A_35 = tpu.vector_load %arg7[%swap3A_33, %swap3A_34] {strides = array<i32>} : memref<128x128xf32, #tpu.memory_space<vmem>>, vector<1x16xf32>,
      %swap3A_36 = vector.shape_cast %swap3A_35 : vector<1x16xf32> to vector<16xf32>
      %swap3A_37 = vector.shape_cast %broadcast_in_dim3A_1 : vector<16xf32> to vector<1x16xf32>
      tpu.vector_store %arg7[%swap3A_33, %swap3A_34], %swap3A_37 {strides = array<i32>} : memref<128x128xf32, #tpu.memory_space<vmem>>, vector<1x16xf32>,
      %swap3A_38 = arith.index_cast %scan3A_28 : i32 to index
      %swap3A_39 = arith.constant 32 : index
      %swap3A_40 = tpu.vector_load %arg7[%swap3A_38, %swap3A_39] {strides = array<i32>} : memref<128x128xf32, #tpu.memory_space<vmem>>, vector<1x16xf32>,
      %swap3A_41 = vector.shape_cast %swap3A_40 : vector<1x16xf32> to vector<16xf32>
      %swap3A_42 = vector.shape_cast %broadcast_in_dim3A_1 : vector<16xf32> to vector<1x16xf32>
      tpu.vector_store %arg7[%swap3A_38, %swap3A_39], %swap3A_42 {strides = array<i32>} : memref<128x128xf32, #tpu.memory_space<vmem>>, vector<1x16xf32>,
      %swap3A_43 = arith.index_cast %scan3A_28 : i32 to index
      %swap3A_44 = arith.constant 48 : index
      %swap3A_45 = tpu.vector_load %arg7[%swap3A_43, %swap3A_44] {strides = array<i32>} : memref<128x128xf32, #tpu.memory_space<vmem>>, vector<1x16xf32>,
      %swap3A_46 = vector.shape_cast %swap3A_45 : vector<1x16xf32> to vector<16xf32>
      %swap3A_47 = vector.shape_cast %broadcast_in_dim3A_1 : vector<16xf32> to vector<1x16xf32>
      tpu.vector_store %arg7[%swap3A_43, %swap3A_44], %swap3A_47 {strides = array<i32>} : memref<128x128xf32, #tpu.memory_space<vmem>>, vector<1x16xf32>,
      %swap3A_48 = arith.index_cast %scan3A_28 : i32 to index
      %swap3A_49 = arith.constant 64 : index
      %swap3A_50 = tpu.vector_load %arg7[%swap3A_48, %swap3A_49] {strides = array<i32>} : memref<128x128xf32, #tpu.memory_space<vmem>>, vector<1x16xf32>,
      %swap3A_51 = vector.shape_cast %swap3A_50 : vector<1x16xf32> to vector<16xf32>
      %swap3A_52 = vector.shape_cast %broadcast_in_dim3A_1 : vector<16xf32> to vector<1x16xf32>
      tpu.vector_store %arg7[%swap3A_48, %swap3A_49], %swap3A_52 {strides = array<i32>} : memref<128x128xf32, #tpu.memory_space<vmem>>, vector<1x16xf32>,
      %swap3A_53 = arith.index_cast %scan3A_28 : i32 to index
      %swap3A_54 = arith.constant 80 : index
      %swap3A_55 = tpu.vector_load %arg7[%swap3A_53, %swap3A_54] {strides = array<i32>} : memref<128x128xf32, #tpu.memory_space<vmem>>, vector<1x16xf32>,
      %swap3A_56 = vector.shape_cast %swap3A_55 : vector<1x16xf32> to vector<16xf32>
      %swap3A_57 = vector.shape_cast %broadcast_in_dim3A_1 : vector<16xf32> to vector<1x16xf32>
      tpu.vector_store %arg7[%swap3A_53, %swap3A_54], %swap3A_57 {strides = array<i32>} : memref<128x128xf32, #tpu.memory_space<vmem>>, vector<1x16xf32>,
      %swap3A_58 = arith.index_cast %scan3A_28 : i32 to index
      %swap3A_59 = arith.constant 96 : index
      %swap3A_60 = tpu.vector_load %arg7[%swap3A_58, %swap3A_59] {strides = array<i32>} : memref<128x128xf32, #tpu.memory_space<vmem>>, vector<1x16xf32>,
      %swap3A_61 = vector.shape_cast %swap3A_60 : vector<1x16xf32> to vector<16xf32>
      %swap3A_62 = vector.shape_cast %broadcast_in_dim3A_1 : vector<16xf32> to vector<1x16xf32>
      tpu.vector_store %arg7[%swap3A_58, %swap3A_59], %swap3A_62 {strides = array<i32>} : memref<128x128xf32, #tpu.memory_space<vmem>>, vector<1x16xf32>,
      %swap3A_63 = arith.index_cast %scan3A_28 : i32 to index
      %swap3A_64 = arith.constant 112 : index
      %swap3A_65 = tpu.vector_load %arg7[%swap3A_63, %swap3A_64] {strides = array<i32>} : memref<128x128xf32, #tpu.memory_space<vmem>>, vector<1x16xf32>,
      %swap3A_66 = vector.shape_cast %swap3A_65 : vector<1x16xf32> to vector<16xf32>
      %swap3A_67 = vector.shape_cast %broadcast_in_dim3A_1 : vector<16xf32> to vector<1x16xf32>
      tpu.vector_store %arg7[%swap3A_63, %swap3A_64], %swap3A_67 {strides = array<i32>} : memref<128x128xf32, #tpu.memory_space<vmem>>, vector<1x16xf32>,
    }
    %scan3A_6 = arith.constant 128 : i32
    %mul3A_7 = arith.constant 640 : i32
    %mul3A_8 = arith.muli %arg1, %mul3A_7 : i32
    %multiple_of3A = tpu.assume_multiple %mul3A_8, 128 : i32
    %add3A_9 = arith.constant 0 : i32
    %add3A_10 = arith.addi %multiple_of3A, %add3A_9 : i32
    "tpu.region"() ({
      %run_scoped3A = tpu.sem_alloc : memref<!tpu.dma_semaphore, #tpu.memory_space<semaphore_mem>>
      %dma_start3A = arith.constant 0 : i32
      %dma_start3A_28 = tpu.memref_slice %arg9[%add3A_10, %dma_start3A] : memref<10240x128xf32, #tpu.memory_space<vmem_shared>> -> memref<128x128xf32, #tpu.memory_space<vmem_shared>>
      %dma_start3A_29 = arith.constant 0 : i32
      %dma_start3A_30 = tpu.memref_slice %arg9[%add3A_10, %dma_start3A_29] : memref<10240x128xf32, #tpu.memory_space<vmem_shared>> -> memref<128x128xf32, #tpu.memory_space<vmem_shared>>
      tpu.enqueue_dma source(%arg7 : memref<128x128xf32, #tpu.memory_space<vmem>>) target(%dma_start3A_30 : memref<128x128xf32, #tpu.memory_space<vmem_shared>>) target_semaphore(%run_scoped3A : memref<!tpu.dma_semaphore, #tpu.memory_space<semaphore_mem>>)
      %dma_wait3A = arith.constant 0 : i32
      %dma_wait3A_31 = tpu.memref_slice %arg9[%add3A_10, %dma_wait3A] : memref<10240x128xf32, #tpu.memory_space<vmem_shared>> -> memref<128x128xf32, #tpu.memory_space<vmem_shared>>
      %dma_wait3A_32 = arith.constant 0 : i32
      %dma_wait3A_33 = tpu.memref_slice %arg9[%add3A_10, %dma_wait3A_32] : memref<10240x128xf32, #tpu.memory_space<vmem_shared>> -> memref<128x128xf32, #tpu.memory_space<vmem_shared>>
      tpu.wait_dma2 semaphore(%run_scoped3A : memref<!tpu.dma_semaphore, #tpu.memory_space<semaphore_mem>>) src(%arg7 : memref<128x128xf32, #tpu.memory_space<vmem>>) dst(%dma_wait3A_33 : memref<128x128xf32, #tpu.memory_space<vmem_shared>>)
      tpu.yield
    }) : () -> ()
    %add3A_11 = arith.constant 128 : i32
    %add3A_12 = arith.addi %multiple_of3A, %add3A_11 : i32
    "tpu.region"() ({
      %run_scoped3A = tpu.sem_alloc : memref<!tpu.dma_semaphore, #tpu.memory_space<semaphore_mem>>
      %dma_start3A = arith.constant 0 : i32
      %dma_start3A_28 = tpu.memref_slice %arg9[%add3A_12, %dma_start3A] : memref<10240x128xf32, #tpu.memory_space<vmem_shared>> -> memref<128x128xf32, #tpu.memory_space<vmem_shared>>
      %dma_start3A_29 = arith.constant 0 : i32
      %dma_start3A_30 = tpu.memref_slice %arg9[%add3A_12, %dma_start3A_29] : memref<10240x128xf32, #tpu.memory_space<vmem_shared>> -> memref<128x128xf32, #tpu.memory_space<vmem_shared>>
      tpu.enqueue_dma source(%arg7 : memref<128x128xf32, #tpu.memory_space<vmem>>) target(%dma_start3A_30 : memref<128x128xf32, #tpu.memory_space<vmem_shared>>) target_semaphore(%run_scoped3A : memref<!tpu.dma_semaphore, #tpu.memory_space<semaphore_mem>>)
      %dma_wait3A = arith.constant 0 : i32
      %dma_wait3A_31 = tpu.memref_slice %arg9[%add3A_12, %dma_wait3A] : memref<10240x128xf32, #tpu.memory_space<vmem_shared>> -> memref<128x128xf32, #tpu.memory_space<vmem_shared>>
      %dma_wait3A_32 = arith.constant 0 : i32
      %dma_wait3A_33 = tpu.memref_slice %arg9[%add3A_12, %dma_wait3A_32] : memref<10240x128xf32, #tpu.memory_space<vmem_shared>> -> memref<128x128xf32, #tpu.memory_space<vmem_shared>>
      tpu.wait_dma2 semaphore(%run_scoped3A : memref<!tpu.dma_semaphore, #tpu.memory_space<semaphore_mem>>) src(%arg7 : memref<128x128xf32, #tpu.memory_space<vmem>>) dst(%dma_wait3A_33 : memref<128x128xf32, #tpu.memory_space<vmem_shared>>)
      tpu.yield
    }) : () -> ()
    %add3A_13 = arith.constant 256 : i32
    %add3A_14 = arith.addi %multiple_of3A, %add3A_13 : i32
    "tpu.region"() ({
      %run_scoped3A = tpu.sem_alloc : memref<!tpu.dma_semaphore, #tpu.memory_space<semaphore_mem>>
      %dma_start3A = arith.constant 0 : i32
      %dma_start3A_28 = tpu.memref_slice %arg9[%add3A_14, %dma_start3A] : memref<10240x128xf32, #tpu.memory_space<vmem_shared>> -> memref<128x128xf32, #tpu.memory_space<vmem_shared>>
      %dma_start3A_29 = arith.constant 0 : i32
      %dma_start3A_30 = tpu.memref_slice %arg9[%add3A_14, %dma_start3A_29] : memref<10240x128xf32, #tpu.memory_space<vmem_shared>> -> memref<128x128xf32, #tpu.memory_space<vmem_shared>>
      tpu.enqueue_dma source(%arg7 : memref<128x128xf32, #tpu.memory_space<vmem>>) target(%dma_start3A_30 : memref<128x128xf32, #tpu.memory_space<vmem_shared>>) target_semaphore(%run_scoped3A : memref<!tpu.dma_semaphore, #tpu.memory_space<semaphore_mem>>)
      %dma_wait3A = arith.constant 0 : i32
      %dma_wait3A_31 = tpu.memref_slice %arg9[%add3A_14, %dma_wait3A] : memref<10240x128xf32, #tpu.memory_space<vmem_shared>> -> memref<128x128xf32, #tpu.memory_space<vmem_shared>>
      %dma_wait3A_32 = arith.constant 0 : i32
      %dma_wait3A_33 = tpu.memref_slice %arg9[%add3A_14, %dma_wait3A_32] : memref<10240x128xf32, #tpu.memory_space<vmem_shared>> -> memref<128x128xf32, #tpu.memory_space<vmem_shared>>
      tpu.wait_dma2 semaphore(%run_scoped3A : memref<!tpu.dma_semaphore, #tpu.memory_space<semaphore_mem>>) src(%arg7 : memref<128x128xf32, #tpu.memory_space<vmem>>) dst(%dma_wait3A_33 : memref<128x128xf32, #tpu.memory_space<vmem_shared>>)
      tpu.yield
    }) : () -> ()
    %add3A_15 = arith.constant 384 : i32
    %add3A_16 = arith.addi %multiple_of3A, %add3A_15 : i32
    "tpu.region"() ({
      %run_scoped3A = tpu.sem_alloc : memref<!tpu.dma_semaphore, #tpu.memory_space<semaphore_mem>>
      %dma_start3A = arith.constant 0 : i32
      %dma_start3A_28 = tpu.memref_slice %arg9[%add3A_16, %dma_start3A] : memref<10240x128xf32, #tpu.memory_space<vmem_shared>> -> memref<128x128xf32, #tpu.memory_space<vmem_shared>>
      %dma_start3A_29 = arith.constant 0 : i32
      %dma_start3A_30 = tpu.memref_slice %arg9[%add3A_16, %dma_start3A_29] : memref<10240x128xf32, #tpu.memory_space<vmem_shared>> -> memref<128x128xf32, #tpu.memory_space<vmem_shared>>
      tpu.enqueue_dma source(%arg7 : memref<128x128xf32, #tpu.memory_space<vmem>>) target(%dma_start3A_30 : memref<128x128xf32, #tpu.memory_space<vmem_shared>>) target_semaphore(%run_scoped3A : memref<!tpu.dma_semaphore, #tpu.memory_space<semaphore_mem>>)
      %dma_wait3A = arith.constant 0 : i32
      %dma_wait3A_31 = tpu.memref_slice %arg9[%add3A_16, %dma_wait3A] : memref<10240x128xf32, #tpu.memory_space<vmem_shared>> -> memref<128x128xf32, #tpu.memory_space<vmem_shared>>
      %dma_wait3A_32 = arith.constant 0 : i32
      %dma_wait3A_33 = tpu.memref_slice %arg9[%add3A_16, %dma_wait3A_32] : memref<10240x128xf32, #tpu.memory_space<vmem_shared>> -> memref<128x128xf32, #tpu.memory_space<vmem_shared>>
      tpu.wait_dma2 semaphore(%run_scoped3A : memref<!tpu.dma_semaphore, #tpu.memory_space<semaphore_mem>>) src(%arg7 : memref<128x128xf32, #tpu.memory_space<vmem>>) dst(%dma_wait3A_33 : memref<128x128xf32, #tpu.memory_space<vmem_shared>>)
      tpu.yield
    }) : () -> ()
    %add3A_17 = arith.constant 512 : i32
    %add3A_18 = arith.addi %multiple_of3A, %add3A_17 : i32
    "tpu.region"() ({
      %run_scoped3A = tpu.sem_alloc : memref<!tpu.dma_semaphore, #tpu.memory_space<semaphore_mem>>
      %dma_start3A = arith.constant 0 : i32
      %dma_start3A_28 = tpu.memref_slice %arg9[%add3A_18, %dma_start3A] : memref<10240x128xf32, #tpu.memory_space<vmem_shared>> -> memref<128x128xf32, #tpu.memory_space<vmem_shared>>
      %dma_start3A_29 = arith.constant 0 : i32
      %dma_start3A_30 = tpu.memref_slice %arg9[%add3A_18, %dma_start3A_29] : memref<10240x128xf32, #tpu.memory_space<vmem_shared>> -> memref<128x128xf32, #tpu.memory_space<vmem_shared>>
      tpu.enqueue_dma source(%arg7 : memref<128x128xf32, #tpu.memory_space<vmem>>) target(%dma_start3A_30 : memref<128x128xf32, #tpu.memory_space<vmem_shared>>) target_semaphore(%run_scoped3A : memref<!tpu.dma_semaphore, #tpu.memory_space<semaphore_mem>>)
      %dma_wait3A = arith.constant 0 : i32
      %dma_wait3A_31 = tpu.memref_slice %arg9[%add3A_18, %dma_wait3A] : memref<10240x128xf32, #tpu.memory_space<vmem_shared>> -> memref<128x128xf32, #tpu.memory_space<vmem_shared>>
      %dma_wait3A_32 = arith.constant 0 : i32
      %dma_wait3A_33 = tpu.memref_slice %arg9[%add3A_18, %dma_wait3A_32] : memref<10240x128xf32, #tpu.memory_space<vmem_shared>> -> memref<128x128xf32, #tpu.memory_space<vmem_shared>>
      tpu.wait_dma2 semaphore(%run_scoped3A : memref<!tpu.dma_semaphore, #tpu.memory_space<semaphore_mem>>) src(%arg7 : memref<128x128xf32, #tpu.memory_space<vmem>>) dst(%dma_wait3A_33 : memref<128x128xf32, #tpu.memory_space<vmem_shared>>)
      tpu.yield
    }) : () -> ()
    %barrier3A = arith.constant 0 : index
    tpu.barrier barrier_id(%barrier3A)
    %scan3A_19 = arith.constant 0 : i32
    %scan3A_20 = arith.constant 0 : i32
    %scan3A_21 = arith.constant 39 : i32
    %scan3A_22 = arith.addi %scan3A_20, %scan3A_21 : i32
    %scan3A_23 = arith.constant 1 : i32
    scf.for %scan3A_28 = %scan3A_20 to %scan3A_22 step %scan3A_23  : i32 {
      %mul3A_29 = arith.constant 2 : i32
      %mul3A_30 = arith.muli %mul3A_29, %scan3A_28 : i32
      %mul3A_31 = arith.constant 32 : i32
      %mul3A_32 = arith.muli %mul3A_30, %mul3A_31 : i32
      %add3A_33 = arith.addi %add3A, %mul3A_32 : i32
      %mul3A_34 = arith.constant 128 : i32
      %mul3A_35 = arith.muli %add3A_33, %mul3A_34 : i32
      %multiple_of3A_36 = tpu.assume_multiple %mul3A_35, 128 : i32
      %dma_start3A = arith.constant 0 : i32
      %dma_start3A_37 = tpu.memref_slice %arg2[%multiple_of3A_36, %dma_start3A] : memref<320000x128xf32, #tpu.memory_space<hbm>> -> memref<128x128xf32, #tpu.memory_space<hbm>>
      %dma_start3A_38 = arith.constant 0 : i32
      %dma_start3A_39 = tpu.memref_slice %arg2[%multiple_of3A_36, %dma_start3A_38] : memref<320000x128xf32, #tpu.memory_space<hbm>> -> memref<128x128xf32, #tpu.memory_space<hbm>>
      tpu.enqueue_dma source(%dma_start3A_39 : memref<128x128xf32, #tpu.memory_space<hbm>>) target(%arg7 : memref<128x128xf32, #tpu.memory_space<vmem>>) target_semaphore(%arg10 : memref<!tpu.dma_semaphore, #tpu.memory_space<semaphore_mem>>)
      "tpu.region"() ({
        %run_scoped3A = tpu.sem_alloc : memref<!tpu.dma_semaphore, #tpu.memory_space<semaphore_mem>>
        %dma_start3A_61 = tpu.memref_slice %arg3[%multiple_of3A_36] : memref<320000xi32, #tpu.memory_space<hbm>> -> memref<128xi32, #tpu.memory_space<hbm>>
        %dma_start3A_62 = tpu.memref_slice %arg3[%multiple_of3A_36] : memref<320000xi32, #tpu.memory_space<hbm>> -> memref<128xi32, #tpu.memory_space<hbm>>
        tpu.enqueue_dma source(%dma_start3A_62 : memref<128xi32, #tpu.memory_space<hbm>>) target(%arg5 : memref<128xi32, #tpu.memory_space<vmem>>) target_semaphore(%run_scoped3A : memref<!tpu.dma_semaphore, #tpu.memory_space<semaphore_mem>>)
        %dma_wait3A_63 = tpu.memref_slice %arg3[%multiple_of3A_36] : memref<320000xi32, #tpu.memory_space<hbm>> -> memref<128xi32, #tpu.memory_space<hbm>>
        %dma_wait3A_64 = tpu.memref_slice %arg3[%multiple_of3A_36] : memref<320000xi32, #tpu.memory_space<hbm>> -> memref<128xi32, #tpu.memory_space<hbm>>
        tpu.wait_dma2 semaphore(%run_scoped3A : memref<!tpu.dma_semaphore, #tpu.memory_space<semaphore_mem>>) src(%dma_wait3A_64 : memref<128xi32, #tpu.memory_space<hbm>>) dst(%arg5 : memref<128xi32, #tpu.memory_space<vmem>>)
        tpu.yield
      }) : () -> ()
      %mul3A_40 = arith.constant 2 : i32
      %mul3A_41 = arith.muli %mul3A_40, %scan3A_28 : i32
      %add3A_42 = arith.constant 1 : i32
      %add3A_43 = arith.addi %mul3A_41, %add3A_42 : i32
      %mul3A_44 = arith.constant 32 : i32
      %mul3A_45 = arith.muli %add3A_43, %mul3A_44 : i32
      %add3A_46 = arith.addi %add3A, %mul3A_45 : i32
      %mul3A_47 = arith.constant 128 : i32
      %mul3A_48 = arith.muli %add3A_46, %mul3A_47 : i32
      %multiple_of3A_49 = tpu.assume_multiple %mul3A_48, 128 : i32
      %dma_start3A_50 = arith.constant 0 : i32
      %dma_start3A_51 = tpu.memref_slice %arg2[%multiple_of3A_49, %dma_start3A_50] : memref<320000x128xf32, #tpu.memory_space<hbm>> -> memref<128x128xf32, #tpu.memory_space<hbm>>
      %dma_start3A_52 = arith.constant 0 : i32
      %dma_start3A_53 = tpu.memref_slice %arg2[%multiple_of3A_49, %dma_start3A_52] : memref<320000x128xf32, #tpu.memory_space<hbm>> -> memref<128x128xf32, #tpu.memory_space<hbm>>
      tpu.enqueue_dma source(%dma_start3A_53 : memref<128x128xf32, #tpu.memory_space<hbm>>) target(%arg8 : memref<128x128xf32, #tpu.memory_space<vmem>>) target_semaphore(%arg11 : memref<!tpu.dma_semaphore, #tpu.memory_space<semaphore_mem>>)
      "tpu.region"() ({
        %run_scoped3A = tpu.sem_alloc : memref<!tpu.dma_semaphore, #tpu.memory_space<semaphore_mem>>
        %dma_start3A_61 = tpu.memref_slice %arg3[%multiple_of3A_49] : memref<320000xi32, #tpu.memory_space<hbm>> -> memref<128xi32, #tpu.memory_space<hbm>>
        %dma_start3A_62 = tpu.memref_slice %arg3[%multiple_of3A_49] : memref<320000xi32, #tpu.memory_space<hbm>> -> memref<128xi32, #tpu.memory_space<hbm>>
        tpu.enqueue_dma source(%dma_start3A_62 : memref<128xi32, #tpu.memory_space<hbm>>) target(%arg6 : memref<128xi32, #tpu.memory_space<vmem>>) target_semaphore(%run_scoped3A : memref<!tpu.dma_semaphore, #tpu.memory_space<semaphore_mem>>)
        %dma_wait3A_63 = tpu.memref_slice %arg3[%multiple_of3A_49] : memref<320000xi32, #tpu.memory_space<hbm>> -> memref<128xi32, #tpu.memory_space<hbm>>
        %dma_wait3A_64 = tpu.memref_slice %arg3[%multiple_of3A_49] : memref<320000xi32, #tpu.memory_space<hbm>> -> memref<128xi32, #tpu.memory_space<hbm>>
        tpu.wait_dma2 semaphore(%run_scoped3A : memref<!tpu.dma_semaphore, #tpu.memory_space<semaphore_mem>>) src(%dma_wait3A_64 : memref<128xi32, #tpu.memory_space<hbm>>) dst(%arg6 : memref<128xi32, #tpu.memory_space<vmem>>)
        tpu.yield
      }) : () -> ()
      %dma_wait3A = arith.constant 0 : i32
      %dma_wait3A_54 = tpu.memref_slice %arg2[%multiple_of3A_36, %dma_wait3A] : memref<320000x128xf32, #tpu.memory_space<hbm>> -> memref<128x128xf32, #tpu.memory_space<hbm>>
      %dma_wait3A_55 = arith.constant 0 : i32
      %dma_wait3A_56 = tpu.memref_slice %arg2[%multiple_of3A_36, %dma_wait3A_55] : memref<320000x128xf32, #tpu.memory_space<hbm>> -> memref<128x128xf32, #tpu.memory_space<hbm>>
      tpu.wait_dma2 semaphore(%arg10 : memref<!tpu.dma_semaphore, #tpu.memory_space<semaphore_mem>>) src(%dma_wait3A_56 : memref<128x128xf32, #tpu.memory_space<hbm>>) dst(%arg7 : memref<128x128xf32, #tpu.memory_space<vmem>>)
      "tpu.region"() ({
        %run_scoped3A = tpu.sem_alloc : memref<!tpu.dma_semaphore, #tpu.memory_space<semaphore_mem>>
        %dma_start3A_61 = arith.constant 0 : i32
        %dma_start3A_62 = arith.constant 0 : i32
        %dma_start3A_63 = tpu.memref_slice %arg9[%dma_start3A_61, %dma_start3A_62] : memref<10240x128xf32, #tpu.memory_space<vmem_shared>> -> memref<10240x128xf32, #tpu.memory_space<vmem_shared>>
        tpu.enqueue_indirect_dma source(%arg7 : memref<128x128xf32, #tpu.memory_space<vmem>>) target(%dma_start3A_63 : memref<10240x128xf32, #tpu.memory_space<vmem_shared>>) offsets(%arg5 : memref<128xi32, #tpu.memory_space<vmem>>) semaphore(%run_scoped3A : memref<!tpu.dma_semaphore, #tpu.memory_space<semaphore_mem>>) {add = true}
        %dma_wait3A_64 = arith.constant 0 : i32
        %dma_wait3A_65 = arith.constant 0 : i32
        %dma_wait3A_66 = tpu.memref_slice %arg9[%dma_wait3A_64, %dma_wait3A_65] : memref<10240x128xf32, #tpu.memory_space<vmem_shared>> -> memref<10240x128xf32, #tpu.memory_space<vmem_shared>>
        tpu.wait_indirect_dma semaphore(%run_scoped3A : memref<!tpu.dma_semaphore, #tpu.memory_space<semaphore_mem>>) src(%arg7 : memref<128x128xf32, #tpu.memory_space<vmem>>) dst(%dma_wait3A_66 : memref<10240x128xf32, #tpu.memory_space<vmem_shared>>)
        tpu.yield
      }) : () -> ()
      %dma_wait3A_57 = arith.constant 0 : i32
      %dma_wait3A_58 = tpu.memref_slice %arg2[%multiple_of3A_49, %dma_wait3A_57] : memref<320000x128xf32, #tpu.memory_space<hbm>> -> memref<128x128xf32, #tpu.memory_space<hbm>>
      %dma_wait3A_59 = arith.constant 0 : i32
      %dma_wait3A_60 = tpu.memref_slice %arg2[%multiple_of3A_49, %dma_wait3A_59] : memref<320000x128xf32, #tpu.memory_space<hbm>> -> memref<128x128xf32, #tpu.memory_space<hbm>>
      tpu.wait_dma2 semaphore(%arg11 : memref<!tpu.dma_semaphore, #tpu.memory_space<semaphore_mem>>) src(%dma_wait3A_60 : memref<128x128xf32, #tpu.memory_space<hbm>>) dst(%arg8 : memref<128x128xf32, #tpu.memory_space<vmem>>)
      "tpu.region"() ({
        %run_scoped3A = tpu.sem_alloc : memref<!tpu.dma_semaphore, #tpu.memory_space<semaphore_mem>>
        %dma_start3A_61 = arith.constant 0 : i32
        %dma_start3A_62 = arith.constant 0 : i32
        %dma_start3A_63 = tpu.memref_slice %arg9[%dma_start3A_61, %dma_start3A_62] : memref<10240x128xf32, #tpu.memory_space<vmem_shared>> -> memref<10240x128xf32, #tpu.memory_space<vmem_shared>>
        tpu.enqueue_indirect_dma source(%arg8 : memref<128x128xf32, #tpu.memory_space<vmem>>) target(%dma_start3A_63 : memref<10240x128xf32, #tpu.memory_space<vmem_shared>>) offsets(%arg6 : memref<128xi32, #tpu.memory_space<vmem>>) semaphore(%run_scoped3A : memref<!tpu.dma_semaphore, #tpu.memory_space<semaphore_mem>>) {add = true}
        %dma_wait3A_64 = arith.constant 0 : i32
        %dma_wait3A_65 = arith.constant 0 : i32
        %dma_wait3A_66 = tpu.memref_slice %arg9[%dma_wait3A_64, %dma_wait3A_65] : memref<10240x128xf32, #tpu.memory_space<vmem_shared>> -> memref<10240x128xf32, #tpu.memory_space<vmem_shared>>
        tpu.wait_indirect_dma semaphore(%run_scoped3A : memref<!tpu.dma_semaphore, #tpu.memory_space<semaphore_mem>>) src(%arg8 : memref<128x128xf32, #tpu.memory_space<vmem>>) dst(%dma_wait3A_66 : memref<10240x128xf32, #tpu.memory_space<vmem_shared>>)
        tpu.yield
      }) : () -> ()
    }
    %scan3A_24 = arith.constant 39 : i32
    %lt3A = arith.constant 4 : i32
    %lt3A_25 = arith.cmpi slt, %add3A, %lt3A : i32
    %convert_element_type3A = arith.extui %lt3A_25 : i1 to i32
    %cond3A = arith.constant 0 : i32
    %cond3A_26 = arith.cmpi ne, %convert_element_type3A, %cond3A : i32
    scf.if %cond3A_26 {
      %add3A_28 = arith.constant 2496 : i32
      %add3A_29 = arith.addi %add3A, %add3A_28 : i32
      %mul3A_30 = arith.constant 128 : i32
      %mul3A_31 = arith.muli %add3A_29, %mul3A_30 : i32
      %multiple_of3A_32 = tpu.assume_multiple %mul3A_31, 128 : i32
      %dma_start3A = arith.constant 0 : i32
      %dma_start3A_33 = tpu.memref_slice %arg2[%multiple_of3A_32, %dma_start3A] : memref<320000x128xf32, #tpu.memory_space<hbm>> -> memref<128x128xf32, #tpu.memory_space<hbm>>
      %dma_start3A_34 = arith.constant 0 : i32
      %dma_start3A_35 = tpu.memref_slice %arg2[%multiple_of3A_32, %dma_start3A_34] : memref<320000x128xf32, #tpu.memory_space<hbm>> -> memref<128x128xf32, #tpu.memory_space<hbm>>
      tpu.enqueue_dma source(%dma_start3A_35 : memref<128x128xf32, #tpu.memory_space<hbm>>) target(%arg7 : memref<128x128xf32, #tpu.memory_space<vmem>>) target_semaphore(%arg10 : memref<!tpu.dma_semaphore, #tpu.memory_space<semaphore_mem>>)
      "tpu.region"() ({
        %run_scoped3A = tpu.sem_alloc : memref<!tpu.dma_semaphore, #tpu.memory_space<semaphore_mem>>
        %dma_start3A_39 = tpu.memref_slice %arg3[%multiple_of3A_32] : memref<320000xi32, #tpu.memory_space<hbm>> -> memref<128xi32, #tpu.memory_space<hbm>>
        %dma_start3A_40 = tpu.memref_slice %arg3[%multiple_of3A_32] : memref<320000xi32, #tpu.memory_space<hbm>> -> memref<128xi32, #tpu.memory_space<hbm>>
        tpu.enqueue_dma source(%dma_start3A_40 : memref<128xi32, #tpu.memory_space<hbm>>) target(%arg5 : memref<128xi32, #tpu.memory_space<vmem>>) target_semaphore(%run_scoped3A : memref<!tpu.dma_semaphore, #tpu.memory_space<semaphore_mem>>)
        %dma_wait3A_41 = tpu.memref_slice %arg3[%multiple_of3A_32] : memref<320000xi32, #tpu.memory_space<hbm>> -> memref<128xi32, #tpu.memory_space<hbm>>
        %dma_wait3A_42 = tpu.memref_slice %arg3[%multiple_of3A_32] : memref<320000xi32, #tpu.memory_space<hbm>> -> memref<128xi32, #tpu.memory_space<hbm>>
        tpu.wait_dma2 semaphore(%run_scoped3A : memref<!tpu.dma_semaphore, #tpu.memory_space<semaphore_mem>>) src(%dma_wait3A_42 : memref<128xi32, #tpu.memory_space<hbm>>) dst(%arg5 : memref<128xi32, #tpu.memory_space<vmem>>)
        tpu.yield
      }) : () -> ()
      %dma_wait3A = arith.constant 0 : i32
      %dma_wait3A_36 = tpu.memref_slice %arg2[%multiple_of3A_32, %dma_wait3A] : memref<320000x128xf32, #tpu.memory_space<hbm>> -> memref<128x128xf32, #tpu.memory_space<hbm>>
      %dma_wait3A_37 = arith.constant 0 : i32
      %dma_wait3A_38 = tpu.memref_slice %arg2[%multiple_of3A_32, %dma_wait3A_37] : memref<320000x128xf32, #tpu.memory_space<hbm>> -> memref<128x128xf32, #tpu.memory_space<hbm>>
      tpu.wait_dma2 semaphore(%arg10 : memref<!tpu.dma_semaphore, #tpu.memory_space<semaphore_mem>>) src(%dma_wait3A_38 : memref<128x128xf32, #tpu.memory_space<hbm>>) dst(%arg7 : memref<128x128xf32, #tpu.memory_space<vmem>>)
      "tpu.region"() ({
        %run_scoped3A = tpu.sem_alloc : memref<!tpu.dma_semaphore, #tpu.memory_space<semaphore_mem>>
        %dma_start3A_39 = arith.constant 0 : i32
        %dma_start3A_40 = arith.constant 0 : i32
        %dma_start3A_41 = tpu.memref_slice %arg9[%dma_start3A_39, %dma_start3A_40] : memref<10240x128xf32, #tpu.memory_space<vmem_shared>> -> memref<10240x128xf32, #tpu.memory_space<vmem_shared>>
        tpu.enqueue_indirect_dma source(%arg7 : memref<128x128xf32, #tpu.memory_space<vmem>>) target(%dma_start3A_41 : memref<10240x128xf32, #tpu.memory_space<vmem_shared>>) offsets(%arg5 : memref<128xi32, #tpu.memory_space<vmem>>) semaphore(%run_scoped3A : memref<!tpu.dma_semaphore, #tpu.memory_space<semaphore_mem>>) {add = true}
        %dma_wait3A_42 = arith.constant 0 : i32
        %dma_wait3A_43 = arith.constant 0 : i32
        %dma_wait3A_44 = tpu.memref_slice %arg9[%dma_wait3A_42, %dma_wait3A_43] : memref<10240x128xf32, #tpu.memory_space<vmem_shared>> -> memref<10240x128xf32, #tpu.memory_space<vmem_shared>>
        tpu.wait_indirect_dma semaphore(%run_scoped3A : memref<!tpu.dma_semaphore, #tpu.memory_space<semaphore_mem>>) src(%arg7 : memref<128x128xf32, #tpu.memory_space<vmem>>) dst(%dma_wait3A_44 : memref<10240x128xf32, #tpu.memory_space<vmem_shared>>)
        tpu.yield
      }) : () -> ()
    } else {
    }
    %barrier3A_27 = arith.constant 0 : index
    tpu.barrier barrier_id(%barrier3A_27)
    "tpu.region"() ({
      %run_scoped3A = tpu.sem_alloc : memref<!tpu.dma_semaphore, #tpu.memory_space<semaphore_mem>>
      %dma_start3A = arith.constant 0 : i32
      %dma_start3A_28 = tpu.memref_slice %arg4[%arg0, %multiple_of3A, %dma_start3A] : memref<2x10240x128xf32, #tpu.memory_space<hbm>> -> memref<1x640x128xf32, #tpu.memory_space<hbm>>
      %dma_start3A_29 = tpu.memref_squeeze %dma_start3A_28 : memref<1x640x128xf32, #tpu.memory_space<hbm>> -> memref<640x128xf32, #tpu.memory_space<hbm>>
      %dma_start3A_30 = arith.constant 0 : i32
      %dma_start3A_31 = tpu.memref_slice %arg9[%multiple_of3A, %dma_start3A_30] : memref<10240x128xf32, #tpu.memory_space<vmem_shared>> -> memref<640x128xf32, #tpu.memory_space<vmem_shared>>
      tpu.enqueue_dma source(%dma_start3A_31 : memref<640x128xf32, #tpu.memory_space<vmem_shared>>) target(%dma_start3A_29 : memref<640x128xf32, #tpu.memory_space<hbm>>) target_semaphore(%run_scoped3A : memref<!tpu.dma_semaphore, #tpu.memory_space<semaphore_mem>>)
      %dma_wait3A = arith.constant 0 : i32
      %dma_wait3A_32 = tpu.memref_slice %arg4[%arg0, %multiple_of3A, %dma_wait3A] : memref<2x10240x128xf32, #tpu.memory_space<hbm>> -> memref<1x640x128xf32, #tpu.memory_space<hbm>>
      %dma_wait3A_33 = tpu.memref_squeeze %dma_wait3A_32 : memref<1x640x128xf32, #tpu.memory_space<hbm>> -> memref<640x128xf32, #tpu.memory_space<hbm>>
      %dma_wait3A_34 = arith.constant 0 : i32
      %dma_wait3A_35 = tpu.memref_slice %arg9[%multiple_of3A, %dma_wait3A_34] : memref<10240x128xf32, #tpu.memory_space<vmem_shared>> -> memref<640x128xf32, #tpu.memory_space<vmem_shared>>
      tpu.wait_dma2 semaphore(%run_scoped3A : memref<!tpu.dma_semaphore, #tpu.memory_space<semaphore_mem>>) src(%dma_wait3A_35 : memref<640x128xf32, #tpu.memory_space<vmem_shared>>) dst(%dma_wait3A_33 : memref<640x128xf32, #tpu.memory_space<hbm>>)
      tpu.yield
    }) : () -> ()
    return
  }
}

#map = affine_map<(d0, d1) -> (0, 0)>
#map1 = affine_map<(d0, d1) -> (0)>
module attributes {stable_mosaic.version = 14 : i64} {
  func.func @_sc_gather_body(%arg0: i32, %arg1: i32, %arg2: memref<10000x128xf32, #tpu.memory_space<hbm>>, %arg3: memref<10000x128xf32, #tpu.memory_space<hbm>>, %arg4: memref<320000xi32, #tpu.memory_space<hbm>>, %arg5: memref<320000xi32, #tpu.memory_space<hbm>>, %arg6: memref<320000x128xf32, #tpu.memory_space<hbm>>, %arg7: memref<128xi32, #tpu.memory_space<vmem>>, %arg8: memref<128xi32, #tpu.memory_space<vmem>>, %arg9: memref<128xi32, #tpu.memory_space<vmem>>, %arg10: memref<128xi32, #tpu.memory_space<vmem>>, %arg11: memref<128xi32, #tpu.memory_space<vmem>>, %arg12: memref<128x128xf32, #tpu.memory_space<vmem>>, %arg13: memref<128x128xf32, #tpu.memory_space<vmem>>, %arg14: memref<128x128xf32, #tpu.memory_space<vmem>>, %arg15: memref<128x128xf32, #tpu.memory_space<vmem>>, %arg16: memref<4096x128xf32, #tpu.memory_space<vmem_shared>>, %arg17: memref<!tpu.dma_semaphore, #tpu.memory_space<semaphore_mem>>, %arg18: memref<!tpu.dma_semaphore, #tpu.memory_space<semaphore_mem>>, %arg19: memref<!tpu.dma_semaphore, #tpu.memory_space<semaphore_mem>>, %arg20: memref<!tpu.dma_semaphore, #tpu.memory_space<semaphore_mem>>) attributes {dimension_semantics = [#tpu.dimension_semantics<core_parallel>, #tpu.dimension_semantics<subcore_parallel>], iteration_bounds = array<i64: 2, 16>, scalar_prefetch = 0 : i64, scratch_operands = 14 : i64, tpu.core_type = #tpu.core_type<sc_vector_subcore>, window_params = [{transform_indices = #map}, {transform_indices = #map}, {transform_indices = #map1}, {transform_indices = #map1}, {transform_indices = #map}]} {
    %mul3A = arith.constant 16 : i32
    %mul3A_0 = arith.muli %arg0, %mul3A : i32
    %add3A = arith.addi %mul3A_0, %arg1 : i32
    %iota3A = tpu.iota {dimensions = array<i32: 0>} : vector<16xi32>
    %scan3A = arith.constant 0 : i32
    %scan3A_1 = arith.constant 0 : i32
    %scan3A_2 = arith.constant 8 : i32
    %scan3A_3 = arith.addi %scan3A_1, %scan3A_2 : i32
    %scan3A_4 = arith.constant 1 : i32
    scf.for %scan3A_25 = %scan3A_1 to %scan3A_3 step %scan3A_4  : i32 {
      %mul3A_26 = arith.constant 16 : i32
      %mul3A_27 = arith.muli %scan3A_25, %mul3A_26 : i32
      %add3A_28 = vector.broadcast %mul3A_27 : i32 to vector<16xi32>
      %add3A_29 = arith.addi %iota3A, %add3A_28 : vector<16xi32>
      %mul3A_30 = arith.constant 16 : i32
      %mul3A_31 = arith.muli %scan3A_25, %mul3A_30 : i32
      %swap3A = arith.index_cast %mul3A_31 : i32 to index
      %swap3A_32 = tpu.vector_load %arg11[%swap3A] {strides = array<i32>} : memref<128xi32, #tpu.memory_space<vmem>>, vector<16xi32>,
      %swap3A_33 = vector.shape_cast %swap3A_32 : vector<16xi32> to vector<16xi32>
      %swap3A_34 = vector.shape_cast %add3A_29 : vector<16xi32> to vector<16xi32>
      tpu.vector_store %arg11[%swap3A], %swap3A_34 {strides = array<i32>} : memref<128xi32, #tpu.memory_space<vmem>>, vector<16xi32>,
    }
    %scan3A_5 = arith.constant 8 : i32
    %mul3A_6 = arith.constant 2 : i32
    %mul3A_7 = arith.muli %arg1, %mul3A_6 : i32
    %mul3A_8 = arith.constant 128 : i32
    %mul3A_9 = arith.muli %mul3A_7, %mul3A_8 : i32
    %multiple_of3A = tpu.assume_multiple %mul3A_9, 128 : i32
    %mul3A_10 = arith.constant 2 : i32
    %mul3A_11 = arith.muli %arg1, %mul3A_10 : i32
    %mul3A_12 = arith.constant 128 : i32
    %mul3A_13 = arith.muli %mul3A_11, %mul3A_12 : i32
    %add3A_14 = arith.constant 128 : i32
    %add3A_15 = arith.addi %mul3A_13, %add3A_14 : i32
    %multiple_of3A_16 = tpu.assume_multiple %add3A_15, 128 : i32
    %scan3A_17 = arith.constant 0 : i32
    %scan3A_18 = arith.constant 0 : i32
    %scan3A_19 = arith.constant 39 : i32
    %scan3A_20 = arith.addi %scan3A_18, %scan3A_19 : i32
    %scan3A_21 = arith.constant 1 : i32
    scf.for %scan3A_25 = %scan3A_18 to %scan3A_20 step %scan3A_21  : i32 {
      %mul3A_26 = arith.constant 2 : i32
      %mul3A_27 = arith.muli %mul3A_26, %scan3A_25 : i32
      %mul3A_28 = arith.constant 32 : i32
      %mul3A_29 = arith.muli %mul3A_27, %mul3A_28 : i32
      %add3A_30 = arith.addi %add3A, %mul3A_29 : i32
      %mul3A_31 = arith.constant 128 : i32
      %mul3A_32 = arith.muli %add3A_30, %mul3A_31 : i32
      %multiple_of3A_33 = tpu.assume_multiple %mul3A_32, 128 : i32
      "tpu.region"() ({
        %run_scoped3A = tpu.sem_alloc : memref<!tpu.dma_semaphore, #tpu.memory_space<semaphore_mem>>
        %dma_start3A_66 = tpu.memref_slice %arg4[%multiple_of3A_33] : memref<320000xi32, #tpu.memory_space<hbm>> -> memref<128xi32, #tpu.memory_space<hbm>>
        %dma_start3A_67 = tpu.memref_slice %arg4[%multiple_of3A_33] : memref<320000xi32, #tpu.memory_space<hbm>> -> memref<128xi32, #tpu.memory_space<hbm>>
        tpu.enqueue_dma source(%dma_start3A_67 : memref<128xi32, #tpu.memory_space<hbm>>) target(%arg7 : memref<128xi32, #tpu.memory_space<vmem>>) target_semaphore(%run_scoped3A : memref<!tpu.dma_semaphore, #tpu.memory_space<semaphore_mem>>)
        %dma_wait3A_68 = tpu.memref_slice %arg4[%multiple_of3A_33] : memref<320000xi32, #tpu.memory_space<hbm>> -> memref<128xi32, #tpu.memory_space<hbm>>
        %dma_wait3A_69 = tpu.memref_slice %arg4[%multiple_of3A_33] : memref<320000xi32, #tpu.memory_space<hbm>> -> memref<128xi32, #tpu.memory_space<hbm>>
        tpu.wait_dma2 semaphore(%run_scoped3A : memref<!tpu.dma_semaphore, #tpu.memory_space<semaphore_mem>>) src(%dma_wait3A_69 : memref<128xi32, #tpu.memory_space<hbm>>) dst(%arg7 : memref<128xi32, #tpu.memory_space<vmem>>)
        tpu.yield
      }) : () -> ()
      "tpu.region"() ({
        %run_scoped3A = tpu.sem_alloc : memref<!tpu.dma_semaphore, #tpu.memory_space<semaphore_mem>>
        %dma_start3A_66 = tpu.memref_slice %arg5[%multiple_of3A_33] : memref<320000xi32, #tpu.memory_space<hbm>> -> memref<128xi32, #tpu.memory_space<hbm>>
        %dma_start3A_67 = tpu.memref_slice %arg5[%multiple_of3A_33] : memref<320000xi32, #tpu.memory_space<hbm>> -> memref<128xi32, #tpu.memory_space<hbm>>
        tpu.enqueue_dma source(%dma_start3A_67 : memref<128xi32, #tpu.memory_space<hbm>>) target(%arg8 : memref<128xi32, #tpu.memory_space<vmem>>) target_semaphore(%run_scoped3A : memref<!tpu.dma_semaphore, #tpu.memory_space<semaphore_mem>>)
        %dma_wait3A_68 = tpu.memref_slice %arg5[%multiple_of3A_33] : memref<320000xi32, #tpu.memory_space<hbm>> -> memref<128xi32, #tpu.memory_space<hbm>>
        %dma_wait3A_69 = tpu.memref_slice %arg5[%multiple_of3A_33] : memref<320000xi32, #tpu.memory_space<hbm>> -> memref<128xi32, #tpu.memory_space<hbm>>
        tpu.wait_dma2 semaphore(%run_scoped3A : memref<!tpu.dma_semaphore, #tpu.memory_space<semaphore_mem>>) src(%dma_wait3A_69 : memref<128xi32, #tpu.memory_space<hbm>>) dst(%arg8 : memref<128xi32, #tpu.memory_space<vmem>>)
        tpu.yield
      }) : () -> ()
      %dma_start3A = arith.constant 0 : i32
      %dma_start3A_34 = arith.constant 0 : i32
      %dma_start3A_35 = tpu.memref_slice %arg2[%dma_start3A, %dma_start3A_34] : memref<10000x128xf32, #tpu.memory_space<hbm>> -> memref<10000x128xf32, #tpu.memory_space<hbm>>
      tpu.enqueue_indirect_dma source(%dma_start3A_35 : memref<10000x128xf32, #tpu.memory_space<hbm>>) target(%arg12 : memref<128x128xf32, #tpu.memory_space<vmem>>) offsets(%arg7 : memref<128xi32, #tpu.memory_space<vmem>>) semaphore(%arg17 : memref<!tpu.dma_semaphore, #tpu.memory_space<semaphore_mem>>)
      %dma_start3A_36 = arith.constant 0 : i32
      %dma_start3A_37 = arith.constant 0 : i32
      %dma_start3A_38 = tpu.memref_slice %arg3[%dma_start3A_36, %dma_start3A_37] : memref<10000x128xf32, #tpu.memory_space<hbm>> -> memref<10000x128xf32, #tpu.memory_space<hbm>>
      tpu.enqueue_indirect_dma source(%dma_start3A_38 : memref<10000x128xf32, #tpu.memory_space<hbm>>) target(%arg13 : memref<128x128xf32, #tpu.memory_space<vmem>>) offsets(%arg8 : memref<128xi32, #tpu.memory_space<vmem>>) semaphore(%arg18 : memref<!tpu.dma_semaphore, #tpu.memory_space<semaphore_mem>>)
      %mul3A_39 = arith.constant 2 : i32
      %mul3A_40 = arith.muli %mul3A_39, %scan3A_25 : i32
      %add3A_41 = arith.constant 1 : i32
      %add3A_42 = arith.addi %mul3A_40, %add3A_41 : i32
      %mul3A_43 = arith.constant 32 : i32
      %mul3A_44 = arith.muli %add3A_42, %mul3A_43 : i32
      %add3A_45 = arith.addi %add3A, %mul3A_44 : i32
      %mul3A_46 = arith.constant 128 : i32
      %mul3A_47 = arith.muli %add3A_45, %mul3A_46 : i32
      %multiple_of3A_48 = tpu.assume_multiple %mul3A_47, 128 : i32
      "tpu.region"() ({
        %run_scoped3A = tpu.sem_alloc : memref<!tpu.dma_semaphore, #tpu.memory_space<semaphore_mem>>
        %dma_start3A_66 = tpu.memref_slice %arg4[%multiple_of3A_48] : memref<320000xi32, #tpu.memory_space<hbm>> -> memref<128xi32, #tpu.memory_space<hbm>>
        %dma_start3A_67 = tpu.memref_slice %arg4[%multiple_of3A_48] : memref<320000xi32, #tpu.memory_space<hbm>> -> memref<128xi32, #tpu.memory_space<hbm>>
        tpu.enqueue_dma source(%dma_start3A_67 : memref<128xi32, #tpu.memory_space<hbm>>) target(%arg9 : memref<128xi32, #tpu.memory_space<vmem>>) target_semaphore(%run_scoped3A : memref<!tpu.dma_semaphore, #tpu.memory_space<semaphore_mem>>)
        %dma_wait3A_68 = tpu.memref_slice %arg4[%multiple_of3A_48] : memref<320000xi32, #tpu.memory_space<hbm>> -> memref<128xi32, #tpu.memory_space<hbm>>
        %dma_wait3A_69 = tpu.memref_slice %arg4[%multiple_of3A_48] : memref<320000xi32, #tpu.memory_space<hbm>> -> memref<128xi32, #tpu.memory_space<hbm>>
        tpu.wait_dma2 semaphore(%run_scoped3A : memref<!tpu.dma_semaphore, #tpu.memory_space<semaphore_mem>>) src(%dma_wait3A_69 : memref<128xi32, #tpu.memory_space<hbm>>) dst(%arg9 : memref<128xi32, #tpu.memory_space<vmem>>)
        tpu.yield
      }) : () -> ()
      "tpu.region"() ({
        %run_scoped3A = tpu.sem_alloc : memref<!tpu.dma_semaphore, #tpu.memory_space<semaphore_mem>>
        %dma_start3A_66 = tpu.memref_slice %arg5[%multiple_of3A_48] : memref<320000xi32, #tpu.memory_space<hbm>> -> memref<128xi32, #tpu.memory_space<hbm>>
        %dma_start3A_67 = tpu.memref_slice %arg5[%multiple_of3A_48] : memref<320000xi32, #tpu.memory_space<hbm>> -> memref<128xi32, #tpu.memory_space<hbm>>
        tpu.enqueue_dma source(%dma_start3A_67 : memref<128xi32, #tpu.memory_space<hbm>>) target(%arg10 : memref<128xi32, #tpu.memory_space<vmem>>) target_semaphore(%run_scoped3A : memref<!tpu.dma_semaphore, #tpu.memory_space<semaphore_mem>>)
        %dma_wait3A_68 = tpu.memref_slice %arg5[%multiple_of3A_48] : memref<320000xi32, #tpu.memory_space<hbm>> -> memref<128xi32, #tpu.memory_space<hbm>>
        %dma_wait3A_69 = tpu.memref_slice %arg5[%multiple_of3A_48] : memref<320000xi32, #tpu.memory_space<hbm>> -> memref<128xi32, #tpu.memory_space<hbm>>
        tpu.wait_dma2 semaphore(%run_scoped3A : memref<!tpu.dma_semaphore, #tpu.memory_space<semaphore_mem>>) src(%dma_wait3A_69 : memref<128xi32, #tpu.memory_space<hbm>>) dst(%arg10 : memref<128xi32, #tpu.memory_space<vmem>>)
        tpu.yield
      }) : () -> ()
      %dma_start3A_49 = arith.constant 0 : i32
      %dma_start3A_50 = arith.constant 0 : i32
      %dma_start3A_51 = tpu.memref_slice %arg2[%dma_start3A_49, %dma_start3A_50] : memref<10000x128xf32, #tpu.memory_space<hbm>> -> memref<10000x128xf32, #tpu.memory_space<hbm>>
      tpu.enqueue_indirect_dma source(%dma_start3A_51 : memref<10000x128xf32, #tpu.memory_space<hbm>>) target(%arg14 : memref<128x128xf32, #tpu.memory_space<vmem>>) offsets(%arg9 : memref<128xi32, #tpu.memory_space<vmem>>) semaphore(%arg19 : memref<!tpu.dma_semaphore, #tpu.memory_space<semaphore_mem>>)
      %dma_start3A_52 = arith.constant 0 : i32
      %dma_start3A_53 = arith.constant 0 : i32
      %dma_start3A_54 = tpu.memref_slice %arg3[%dma_start3A_52, %dma_start3A_53] : memref<10000x128xf32, #tpu.memory_space<hbm>> -> memref<10000x128xf32, #tpu.memory_space<hbm>>
      tpu.enqueue_indirect_dma source(%dma_start3A_54 : memref<10000x128xf32, #tpu.memory_space<hbm>>) target(%arg15 : memref<128x128xf32, #tpu.memory_space<vmem>>) offsets(%arg10 : memref<128xi32, #tpu.memory_space<vmem>>) semaphore(%arg20 : memref<!tpu.dma_semaphore, #tpu.memory_space<semaphore_mem>>)
      %dma_wait3A = arith.constant 0 : i32
      %dma_wait3A_55 = arith.constant 0 : i32
      %dma_wait3A_56 = tpu.memref_slice %arg2[%dma_wait3A, %dma_wait3A_55] : memref<10000x128xf32, #tpu.memory_space<hbm>> -> memref<10000x128xf32, #tpu.memory_space<hbm>>
      tpu.wait_indirect_dma semaphore(%arg17 : memref<!tpu.dma_semaphore, #tpu.memory_space<semaphore_mem>>) src(%dma_wait3A_56 : memref<10000x128xf32, #tpu.memory_space<hbm>>) dst(%arg12 : memref<128x128xf32, #tpu.memory_space<vmem>>)
      "tpu.region"() ({
        %run_scoped3A = tpu.sem_alloc : memref<!tpu.dma_semaphore, #tpu.memory_space<semaphore_mem>>
        %dma_start3A_66 = arith.constant 0 : i32
        %dma_start3A_67 = tpu.memref_slice %arg16[%multiple_of3A, %dma_start3A_66] : memref<4096x128xf32, #tpu.memory_space<vmem_shared>> -> memref<128x128xf32, #tpu.memory_space<vmem_shared>>
        %dma_start3A_68 = arith.constant 0 : i32
        %dma_start3A_69 = arith.constant 0 : i32
        %dma_start3A_70 = tpu.memref_slice %dma_start3A_67[%dma_start3A_68, %dma_start3A_69] : memref<128x128xf32, #tpu.memory_space<vmem_shared>> -> memref<128x128xf32, #tpu.memory_space<vmem_shared>>
        tpu.enqueue_indirect_dma source(%arg12 : memref<128x128xf32, #tpu.memory_space<vmem>>) target(%dma_start3A_70 : memref<128x128xf32, #tpu.memory_space<vmem_shared>>) offsets(%arg11 : memref<128xi32, #tpu.memory_space<vmem>>) semaphore(%run_scoped3A : memref<!tpu.dma_semaphore, #tpu.memory_space<semaphore_mem>>)
        %dma_wait3A_71 = arith.constant 0 : i32
        %dma_wait3A_72 = tpu.memref_slice %arg16[%multiple_of3A, %dma_wait3A_71] : memref<4096x128xf32, #tpu.memory_space<vmem_shared>> -> memref<128x128xf32, #tpu.memory_space<vmem_shared>>
        %dma_wait3A_73 = arith.constant 0 : i32
        %dma_wait3A_74 = arith.constant 0 : i32
        %dma_wait3A_75 = tpu.memref_slice %dma_wait3A_72[%dma_wait3A_73, %dma_wait3A_74] : memref<128x128xf32, #tpu.memory_space<vmem_shared>> -> memref<128x128xf32, #tpu.memory_space<vmem_shared>>
        tpu.wait_indirect_dma semaphore(%run_scoped3A : memref<!tpu.dma_semaphore, #tpu.memory_space<semaphore_mem>>) src(%arg12 : memref<128x128xf32, #tpu.memory_space<vmem>>) dst(%dma_wait3A_75 : memref<128x128xf32, #tpu.memory_space<vmem_shared>>)
        tpu.yield
      }) : () -> ()
      %dma_wait3A_57 = arith.constant 0 : i32
      %dma_wait3A_58 = arith.constant 0 : i32
      %dma_wait3A_59 = tpu.memref_slice %arg3[%dma_wait3A_57, %dma_wait3A_58] : memref<10000x128xf32, #tpu.memory_space<hbm>> -> memref<10000x128xf32, #tpu.memory_space<hbm>>
      tpu.wait_indirect_dma semaphore(%arg18 : memref<!tpu.dma_semaphore, #tpu.memory_space<semaphore_mem>>) src(%dma_wait3A_59 : memref<10000x128xf32, #tpu.memory_space<hbm>>) dst(%arg13 : memref<128x128xf32, #tpu.memory_space<vmem>>)
      "tpu.region"() ({
        %run_scoped3A = tpu.sem_alloc : memref<!tpu.dma_semaphore, #tpu.memory_space<semaphore_mem>>
        %dma_start3A_66 = arith.constant 0 : i32
        %dma_start3A_67 = tpu.memref_slice %arg16[%multiple_of3A, %dma_start3A_66] : memref<4096x128xf32, #tpu.memory_space<vmem_shared>> -> memref<128x128xf32, #tpu.memory_space<vmem_shared>>
        %dma_start3A_68 = arith.constant 0 : i32
        %dma_start3A_69 = arith.constant 0 : i32
        %dma_start3A_70 = tpu.memref_slice %dma_start3A_67[%dma_start3A_68, %dma_start3A_69] : memref<128x128xf32, #tpu.memory_space<vmem_shared>> -> memref<128x128xf32, #tpu.memory_space<vmem_shared>>
        tpu.enqueue_indirect_dma source(%arg13 : memref<128x128xf32, #tpu.memory_space<vmem>>) target(%dma_start3A_70 : memref<128x128xf32, #tpu.memory_space<vmem_shared>>) offsets(%arg11 : memref<128xi32, #tpu.memory_space<vmem>>) semaphore(%run_scoped3A : memref<!tpu.dma_semaphore, #tpu.memory_space<semaphore_mem>>) {add = true}
        %dma_wait3A_71 = arith.constant 0 : i32
        %dma_wait3A_72 = tpu.memref_slice %arg16[%multiple_of3A, %dma_wait3A_71] : memref<4096x128xf32, #tpu.memory_space<vmem_shared>> -> memref<128x128xf32, #tpu.memory_space<vmem_shared>>
        %dma_wait3A_73 = arith.constant 0 : i32
        %dma_wait3A_74 = arith.constant 0 : i32
        %dma_wait3A_75 = tpu.memref_slice %dma_wait3A_72[%dma_wait3A_73, %dma_wait3A_74] : memref<128x128xf32, #tpu.memory_space<vmem_shared>> -> memref<128x128xf32, #tpu.memory_space<vmem_shared>>
        tpu.wait_indirect_dma semaphore(%run_scoped3A : memref<!tpu.dma_semaphore, #tpu.memory_space<semaphore_mem>>) src(%arg13 : memref<128x128xf32, #tpu.memory_space<vmem>>) dst(%dma_wait3A_75 : memref<128x128xf32, #tpu.memory_space<vmem_shared>>)
        tpu.yield
      }) : () -> ()
      "tpu.region"() ({
        %run_scoped3A = tpu.sem_alloc : memref<!tpu.dma_semaphore, #tpu.memory_space<semaphore_mem>>
        %dma_start3A_66 = arith.constant 0 : i32
        %dma_start3A_67 = tpu.memref_slice %arg6[%multiple_of3A_33, %dma_start3A_66] : memref<320000x128xf32, #tpu.memory_space<hbm>> -> memref<128x128xf32, #tpu.memory_space<hbm>>
        %dma_start3A_68 = arith.constant 0 : i32
        %dma_start3A_69 = tpu.memref_slice %arg16[%multiple_of3A, %dma_start3A_68] : memref<4096x128xf32, #tpu.memory_space<vmem_shared>> -> memref<128x128xf32, #tpu.memory_space<vmem_shared>>
        tpu.enqueue_dma source(%dma_start3A_69 : memref<128x128xf32, #tpu.memory_space<vmem_shared>>) target(%dma_start3A_67 : memref<128x128xf32, #tpu.memory_space<hbm>>) target_semaphore(%run_scoped3A : memref<!tpu.dma_semaphore, #tpu.memory_space<semaphore_mem>>)
        %dma_wait3A_70 = arith.constant 0 : i32
        %dma_wait3A_71 = tpu.memref_slice %arg6[%multiple_of3A_33, %dma_wait3A_70] : memref<320000x128xf32, #tpu.memory_space<hbm>> -> memref<128x128xf32, #tpu.memory_space<hbm>>
        %dma_wait3A_72 = arith.constant 0 : i32
        %dma_wait3A_73 = tpu.memref_slice %arg16[%multiple_of3A, %dma_wait3A_72] : memref<4096x128xf32, #tpu.memory_space<vmem_shared>> -> memref<128x128xf32, #tpu.memory_space<vmem_shared>>
        tpu.wait_dma2 semaphore(%run_scoped3A : memref<!tpu.dma_semaphore, #tpu.memory_space<semaphore_mem>>) src(%dma_wait3A_73 : memref<128x128xf32, #tpu.memory_space<vmem_shared>>) dst(%dma_wait3A_71 : memref<128x128xf32, #tpu.memory_space<hbm>>)
        tpu.yield
      }) : () -> ()
      %dma_wait3A_60 = arith.constant 0 : i32
      %dma_wait3A_61 = arith.constant 0 : i32
      %dma_wait3A_62 = tpu.memref_slice %arg2[%dma_wait3A_60, %dma_wait3A_61] : memref<10000x128xf32, #tpu.memory_space<hbm>> -> memref<10000x128xf32, #tpu.memory_space<hbm>>
      tpu.wait_indirect_dma semaphore(%arg19 : memref<!tpu.dma_semaphore, #tpu.memory_space<semaphore_mem>>) src(%dma_wait3A_62 : memref<10000x128xf32, #tpu.memory_space<hbm>>) dst(%arg14 : memref<128x128xf32, #tpu.memory_space<vmem>>)
      "tpu.region"() ({
        %run_scoped3A = tpu.sem_alloc : memref<!tpu.dma_semaphore, #tpu.memory_space<semaphore_mem>>
        %dma_start3A_66 = arith.constant 0 : i32
        %dma_start3A_67 = tpu.memref_slice %arg16[%multiple_of3A_16, %dma_start3A_66] : memref<4096x128xf32, #tpu.memory_space<vmem_shared>> -> memref<128x128xf32, #tpu.memory_space<vmem_shared>>
        %dma_start3A_68 = arith.constant 0 : i32
        %dma_start3A_69 = arith.constant 0 : i32
        %dma_start3A_70 = tpu.memref_slice %dma_start3A_67[%dma_start3A_68, %dma_start3A_69] : memref<128x128xf32, #tpu.memory_space<vmem_shared>> -> memref<128x128xf32, #tpu.memory_space<vmem_shared>>
        tpu.enqueue_indirect_dma source(%arg14 : memref<128x128xf32, #tpu.memory_space<vmem>>) target(%dma_start3A_70 : memref<128x128xf32, #tpu.memory_space<vmem_shared>>) offsets(%arg11 : memref<128xi32, #tpu.memory_space<vmem>>) semaphore(%run_scoped3A : memref<!tpu.dma_semaphore, #tpu.memory_space<semaphore_mem>>)
        %dma_wait3A_71 = arith.constant 0 : i32
        %dma_wait3A_72 = tpu.memref_slice %arg16[%multiple_of3A_16, %dma_wait3A_71] : memref<4096x128xf32, #tpu.memory_space<vmem_shared>> -> memref<128x128xf32, #tpu.memory_space<vmem_shared>>
        %dma_wait3A_73 = arith.constant 0 : i32
        %dma_wait3A_74 = arith.constant 0 : i32
        %dma_wait3A_75 = tpu.memref_slice %dma_wait3A_72[%dma_wait3A_73, %dma_wait3A_74] : memref<128x128xf32, #tpu.memory_space<vmem_shared>> -> memref<128x128xf32, #tpu.memory_space<vmem_shared>>
        tpu.wait_indirect_dma semaphore(%run_scoped3A : memref<!tpu.dma_semaphore, #tpu.memory_space<semaphore_mem>>) src(%arg14 : memref<128x128xf32, #tpu.memory_space<vmem>>) dst(%dma_wait3A_75 : memref<128x128xf32, #tpu.memory_space<vmem_shared>>)
        tpu.yield
      }) : () -> ()
      %dma_wait3A_63 = arith.constant 0 : i32
      %dma_wait3A_64 = arith.constant 0 : i32
      %dma_wait3A_65 = tpu.memref_slice %arg3[%dma_wait3A_63, %dma_wait3A_64] : memref<10000x128xf32, #tpu.memory_space<hbm>> -> memref<10000x128xf32, #tpu.memory_space<hbm>>
      tpu.wait_indirect_dma semaphore(%arg20 : memref<!tpu.dma_semaphore, #tpu.memory_space<semaphore_mem>>) src(%dma_wait3A_65 : memref<10000x128xf32, #tpu.memory_space<hbm>>) dst(%arg15 : memref<128x128xf32, #tpu.memory_space<vmem>>)
      "tpu.region"() ({
        %run_scoped3A = tpu.sem_alloc : memref<!tpu.dma_semaphore, #tpu.memory_space<semaphore_mem>>
        %dma_start3A_66 = arith.constant 0 : i32
        %dma_start3A_67 = tpu.memref_slice %arg16[%multiple_of3A_16, %dma_start3A_66] : memref<4096x128xf32, #tpu.memory_space<vmem_shared>> -> memref<128x128xf32, #tpu.memory_space<vmem_shared>>
        %dma_start3A_68 = arith.constant 0 : i32
        %dma_start3A_69 = arith.constant 0 : i32
        %dma_start3A_70 = tpu.memref_slice %dma_start3A_67[%dma_start3A_68, %dma_start3A_69] : memref<128x128xf32, #tpu.memory_space<vmem_shared>> -> memref<128x128xf32, #tpu.memory_space<vmem_shared>>
        tpu.enqueue_indirect_dma source(%arg15 : memref<128x128xf32, #tpu.memory_space<vmem>>) target(%dma_start3A_70 : memref<128x128xf32, #tpu.memory_space<vmem_shared>>) offsets(%arg11 : memref<128xi32, #tpu.memory_space<vmem>>) semaphore(%run_scoped3A : memref<!tpu.dma_semaphore, #tpu.memory_space<semaphore_mem>>) {add = true}
        %dma_wait3A_71 = arith.constant 0 : i32
        %dma_wait3A_72 = tpu.memref_slice %arg16[%multiple_of3A_16, %dma_wait3A_71] : memref<4096x128xf32, #tpu.memory_space<vmem_shared>> -> memref<128x128xf32, #tpu.memory_space<vmem_shared>>
        %dma_wait3A_73 = arith.constant 0 : i32
        %dma_wait3A_74 = arith.constant 0 : i32
        %dma_wait3A_75 = tpu.memref_slice %dma_wait3A_72[%dma_wait3A_73, %dma_wait3A_74] : memref<128x128xf32, #tpu.memory_space<vmem_shared>> -> memref<128x128xf32, #tpu.memory_space<vmem_shared>>
        tpu.wait_indirect_dma semaphore(%run_scoped3A : memref<!tpu.dma_semaphore, #tpu.memory_space<semaphore_mem>>) src(%arg15 : memref<128x128xf32, #tpu.memory_space<vmem>>) dst(%dma_wait3A_75 : memref<128x128xf32, #tpu.memory_space<vmem_shared>>)
        tpu.yield
      }) : () -> ()
      "tpu.region"() ({
        %run_scoped3A = tpu.sem_alloc : memref<!tpu.dma_semaphore, #tpu.memory_space<semaphore_mem>>
        %dma_start3A_66 = arith.constant 0 : i32
        %dma_start3A_67 = tpu.memref_slice %arg6[%multiple_of3A_48, %dma_start3A_66] : memref<320000x128xf32, #tpu.memory_space<hbm>> -> memref<128x128xf32, #tpu.memory_space<hbm>>
        %dma_start3A_68 = arith.constant 0 : i32
        %dma_start3A_69 = tpu.memref_slice %arg16[%multiple_of3A_16, %dma_start3A_68] : memref<4096x128xf32, #tpu.memory_space<vmem_shared>> -> memref<128x128xf32, #tpu.memory_space<vmem_shared>>
        tpu.enqueue_dma source(%dma_start3A_69 : memref<128x128xf32, #tpu.memory_space<vmem_shared>>) target(%dma_start3A_67 : memref<128x128xf32, #tpu.memory_space<hbm>>) target_semaphore(%run_scoped3A : memref<!tpu.dma_semaphore, #tpu.memory_space<semaphore_mem>>)
        %dma_wait3A_70 = arith.constant 0 : i32
        %dma_wait3A_71 = tpu.memref_slice %arg6[%multiple_of3A_48, %dma_wait3A_70] : memref<320000x128xf32, #tpu.memory_space<hbm>> -> memref<128x128xf32, #tpu.memory_space<hbm>>
        %dma_wait3A_72 = arith.constant 0 : i32
        %dma_wait3A_73 = tpu.memref_slice %arg16[%multiple_of3A_16, %dma_wait3A_72] : memref<4096x128xf32, #tpu.memory_space<vmem_shared>> -> memref<128x128xf32, #tpu.memory_space<vmem_shared>>
        tpu.wait_dma2 semaphore(%run_scoped3A : memref<!tpu.dma_semaphore, #tpu.memory_space<semaphore_mem>>) src(%dma_wait3A_73 : memref<128x128xf32, #tpu.memory_space<vmem_shared>>) dst(%dma_wait3A_71 : memref<128x128xf32, #tpu.memory_space<hbm>>)
        tpu.yield
      }) : () -> ()
    }
    %scan3A_22 = arith.constant 39 : i32
    %lt3A = arith.constant 4 : i32
    %lt3A_23 = arith.cmpi slt, %add3A, %lt3A : i32
    %convert_element_type3A = arith.extui %lt3A_23 : i1 to i32
    %cond3A = arith.constant 0 : i32
    %cond3A_24 = arith.cmpi ne, %convert_element_type3A, %cond3A : i32
    scf.if %cond3A_24 {
      %add3A_25 = arith.constant 2496 : i32
      %add3A_26 = arith.addi %add3A, %add3A_25 : i32
      %mul3A_27 = arith.constant 128 : i32
      %mul3A_28 = arith.muli %add3A_26, %mul3A_27 : i32
      %multiple_of3A_29 = tpu.assume_multiple %mul3A_28, 128 : i32
      "tpu.region"() ({
        %run_scoped3A = tpu.sem_alloc : memref<!tpu.dma_semaphore, #tpu.memory_space<semaphore_mem>>
        %dma_start3A_40 = tpu.memref_slice %arg4[%multiple_of3A_29] : memref<320000xi32, #tpu.memory_space<hbm>> -> memref<128xi32, #tpu.memory_space<hbm>>
        %dma_start3A_41 = tpu.memref_slice %arg4[%multiple_of3A_29] : memref<320000xi32, #tpu.memory_space<hbm>> -> memref<128xi32, #tpu.memory_space<hbm>>
        tpu.enqueue_dma source(%dma_start3A_41 : memref<128xi32, #tpu.memory_space<hbm>>) target(%arg7 : memref<128xi32, #tpu.memory_space<vmem>>) target_semaphore(%run_scoped3A : memref<!tpu.dma_semaphore, #tpu.memory_space<semaphore_mem>>)
        %dma_wait3A_42 = tpu.memref_slice %arg4[%multiple_of3A_29] : memref<320000xi32, #tpu.memory_space<hbm>> -> memref<128xi32, #tpu.memory_space<hbm>>
        %dma_wait3A_43 = tpu.memref_slice %arg4[%multiple_of3A_29] : memref<320000xi32, #tpu.memory_space<hbm>> -> memref<128xi32, #tpu.memory_space<hbm>>
        tpu.wait_dma2 semaphore(%run_scoped3A : memref<!tpu.dma_semaphore, #tpu.memory_space<semaphore_mem>>) src(%dma_wait3A_43 : memref<128xi32, #tpu.memory_space<hbm>>) dst(%arg7 : memref<128xi32, #tpu.memory_space<vmem>>)
        tpu.yield
      }) : () -> ()
      "tpu.region"() ({
        %run_scoped3A = tpu.sem_alloc : memref<!tpu.dma_semaphore, #tpu.memory_space<semaphore_mem>>
        %dma_start3A_40 = tpu.memref_slice %arg5[%multiple_of3A_29] : memref<320000xi32, #tpu.memory_space<hbm>> -> memref<128xi32, #tpu.memory_space<hbm>>
        %dma_start3A_41 = tpu.memref_slice %arg5[%multiple_of3A_29] : memref<320000xi32, #tpu.memory_space<hbm>> -> memref<128xi32, #tpu.memory_space<hbm>>
        tpu.enqueue_dma source(%dma_start3A_41 : memref<128xi32, #tpu.memory_space<hbm>>) target(%arg8 : memref<128xi32, #tpu.memory_space<vmem>>) target_semaphore(%run_scoped3A : memref<!tpu.dma_semaphore, #tpu.memory_space<semaphore_mem>>)
        %dma_wait3A_42 = tpu.memref_slice %arg5[%multiple_of3A_29] : memref<320000xi32, #tpu.memory_space<hbm>> -> memref<128xi32, #tpu.memory_space<hbm>>
        %dma_wait3A_43 = tpu.memref_slice %arg5[%multiple_of3A_29] : memref<320000xi32, #tpu.memory_space<hbm>> -> memref<128xi32, #tpu.memory_space<hbm>>
        tpu.wait_dma2 semaphore(%run_scoped3A : memref<!tpu.dma_semaphore, #tpu.memory_space<semaphore_mem>>) src(%dma_wait3A_43 : memref<128xi32, #tpu.memory_space<hbm>>) dst(%arg8 : memref<128xi32, #tpu.memory_space<vmem>>)
        tpu.yield
      }) : () -> ()
      %dma_start3A = arith.constant 0 : i32
      %dma_start3A_30 = arith.constant 0 : i32
      %dma_start3A_31 = tpu.memref_slice %arg2[%dma_start3A, %dma_start3A_30] : memref<10000x128xf32, #tpu.memory_space<hbm>> -> memref<10000x128xf32, #tpu.memory_space<hbm>>
      tpu.enqueue_indirect_dma source(%dma_start3A_31 : memref<10000x128xf32, #tpu.memory_space<hbm>>) target(%arg12 : memref<128x128xf32, #tpu.memory_space<vmem>>) offsets(%arg7 : memref<128xi32, #tpu.memory_space<vmem>>) semaphore(%arg17 : memref<!tpu.dma_semaphore, #tpu.memory_space<semaphore_mem>>)
      %dma_start3A_32 = arith.constant 0 : i32
      %dma_start3A_33 = arith.constant 0 : i32
      %dma_start3A_34 = tpu.memref_slice %arg3[%dma_start3A_32, %dma_start3A_33] : memref<10000x128xf32, #tpu.memory_space<hbm>> -> memref<10000x128xf32, #tpu.memory_space<hbm>>
      tpu.enqueue_indirect_dma source(%dma_start3A_34 : memref<10000x128xf32, #tpu.memory_space<hbm>>) target(%arg13 : memref<128x128xf32, #tpu.memory_space<vmem>>) offsets(%arg8 : memref<128xi32, #tpu.memory_space<vmem>>) semaphore(%arg18 : memref<!tpu.dma_semaphore, #tpu.memory_space<semaphore_mem>>)
      %dma_wait3A = arith.constant 0 : i32
      %dma_wait3A_35 = arith.constant 0 : i32
      %dma_wait3A_36 = tpu.memref_slice %arg2[%dma_wait3A, %dma_wait3A_35] : memref<10000x128xf32, #tpu.memory_space<hbm>> -> memref<10000x128xf32, #tpu.memory_space<hbm>>
      tpu.wait_indirect_dma semaphore(%arg17 : memref<!tpu.dma_semaphore, #tpu.memory_space<semaphore_mem>>) src(%dma_wait3A_36 : memref<10000x128xf32, #tpu.memory_space<hbm>>) dst(%arg12 : memref<128x128xf32, #tpu.memory_space<vmem>>)
      "tpu.region"() ({
        %run_scoped3A = tpu.sem_alloc : memref<!tpu.dma_semaphore, #tpu.memory_space<semaphore_mem>>
        %dma_start3A_40 = arith.constant 0 : i32
        %dma_start3A_41 = tpu.memref_slice %arg16[%multiple_of3A, %dma_start3A_40] : memref<4096x128xf32, #tpu.memory_space<vmem_shared>> -> memref<128x128xf32, #tpu.memory_space<vmem_shared>>
        %dma_start3A_42 = arith.constant 0 : i32
        %dma_start3A_43 = arith.constant 0 : i32
        %dma_start3A_44 = tpu.memref_slice %dma_start3A_41[%dma_start3A_42, %dma_start3A_43] : memref<128x128xf32, #tpu.memory_space<vmem_shared>> -> memref<128x128xf32, #tpu.memory_space<vmem_shared>>
        tpu.enqueue_indirect_dma source(%arg12 : memref<128x128xf32, #tpu.memory_space<vmem>>) target(%dma_start3A_44 : memref<128x128xf32, #tpu.memory_space<vmem_shared>>) offsets(%arg11 : memref<128xi32, #tpu.memory_space<vmem>>) semaphore(%run_scoped3A : memref<!tpu.dma_semaphore, #tpu.memory_space<semaphore_mem>>)
        %dma_wait3A_45 = arith.constant 0 : i32
        %dma_wait3A_46 = tpu.memref_slice %arg16[%multiple_of3A, %dma_wait3A_45] : memref<4096x128xf32, #tpu.memory_space<vmem_shared>> -> memref<128x128xf32, #tpu.memory_space<vmem_shared>>
        %dma_wait3A_47 = arith.constant 0 : i32
        %dma_wait3A_48 = arith.constant 0 : i32
        %dma_wait3A_49 = tpu.memref_slice %dma_wait3A_46[%dma_wait3A_47, %dma_wait3A_48] : memref<128x128xf32, #tpu.memory_space<vmem_shared>> -> memref<128x128xf32, #tpu.memory_space<vmem_shared>>
        tpu.wait_indirect_dma semaphore(%run_scoped3A : memref<!tpu.dma_semaphore, #tpu.memory_space<semaphore_mem>>) src(%arg12 : memref<128x128xf32, #tpu.memory_space<vmem>>) dst(%dma_wait3A_49 : memref<128x128xf32, #tpu.memory_space<vmem_shared>>)
        tpu.yield
      }) : () -> ()
      %dma_wait3A_37 = arith.constant 0 : i32
      %dma_wait3A_38 = arith.constant 0 : i32
      %dma_wait3A_39 = tpu.memref_slice %arg3[%dma_wait3A_37, %dma_wait3A_38] : memref<10000x128xf32, #tpu.memory_space<hbm>> -> memref<10000x128xf32, #tpu.memory_space<hbm>>
      tpu.wait_indirect_dma semaphore(%arg18 : memref<!tpu.dma_semaphore, #tpu.memory_space<semaphore_mem>>) src(%dma_wait3A_39 : memref<10000x128xf32, #tpu.memory_space<hbm>>) dst(%arg13 : memref<128x128xf32, #tpu.memory_space<vmem>>)
      "tpu.region"() ({
        %run_scoped3A = tpu.sem_alloc : memref<!tpu.dma_semaphore, #tpu.memory_space<semaphore_mem>>
        %dma_start3A_40 = arith.constant 0 : i32
        %dma_start3A_41 = tpu.memref_slice %arg16[%multiple_of3A, %dma_start3A_40] : memref<4096x128xf32, #tpu.memory_space<vmem_shared>> -> memref<128x128xf32, #tpu.memory_space<vmem_shared>>
        %dma_start3A_42 = arith.constant 0 : i32
        %dma_start3A_43 = arith.constant 0 : i32
        %dma_start3A_44 = tpu.memref_slice %dma_start3A_41[%dma_start3A_42, %dma_start3A_43] : memref<128x128xf32, #tpu.memory_space<vmem_shared>> -> memref<128x128xf32, #tpu.memory_space<vmem_shared>>
        tpu.enqueue_indirect_dma source(%arg13 : memref<128x128xf32, #tpu.memory_space<vmem>>) target(%dma_start3A_44 : memref<128x128xf32, #tpu.memory_space<vmem_shared>>) offsets(%arg11 : memref<128xi32, #tpu.memory_space<vmem>>) semaphore(%run_scoped3A : memref<!tpu.dma_semaphore, #tpu.memory_space<semaphore_mem>>) {add = true}
        %dma_wait3A_45 = arith.constant 0 : i32
        %dma_wait3A_46 = tpu.memref_slice %arg16[%multiple_of3A, %dma_wait3A_45] : memref<4096x128xf32, #tpu.memory_space<vmem_shared>> -> memref<128x128xf32, #tpu.memory_space<vmem_shared>>
        %dma_wait3A_47 = arith.constant 0 : i32
        %dma_wait3A_48 = arith.constant 0 : i32
        %dma_wait3A_49 = tpu.memref_slice %dma_wait3A_46[%dma_wait3A_47, %dma_wait3A_48] : memref<128x128xf32, #tpu.memory_space<vmem_shared>> -> memref<128x128xf32, #tpu.memory_space<vmem_shared>>
        tpu.wait_indirect_dma semaphore(%run_scoped3A : memref<!tpu.dma_semaphore, #tpu.memory_space<semaphore_mem>>) src(%arg13 : memref<128x128xf32, #tpu.memory_space<vmem>>) dst(%dma_wait3A_49 : memref<128x128xf32, #tpu.memory_space<vmem_shared>>)
        tpu.yield
      }) : () -> ()
      "tpu.region"() ({
        %run_scoped3A = tpu.sem_alloc : memref<!tpu.dma_semaphore, #tpu.memory_space<semaphore_mem>>
        %dma_start3A_40 = arith.constant 0 : i32
        %dma_start3A_41 = tpu.memref_slice %arg6[%multiple_of3A_29, %dma_start3A_40] : memref<320000x128xf32, #tpu.memory_space<hbm>> -> memref<128x128xf32, #tpu.memory_space<hbm>>
        %dma_start3A_42 = arith.constant 0 : i32
        %dma_start3A_43 = tpu.memref_slice %arg16[%multiple_of3A, %dma_start3A_42] : memref<4096x128xf32, #tpu.memory_space<vmem_shared>> -> memref<128x128xf32, #tpu.memory_space<vmem_shared>>
        tpu.enqueue_dma source(%dma_start3A_43 : memref<128x128xf32, #tpu.memory_space<vmem_shared>>) target(%dma_start3A_41 : memref<128x128xf32, #tpu.memory_space<hbm>>) target_semaphore(%run_scoped3A : memref<!tpu.dma_semaphore, #tpu.memory_space<semaphore_mem>>)
        %dma_wait3A_44 = arith.constant 0 : i32
        %dma_wait3A_45 = tpu.memref_slice %arg6[%multiple_of3A_29, %dma_wait3A_44] : memref<320000x128xf32, #tpu.memory_space<hbm>> -> memref<128x128xf32, #tpu.memory_space<hbm>>
        %dma_wait3A_46 = arith.constant 0 : i32
        %dma_wait3A_47 = tpu.memref_slice %arg16[%multiple_of3A, %dma_wait3A_46] : memref<4096x128xf32, #tpu.memory_space<vmem_shared>> -> memref<128x128xf32, #tpu.memory_space<vmem_shared>>
        tpu.wait_dma2 semaphore(%run_scoped3A : memref<!tpu.dma_semaphore, #tpu.memory_space<semaphore_mem>>) src(%dma_wait3A_47 : memref<128x128xf32, #tpu.memory_space<vmem_shared>>) dst(%dma_wait3A_45 : memref<128x128xf32, #tpu.memory_space<hbm>>)
        tpu.yield
      }) : () -> ()
    } else {
    }
    return
  }
}

#map = affine_map<(d0, d1) -> (0, 0)>
#map1 = affine_map<(d0, d1) -> (0)>
module attributes {stable_mosaic.version = 14 : i64} {
  func.func @_sc_gather_body(%arg0: i32, %arg1: i32, %arg2: memref<10000x128xf32, #tpu.memory_space<hbm>>, %arg3: memref<10000x128xf32, #tpu.memory_space<hbm>>, %arg4: memref<320000xi32, #tpu.memory_space<hbm>>, %arg5: memref<320000xi32, #tpu.memory_space<hbm>>, %arg6: memref<320000x128xf32, #tpu.memory_space<hbm>>, %arg7: memref<128xi32, #tpu.memory_space<vmem>>, %arg8: memref<128xi32, #tpu.memory_space<vmem>>, %arg9: memref<128xi32, #tpu.memory_space<vmem>>, %arg10: memref<128xi32, #tpu.memory_space<vmem>>, %arg11: memref<128xi32, #tpu.memory_space<vmem>>, %arg12: memref<128x128xf32, #tpu.memory_space<vmem>>, %arg13: memref<128x128xf32, #tpu.memory_space<vmem>>, %arg14: memref<128x128xf32, #tpu.memory_space<vmem>>, %arg15: memref<128x128xf32, #tpu.memory_space<vmem>>, %arg16: memref<4096x128xf32, #tpu.memory_space<vmem_shared>>, %arg17: memref<!tpu.dma_semaphore, #tpu.memory_space<semaphore_mem>>, %arg18: memref<!tpu.dma_semaphore, #tpu.memory_space<semaphore_mem>>, %arg19: memref<!tpu.dma_semaphore, #tpu.memory_space<semaphore_mem>>, %arg20: memref<!tpu.dma_semaphore, #tpu.memory_space<semaphore_mem>>) attributes {dimension_semantics = [#tpu.dimension_semantics<core_parallel>, #tpu.dimension_semantics<subcore_parallel>], iteration_bounds = array<i64: 2, 16>, scalar_prefetch = 0 : i64, scratch_operands = 14 : i64, tpu.core_type = #tpu.core_type<sc_vector_subcore>, window_params = [{transform_indices = #map}, {transform_indices = #map}, {transform_indices = #map1}, {transform_indices = #map1}, {transform_indices = #map}]} {
    %mul3A = arith.constant 16 : i32
    %mul3A_0 = arith.muli %arg0, %mul3A : i32
    %add3A = arith.addi %mul3A_0, %arg1 : i32
    %iota3A = tpu.iota {dimensions = array<i32: 0>} : vector<16xi32>
    %scan3A = arith.constant 0 : i32
    %scan3A_1 = arith.constant 0 : i32
    %scan3A_2 = arith.constant 8 : i32
    %scan3A_3 = arith.addi %scan3A_1, %scan3A_2 : i32
    %scan3A_4 = arith.constant 1 : i32
    scf.for %scan3A_25 = %scan3A_1 to %scan3A_3 step %scan3A_4  : i32 {
      %mul3A_26 = arith.constant 16 : i32
      %mul3A_27 = arith.muli %scan3A_25, %mul3A_26 : i32
      %add3A_28 = vector.broadcast %mul3A_27 : i32 to vector<16xi32>
      %add3A_29 = arith.addi %iota3A, %add3A_28 : vector<16xi32>
      %mul3A_30 = arith.constant 16 : i32
      %mul3A_31 = arith.muli %scan3A_25, %mul3A_30 : i32
      %swap3A = arith.index_cast %mul3A_31 : i32 to index
      %swap3A_32 = tpu.vector_load %arg11[%swap3A] {strides = array<i32>} : memref<128xi32, #tpu.memory_space<vmem>>, vector<16xi32>,
      %swap3A_33 = vector.shape_cast %swap3A_32 : vector<16xi32> to vector<16xi32>
      %swap3A_34 = vector.shape_cast %add3A_29 : vector<16xi32> to vector<16xi32>
      tpu.vector_store %arg11[%swap3A], %swap3A_34 {strides = array<i32>} : memref<128xi32, #tpu.memory_space<vmem>>, vector<16xi32>,
    }
    %scan3A_5 = arith.constant 8 : i32
    %mul3A_6 = arith.constant 2 : i32
    %mul3A_7 = arith.muli %arg1, %mul3A_6 : i32
    %mul3A_8 = arith.constant 128 : i32
    %mul3A_9 = arith.muli %mul3A_7, %mul3A_8 : i32
    %multiple_of3A = tpu.assume_multiple %mul3A_9, 128 : i32
    %mul3A_10 = arith.constant 2 : i32
    %mul3A_11 = arith.muli %arg1, %mul3A_10 : i32
    %mul3A_12 = arith.constant 128 : i32
    %mul3A_13 = arith.muli %mul3A_11, %mul3A_12 : i32
    %add3A_14 = arith.constant 128 : i32
    %add3A_15 = arith.addi %mul3A_13, %add3A_14 : i32
    %multiple_of3A_16 = tpu.assume_multiple %add3A_15, 128 : i32
    %scan3A_17 = arith.constant 0 : i32
    %scan3A_18 = arith.constant 0 : i32
    %scan3A_19 = arith.constant 39 : i32
    %scan3A_20 = arith.addi %scan3A_18, %scan3A_19 : i32
    %scan3A_21 = arith.constant 1 : i32
    scf.for %scan3A_25 = %scan3A_18 to %scan3A_20 step %scan3A_21  : i32 {
      %mul3A_26 = arith.constant 2 : i32
      %mul3A_27 = arith.muli %mul3A_26, %scan3A_25 : i32
      %mul3A_28 = arith.constant 32 : i32
      %mul3A_29 = arith.muli %mul3A_27, %mul3A_28 : i32
      %add3A_30 = arith.addi %add3A, %mul3A_29 : i32
      %mul3A_31 = arith.constant 128 : i32
      %mul3A_32 = arith.muli %add3A_30, %mul3A_31 : i32
      %multiple_of3A_33 = tpu.assume_multiple %mul3A_32, 128 : i32
      "tpu.region"() ({
        %run_scoped3A = tpu.sem_alloc : memref<!tpu.dma_semaphore, #tpu.memory_space<semaphore_mem>>
        %dma_start3A_66 = tpu.memref_slice %arg4[%multiple_of3A_33] : memref<320000xi32, #tpu.memory_space<hbm>> -> memref<128xi32, #tpu.memory_space<hbm>>
        %dma_start3A_67 = tpu.memref_slice %arg4[%multiple_of3A_33] : memref<320000xi32, #tpu.memory_space<hbm>> -> memref<128xi32, #tpu.memory_space<hbm>>
        tpu.enqueue_dma source(%dma_start3A_67 : memref<128xi32, #tpu.memory_space<hbm>>) target(%arg7 : memref<128xi32, #tpu.memory_space<vmem>>) target_semaphore(%run_scoped3A : memref<!tpu.dma_semaphore, #tpu.memory_space<semaphore_mem>>)
        %dma_wait3A_68 = tpu.memref_slice %arg4[%multiple_of3A_33] : memref<320000xi32, #tpu.memory_space<hbm>> -> memref<128xi32, #tpu.memory_space<hbm>>
        %dma_wait3A_69 = tpu.memref_slice %arg4[%multiple_of3A_33] : memref<320000xi32, #tpu.memory_space<hbm>> -> memref<128xi32, #tpu.memory_space<hbm>>
        tpu.wait_dma2 semaphore(%run_scoped3A : memref<!tpu.dma_semaphore, #tpu.memory_space<semaphore_mem>>) src(%dma_wait3A_69 : memref<128xi32, #tpu.memory_space<hbm>>) dst(%arg7 : memref<128xi32, #tpu.memory_space<vmem>>)
        tpu.yield
      }) : () -> ()
      "tpu.region"() ({
        %run_scoped3A = tpu.sem_alloc : memref<!tpu.dma_semaphore, #tpu.memory_space<semaphore_mem>>
        %dma_start3A_66 = tpu.memref_slice %arg5[%multiple_of3A_33] : memref<320000xi32, #tpu.memory_space<hbm>> -> memref<128xi32, #tpu.memory_space<hbm>>
        %dma_start3A_67 = tpu.memref_slice %arg5[%multiple_of3A_33] : memref<320000xi32, #tpu.memory_space<hbm>> -> memref<128xi32, #tpu.memory_space<hbm>>
        tpu.enqueue_dma source(%dma_start3A_67 : memref<128xi32, #tpu.memory_space<hbm>>) target(%arg8 : memref<128xi32, #tpu.memory_space<vmem>>) target_semaphore(%run_scoped3A : memref<!tpu.dma_semaphore, #tpu.memory_space<semaphore_mem>>)
        %dma_wait3A_68 = tpu.memref_slice %arg5[%multiple_of3A_33] : memref<320000xi32, #tpu.memory_space<hbm>> -> memref<128xi32, #tpu.memory_space<hbm>>
        %dma_wait3A_69 = tpu.memref_slice %arg5[%multiple_of3A_33] : memref<320000xi32, #tpu.memory_space<hbm>> -> memref<128xi32, #tpu.memory_space<hbm>>
        tpu.wait_dma2 semaphore(%run_scoped3A : memref<!tpu.dma_semaphore, #tpu.memory_space<semaphore_mem>>) src(%dma_wait3A_69 : memref<128xi32, #tpu.memory_space<hbm>>) dst(%arg8 : memref<128xi32, #tpu.memory_space<vmem>>)
        tpu.yield
      }) : () -> ()
      %dma_start3A = arith.constant 0 : i32
      %dma_start3A_34 = arith.constant 0 : i32
      %dma_start3A_35 = tpu.memref_slice %arg2[%dma_start3A, %dma_start3A_34] : memref<10000x128xf32, #tpu.memory_space<hbm>> -> memref<10000x128xf32, #tpu.memory_space<hbm>>
      tpu.enqueue_indirect_dma source(%dma_start3A_35 : memref<10000x128xf32, #tpu.memory_space<hbm>>) target(%arg12 : memref<128x128xf32, #tpu.memory_space<vmem>>) offsets(%arg7 : memref<128xi32, #tpu.memory_space<vmem>>) semaphore(%arg17 : memref<!tpu.dma_semaphore, #tpu.memory_space<semaphore_mem>>)
      %dma_start3A_36 = arith.constant 0 : i32
      %dma_start3A_37 = arith.constant 0 : i32
      %dma_start3A_38 = tpu.memref_slice %arg3[%dma_start3A_36, %dma_start3A_37] : memref<10000x128xf32, #tpu.memory_space<hbm>> -> memref<10000x128xf32, #tpu.memory_space<hbm>>
      tpu.enqueue_indirect_dma source(%dma_start3A_38 : memref<10000x128xf32, #tpu.memory_space<hbm>>) target(%arg13 : memref<128x128xf32, #tpu.memory_space<vmem>>) offsets(%arg8 : memref<128xi32, #tpu.memory_space<vmem>>) semaphore(%arg18 : memref<!tpu.dma_semaphore, #tpu.memory_space<semaphore_mem>>)
      %mul3A_39 = arith.constant 2 : i32
      %mul3A_40 = arith.muli %mul3A_39, %scan3A_25 : i32
      %add3A_41 = arith.constant 1 : i32
      %add3A_42 = arith.addi %mul3A_40, %add3A_41 : i32
      %mul3A_43 = arith.constant 32 : i32
      %mul3A_44 = arith.muli %add3A_42, %mul3A_43 : i32
      %add3A_45 = arith.addi %add3A, %mul3A_44 : i32
      %mul3A_46 = arith.constant 128 : i32
      %mul3A_47 = arith.muli %add3A_45, %mul3A_46 : i32
      %multiple_of3A_48 = tpu.assume_multiple %mul3A_47, 128 : i32
      "tpu.region"() ({
        %run_scoped3A = tpu.sem_alloc : memref<!tpu.dma_semaphore, #tpu.memory_space<semaphore_mem>>
        %dma_start3A_66 = tpu.memref_slice %arg4[%multiple_of3A_48] : memref<320000xi32, #tpu.memory_space<hbm>> -> memref<128xi32, #tpu.memory_space<hbm>>
        %dma_start3A_67 = tpu.memref_slice %arg4[%multiple_of3A_48] : memref<320000xi32, #tpu.memory_space<hbm>> -> memref<128xi32, #tpu.memory_space<hbm>>
        tpu.enqueue_dma source(%dma_start3A_67 : memref<128xi32, #tpu.memory_space<hbm>>) target(%arg9 : memref<128xi32, #tpu.memory_space<vmem>>) target_semaphore(%run_scoped3A : memref<!tpu.dma_semaphore, #tpu.memory_space<semaphore_mem>>)
        %dma_wait3A_68 = tpu.memref_slice %arg4[%multiple_of3A_48] : memref<320000xi32, #tpu.memory_space<hbm>> -> memref<128xi32, #tpu.memory_space<hbm>>
        %dma_wait3A_69 = tpu.memref_slice %arg4[%multiple_of3A_48] : memref<320000xi32, #tpu.memory_space<hbm>> -> memref<128xi32, #tpu.memory_space<hbm>>
        tpu.wait_dma2 semaphore(%run_scoped3A : memref<!tpu.dma_semaphore, #tpu.memory_space<semaphore_mem>>) src(%dma_wait3A_69 : memref<128xi32, #tpu.memory_space<hbm>>) dst(%arg9 : memref<128xi32, #tpu.memory_space<vmem>>)
        tpu.yield
      }) : () -> ()
      "tpu.region"() ({
        %run_scoped3A = tpu.sem_alloc : memref<!tpu.dma_semaphore, #tpu.memory_space<semaphore_mem>>
        %dma_start3A_66 = tpu.memref_slice %arg5[%multiple_of3A_48] : memref<320000xi32, #tpu.memory_space<hbm>> -> memref<128xi32, #tpu.memory_space<hbm>>
        %dma_start3A_67 = tpu.memref_slice %arg5[%multiple_of3A_48] : memref<320000xi32, #tpu.memory_space<hbm>> -> memref<128xi32, #tpu.memory_space<hbm>>
        tpu.enqueue_dma source(%dma_start3A_67 : memref<128xi32, #tpu.memory_space<hbm>>) target(%arg10 : memref<128xi32, #tpu.memory_space<vmem>>) target_semaphore(%run_scoped3A : memref<!tpu.dma_semaphore, #tpu.memory_space<semaphore_mem>>)
        %dma_wait3A_68 = tpu.memref_slice %arg5[%multiple_of3A_48] : memref<320000xi32, #tpu.memory_space<hbm>> -> memref<128xi32, #tpu.memory_space<hbm>>
        %dma_wait3A_69 = tpu.memref_slice %arg5[%multiple_of3A_48] : memref<320000xi32, #tpu.memory_space<hbm>> -> memref<128xi32, #tpu.memory_space<hbm>>
        tpu.wait_dma2 semaphore(%run_scoped3A : memref<!tpu.dma_semaphore, #tpu.memory_space<semaphore_mem>>) src(%dma_wait3A_69 : memref<128xi32, #tpu.memory_space<hbm>>) dst(%arg10 : memref<128xi32, #tpu.memory_space<vmem>>)
        tpu.yield
      }) : () -> ()
      %dma_start3A_49 = arith.constant 0 : i32
      %dma_start3A_50 = arith.constant 0 : i32
      %dma_start3A_51 = tpu.memref_slice %arg2[%dma_start3A_49, %dma_start3A_50] : memref<10000x128xf32, #tpu.memory_space<hbm>> -> memref<10000x128xf32, #tpu.memory_space<hbm>>
      tpu.enqueue_indirect_dma source(%dma_start3A_51 : memref<10000x128xf32, #tpu.memory_space<hbm>>) target(%arg14 : memref<128x128xf32, #tpu.memory_space<vmem>>) offsets(%arg9 : memref<128xi32, #tpu.memory_space<vmem>>) semaphore(%arg19 : memref<!tpu.dma_semaphore, #tpu.memory_space<semaphore_mem>>)
      %dma_start3A_52 = arith.constant 0 : i32
      %dma_start3A_53 = arith.constant 0 : i32
      %dma_start3A_54 = tpu.memref_slice %arg3[%dma_start3A_52, %dma_start3A_53] : memref<10000x128xf32, #tpu.memory_space<hbm>> -> memref<10000x128xf32, #tpu.memory_space<hbm>>
      tpu.enqueue_indirect_dma source(%dma_start3A_54 : memref<10000x128xf32, #tpu.memory_space<hbm>>) target(%arg15 : memref<128x128xf32, #tpu.memory_space<vmem>>) offsets(%arg10 : memref<128xi32, #tpu.memory_space<vmem>>) semaphore(%arg20 : memref<!tpu.dma_semaphore, #tpu.memory_space<semaphore_mem>>)
      %dma_wait3A = arith.constant 0 : i32
      %dma_wait3A_55 = arith.constant 0 : i32
      %dma_wait3A_56 = tpu.memref_slice %arg2[%dma_wait3A, %dma_wait3A_55] : memref<10000x128xf32, #tpu.memory_space<hbm>> -> memref<10000x128xf32, #tpu.memory_space<hbm>>
      tpu.wait_indirect_dma semaphore(%arg17 : memref<!tpu.dma_semaphore, #tpu.memory_space<semaphore_mem>>) src(%dma_wait3A_56 : memref<10000x128xf32, #tpu.memory_space<hbm>>) dst(%arg12 : memref<128x128xf32, #tpu.memory_space<vmem>>)
      "tpu.region"() ({
        %run_scoped3A = tpu.sem_alloc : memref<!tpu.dma_semaphore, #tpu.memory_space<semaphore_mem>>
        %dma_start3A_66 = arith.constant 0 : i32
        %dma_start3A_67 = tpu.memref_slice %arg16[%multiple_of3A, %dma_start3A_66] : memref<4096x128xf32, #tpu.memory_space<vmem_shared>> -> memref<128x128xf32, #tpu.memory_space<vmem_shared>>
        %dma_start3A_68 = arith.constant 0 : i32
        %dma_start3A_69 = arith.constant 0 : i32
        %dma_start3A_70 = tpu.memref_slice %dma_start3A_67[%dma_start3A_68, %dma_start3A_69] : memref<128x128xf32, #tpu.memory_space<vmem_shared>> -> memref<128x128xf32, #tpu.memory_space<vmem_shared>>
        tpu.enqueue_indirect_dma source(%arg12 : memref<128x128xf32, #tpu.memory_space<vmem>>) target(%dma_start3A_70 : memref<128x128xf32, #tpu.memory_space<vmem_shared>>) offsets(%arg11 : memref<128xi32, #tpu.memory_space<vmem>>) semaphore(%run_scoped3A : memref<!tpu.dma_semaphore, #tpu.memory_space<semaphore_mem>>)
        %dma_wait3A_71 = arith.constant 0 : i32
        %dma_wait3A_72 = tpu.memref_slice %arg16[%multiple_of3A, %dma_wait3A_71] : memref<4096x128xf32, #tpu.memory_space<vmem_shared>> -> memref<128x128xf32, #tpu.memory_space<vmem_shared>>
        %dma_wait3A_73 = arith.constant 0 : i32
        %dma_wait3A_74 = arith.constant 0 : i32
        %dma_wait3A_75 = tpu.memref_slice %dma_wait3A_72[%dma_wait3A_73, %dma_wait3A_74] : memref<128x128xf32, #tpu.memory_space<vmem_shared>> -> memref<128x128xf32, #tpu.memory_space<vmem_shared>>
        tpu.wait_indirect_dma semaphore(%run_scoped3A : memref<!tpu.dma_semaphore, #tpu.memory_space<semaphore_mem>>) src(%arg12 : memref<128x128xf32, #tpu.memory_space<vmem>>) dst(%dma_wait3A_75 : memref<128x128xf32, #tpu.memory_space<vmem_shared>>)
        tpu.yield
      }) : () -> ()
      %dma_wait3A_57 = arith.constant 0 : i32
      %dma_wait3A_58 = arith.constant 0 : i32
      %dma_wait3A_59 = tpu.memref_slice %arg3[%dma_wait3A_57, %dma_wait3A_58] : memref<10000x128xf32, #tpu.memory_space<hbm>> -> memref<10000x128xf32, #tpu.memory_space<hbm>>
      tpu.wait_indirect_dma semaphore(%arg18 : memref<!tpu.dma_semaphore, #tpu.memory_space<semaphore_mem>>) src(%dma_wait3A_59 : memref<10000x128xf32, #tpu.memory_space<hbm>>) dst(%arg13 : memref<128x128xf32, #tpu.memory_space<vmem>>)
      "tpu.region"() ({
        %run_scoped3A = tpu.sem_alloc : memref<!tpu.dma_semaphore, #tpu.memory_space<semaphore_mem>>
        %dma_start3A_66 = arith.constant 0 : i32
        %dma_start3A_67 = tpu.memref_slice %arg16[%multiple_of3A, %dma_start3A_66] : memref<4096x128xf32, #tpu.memory_space<vmem_shared>> -> memref<128x128xf32, #tpu.memory_space<vmem_shared>>
        %dma_start3A_68 = arith.constant 0 : i32
        %dma_start3A_69 = arith.constant 0 : i32
        %dma_start3A_70 = tpu.memref_slice %dma_start3A_67[%dma_start3A_68, %dma_start3A_69] : memref<128x128xf32, #tpu.memory_space<vmem_shared>> -> memref<128x128xf32, #tpu.memory_space<vmem_shared>>
        tpu.enqueue_indirect_dma source(%arg13 : memref<128x128xf32, #tpu.memory_space<vmem>>) target(%dma_start3A_70 : memref<128x128xf32, #tpu.memory_space<vmem_shared>>) offsets(%arg11 : memref<128xi32, #tpu.memory_space<vmem>>) semaphore(%run_scoped3A : memref<!tpu.dma_semaphore, #tpu.memory_space<semaphore_mem>>) {add = true}
        %dma_wait3A_71 = arith.constant 0 : i32
        %dma_wait3A_72 = tpu.memref_slice %arg16[%multiple_of3A, %dma_wait3A_71] : memref<4096x128xf32, #tpu.memory_space<vmem_shared>> -> memref<128x128xf32, #tpu.memory_space<vmem_shared>>
        %dma_wait3A_73 = arith.constant 0 : i32
        %dma_wait3A_74 = arith.constant 0 : i32
        %dma_wait3A_75 = tpu.memref_slice %dma_wait3A_72[%dma_wait3A_73, %dma_wait3A_74] : memref<128x128xf32, #tpu.memory_space<vmem_shared>> -> memref<128x128xf32, #tpu.memory_space<vmem_shared>>
        tpu.wait_indirect_dma semaphore(%run_scoped3A : memref<!tpu.dma_semaphore, #tpu.memory_space<semaphore_mem>>) src(%arg13 : memref<128x128xf32, #tpu.memory_space<vmem>>) dst(%dma_wait3A_75 : memref<128x128xf32, #tpu.memory_space<vmem_shared>>)
        tpu.yield
      }) : () -> ()
      "tpu.region"() ({
        %run_scoped3A = tpu.sem_alloc : memref<!tpu.dma_semaphore, #tpu.memory_space<semaphore_mem>>
        %dma_start3A_66 = arith.constant 0 : i32
        %dma_start3A_67 = tpu.memref_slice %arg6[%multiple_of3A_33, %dma_start3A_66] : memref<320000x128xf32, #tpu.memory_space<hbm>> -> memref<128x128xf32, #tpu.memory_space<hbm>>
        %dma_start3A_68 = arith.constant 0 : i32
        %dma_start3A_69 = tpu.memref_slice %arg16[%multiple_of3A, %dma_start3A_68] : memref<4096x128xf32, #tpu.memory_space<vmem_shared>> -> memref<128x128xf32, #tpu.memory_space<vmem_shared>>
        tpu.enqueue_dma source(%dma_start3A_69 : memref<128x128xf32, #tpu.memory_space<vmem_shared>>) target(%dma_start3A_67 : memref<128x128xf32, #tpu.memory_space<hbm>>) target_semaphore(%run_scoped3A : memref<!tpu.dma_semaphore, #tpu.memory_space<semaphore_mem>>)
        %dma_wait3A_70 = arith.constant 0 : i32
        %dma_wait3A_71 = tpu.memref_slice %arg6[%multiple_of3A_33, %dma_wait3A_70] : memref<320000x128xf32, #tpu.memory_space<hbm>> -> memref<128x128xf32, #tpu.memory_space<hbm>>
        %dma_wait3A_72 = arith.constant 0 : i32
        %dma_wait3A_73 = tpu.memref_slice %arg16[%multiple_of3A, %dma_wait3A_72] : memref<4096x128xf32, #tpu.memory_space<vmem_shared>> -> memref<128x128xf32, #tpu.memory_space<vmem_shared>>
        tpu.wait_dma2 semaphore(%run_scoped3A : memref<!tpu.dma_semaphore, #tpu.memory_space<semaphore_mem>>) src(%dma_wait3A_73 : memref<128x128xf32, #tpu.memory_space<vmem_shared>>) dst(%dma_wait3A_71 : memref<128x128xf32, #tpu.memory_space<hbm>>)
        tpu.yield
      }) : () -> ()
      %dma_wait3A_60 = arith.constant 0 : i32
      %dma_wait3A_61 = arith.constant 0 : i32
      %dma_wait3A_62 = tpu.memref_slice %arg2[%dma_wait3A_60, %dma_wait3A_61] : memref<10000x128xf32, #tpu.memory_space<hbm>> -> memref<10000x128xf32, #tpu.memory_space<hbm>>
      tpu.wait_indirect_dma semaphore(%arg19 : memref<!tpu.dma_semaphore, #tpu.memory_space<semaphore_mem>>) src(%dma_wait3A_62 : memref<10000x128xf32, #tpu.memory_space<hbm>>) dst(%arg14 : memref<128x128xf32, #tpu.memory_space<vmem>>)
      "tpu.region"() ({
        %run_scoped3A = tpu.sem_alloc : memref<!tpu.dma_semaphore, #tpu.memory_space<semaphore_mem>>
        %dma_start3A_66 = arith.constant 0 : i32
        %dma_start3A_67 = tpu.memref_slice %arg16[%multiple_of3A_16, %dma_start3A_66] : memref<4096x128xf32, #tpu.memory_space<vmem_shared>> -> memref<128x128xf32, #tpu.memory_space<vmem_shared>>
        %dma_start3A_68 = arith.constant 0 : i32
        %dma_start3A_69 = arith.constant 0 : i32
        %dma_start3A_70 = tpu.memref_slice %dma_start3A_67[%dma_start3A_68, %dma_start3A_69] : memref<128x128xf32, #tpu.memory_space<vmem_shared>> -> memref<128x128xf32, #tpu.memory_space<vmem_shared>>
        tpu.enqueue_indirect_dma source(%arg14 : memref<128x128xf32, #tpu.memory_space<vmem>>) target(%dma_start3A_70 : memref<128x128xf32, #tpu.memory_space<vmem_shared>>) offsets(%arg11 : memref<128xi32, #tpu.memory_space<vmem>>) semaphore(%run_scoped3A : memref<!tpu.dma_semaphore, #tpu.memory_space<semaphore_mem>>)
        %dma_wait3A_71 = arith.constant 0 : i32
        %dma_wait3A_72 = tpu.memref_slice %arg16[%multiple_of3A_16, %dma_wait3A_71] : memref<4096x128xf32, #tpu.memory_space<vmem_shared>> -> memref<128x128xf32, #tpu.memory_space<vmem_shared>>
        %dma_wait3A_73 = arith.constant 0 : i32
        %dma_wait3A_74 = arith.constant 0 : i32
        %dma_wait3A_75 = tpu.memref_slice %dma_wait3A_72[%dma_wait3A_73, %dma_wait3A_74] : memref<128x128xf32, #tpu.memory_space<vmem_shared>> -> memref<128x128xf32, #tpu.memory_space<vmem_shared>>
        tpu.wait_indirect_dma semaphore(%run_scoped3A : memref<!tpu.dma_semaphore, #tpu.memory_space<semaphore_mem>>) src(%arg14 : memref<128x128xf32, #tpu.memory_space<vmem>>) dst(%dma_wait3A_75 : memref<128x128xf32, #tpu.memory_space<vmem_shared>>)
        tpu.yield
      }) : () -> ()
      %dma_wait3A_63 = arith.constant 0 : i32
      %dma_wait3A_64 = arith.constant 0 : i32
      %dma_wait3A_65 = tpu.memref_slice %arg3[%dma_wait3A_63, %dma_wait3A_64] : memref<10000x128xf32, #tpu.memory_space<hbm>> -> memref<10000x128xf32, #tpu.memory_space<hbm>>
      tpu.wait_indirect_dma semaphore(%arg20 : memref<!tpu.dma_semaphore, #tpu.memory_space<semaphore_mem>>) src(%dma_wait3A_65 : memref<10000x128xf32, #tpu.memory_space<hbm>>) dst(%arg15 : memref<128x128xf32, #tpu.memory_space<vmem>>)
      "tpu.region"() ({
        %run_scoped3A = tpu.sem_alloc : memref<!tpu.dma_semaphore, #tpu.memory_space<semaphore_mem>>
        %dma_start3A_66 = arith.constant 0 : i32
        %dma_start3A_67 = tpu.memref_slice %arg16[%multiple_of3A_16, %dma_start3A_66] : memref<4096x128xf32, #tpu.memory_space<vmem_shared>> -> memref<128x128xf32, #tpu.memory_space<vmem_shared>>
        %dma_start3A_68 = arith.constant 0 : i32
        %dma_start3A_69 = arith.constant 0 : i32
        %dma_start3A_70 = tpu.memref_slice %dma_start3A_67[%dma_start3A_68, %dma_start3A_69] : memref<128x128xf32, #tpu.memory_space<vmem_shared>> -> memref<128x128xf32, #tpu.memory_space<vmem_shared>>
        tpu.enqueue_indirect_dma source(%arg15 : memref<128x128xf32, #tpu.memory_space<vmem>>) target(%dma_start3A_70 : memref<128x128xf32, #tpu.memory_space<vmem_shared>>) offsets(%arg11 : memref<128xi32, #tpu.memory_space<vmem>>) semaphore(%run_scoped3A : memref<!tpu.dma_semaphore, #tpu.memory_space<semaphore_mem>>) {add = true}
        %dma_wait3A_71 = arith.constant 0 : i32
        %dma_wait3A_72 = tpu.memref_slice %arg16[%multiple_of3A_16, %dma_wait3A_71] : memref<4096x128xf32, #tpu.memory_space<vmem_shared>> -> memref<128x128xf32, #tpu.memory_space<vmem_shared>>
        %dma_wait3A_73 = arith.constant 0 : i32
        %dma_wait3A_74 = arith.constant 0 : i32
        %dma_wait3A_75 = tpu.memref_slice %dma_wait3A_72[%dma_wait3A_73, %dma_wait3A_74] : memref<128x128xf32, #tpu.memory_space<vmem_shared>> -> memref<128x128xf32, #tpu.memory_space<vmem_shared>>
        tpu.wait_indirect_dma semaphore(%run_scoped3A : memref<!tpu.dma_semaphore, #tpu.memory_space<semaphore_mem>>) src(%arg15 : memref<128x128xf32, #tpu.memory_space<vmem>>) dst(%dma_wait3A_75 : memref<128x128xf32, #tpu.memory_space<vmem_shared>>)
        tpu.yield
      }) : () -> ()
      "tpu.region"() ({
        %run_scoped3A = tpu.sem_alloc : memref<!tpu.dma_semaphore, #tpu.memory_space<semaphore_mem>>
        %dma_start3A_66 = arith.constant 0 : i32
        %dma_start3A_67 = tpu.memref_slice %arg6[%multiple_of3A_48, %dma_start3A_66] : memref<320000x128xf32, #tpu.memory_space<hbm>> -> memref<128x128xf32, #tpu.memory_space<hbm>>
        %dma_start3A_68 = arith.constant 0 : i32
        %dma_start3A_69 = tpu.memref_slice %arg16[%multiple_of3A_16, %dma_start3A_68] : memref<4096x128xf32, #tpu.memory_space<vmem_shared>> -> memref<128x128xf32, #tpu.memory_space<vmem_shared>>
        tpu.enqueue_dma source(%dma_start3A_69 : memref<128x128xf32, #tpu.memory_space<vmem_shared>>) target(%dma_start3A_67 : memref<128x128xf32, #tpu.memory_space<hbm>>) target_semaphore(%run_scoped3A : memref<!tpu.dma_semaphore, #tpu.memory_space<semaphore_mem>>)
        %dma_wait3A_70 = arith.constant 0 : i32
        %dma_wait3A_71 = tpu.memref_slice %arg6[%multiple_of3A_48, %dma_wait3A_70] : memref<320000x128xf32, #tpu.memory_space<hbm>> -> memref<128x128xf32, #tpu.memory_space<hbm>>
        %dma_wait3A_72 = arith.constant 0 : i32
        %dma_wait3A_73 = tpu.memref_slice %arg16[%multiple_of3A_16, %dma_wait3A_72] : memref<4096x128xf32, #tpu.memory_space<vmem_shared>> -> memref<128x128xf32, #tpu.memory_space<vmem_shared>>
        tpu.wait_dma2 semaphore(%run_scoped3A : memref<!tpu.dma_semaphore, #tpu.memory_space<semaphore_mem>>) src(%dma_wait3A_73 : memref<128x128xf32, #tpu.memory_space<vmem_shared>>) dst(%dma_wait3A_71 : memref<128x128xf32, #tpu.memory_space<hbm>>)
        tpu.yield
      }) : () -> ()
    }
    %scan3A_22 = arith.constant 39 : i32
    %lt3A = arith.constant 4 : i32
    %lt3A_23 = arith.cmpi slt, %add3A, %lt3A : i32
    %convert_element_type3A = arith.extui %lt3A_23 : i1 to i32
    %cond3A = arith.constant 0 : i32
    %cond3A_24 = arith.cmpi ne, %convert_element_type3A, %cond3A : i32
    scf.if %cond3A_24 {
      %add3A_25 = arith.constant 2496 : i32
      %add3A_26 = arith.addi %add3A, %add3A_25 : i32
      %mul3A_27 = arith.constant 128 : i32
      %mul3A_28 = arith.muli %add3A_26, %mul3A_27 : i32
      %multiple_of3A_29 = tpu.assume_multiple %mul3A_28, 128 : i32
      "tpu.region"() ({
        %run_scoped3A = tpu.sem_alloc : memref<!tpu.dma_semaphore, #tpu.memory_space<semaphore_mem>>
        %dma_start3A_40 = tpu.memref_slice %arg4[%multiple_of3A_29] : memref<320000xi32, #tpu.memory_space<hbm>> -> memref<128xi32, #tpu.memory_space<hbm>>
        %dma_start3A_41 = tpu.memref_slice %arg4[%multiple_of3A_29] : memref<320000xi32, #tpu.memory_space<hbm>> -> memref<128xi32, #tpu.memory_space<hbm>>
        tpu.enqueue_dma source(%dma_start3A_41 : memref<128xi32, #tpu.memory_space<hbm>>) target(%arg7 : memref<128xi32, #tpu.memory_space<vmem>>) target_semaphore(%run_scoped3A : memref<!tpu.dma_semaphore, #tpu.memory_space<semaphore_mem>>)
        %dma_wait3A_42 = tpu.memref_slice %arg4[%multiple_of3A_29] : memref<320000xi32, #tpu.memory_space<hbm>> -> memref<128xi32, #tpu.memory_space<hbm>>
        %dma_wait3A_43 = tpu.memref_slice %arg4[%multiple_of3A_29] : memref<320000xi32, #tpu.memory_space<hbm>> -> memref<128xi32, #tpu.memory_space<hbm>>
        tpu.wait_dma2 semaphore(%run_scoped3A : memref<!tpu.dma_semaphore, #tpu.memory_space<semaphore_mem>>) src(%dma_wait3A_43 : memref<128xi32, #tpu.memory_space<hbm>>) dst(%arg7 : memref<128xi32, #tpu.memory_space<vmem>>)
        tpu.yield
      }) : () -> ()
      "tpu.region"() ({
        %run_scoped3A = tpu.sem_alloc : memref<!tpu.dma_semaphore, #tpu.memory_space<semaphore_mem>>
        %dma_start3A_40 = tpu.memref_slice %arg5[%multiple_of3A_29] : memref<320000xi32, #tpu.memory_space<hbm>> -> memref<128xi32, #tpu.memory_space<hbm>>
        %dma_start3A_41 = tpu.memref_slice %arg5[%multiple_of3A_29] : memref<320000xi32, #tpu.memory_space<hbm>> -> memref<128xi32, #tpu.memory_space<hbm>>
        tpu.enqueue_dma source(%dma_start3A_41 : memref<128xi32, #tpu.memory_space<hbm>>) target(%arg8 : memref<128xi32, #tpu.memory_space<vmem>>) target_semaphore(%run_scoped3A : memref<!tpu.dma_semaphore, #tpu.memory_space<semaphore_mem>>)
        %dma_wait3A_42 = tpu.memref_slice %arg5[%multiple_of3A_29] : memref<320000xi32, #tpu.memory_space<hbm>> -> memref<128xi32, #tpu.memory_space<hbm>>
        %dma_wait3A_43 = tpu.memref_slice %arg5[%multiple_of3A_29] : memref<320000xi32, #tpu.memory_space<hbm>> -> memref<128xi32, #tpu.memory_space<hbm>>
        tpu.wait_dma2 semaphore(%run_scoped3A : memref<!tpu.dma_semaphore, #tpu.memory_space<semaphore_mem>>) src(%dma_wait3A_43 : memref<128xi32, #tpu.memory_space<hbm>>) dst(%arg8 : memref<128xi32, #tpu.memory_space<vmem>>)
        tpu.yield
      }) : () -> ()
      %dma_start3A = arith.constant 0 : i32
      %dma_start3A_30 = arith.constant 0 : i32
      %dma_start3A_31 = tpu.memref_slice %arg2[%dma_start3A, %dma_start3A_30] : memref<10000x128xf32, #tpu.memory_space<hbm>> -> memref<10000x128xf32, #tpu.memory_space<hbm>>
      tpu.enqueue_indirect_dma source(%dma_start3A_31 : memref<10000x128xf32, #tpu.memory_space<hbm>>) target(%arg12 : memref<128x128xf32, #tpu.memory_space<vmem>>) offsets(%arg7 : memref<128xi32, #tpu.memory_space<vmem>>) semaphore(%arg17 : memref<!tpu.dma_semaphore, #tpu.memory_space<semaphore_mem>>)
      %dma_start3A_32 = arith.constant 0 : i32
      %dma_start3A_33 = arith.constant 0 : i32
      %dma_start3A_34 = tpu.memref_slice %arg3[%dma_start3A_32, %dma_start3A_33] : memref<10000x128xf32, #tpu.memory_space<hbm>> -> memref<10000x128xf32, #tpu.memory_space<hbm>>
      tpu.enqueue_indirect_dma source(%dma_start3A_34 : memref<10000x128xf32, #tpu.memory_space<hbm>>) target(%arg13 : memref<128x128xf32, #tpu.memory_space<vmem>>) offsets(%arg8 : memref<128xi32, #tpu.memory_space<vmem>>) semaphore(%arg18 : memref<!tpu.dma_semaphore, #tpu.memory_space<semaphore_mem>>)
      %dma_wait3A = arith.constant 0 : i32
      %dma_wait3A_35 = arith.constant 0 : i32
      %dma_wait3A_36 = tpu.memref_slice %arg2[%dma_wait3A, %dma_wait3A_35] : memref<10000x128xf32, #tpu.memory_space<hbm>> -> memref<10000x128xf32, #tpu.memory_space<hbm>>
      tpu.wait_indirect_dma semaphore(%arg17 : memref<!tpu.dma_semaphore, #tpu.memory_space<semaphore_mem>>) src(%dma_wait3A_36 : memref<10000x128xf32, #tpu.memory_space<hbm>>) dst(%arg12 : memref<128x128xf32, #tpu.memory_space<vmem>>)
      "tpu.region"() ({
        %run_scoped3A = tpu.sem_alloc : memref<!tpu.dma_semaphore, #tpu.memory_space<semaphore_mem>>
        %dma_start3A_40 = arith.constant 0 : i32
        %dma_start3A_41 = tpu.memref_slice %arg16[%multiple_of3A, %dma_start3A_40] : memref<4096x128xf32, #tpu.memory_space<vmem_shared>> -> memref<128x128xf32, #tpu.memory_space<vmem_shared>>
        %dma_start3A_42 = arith.constant 0 : i32
        %dma_start3A_43 = arith.constant 0 : i32
        %dma_start3A_44 = tpu.memref_slice %dma_start3A_41[%dma_start3A_42, %dma_start3A_43] : memref<128x128xf32, #tpu.memory_space<vmem_shared>> -> memref<128x128xf32, #tpu.memory_space<vmem_shared>>
        tpu.enqueue_indirect_dma source(%arg12 : memref<128x128xf32, #tpu.memory_space<vmem>>) target(%dma_start3A_44 : memref<128x128xf32, #tpu.memory_space<vmem_shared>>) offsets(%arg11 : memref<128xi32, #tpu.memory_space<vmem>>) semaphore(%run_scoped3A : memref<!tpu.dma_semaphore, #tpu.memory_space<semaphore_mem>>)
        %dma_wait3A_45 = arith.constant 0 : i32
        %dma_wait3A_46 = tpu.memref_slice %arg16[%multiple_of3A, %dma_wait3A_45] : memref<4096x128xf32, #tpu.memory_space<vmem_shared>> -> memref<128x128xf32, #tpu.memory_space<vmem_shared>>
        %dma_wait3A_47 = arith.constant 0 : i32
        %dma_wait3A_48 = arith.constant 0 : i32
        %dma_wait3A_49 = tpu.memref_slice %dma_wait3A_46[%dma_wait3A_47, %dma_wait3A_48] : memref<128x128xf32, #tpu.memory_space<vmem_shared>> -> memref<128x128xf32, #tpu.memory_space<vmem_shared>>
        tpu.wait_indirect_dma semaphore(%run_scoped3A : memref<!tpu.dma_semaphore, #tpu.memory_space<semaphore_mem>>) src(%arg12 : memref<128x128xf32, #tpu.memory_space<vmem>>) dst(%dma_wait3A_49 : memref<128x128xf32, #tpu.memory_space<vmem_shared>>)
        tpu.yield
      }) : () -> ()
      %dma_wait3A_37 = arith.constant 0 : i32
      %dma_wait3A_38 = arith.constant 0 : i32
      %dma_wait3A_39 = tpu.memref_slice %arg3[%dma_wait3A_37, %dma_wait3A_38] : memref<10000x128xf32, #tpu.memory_space<hbm>> -> memref<10000x128xf32, #tpu.memory_space<hbm>>
      tpu.wait_indirect_dma semaphore(%arg18 : memref<!tpu.dma_semaphore, #tpu.memory_space<semaphore_mem>>) src(%dma_wait3A_39 : memref<10000x128xf32, #tpu.memory_space<hbm>>) dst(%arg13 : memref<128x128xf32, #tpu.memory_space<vmem>>)
      "tpu.region"() ({
        %run_scoped3A = tpu.sem_alloc : memref<!tpu.dma_semaphore, #tpu.memory_space<semaphore_mem>>
        %dma_start3A_40 = arith.constant 0 : i32
        %dma_start3A_41 = tpu.memref_slice %arg16[%multiple_of3A, %dma_start3A_40] : memref<4096x128xf32, #tpu.memory_space<vmem_shared>> -> memref<128x128xf32, #tpu.memory_space<vmem_shared>>
        %dma_start3A_42 = arith.constant 0 : i32
        %dma_start3A_43 = arith.constant 0 : i32
        %dma_start3A_44 = tpu.memref_slice %dma_start3A_41[%dma_start3A_42, %dma_start3A_43] : memref<128x128xf32, #tpu.memory_space<vmem_shared>> -> memref<128x128xf32, #tpu.memory_space<vmem_shared>>
        tpu.enqueue_indirect_dma source(%arg13 : memref<128x128xf32, #tpu.memory_space<vmem>>) target(%dma_start3A_44 : memref<128x128xf32, #tpu.memory_space<vmem_shared>>) offsets(%arg11 : memref<128xi32, #tpu.memory_space<vmem>>) semaphore(%run_scoped3A : memref<!tpu.dma_semaphore, #tpu.memory_space<semaphore_mem>>) {add = true}
        %dma_wait3A_45 = arith.constant 0 : i32
        %dma_wait3A_46 = tpu.memref_slice %arg16[%multiple_of3A, %dma_wait3A_45] : memref<4096x128xf32, #tpu.memory_space<vmem_shared>> -> memref<128x128xf32, #tpu.memory_space<vmem_shared>>
        %dma_wait3A_47 = arith.constant 0 : i32
        %dma_wait3A_48 = arith.constant 0 : i32
        %dma_wait3A_49 = tpu.memref_slice %dma_wait3A_46[%dma_wait3A_47, %dma_wait3A_48] : memref<128x128xf32, #tpu.memory_space<vmem_shared>> -> memref<128x128xf32, #tpu.memory_space<vmem_shared>>
        tpu.wait_indirect_dma semaphore(%run_scoped3A : memref<!tpu.dma_semaphore, #tpu.memory_space<semaphore_mem>>) src(%arg13 : memref<128x128xf32, #tpu.memory_space<vmem>>) dst(%dma_wait3A_49 : memref<128x128xf32, #tpu.memory_space<vmem_shared>>)
        tpu.yield
      }) : () -> ()
      "tpu.region"() ({
        %run_scoped3A = tpu.sem_alloc : memref<!tpu.dma_semaphore, #tpu.memory_space<semaphore_mem>>
        %dma_start3A_40 = arith.constant 0 : i32
        %dma_start3A_41 = tpu.memref_slice %arg6[%multiple_of3A_29, %dma_start3A_40] : memref<320000x128xf32, #tpu.memory_space<hbm>> -> memref<128x128xf32, #tpu.memory_space<hbm>>
        %dma_start3A_42 = arith.constant 0 : i32
        %dma_start3A_43 = tpu.memref_slice %arg16[%multiple_of3A, %dma_start3A_42] : memref<4096x128xf32, #tpu.memory_space<vmem_shared>> -> memref<128x128xf32, #tpu.memory_space<vmem_shared>>
        tpu.enqueue_dma source(%dma_start3A_43 : memref<128x128xf32, #tpu.memory_space<vmem_shared>>) target(%dma_start3A_41 : memref<128x128xf32, #tpu.memory_space<hbm>>) target_semaphore(%run_scoped3A : memref<!tpu.dma_semaphore, #tpu.memory_space<semaphore_mem>>)
        %dma_wait3A_44 = arith.constant 0 : i32
        %dma_wait3A_45 = tpu.memref_slice %arg6[%multiple_of3A_29, %dma_wait3A_44] : memref<320000x128xf32, #tpu.memory_space<hbm>> -> memref<128x128xf32, #tpu.memory_space<hbm>>
        %dma_wait3A_46 = arith.constant 0 : i32
        %dma_wait3A_47 = tpu.memref_slice %arg16[%multiple_of3A, %dma_wait3A_46] : memref<4096x128xf32, #tpu.memory_space<vmem_shared>> -> memref<128x128xf32, #tpu.memory_space<vmem_shared>>
        tpu.wait_dma2 semaphore(%run_scoped3A : memref<!tpu.dma_semaphore, #tpu.memory_space<semaphore_mem>>) src(%dma_wait3A_47 : memref<128x128xf32, #tpu.memory_space<vmem_shared>>) dst(%dma_wait3A_45 : memref<128x128xf32, #tpu.memory_space<hbm>>)
        tpu.yield
      }) : () -> ()
    } else {
    }
    return
  }
}

#map = affine_map<(d0, d1) -> (0)>
#map1 = affine_map<(d0, d1) -> (0, 0, 0)>
module attributes {stable_mosaic.version = 14 : i64} {
  func.func @_sc_deg_body(%arg0: i32, %arg1: i32, %arg2: memref<320000xi32, #tpu.memory_space<hbm>>, %arg3: memref<2x10240x16xf32, #tpu.memory_space<hbm>>, %arg4: memref<80xi32, #tpu.memory_space<vmem>>, %arg5: memref<80x16xf32, #tpu.memory_space<vmem>>, %arg6: memref<128x16xf32, #tpu.memory_space<vmem>>, %arg7: memref<10240x16xf32, #tpu.memory_space<vmem_shared>>) attributes {dimension_semantics = [#tpu.dimension_semantics<core_parallel>, #tpu.dimension_semantics<subcore_parallel>], iteration_bounds = array<i64: 2, 16>, scalar_prefetch = 0 : i64, scratch_operands = 4 : i64, tpu.core_type = #tpu.core_type<sc_vector_subcore>, window_params = [{transform_indices = #map}, {transform_indices = #map1}]} {
    %iota3A = tpu.iota {dimensions = array<i32: 0>} : vector<16xi32>
    %eq3A = arith.constant 0 : i32
    %eq3A_0 = vector.broadcast %eq3A : i32 to vector<16xi32>
    %eq3A_1 = arith.cmpi eq, %iota3A, %eq3A_0 : vector<16xi32>
    %jit3A = arith.constant 1.000000e+00 : f32
    %jit3A_2 = arith.constant 0.000000e+00 : f32
    %broadcast_in_dim3A = vector.broadcast %jit3A : f32 to vector<16xf32>
    %broadcast_in_dim3A_3 = vector.broadcast %jit3A_2 : f32 to vector<16xf32>
    %select_n3A = arith.select %eq3A_1, %broadcast_in_dim3A, %broadcast_in_dim3A_3 : vector<16xi1>, vector<16xf32>
    %broadcast_in_dim3A_4 = arith.constant 0.000000e+00 : f32
    %broadcast_in_dim3A_5 = vector.broadcast %broadcast_in_dim3A_4 : f32 to vector<16xf32>
    %scan3A = arith.constant 0 : i32
    %scan3A_6 = arith.constant 0 : i32
    %scan3A_7 = arith.constant 80 : i32
    %scan3A_8 = arith.addi %scan3A_6, %scan3A_7 : i32
    %scan3A_9 = arith.constant 1 : i32
    scf.for %scan3A_39 = %scan3A_6 to %scan3A_8 step %scan3A_9  : i32 {
      %swap3A = arith.index_cast %scan3A_39 : i32 to index
      %swap3A_40 = arith.constant 0 : index
      %swap3A_41 = tpu.vector_load %arg5[%swap3A, %swap3A_40] {strides = array<i32>} : memref<80x16xf32, #tpu.memory_space<vmem>>, vector<1x16xf32>,
      %swap3A_42 = vector.shape_cast %swap3A_41 : vector<1x16xf32> to vector<16xf32>
      %swap3A_43 = vector.shape_cast %select_n3A : vector<16xf32> to vector<1x16xf32>
      tpu.vector_store %arg5[%swap3A, %swap3A_40], %swap3A_43 {strides = array<i32>} : memref<80x16xf32, #tpu.memory_space<vmem>>, vector<1x16xf32>,
    }
    %scan3A_10 = arith.constant 80 : i32
    %scan3A_11 = arith.constant 0 : i32
    %scan3A_12 = arith.constant 0 : i32
    %scan3A_13 = arith.constant 128 : i32
    %scan3A_14 = arith.addi %scan3A_12, %scan3A_13 : i32
    %scan3A_15 = arith.constant 1 : i32
    scf.for %scan3A_39 = %scan3A_12 to %scan3A_14 step %scan3A_15  : i32 {
      %swap3A = arith.index_cast %scan3A_39 : i32 to index
      %swap3A_40 = arith.constant 0 : index
      %swap3A_41 = tpu.vector_load %arg6[%swap3A, %swap3A_40] {strides = array<i32>} : memref<128x16xf32, #tpu.memory_space<vmem>>, vector<1x16xf32>,
      %swap3A_42 = vector.shape_cast %swap3A_41 : vector<1x16xf32> to vector<16xf32>
      %swap3A_43 = vector.shape_cast %broadcast_in_dim3A_5 : vector<16xf32> to vector<1x16xf32>
      tpu.vector_store %arg6[%swap3A, %swap3A_40], %swap3A_43 {strides = array<i32>} : memref<128x16xf32, #tpu.memory_space<vmem>>, vector<1x16xf32>,
    }
    %scan3A_16 = arith.constant 128 : i32
    %mul3A = arith.constant 640 : i32
    %mul3A_17 = arith.muli %arg1, %mul3A : i32
    %multiple_of3A = tpu.assume_multiple %mul3A_17, 128 : i32
    %add3A = arith.constant 0 : i32
    %add3A_18 = arith.addi %multiple_of3A, %add3A : i32
    "tpu.region"() ({
      %run_scoped3A = tpu.sem_alloc : memref<!tpu.dma_semaphore, #tpu.memory_space<semaphore_mem>>
      %dma_start3A = arith.constant 0 : i32
      %dma_start3A_39 = tpu.memref_slice %arg7[%add3A_18, %dma_start3A] : memref<10240x16xf32, #tpu.memory_space<vmem_shared>> -> memref<128x16xf32, #tpu.memory_space<vmem_shared>>
      %dma_start3A_40 = arith.constant 0 : i32
      %dma_start3A_41 = tpu.memref_slice %arg7[%add3A_18, %dma_start3A_40] : memref<10240x16xf32, #tpu.memory_space<vmem_shared>> -> memref<128x16xf32, #tpu.memory_space<vmem_shared>>
      tpu.enqueue_dma source(%arg6 : memref<128x16xf32, #tpu.memory_space<vmem>>) target(%dma_start3A_41 : memref<128x16xf32, #tpu.memory_space<vmem_shared>>) target_semaphore(%run_scoped3A : memref<!tpu.dma_semaphore, #tpu.memory_space<semaphore_mem>>)
      %dma_wait3A = arith.constant 0 : i32
      %dma_wait3A_42 = tpu.memref_slice %arg7[%add3A_18, %dma_wait3A] : memref<10240x16xf32, #tpu.memory_space<vmem_shared>> -> memref<128x16xf32, #tpu.memory_space<vmem_shared>>
      %dma_wait3A_43 = arith.constant 0 : i32
      %dma_wait3A_44 = tpu.memref_slice %arg7[%add3A_18, %dma_wait3A_43] : memref<10240x16xf32, #tpu.memory_space<vmem_shared>> -> memref<128x16xf32, #tpu.memory_space<vmem_shared>>
      tpu.wait_dma2 semaphore(%run_scoped3A : memref<!tpu.dma_semaphore, #tpu.memory_space<semaphore_mem>>) src(%arg6 : memref<128x16xf32, #tpu.memory_space<vmem>>) dst(%dma_wait3A_44 : memref<128x16xf32, #tpu.memory_space<vmem_shared>>)
      tpu.yield
    }) : () -> ()
    %add3A_19 = arith.constant 128 : i32
    %add3A_20 = arith.addi %multiple_of3A, %add3A_19 : i32
    "tpu.region"() ({
      %run_scoped3A = tpu.sem_alloc : memref<!tpu.dma_semaphore, #tpu.memory_space<semaphore_mem>>
      %dma_start3A = arith.constant 0 : i32
      %dma_start3A_39 = tpu.memref_slice %arg7[%add3A_20, %dma_start3A] : memref<10240x16xf32, #tpu.memory_space<vmem_shared>> -> memref<128x16xf32, #tpu.memory_space<vmem_shared>>
      %dma_start3A_40 = arith.constant 0 : i32
      %dma_start3A_41 = tpu.memref_slice %arg7[%add3A_20, %dma_start3A_40] : memref<10240x16xf32, #tpu.memory_space<vmem_shared>> -> memref<128x16xf32, #tpu.memory_space<vmem_shared>>
      tpu.enqueue_dma source(%arg6 : memref<128x16xf32, #tpu.memory_space<vmem>>) target(%dma_start3A_41 : memref<128x16xf32, #tpu.memory_space<vmem_shared>>) target_semaphore(%run_scoped3A : memref<!tpu.dma_semaphore, #tpu.memory_space<semaphore_mem>>)
      %dma_wait3A = arith.constant 0 : i32
      %dma_wait3A_42 = tpu.memref_slice %arg7[%add3A_20, %dma_wait3A] : memref<10240x16xf32, #tpu.memory_space<vmem_shared>> -> memref<128x16xf32, #tpu.memory_space<vmem_shared>>
      %dma_wait3A_43 = arith.constant 0 : i32
      %dma_wait3A_44 = tpu.memref_slice %arg7[%add3A_20, %dma_wait3A_43] : memref<10240x16xf32, #tpu.memory_space<vmem_shared>> -> memref<128x16xf32, #tpu.memory_space<vmem_shared>>
      tpu.wait_dma2 semaphore(%run_scoped3A : memref<!tpu.dma_semaphore, #tpu.memory_space<semaphore_mem>>) src(%arg6 : memref<128x16xf32, #tpu.memory_space<vmem>>) dst(%dma_wait3A_44 : memref<128x16xf32, #tpu.memory_space<vmem_shared>>)
      tpu.yield
    }) : () -> ()
    %add3A_21 = arith.constant 256 : i32
    %add3A_22 = arith.addi %multiple_of3A, %add3A_21 : i32
    "tpu.region"() ({
      %run_scoped3A = tpu.sem_alloc : memref<!tpu.dma_semaphore, #tpu.memory_space<semaphore_mem>>
      %dma_start3A = arith.constant 0 : i32
      %dma_start3A_39 = tpu.memref_slice %arg7[%add3A_22, %dma_start3A] : memref<10240x16xf32, #tpu.memory_space<vmem_shared>> -> memref<128x16xf32, #tpu.memory_space<vmem_shared>>
      %dma_start3A_40 = arith.constant 0 : i32
      %dma_start3A_41 = tpu.memref_slice %arg7[%add3A_22, %dma_start3A_40] : memref<10240x16xf32, #tpu.memory_space<vmem_shared>> -> memref<128x16xf32, #tpu.memory_space<vmem_shared>>
      tpu.enqueue_dma source(%arg6 : memref<128x16xf32, #tpu.memory_space<vmem>>) target(%dma_start3A_41 : memref<128x16xf32, #tpu.memory_space<vmem_shared>>) target_semaphore(%run_scoped3A : memref<!tpu.dma_semaphore, #tpu.memory_space<semaphore_mem>>)
      %dma_wait3A = arith.constant 0 : i32
      %dma_wait3A_42 = tpu.memref_slice %arg7[%add3A_22, %dma_wait3A] : memref<10240x16xf32, #tpu.memory_space<vmem_shared>> -> memref<128x16xf32, #tpu.memory_space<vmem_shared>>
      %dma_wait3A_43 = arith.constant 0 : i32
      %dma_wait3A_44 = tpu.memref_slice %arg7[%add3A_22, %dma_wait3A_43] : memref<10240x16xf32, #tpu.memory_space<vmem_shared>> -> memref<128x16xf32, #tpu.memory_space<vmem_shared>>
      tpu.wait_dma2 semaphore(%run_scoped3A : memref<!tpu.dma_semaphore, #tpu.memory_space<semaphore_mem>>) src(%arg6 : memref<128x16xf32, #tpu.memory_space<vmem>>) dst(%dma_wait3A_44 : memref<128x16xf32, #tpu.memory_space<vmem_shared>>)
      tpu.yield
    }) : () -> ()
    %add3A_23 = arith.constant 384 : i32
    %add3A_24 = arith.addi %multiple_of3A, %add3A_23 : i32
    "tpu.region"() ({
      %run_scoped3A = tpu.sem_alloc : memref<!tpu.dma_semaphore, #tpu.memory_space<semaphore_mem>>
      %dma_start3A = arith.constant 0 : i32
      %dma_start3A_39 = tpu.memref_slice %arg7[%add3A_24, %dma_start3A] : memref<10240x16xf32, #tpu.memory_space<vmem_shared>> -> memref<128x16xf32, #tpu.memory_space<vmem_shared>>
      %dma_start3A_40 = arith.constant 0 : i32
      %dma_start3A_41 = tpu.memref_slice %arg7[%add3A_24, %dma_start3A_40] : memref<10240x16xf32, #tpu.memory_space<vmem_shared>> -> memref<128x16xf32, #tpu.memory_space<vmem_shared>>
      tpu.enqueue_dma source(%arg6 : memref<128x16xf32, #tpu.memory_space<vmem>>) target(%dma_start3A_41 : memref<128x16xf32, #tpu.memory_space<vmem_shared>>) target_semaphore(%run_scoped3A : memref<!tpu.dma_semaphore, #tpu.memory_space<semaphore_mem>>)
      %dma_wait3A = arith.constant 0 : i32
      %dma_wait3A_42 = tpu.memref_slice %arg7[%add3A_24, %dma_wait3A] : memref<10240x16xf32, #tpu.memory_space<vmem_shared>> -> memref<128x16xf32, #tpu.memory_space<vmem_shared>>
      %dma_wait3A_43 = arith.constant 0 : i32
      %dma_wait3A_44 = tpu.memref_slice %arg7[%add3A_24, %dma_wait3A_43] : memref<10240x16xf32, #tpu.memory_space<vmem_shared>> -> memref<128x16xf32, #tpu.memory_space<vmem_shared>>
      tpu.wait_dma2 semaphore(%run_scoped3A : memref<!tpu.dma_semaphore, #tpu.memory_space<semaphore_mem>>) src(%arg6 : memref<128x16xf32, #tpu.memory_space<vmem>>) dst(%dma_wait3A_44 : memref<128x16xf32, #tpu.memory_space<vmem_shared>>)
      tpu.yield
    }) : () -> ()
    %add3A_25 = arith.constant 512 : i32
    %add3A_26 = arith.addi %multiple_of3A, %add3A_25 : i32
    "tpu.region"() ({
      %run_scoped3A = tpu.sem_alloc : memref<!tpu.dma_semaphore, #tpu.memory_space<semaphore_mem>>
      %dma_start3A = arith.constant 0 : i32
      %dma_start3A_39 = tpu.memref_slice %arg7[%add3A_26, %dma_start3A] : memref<10240x16xf32, #tpu.memory_space<vmem_shared>> -> memref<128x16xf32, #tpu.memory_space<vmem_shared>>
      %dma_start3A_40 = arith.constant 0 : i32
      %dma_start3A_41 = tpu.memref_slice %arg7[%add3A_26, %dma_start3A_40] : memref<10240x16xf32, #tpu.memory_space<vmem_shared>> -> memref<128x16xf32, #tpu.memory_space<vmem_shared>>
      tpu.enqueue_dma source(%arg6 : memref<128x16xf32, #tpu.memory_space<vmem>>) target(%dma_start3A_41 : memref<128x16xf32, #tpu.memory_space<vmem_shared>>) target_semaphore(%run_scoped3A : memref<!tpu.dma_semaphore, #tpu.memory_space<semaphore_mem>>)
      %dma_wait3A = arith.constant 0 : i32
      %dma_wait3A_42 = tpu.memref_slice %arg7[%add3A_26, %dma_wait3A] : memref<10240x16xf32, #tpu.memory_space<vmem_shared>> -> memref<128x16xf32, #tpu.memory_space<vmem_shared>>
      %dma_wait3A_43 = arith.constant 0 : i32
      %dma_wait3A_44 = tpu.memref_slice %arg7[%add3A_26, %dma_wait3A_43] : memref<10240x16xf32, #tpu.memory_space<vmem_shared>> -> memref<128x16xf32, #tpu.memory_space<vmem_shared>>
      tpu.wait_dma2 semaphore(%run_scoped3A : memref<!tpu.dma_semaphore, #tpu.memory_space<semaphore_mem>>) src(%arg6 : memref<128x16xf32, #tpu.memory_space<vmem>>) dst(%dma_wait3A_44 : memref<128x16xf32, #tpu.memory_space<vmem_shared>>)
      tpu.yield
    }) : () -> ()
    %barrier3A = arith.constant 0 : index
    tpu.barrier barrier_id(%barrier3A)
    %mul3A_27 = arith.constant 16 : i32
    %mul3A_28 = arith.muli %arg0, %mul3A_27 : i32
    %add3A_29 = arith.addi %mul3A_28, %arg1 : i32
    %mul3A_30 = arith.constant 10000 : i32
    %mul3A_31 = arith.muli %add3A_29, %mul3A_30 : i32
    %scan3A_32 = arith.constant 0 : i32
    %scan3A_33 = arith.constant 0 : i32
    %scan3A_34 = arith.constant 125 : i32
    %scan3A_35 = arith.addi %scan3A_33, %scan3A_34 : i32
    %scan3A_36 = arith.constant 1 : i32
    scf.for %scan3A_39 = %scan3A_33 to %scan3A_35 step %scan3A_36  : i32 {
      %mul3A_40 = arith.constant 80 : i32
      %mul3A_41 = arith.muli %scan3A_39, %mul3A_40 : i32
      %add3A_42 = arith.addi %mul3A_31, %mul3A_41 : i32
      %multiple_of3A_43 = tpu.assume_multiple %add3A_42, 80 : i32
      "tpu.region"() ({
        %run_scoped3A = tpu.sem_alloc : memref<!tpu.dma_semaphore, #tpu.memory_space<semaphore_mem>>
        %dma_start3A = tpu.memref_slice %arg2[%multiple_of3A_43] : memref<320000xi32, #tpu.memory_space<hbm>> -> memref<80xi32, #tpu.memory_space<hbm>>
        %dma_start3A_44 = tpu.memref_slice %arg2[%multiple_of3A_43] : memref<320000xi32, #tpu.memory_space<hbm>> -> memref<80xi32, #tpu.memory_space<hbm>>
        tpu.enqueue_dma source(%dma_start3A_44 : memref<80xi32, #tpu.memory_space<hbm>>) target(%arg4 : memref<80xi32, #tpu.memory_space<vmem>>) target_semaphore(%run_scoped3A : memref<!tpu.dma_semaphore, #tpu.memory_space<semaphore_mem>>)
        %dma_wait3A = tpu.memref_slice %arg2[%multiple_of3A_43] : memref<320000xi32, #tpu.memory_space<hbm>> -> memref<80xi32, #tpu.memory_space<hbm>>
        %dma_wait3A_45 = tpu.memref_slice %arg2[%multiple_of3A_43] : memref<320000xi32, #tpu.memory_space<hbm>> -> memref<80xi32, #tpu.memory_space<hbm>>
        tpu.wait_dma2 semaphore(%run_scoped3A : memref<!tpu.dma_semaphore, #tpu.memory_space<semaphore_mem>>) src(%dma_wait3A_45 : memref<80xi32, #tpu.memory_space<hbm>>) dst(%arg4 : memref<80xi32, #tpu.memory_space<vmem>>)
        tpu.yield
      }) : () -> ()
      "tpu.region"() ({
        %run_scoped3A = tpu.sem_alloc : memref<!tpu.dma_semaphore, #tpu.memory_space<semaphore_mem>>
        %dma_start3A = arith.constant 0 : i32
        %dma_start3A_44 = arith.constant 0 : i32
        %dma_start3A_45 = tpu.memref_slice %arg7[%dma_start3A, %dma_start3A_44] : memref<10240x16xf32, #tpu.memory_space<vmem_shared>> -> memref<10240x16xf32, #tpu.memory_space<vmem_shared>>
        tpu.enqueue_indirect_dma source(%arg5 : memref<80x16xf32, #tpu.memory_space<vmem>>) target(%dma_start3A_45 : memref<10240x16xf32, #tpu.memory_space<vmem_shared>>) offsets(%arg4 : memref<80xi32, #tpu.memory_space<vmem>>) semaphore(%run_scoped3A : memref<!tpu.dma_semaphore, #tpu.memory_space<semaphore_mem>>) {add = true}
        %dma_wait3A = arith.constant 0 : i32
        %dma_wait3A_46 = arith.constant 0 : i32
        %dma_wait3A_47 = tpu.memref_slice %arg7[%dma_wait3A, %dma_wait3A_46] : memref<10240x16xf32, #tpu.memory_space<vmem_shared>> -> memref<10240x16xf32, #tpu.memory_space<vmem_shared>>
        tpu.wait_indirect_dma semaphore(%run_scoped3A : memref<!tpu.dma_semaphore, #tpu.memory_space<semaphore_mem>>) src(%arg5 : memref<80x16xf32, #tpu.memory_space<vmem>>) dst(%dma_wait3A_47 : memref<10240x16xf32, #tpu.memory_space<vmem_shared>>)
        tpu.yield
      }) : () -> ()
    }
    %scan3A_37 = arith.constant 125 : i32
    %barrier3A_38 = arith.constant 0 : index
    tpu.barrier barrier_id(%barrier3A_38)
    "tpu.region"() ({
      %run_scoped3A = tpu.sem_alloc : memref<!tpu.dma_semaphore, #tpu.memory_space<semaphore_mem>>
      %dma_start3A = arith.constant 0 : i32
      %dma_start3A_39 = tpu.memref_slice %arg3[%arg0, %multiple_of3A, %dma_start3A] : memref<2x10240x16xf32, #tpu.memory_space<hbm>> -> memref<1x640x16xf32, #tpu.memory_space<hbm>>
      %dma_start3A_40 = tpu.memref_squeeze %dma_start3A_39 : memref<1x640x16xf32, #tpu.memory_space<hbm>> -> memref<640x16xf32, #tpu.memory_space<hbm>>
      %dma_start3A_41 = arith.constant 0 : i32
      %dma_start3A_42 = tpu.memref_slice %arg7[%multiple_of3A, %dma_start3A_41] : memref<10240x16xf32, #tpu.memory_space<vmem_shared>> -> memref<640x16xf32, #tpu.memory_space<vmem_shared>>
      tpu.enqueue_dma source(%dma_start3A_42 : memref<640x16xf32, #tpu.memory_space<vmem_shared>>) target(%dma_start3A_40 : memref<640x16xf32, #tpu.memory_space<hbm>>) target_semaphore(%run_scoped3A : memref<!tpu.dma_semaphore, #tpu.memory_space<semaphore_mem>>)
      %dma_wait3A = arith.constant 0 : i32
      %dma_wait3A_43 = tpu.memref_slice %arg3[%arg0, %multiple_of3A, %dma_wait3A] : memref<2x10240x16xf32, #tpu.memory_space<hbm>> -> memref<1x640x16xf32, #tpu.memory_space<hbm>>
      %dma_wait3A_44 = tpu.memref_squeeze %dma_wait3A_43 : memref<1x640x16xf32, #tpu.memory_space<hbm>> -> memref<640x16xf32, #tpu.memory_space<hbm>>
      %dma_wait3A_45 = arith.constant 0 : i32
      %dma_wait3A_46 = tpu.memref_slice %arg7[%multiple_of3A, %dma_wait3A_45] : memref<10240x16xf32, #tpu.memory_space<vmem_shared>> -> memref<640x16xf32, #tpu.memory_space<vmem_shared>>
      tpu.wait_dma2 semaphore(%run_scoped3A : memref<!tpu.dma_semaphore, #tpu.memory_space<semaphore_mem>>) src(%dma_wait3A_46 : memref<640x16xf32, #tpu.memory_space<vmem_shared>>) dst(%dma_wait3A_44 : memref<640x16xf32, #tpu.memory_space<hbm>>)
      tpu.yield
    }) : () -> ()
    return
  }
}

#map = affine_map<(d0, d1) -> (0, 0)>
#map1 = affine_map<(d0, d1) -> (0)>
#map2 = affine_map<(d0, d1) -> (0, 0, 0)>
module attributes {stable_mosaic.version = 14 : i64} {
  func.func @_sc_scatter_body(%arg0: i32, %arg1: i32, %arg2: memref<320000x128xf32, #tpu.memory_space<hbm>>, %arg3: memref<320000xi32, #tpu.memory_space<hbm>>, %arg4: memref<2x10240x128xf32, #tpu.memory_space<hbm>>, %arg5: memref<128xi32, #tpu.memory_space<vmem>>, %arg6: memref<128xi32, #tpu.memory_space<vmem>>, %arg7: memref<128x128xf32, #tpu.memory_space<vmem>>, %arg8: memref<128x128xf32, #tpu.memory_space<vmem>>, %arg9: memref<10240x128xf32, #tpu.memory_space<vmem_shared>>, %arg10: memref<!tpu.dma_semaphore, #tpu.memory_space<semaphore_mem>>, %arg11: memref<!tpu.dma_semaphore, #tpu.memory_space<semaphore_mem>>) attributes {dimension_semantics = [#tpu.dimension_semantics<core_parallel>, #tpu.dimension_semantics<subcore_parallel>], iteration_bounds = array<i64: 2, 16>, scalar_prefetch = 0 : i64, scratch_operands = 7 : i64, tpu.core_type = #tpu.core_type<sc_vector_subcore>, window_params = [{transform_indices = #map}, {transform_indices = #map1}, {transform_indices = #map2}]} {
    %mul3A = arith.constant 16 : i32
    %mul3A_0 = arith.muli %arg0, %mul3A : i32
    %add3A = arith.addi %mul3A_0, %arg1 : i32
    %broadcast_in_dim3A = arith.constant 0.000000e+00 : f32
    %broadcast_in_dim3A_1 = vector.broadcast %broadcast_in_dim3A : f32 to vector<16xf32>
    %scan3A = arith.constant 0 : i32
    %scan3A_2 = arith.constant 0 : i32
    %scan3A_3 = arith.constant 128 : i32
    %scan3A_4 = arith.addi %scan3A_2, %scan3A_3 : i32
    %scan3A_5 = arith.constant 1 : i32
    scf.for %scan3A_28 = %scan3A_2 to %scan3A_4 step %scan3A_5  : i32 {
      %swap3A = arith.index_cast %scan3A_28 : i32 to index
      %swap3A_29 = arith.constant 0 : index
      %swap3A_30 = tpu.vector_load %arg7[%swap3A, %swap3A_29] {strides = array<i32>} : memref<128x128xf32, #tpu.memory_space<vmem>>, vector<1x16xf32>,
      %swap3A_31 = vector.shape_cast %swap3A_30 : vector<1x16xf32> to vector<16xf32>
      %swap3A_32 = vector.shape_cast %broadcast_in_dim3A_1 : vector<16xf32> to vector<1x16xf32>
      tpu.vector_store %arg7[%swap3A, %swap3A_29], %swap3A_32 {strides = array<i32>} : memref<128x128xf32, #tpu.memory_space<vmem>>, vector<1x16xf32>,
      %swap3A_33 = arith.index_cast %scan3A_28 : i32 to index
      %swap3A_34 = arith.constant 16 : index
      %swap3A_35 = tpu.vector_load %arg7[%swap3A_33, %swap3A_34] {strides = array<i32>} : memref<128x128xf32, #tpu.memory_space<vmem>>, vector<1x16xf32>,
      %swap3A_36 = vector.shape_cast %swap3A_35 : vector<1x16xf32> to vector<16xf32>
      %swap3A_37 = vector.shape_cast %broadcast_in_dim3A_1 : vector<16xf32> to vector<1x16xf32>
      tpu.vector_store %arg7[%swap3A_33, %swap3A_34], %swap3A_37 {strides = array<i32>} : memref<128x128xf32, #tpu.memory_space<vmem>>, vector<1x16xf32>,
      %swap3A_38 = arith.index_cast %scan3A_28 : i32 to index
      %swap3A_39 = arith.constant 32 : index
      %swap3A_40 = tpu.vector_load %arg7[%swap3A_38, %swap3A_39] {strides = array<i32>} : memref<128x128xf32, #tpu.memory_space<vmem>>, vector<1x16xf32>,
      %swap3A_41 = vector.shape_cast %swap3A_40 : vector<1x16xf32> to vector<16xf32>
      %swap3A_42 = vector.shape_cast %broadcast_in_dim3A_1 : vector<16xf32> to vector<1x16xf32>
      tpu.vector_store %arg7[%swap3A_38, %swap3A_39], %swap3A_42 {strides = array<i32>} : memref<128x128xf32, #tpu.memory_space<vmem>>, vector<1x16xf32>,
      %swap3A_43 = arith.index_cast %scan3A_28 : i32 to index
      %swap3A_44 = arith.constant 48 : index
      %swap3A_45 = tpu.vector_load %arg7[%swap3A_43, %swap3A_44] {strides = array<i32>} : memref<128x128xf32, #tpu.memory_space<vmem>>, vector<1x16xf32>,
      %swap3A_46 = vector.shape_cast %swap3A_45 : vector<1x16xf32> to vector<16xf32>
      %swap3A_47 = vector.shape_cast %broadcast_in_dim3A_1 : vector<16xf32> to vector<1x16xf32>
      tpu.vector_store %arg7[%swap3A_43, %swap3A_44], %swap3A_47 {strides = array<i32>} : memref<128x128xf32, #tpu.memory_space<vmem>>, vector<1x16xf32>,
      %swap3A_48 = arith.index_cast %scan3A_28 : i32 to index
      %swap3A_49 = arith.constant 64 : index
      %swap3A_50 = tpu.vector_load %arg7[%swap3A_48, %swap3A_49] {strides = array<i32>} : memref<128x128xf32, #tpu.memory_space<vmem>>, vector<1x16xf32>,
      %swap3A_51 = vector.shape_cast %swap3A_50 : vector<1x16xf32> to vector<16xf32>
      %swap3A_52 = vector.shape_cast %broadcast_in_dim3A_1 : vector<16xf32> to vector<1x16xf32>
      tpu.vector_store %arg7[%swap3A_48, %swap3A_49], %swap3A_52 {strides = array<i32>} : memref<128x128xf32, #tpu.memory_space<vmem>>, vector<1x16xf32>,
      %swap3A_53 = arith.index_cast %scan3A_28 : i32 to index
      %swap3A_54 = arith.constant 80 : index
      %swap3A_55 = tpu.vector_load %arg7[%swap3A_53, %swap3A_54] {strides = array<i32>} : memref<128x128xf32, #tpu.memory_space<vmem>>, vector<1x16xf32>,
      %swap3A_56 = vector.shape_cast %swap3A_55 : vector<1x16xf32> to vector<16xf32>
      %swap3A_57 = vector.shape_cast %broadcast_in_dim3A_1 : vector<16xf32> to vector<1x16xf32>
      tpu.vector_store %arg7[%swap3A_53, %swap3A_54], %swap3A_57 {strides = array<i32>} : memref<128x128xf32, #tpu.memory_space<vmem>>, vector<1x16xf32>,
      %swap3A_58 = arith.index_cast %scan3A_28 : i32 to index
      %swap3A_59 = arith.constant 96 : index
      %swap3A_60 = tpu.vector_load %arg7[%swap3A_58, %swap3A_59] {strides = array<i32>} : memref<128x128xf32, #tpu.memory_space<vmem>>, vector<1x16xf32>,
      %swap3A_61 = vector.shape_cast %swap3A_60 : vector<1x16xf32> to vector<16xf32>
      %swap3A_62 = vector.shape_cast %broadcast_in_dim3A_1 : vector<16xf32> to vector<1x16xf32>
      tpu.vector_store %arg7[%swap3A_58, %swap3A_59], %swap3A_62 {strides = array<i32>} : memref<128x128xf32, #tpu.memory_space<vmem>>, vector<1x16xf32>,
      %swap3A_63 = arith.index_cast %scan3A_28 : i32 to index
      %swap3A_64 = arith.constant 112 : index
      %swap3A_65 = tpu.vector_load %arg7[%swap3A_63, %swap3A_64] {strides = array<i32>} : memref<128x128xf32, #tpu.memory_space<vmem>>, vector<1x16xf32>,
      %swap3A_66 = vector.shape_cast %swap3A_65 : vector<1x16xf32> to vector<16xf32>
      %swap3A_67 = vector.shape_cast %broadcast_in_dim3A_1 : vector<16xf32> to vector<1x16xf32>
      tpu.vector_store %arg7[%swap3A_63, %swap3A_64], %swap3A_67 {strides = array<i32>} : memref<128x128xf32, #tpu.memory_space<vmem>>, vector<1x16xf32>,
    }
    %scan3A_6 = arith.constant 128 : i32
    %mul3A_7 = arith.constant 640 : i32
    %mul3A_8 = arith.muli %arg1, %mul3A_7 : i32
    %multiple_of3A = tpu.assume_multiple %mul3A_8, 128 : i32
    %add3A_9 = arith.constant 0 : i32
    %add3A_10 = arith.addi %multiple_of3A, %add3A_9 : i32
    "tpu.region"() ({
      %run_scoped3A = tpu.sem_alloc : memref<!tpu.dma_semaphore, #tpu.memory_space<semaphore_mem>>
      %dma_start3A = arith.constant 0 : i32
      %dma_start3A_28 = tpu.memref_slice %arg9[%add3A_10, %dma_start3A] : memref<10240x128xf32, #tpu.memory_space<vmem_shared>> -> memref<128x128xf32, #tpu.memory_space<vmem_shared>>
      %dma_start3A_29 = arith.constant 0 : i32
      %dma_start3A_30 = tpu.memref_slice %arg9[%add3A_10, %dma_start3A_29] : memref<10240x128xf32, #tpu.memory_space<vmem_shared>> -> memref<128x128xf32, #tpu.memory_space<vmem_shared>>
      tpu.enqueue_dma source(%arg7 : memref<128x128xf32, #tpu.memory_space<vmem>>) target(%dma_start3A_30 : memref<128x128xf32, #tpu.memory_space<vmem_shared>>) target_semaphore(%run_scoped3A : memref<!tpu.dma_semaphore, #tpu.memory_space<semaphore_mem>>)
      %dma_wait3A = arith.constant 0 : i32
      %dma_wait3A_31 = tpu.memref_slice %arg9[%add3A_10, %dma_wait3A] : memref<10240x128xf32, #tpu.memory_space<vmem_shared>> -> memref<128x128xf32, #tpu.memory_space<vmem_shared>>
      %dma_wait3A_32 = arith.constant 0 : i32
      %dma_wait3A_33 = tpu.memref_slice %arg9[%add3A_10, %dma_wait3A_32] : memref<10240x128xf32, #tpu.memory_space<vmem_shared>> -> memref<128x128xf32, #tpu.memory_space<vmem_shared>>
      tpu.wait_dma2 semaphore(%run_scoped3A : memref<!tpu.dma_semaphore, #tpu.memory_space<semaphore_mem>>) src(%arg7 : memref<128x128xf32, #tpu.memory_space<vmem>>) dst(%dma_wait3A_33 : memref<128x128xf32, #tpu.memory_space<vmem_shared>>)
      tpu.yield
    }) : () -> ()
    %add3A_11 = arith.constant 128 : i32
    %add3A_12 = arith.addi %multiple_of3A, %add3A_11 : i32
    "tpu.region"() ({
      %run_scoped3A = tpu.sem_alloc : memref<!tpu.dma_semaphore, #tpu.memory_space<semaphore_mem>>
      %dma_start3A = arith.constant 0 : i32
      %dma_start3A_28 = tpu.memref_slice %arg9[%add3A_12, %dma_start3A] : memref<10240x128xf32, #tpu.memory_space<vmem_shared>> -> memref<128x128xf32, #tpu.memory_space<vmem_shared>>
      %dma_start3A_29 = arith.constant 0 : i32
      %dma_start3A_30 = tpu.memref_slice %arg9[%add3A_12, %dma_start3A_29] : memref<10240x128xf32, #tpu.memory_space<vmem_shared>> -> memref<128x128xf32, #tpu.memory_space<vmem_shared>>
      tpu.enqueue_dma source(%arg7 : memref<128x128xf32, #tpu.memory_space<vmem>>) target(%dma_start3A_30 : memref<128x128xf32, #tpu.memory_space<vmem_shared>>) target_semaphore(%run_scoped3A : memref<!tpu.dma_semaphore, #tpu.memory_space<semaphore_mem>>)
      %dma_wait3A = arith.constant 0 : i32
      %dma_wait3A_31 = tpu.memref_slice %arg9[%add3A_12, %dma_wait3A] : memref<10240x128xf32, #tpu.memory_space<vmem_shared>> -> memref<128x128xf32, #tpu.memory_space<vmem_shared>>
      %dma_wait3A_32 = arith.constant 0 : i32
      %dma_wait3A_33 = tpu.memref_slice %arg9[%add3A_12, %dma_wait3A_32] : memref<10240x128xf32, #tpu.memory_space<vmem_shared>> -> memref<128x128xf32, #tpu.memory_space<vmem_shared>>
      tpu.wait_dma2 semaphore(%run_scoped3A : memref<!tpu.dma_semaphore, #tpu.memory_space<semaphore_mem>>) src(%arg7 : memref<128x128xf32, #tpu.memory_space<vmem>>) dst(%dma_wait3A_33 : memref<128x128xf32, #tpu.memory_space<vmem_shared>>)
      tpu.yield
    }) : () -> ()
    %add3A_13 = arith.constant 256 : i32
    %add3A_14 = arith.addi %multiple_of3A, %add3A_13 : i32
    "tpu.region"() ({
      %run_scoped3A = tpu.sem_alloc : memref<!tpu.dma_semaphore, #tpu.memory_space<semaphore_mem>>
      %dma_start3A = arith.constant 0 : i32
      %dma_start3A_28 = tpu.memref_slice %arg9[%add3A_14, %dma_start3A] : memref<10240x128xf32, #tpu.memory_space<vmem_shared>> -> memref<128x128xf32, #tpu.memory_space<vmem_shared>>
      %dma_start3A_29 = arith.constant 0 : i32
      %dma_start3A_30 = tpu.memref_slice %arg9[%add3A_14, %dma_start3A_29] : memref<10240x128xf32, #tpu.memory_space<vmem_shared>> -> memref<128x128xf32, #tpu.memory_space<vmem_shared>>
      tpu.enqueue_dma source(%arg7 : memref<128x128xf32, #tpu.memory_space<vmem>>) target(%dma_start3A_30 : memref<128x128xf32, #tpu.memory_space<vmem_shared>>) target_semaphore(%run_scoped3A : memref<!tpu.dma_semaphore, #tpu.memory_space<semaphore_mem>>)
      %dma_wait3A = arith.constant 0 : i32
      %dma_wait3A_31 = tpu.memref_slice %arg9[%add3A_14, %dma_wait3A] : memref<10240x128xf32, #tpu.memory_space<vmem_shared>> -> memref<128x128xf32, #tpu.memory_space<vmem_shared>>
      %dma_wait3A_32 = arith.constant 0 : i32
      %dma_wait3A_33 = tpu.memref_slice %arg9[%add3A_14, %dma_wait3A_32] : memref<10240x128xf32, #tpu.memory_space<vmem_shared>> -> memref<128x128xf32, #tpu.memory_space<vmem_shared>>
      tpu.wait_dma2 semaphore(%run_scoped3A : memref<!tpu.dma_semaphore, #tpu.memory_space<semaphore_mem>>) src(%arg7 : memref<128x128xf32, #tpu.memory_space<vmem>>) dst(%dma_wait3A_33 : memref<128x128xf32, #tpu.memory_space<vmem_shared>>)
      tpu.yield
    }) : () -> ()
    %add3A_15 = arith.constant 384 : i32
    %add3A_16 = arith.addi %multiple_of3A, %add3A_15 : i32
    "tpu.region"() ({
      %run_scoped3A = tpu.sem_alloc : memref<!tpu.dma_semaphore, #tpu.memory_space<semaphore_mem>>
      %dma_start3A = arith.constant 0 : i32
      %dma_start3A_28 = tpu.memref_slice %arg9[%add3A_16, %dma_start3A] : memref<10240x128xf32, #tpu.memory_space<vmem_shared>> -> memref<128x128xf32, #tpu.memory_space<vmem_shared>>
      %dma_start3A_29 = arith.constant 0 : i32
      %dma_start3A_30 = tpu.memref_slice %arg9[%add3A_16, %dma_start3A_29] : memref<10240x128xf32, #tpu.memory_space<vmem_shared>> -> memref<128x128xf32, #tpu.memory_space<vmem_shared>>
      tpu.enqueue_dma source(%arg7 : memref<128x128xf32, #tpu.memory_space<vmem>>) target(%dma_start3A_30 : memref<128x128xf32, #tpu.memory_space<vmem_shared>>) target_semaphore(%run_scoped3A : memref<!tpu.dma_semaphore, #tpu.memory_space<semaphore_mem>>)
      %dma_wait3A = arith.constant 0 : i32
      %dma_wait3A_31 = tpu.memref_slice %arg9[%add3A_16, %dma_wait3A] : memref<10240x128xf32, #tpu.memory_space<vmem_shared>> -> memref<128x128xf32, #tpu.memory_space<vmem_shared>>
      %dma_wait3A_32 = arith.constant 0 : i32
      %dma_wait3A_33 = tpu.memref_slice %arg9[%add3A_16, %dma_wait3A_32] : memref<10240x128xf32, #tpu.memory_space<vmem_shared>> -> memref<128x128xf32, #tpu.memory_space<vmem_shared>>
      tpu.wait_dma2 semaphore(%run_scoped3A : memref<!tpu.dma_semaphore, #tpu.memory_space<semaphore_mem>>) src(%arg7 : memref<128x128xf32, #tpu.memory_space<vmem>>) dst(%dma_wait3A_33 : memref<128x128xf32, #tpu.memory_space<vmem_shared>>)
      tpu.yield
    }) : () -> ()
    %add3A_17 = arith.constant 512 : i32
    %add3A_18 = arith.addi %multiple_of3A, %add3A_17 : i32
    "tpu.region"() ({
      %run_scoped3A = tpu.sem_alloc : memref<!tpu.dma_semaphore, #tpu.memory_space<semaphore_mem>>
      %dma_start3A = arith.constant 0 : i32
      %dma_start3A_28 = tpu.memref_slice %arg9[%add3A_18, %dma_start3A] : memref<10240x128xf32, #tpu.memory_space<vmem_shared>> -> memref<128x128xf32, #tpu.memory_space<vmem_shared>>
      %dma_start3A_29 = arith.constant 0 : i32
      %dma_start3A_30 = tpu.memref_slice %arg9[%add3A_18, %dma_start3A_29] : memref<10240x128xf32, #tpu.memory_space<vmem_shared>> -> memref<128x128xf32, #tpu.memory_space<vmem_shared>>
      tpu.enqueue_dma source(%arg7 : memref<128x128xf32, #tpu.memory_space<vmem>>) target(%dma_start3A_30 : memref<128x128xf32, #tpu.memory_space<vmem_shared>>) target_semaphore(%run_scoped3A : memref<!tpu.dma_semaphore, #tpu.memory_space<semaphore_mem>>)
      %dma_wait3A = arith.constant 0 : i32
      %dma_wait3A_31 = tpu.memref_slice %arg9[%add3A_18, %dma_wait3A] : memref<10240x128xf32, #tpu.memory_space<vmem_shared>> -> memref<128x128xf32, #tpu.memory_space<vmem_shared>>
      %dma_wait3A_32 = arith.constant 0 : i32
      %dma_wait3A_33 = tpu.memref_slice %arg9[%add3A_18, %dma_wait3A_32] : memref<10240x128xf32, #tpu.memory_space<vmem_shared>> -> memref<128x128xf32, #tpu.memory_space<vmem_shared>>
      tpu.wait_dma2 semaphore(%run_scoped3A : memref<!tpu.dma_semaphore, #tpu.memory_space<semaphore_mem>>) src(%arg7 : memref<128x128xf32, #tpu.memory_space<vmem>>) dst(%dma_wait3A_33 : memref<128x128xf32, #tpu.memory_space<vmem_shared>>)
      tpu.yield
    }) : () -> ()
    %barrier3A = arith.constant 0 : index
    tpu.barrier barrier_id(%barrier3A)
    %scan3A_19 = arith.constant 0 : i32
    %scan3A_20 = arith.constant 0 : i32
    %scan3A_21 = arith.constant 39 : i32
    %scan3A_22 = arith.addi %scan3A_20, %scan3A_21 : i32
    %scan3A_23 = arith.constant 1 : i32
    scf.for %scan3A_28 = %scan3A_20 to %scan3A_22 step %scan3A_23  : i32 {
      %mul3A_29 = arith.constant 2 : i32
      %mul3A_30 = arith.muli %mul3A_29, %scan3A_28 : i32
      %mul3A_31 = arith.constant 32 : i32
      %mul3A_32 = arith.muli %mul3A_30, %mul3A_31 : i32
      %add3A_33 = arith.addi %add3A, %mul3A_32 : i32
      %mul3A_34 = arith.constant 128 : i32
      %mul3A_35 = arith.muli %add3A_33, %mul3A_34 : i32
      %multiple_of3A_36 = tpu.assume_multiple %mul3A_35, 128 : i32
      %dma_start3A = arith.constant 0 : i32
      %dma_start3A_37 = tpu.memref_slice %arg2[%multiple_of3A_36, %dma_start3A] : memref<320000x128xf32, #tpu.memory_space<hbm>> -> memref<128x128xf32, #tpu.memory_space<hbm>>
      %dma_start3A_38 = arith.constant 0 : i32
      %dma_start3A_39 = tpu.memref_slice %arg2[%multiple_of3A_36, %dma_start3A_38] : memref<320000x128xf32, #tpu.memory_space<hbm>> -> memref<128x128xf32, #tpu.memory_space<hbm>>
      tpu.enqueue_dma source(%dma_start3A_39 : memref<128x128xf32, #tpu.memory_space<hbm>>) target(%arg7 : memref<128x128xf32, #tpu.memory_space<vmem>>) target_semaphore(%arg10 : memref<!tpu.dma_semaphore, #tpu.memory_space<semaphore_mem>>)
      "tpu.region"() ({
        %run_scoped3A = tpu.sem_alloc : memref<!tpu.dma_semaphore, #tpu.memory_space<semaphore_mem>>
        %dma_start3A_61 = tpu.memref_slice %arg3[%multiple_of3A_36] : memref<320000xi32, #tpu.memory_space<hbm>> -> memref<128xi32, #tpu.memory_space<hbm>>
        %dma_start3A_62 = tpu.memref_slice %arg3[%multiple_of3A_36] : memref<320000xi32, #tpu.memory_space<hbm>> -> memref<128xi32, #tpu.memory_space<hbm>>
        tpu.enqueue_dma source(%dma_start3A_62 : memref<128xi32, #tpu.memory_space<hbm>>) target(%arg5 : memref<128xi32, #tpu.memory_space<vmem>>) target_semaphore(%run_scoped3A : memref<!tpu.dma_semaphore, #tpu.memory_space<semaphore_mem>>)
        %dma_wait3A_63 = tpu.memref_slice %arg3[%multiple_of3A_36] : memref<320000xi32, #tpu.memory_space<hbm>> -> memref<128xi32, #tpu.memory_space<hbm>>
        %dma_wait3A_64 = tpu.memref_slice %arg3[%multiple_of3A_36] : memref<320000xi32, #tpu.memory_space<hbm>> -> memref<128xi32, #tpu.memory_space<hbm>>
        tpu.wait_dma2 semaphore(%run_scoped3A : memref<!tpu.dma_semaphore, #tpu.memory_space<semaphore_mem>>) src(%dma_wait3A_64 : memref<128xi32, #tpu.memory_space<hbm>>) dst(%arg5 : memref<128xi32, #tpu.memory_space<vmem>>)
        tpu.yield
      }) : () -> ()
      %mul3A_40 = arith.constant 2 : i32
      %mul3A_41 = arith.muli %mul3A_40, %scan3A_28 : i32
      %add3A_42 = arith.constant 1 : i32
      %add3A_43 = arith.addi %mul3A_41, %add3A_42 : i32
      %mul3A_44 = arith.constant 32 : i32
      %mul3A_45 = arith.muli %add3A_43, %mul3A_44 : i32
      %add3A_46 = arith.addi %add3A, %mul3A_45 : i32
      %mul3A_47 = arith.constant 128 : i32
      %mul3A_48 = arith.muli %add3A_46, %mul3A_47 : i32
      %multiple_of3A_49 = tpu.assume_multiple %mul3A_48, 128 : i32
      %dma_start3A_50 = arith.constant 0 : i32
      %dma_start3A_51 = tpu.memref_slice %arg2[%multiple_of3A_49, %dma_start3A_50] : memref<320000x128xf32, #tpu.memory_space<hbm>> -> memref<128x128xf32, #tpu.memory_space<hbm>>
      %dma_start3A_52 = arith.constant 0 : i32
      %dma_start3A_53 = tpu.memref_slice %arg2[%multiple_of3A_49, %dma_start3A_52] : memref<320000x128xf32, #tpu.memory_space<hbm>> -> memref<128x128xf32, #tpu.memory_space<hbm>>
      tpu.enqueue_dma source(%dma_start3A_53 : memref<128x128xf32, #tpu.memory_space<hbm>>) target(%arg8 : memref<128x128xf32, #tpu.memory_space<vmem>>) target_semaphore(%arg11 : memref<!tpu.dma_semaphore, #tpu.memory_space<semaphore_mem>>)
      "tpu.region"() ({
        %run_scoped3A = tpu.sem_alloc : memref<!tpu.dma_semaphore, #tpu.memory_space<semaphore_mem>>
        %dma_start3A_61 = tpu.memref_slice %arg3[%multiple_of3A_49] : memref<320000xi32, #tpu.memory_space<hbm>> -> memref<128xi32, #tpu.memory_space<hbm>>
        %dma_start3A_62 = tpu.memref_slice %arg3[%multiple_of3A_49] : memref<320000xi32, #tpu.memory_space<hbm>> -> memref<128xi32, #tpu.memory_space<hbm>>
        tpu.enqueue_dma source(%dma_start3A_62 : memref<128xi32, #tpu.memory_space<hbm>>) target(%arg6 : memref<128xi32, #tpu.memory_space<vmem>>) target_semaphore(%run_scoped3A : memref<!tpu.dma_semaphore, #tpu.memory_space<semaphore_mem>>)
        %dma_wait3A_63 = tpu.memref_slice %arg3[%multiple_of3A_49] : memref<320000xi32, #tpu.memory_space<hbm>> -> memref<128xi32, #tpu.memory_space<hbm>>
        %dma_wait3A_64 = tpu.memref_slice %arg3[%multiple_of3A_49] : memref<320000xi32, #tpu.memory_space<hbm>> -> memref<128xi32, #tpu.memory_space<hbm>>
        tpu.wait_dma2 semaphore(%run_scoped3A : memref<!tpu.dma_semaphore, #tpu.memory_space<semaphore_mem>>) src(%dma_wait3A_64 : memref<128xi32, #tpu.memory_space<hbm>>) dst(%arg6 : memref<128xi32, #tpu.memory_space<vmem>>)
        tpu.yield
      }) : () -> ()
      %dma_wait3A = arith.constant 0 : i32
      %dma_wait3A_54 = tpu.memref_slice %arg2[%multiple_of3A_36, %dma_wait3A] : memref<320000x128xf32, #tpu.memory_space<hbm>> -> memref<128x128xf32, #tpu.memory_space<hbm>>
      %dma_wait3A_55 = arith.constant 0 : i32
      %dma_wait3A_56 = tpu.memref_slice %arg2[%multiple_of3A_36, %dma_wait3A_55] : memref<320000x128xf32, #tpu.memory_space<hbm>> -> memref<128x128xf32, #tpu.memory_space<hbm>>
      tpu.wait_dma2 semaphore(%arg10 : memref<!tpu.dma_semaphore, #tpu.memory_space<semaphore_mem>>) src(%dma_wait3A_56 : memref<128x128xf32, #tpu.memory_space<hbm>>) dst(%arg7 : memref<128x128xf32, #tpu.memory_space<vmem>>)
      "tpu.region"() ({
        %run_scoped3A = tpu.sem_alloc : memref<!tpu.dma_semaphore, #tpu.memory_space<semaphore_mem>>
        %dma_start3A_61 = arith.constant 0 : i32
        %dma_start3A_62 = arith.constant 0 : i32
        %dma_start3A_63 = tpu.memref_slice %arg9[%dma_start3A_61, %dma_start3A_62] : memref<10240x128xf32, #tpu.memory_space<vmem_shared>> -> memref<10240x128xf32, #tpu.memory_space<vmem_shared>>
        tpu.enqueue_indirect_dma source(%arg7 : memref<128x128xf32, #tpu.memory_space<vmem>>) target(%dma_start3A_63 : memref<10240x128xf32, #tpu.memory_space<vmem_shared>>) offsets(%arg5 : memref<128xi32, #tpu.memory_space<vmem>>) semaphore(%run_scoped3A : memref<!tpu.dma_semaphore, #tpu.memory_space<semaphore_mem>>) {add = true}
        %dma_wait3A_64 = arith.constant 0 : i32
        %dma_wait3A_65 = arith.constant 0 : i32
        %dma_wait3A_66 = tpu.memref_slice %arg9[%dma_wait3A_64, %dma_wait3A_65] : memref<10240x128xf32, #tpu.memory_space<vmem_shared>> -> memref<10240x128xf32, #tpu.memory_space<vmem_shared>>
        tpu.wait_indirect_dma semaphore(%run_scoped3A : memref<!tpu.dma_semaphore, #tpu.memory_space<semaphore_mem>>) src(%arg7 : memref<128x128xf32, #tpu.memory_space<vmem>>) dst(%dma_wait3A_66 : memref<10240x128xf32, #tpu.memory_space<vmem_shared>>)
        tpu.yield
      }) : () -> ()
      %dma_wait3A_57 = arith.constant 0 : i32
      %dma_wait3A_58 = tpu.memref_slice %arg2[%multiple_of3A_49, %dma_wait3A_57] : memref<320000x128xf32, #tpu.memory_space<hbm>> -> memref<128x128xf32, #tpu.memory_space<hbm>>
      %dma_wait3A_59 = arith.constant 0 : i32
      %dma_wait3A_60 = tpu.memref_slice %arg2[%multiple_of3A_49, %dma_wait3A_59] : memref<320000x128xf32, #tpu.memory_space<hbm>> -> memref<128x128xf32, #tpu.memory_space<hbm>>
      tpu.wait_dma2 semaphore(%arg11 : memref<!tpu.dma_semaphore, #tpu.memory_space<semaphore_mem>>) src(%dma_wait3A_60 : memref<128x128xf32, #tpu.memory_space<hbm>>) dst(%arg8 : memref<128x128xf32, #tpu.memory_space<vmem>>)
      "tpu.region"() ({
        %run_scoped3A = tpu.sem_alloc : memref<!tpu.dma_semaphore, #tpu.memory_space<semaphore_mem>>
        %dma_start3A_61 = arith.constant 0 : i32
        %dma_start3A_62 = arith.constant 0 : i32
        %dma_start3A_63 = tpu.memref_slice %arg9[%dma_start3A_61, %dma_start3A_62] : memref<10240x128xf32, #tpu.memory_space<vmem_shared>> -> memref<10240x128xf32, #tpu.memory_space<vmem_shared>>
        tpu.enqueue_indirect_dma source(%arg8 : memref<128x128xf32, #tpu.memory_space<vmem>>) target(%dma_start3A_63 : memref<10240x128xf32, #tpu.memory_space<vmem_shared>>) offsets(%arg6 : memref<128xi32, #tpu.memory_space<vmem>>) semaphore(%run_scoped3A : memref<!tpu.dma_semaphore, #tpu.memory_space<semaphore_mem>>) {add = true}
        %dma_wait3A_64 = arith.constant 0 : i32
        %dma_wait3A_65 = arith.constant 0 : i32
        %dma_wait3A_66 = tpu.memref_slice %arg9[%dma_wait3A_64, %dma_wait3A_65] : memref<10240x128xf32, #tpu.memory_space<vmem_shared>> -> memref<10240x128xf32, #tpu.memory_space<vmem_shared>>
        tpu.wait_indirect_dma semaphore(%run_scoped3A : memref<!tpu.dma_semaphore, #tpu.memory_space<semaphore_mem>>) src(%arg8 : memref<128x128xf32, #tpu.memory_space<vmem>>) dst(%dma_wait3A_66 : memref<10240x128xf32, #tpu.memory_space<vmem_shared>>)
        tpu.yield
      }) : () -> ()
    }
    %scan3A_24 = arith.constant 39 : i32
    %lt3A = arith.constant 4 : i32
    %lt3A_25 = arith.cmpi slt, %add3A, %lt3A : i32
    %convert_element_type3A = arith.extui %lt3A_25 : i1 to i32
    %cond3A = arith.constant 0 : i32
    %cond3A_26 = arith.cmpi ne, %convert_element_type3A, %cond3A : i32
    scf.if %cond3A_26 {
      %add3A_28 = arith.constant 2496 : i32
      %add3A_29 = arith.addi %add3A, %add3A_28 : i32
      %mul3A_30 = arith.constant 128 : i32
      %mul3A_31 = arith.muli %add3A_29, %mul3A_30 : i32
      %multiple_of3A_32 = tpu.assume_multiple %mul3A_31, 128 : i32
      %dma_start3A = arith.constant 0 : i32
      %dma_start3A_33 = tpu.memref_slice %arg2[%multiple_of3A_32, %dma_start3A] : memref<320000x128xf32, #tpu.memory_space<hbm>> -> memref<128x128xf32, #tpu.memory_space<hbm>>
      %dma_start3A_34 = arith.constant 0 : i32
      %dma_start3A_35 = tpu.memref_slice %arg2[%multiple_of3A_32, %dma_start3A_34] : memref<320000x128xf32, #tpu.memory_space<hbm>> -> memref<128x128xf32, #tpu.memory_space<hbm>>
      tpu.enqueue_dma source(%dma_start3A_35 : memref<128x128xf32, #tpu.memory_space<hbm>>) target(%arg7 : memref<128x128xf32, #tpu.memory_space<vmem>>) target_semaphore(%arg10 : memref<!tpu.dma_semaphore, #tpu.memory_space<semaphore_mem>>)
      "tpu.region"() ({
        %run_scoped3A = tpu.sem_alloc : memref<!tpu.dma_semaphore, #tpu.memory_space<semaphore_mem>>
        %dma_start3A_39 = tpu.memref_slice %arg3[%multiple_of3A_32] : memref<320000xi32, #tpu.memory_space<hbm>> -> memref<128xi32, #tpu.memory_space<hbm>>
        %dma_start3A_40 = tpu.memref_slice %arg3[%multiple_of3A_32] : memref<320000xi32, #tpu.memory_space<hbm>> -> memref<128xi32, #tpu.memory_space<hbm>>
        tpu.enqueue_dma source(%dma_start3A_40 : memref<128xi32, #tpu.memory_space<hbm>>) target(%arg5 : memref<128xi32, #tpu.memory_space<vmem>>) target_semaphore(%run_scoped3A : memref<!tpu.dma_semaphore, #tpu.memory_space<semaphore_mem>>)
        %dma_wait3A_41 = tpu.memref_slice %arg3[%multiple_of3A_32] : memref<320000xi32, #tpu.memory_space<hbm>> -> memref<128xi32, #tpu.memory_space<hbm>>
        %dma_wait3A_42 = tpu.memref_slice %arg3[%multiple_of3A_32] : memref<320000xi32, #tpu.memory_space<hbm>> -> memref<128xi32, #tpu.memory_space<hbm>>
        tpu.wait_dma2 semaphore(%run_scoped3A : memref<!tpu.dma_semaphore, #tpu.memory_space<semaphore_mem>>) src(%dma_wait3A_42 : memref<128xi32, #tpu.memory_space<hbm>>) dst(%arg5 : memref<128xi32, #tpu.memory_space<vmem>>)
        tpu.yield
      }) : () -> ()
      %dma_wait3A = arith.constant 0 : i32
      %dma_wait3A_36 = tpu.memref_slice %arg2[%multiple_of3A_32, %dma_wait3A] : memref<320000x128xf32, #tpu.memory_space<hbm>> -> memref<128x128xf32, #tpu.memory_space<hbm>>
      %dma_wait3A_37 = arith.constant 0 : i32
      %dma_wait3A_38 = tpu.memref_slice %arg2[%multiple_of3A_32, %dma_wait3A_37] : memref<320000x128xf32, #tpu.memory_space<hbm>> -> memref<128x128xf32, #tpu.memory_space<hbm>>
      tpu.wait_dma2 semaphore(%arg10 : memref<!tpu.dma_semaphore, #tpu.memory_space<semaphore_mem>>) src(%dma_wait3A_38 : memref<128x128xf32, #tpu.memory_space<hbm>>) dst(%arg7 : memref<128x128xf32, #tpu.memory_space<vmem>>)
      "tpu.region"() ({
        %run_scoped3A = tpu.sem_alloc : memref<!tpu.dma_semaphore, #tpu.memory_space<semaphore_mem>>
        %dma_start3A_39 = arith.constant 0 : i32
        %dma_start3A_40 = arith.constant 0 : i32
        %dma_start3A_41 = tpu.memref_slice %arg9[%dma_start3A_39, %dma_start3A_40] : memref<10240x128xf32, #tpu.memory_space<vmem_shared>> -> memref<10240x128xf32, #tpu.memory_space<vmem_shared>>
        tpu.enqueue_indirect_dma source(%arg7 : memref<128x128xf32, #tpu.memory_space<vmem>>) target(%dma_start3A_41 : memref<10240x128xf32, #tpu.memory_space<vmem_shared>>) offsets(%arg5 : memref<128xi32, #tpu.memory_space<vmem>>) semaphore(%run_scoped3A : memref<!tpu.dma_semaphore, #tpu.memory_space<semaphore_mem>>) {add = true}
        %dma_wait3A_42 = arith.constant 0 : i32
        %dma_wait3A_43 = arith.constant 0 : i32
        %dma_wait3A_44 = tpu.memref_slice %arg9[%dma_wait3A_42, %dma_wait3A_43] : memref<10240x128xf32, #tpu.memory_space<vmem_shared>> -> memref<10240x128xf32, #tpu.memory_space<vmem_shared>>
        tpu.wait_indirect_dma semaphore(%run_scoped3A : memref<!tpu.dma_semaphore, #tpu.memory_space<semaphore_mem>>) src(%arg7 : memref<128x128xf32, #tpu.memory_space<vmem>>) dst(%dma_wait3A_44 : memref<10240x128xf32, #tpu.memory_space<vmem_shared>>)
        tpu.yield
      }) : () -> ()
    } else {
    }
    %barrier3A_27 = arith.constant 0 : index
    tpu.barrier barrier_id(%barrier3A_27)
    "tpu.region"() ({
      %run_scoped3A = tpu.sem_alloc : memref<!tpu.dma_semaphore, #tpu.memory_space<semaphore_mem>>
      %dma_start3A = arith.constant 0 : i32
      %dma_start3A_28 = tpu.memref_slice %arg4[%arg0, %multiple_of3A, %dma_start3A] : memref<2x10240x128xf32, #tpu.memory_space<hbm>> -> memref<1x640x128xf32, #tpu.memory_space<hbm>>
      %dma_start3A_29 = tpu.memref_squeeze %dma_start3A_28 : memref<1x640x128xf32, #tpu.memory_space<hbm>> -> memref<640x128xf32, #tpu.memory_space<hbm>>
      %dma_start3A_30 = arith.constant 0 : i32
      %dma_start3A_31 = tpu.memref_slice %arg9[%multiple_of3A, %dma_start3A_30] : memref<10240x128xf32, #tpu.memory_space<vmem_shared>> -> memref<640x128xf32, #tpu.memory_space<vmem_shared>>
      tpu.enqueue_dma source(%dma_start3A_31 : memref<640x128xf32, #tpu.memory_space<vmem_shared>>) target(%dma_start3A_29 : memref<640x128xf32, #tpu.memory_space<hbm>>) target_semaphore(%run_scoped3A : memref<!tpu.dma_semaphore, #tpu.memory_space<semaphore_mem>>)
      %dma_wait3A = arith.constant 0 : i32
      %dma_wait3A_32 = tpu.memref_slice %arg4[%arg0, %multiple_of3A, %dma_wait3A] : memref<2x10240x128xf32, #tpu.memory_space<hbm>> -> memref<1x640x128xf32, #tpu.memory_space<hbm>>
      %dma_wait3A_33 = tpu.memref_squeeze %dma_wait3A_32 : memref<1x640x128xf32, #tpu.memory_space<hbm>> -> memref<640x128xf32, #tpu.memory_space<hbm>>
      %dma_wait3A_34 = arith.constant 0 : i32
      %dma_wait3A_35 = tpu.memref_slice %arg9[%multiple_of3A, %dma_wait3A_34] : memref<10240x128xf32, #tpu.memory_space<vmem_shared>> -> memref<640x128xf32, #tpu.memory_space<vmem_shared>>
      tpu.wait_dma2 semaphore(%run_scoped3A : memref<!tpu.dma_semaphore, #tpu.memory_space<semaphore_mem>>) src(%dma_wait3A_35 : memref<640x128xf32, #tpu.memory_space<vmem_shared>>) dst(%dma_wait3A_33 : memref<640x128xf32, #tpu.memory_space<hbm>>)
      tpu.yield
    }) : () -> ()
    return
  }
}

#map = affine_map<(d0, d1) -> (0, 0)>
#map1 = affine_map<(d0, d1) -> (0)>
module attributes {stable_mosaic.version = 14 : i64} {
  func.func @_sc_gather_body(%arg0: i32, %arg1: i32, %arg2: memref<10000x128xf32, #tpu.memory_space<hbm>>, %arg3: memref<10000x128xf32, #tpu.memory_space<hbm>>, %arg4: memref<320000xi32, #tpu.memory_space<hbm>>, %arg5: memref<320000xi32, #tpu.memory_space<hbm>>, %arg6: memref<320000x128xf32, #tpu.memory_space<hbm>>, %arg7: memref<128xi32, #tpu.memory_space<vmem>>, %arg8: memref<128xi32, #tpu.memory_space<vmem>>, %arg9: memref<128xi32, #tpu.memory_space<vmem>>, %arg10: memref<128xi32, #tpu.memory_space<vmem>>, %arg11: memref<128xi32, #tpu.memory_space<vmem>>, %arg12: memref<128x128xf32, #tpu.memory_space<vmem>>, %arg13: memref<128x128xf32, #tpu.memory_space<vmem>>, %arg14: memref<128x128xf32, #tpu.memory_space<vmem>>, %arg15: memref<128x128xf32, #tpu.memory_space<vmem>>, %arg16: memref<4096x128xf32, #tpu.memory_space<vmem_shared>>, %arg17: memref<!tpu.dma_semaphore, #tpu.memory_space<semaphore_mem>>, %arg18: memref<!tpu.dma_semaphore, #tpu.memory_space<semaphore_mem>>, %arg19: memref<!tpu.dma_semaphore, #tpu.memory_space<semaphore_mem>>, %arg20: memref<!tpu.dma_semaphore, #tpu.memory_space<semaphore_mem>>) attributes {dimension_semantics = [#tpu.dimension_semantics<core_parallel>, #tpu.dimension_semantics<subcore_parallel>], iteration_bounds = array<i64: 2, 16>, scalar_prefetch = 0 : i64, scratch_operands = 14 : i64, tpu.core_type = #tpu.core_type<sc_vector_subcore>, window_params = [{transform_indices = #map}, {transform_indices = #map}, {transform_indices = #map1}, {transform_indices = #map1}, {transform_indices = #map}]} {
    %mul3A = arith.constant 16 : i32
    %mul3A_0 = arith.muli %arg0, %mul3A : i32
    %add3A = arith.addi %mul3A_0, %arg1 : i32
    %iota3A = tpu.iota {dimensions = array<i32: 0>} : vector<16xi32>
    %scan3A = arith.constant 0 : i32
    %scan3A_1 = arith.constant 0 : i32
    %scan3A_2 = arith.constant 8 : i32
    %scan3A_3 = arith.addi %scan3A_1, %scan3A_2 : i32
    %scan3A_4 = arith.constant 1 : i32
    scf.for %scan3A_25 = %scan3A_1 to %scan3A_3 step %scan3A_4  : i32 {
      %mul3A_26 = arith.constant 16 : i32
      %mul3A_27 = arith.muli %scan3A_25, %mul3A_26 : i32
      %add3A_28 = vector.broadcast %mul3A_27 : i32 to vector<16xi32>
      %add3A_29 = arith.addi %iota3A, %add3A_28 : vector<16xi32>
      %mul3A_30 = arith.constant 16 : i32
      %mul3A_31 = arith.muli %scan3A_25, %mul3A_30 : i32
      %swap3A = arith.index_cast %mul3A_31 : i32 to index
      %swap3A_32 = tpu.vector_load %arg11[%swap3A] {strides = array<i32>} : memref<128xi32, #tpu.memory_space<vmem>>, vector<16xi32>,
      %swap3A_33 = vector.shape_cast %swap3A_32 : vector<16xi32> to vector<16xi32>
      %swap3A_34 = vector.shape_cast %add3A_29 : vector<16xi32> to vector<16xi32>
      tpu.vector_store %arg11[%swap3A], %swap3A_34 {strides = array<i32>} : memref<128xi32, #tpu.memory_space<vmem>>, vector<16xi32>,
    }
    %scan3A_5 = arith.constant 8 : i32
    %mul3A_6 = arith.constant 2 : i32
    %mul3A_7 = arith.muli %arg1, %mul3A_6 : i32
    %mul3A_8 = arith.constant 128 : i32
    %mul3A_9 = arith.muli %mul3A_7, %mul3A_8 : i32
    %multiple_of3A = tpu.assume_multiple %mul3A_9, 128 : i32
    %mul3A_10 = arith.constant 2 : i32
    %mul3A_11 = arith.muli %arg1, %mul3A_10 : i32
    %mul3A_12 = arith.constant 128 : i32
    %mul3A_13 = arith.muli %mul3A_11, %mul3A_12 : i32
    %add3A_14 = arith.constant 128 : i32
    %add3A_15 = arith.addi %mul3A_13, %add3A_14 : i32
    %multiple_of3A_16 = tpu.assume_multiple %add3A_15, 128 : i32
    %scan3A_17 = arith.constant 0 : i32
    %scan3A_18 = arith.constant 0 : i32
    %scan3A_19 = arith.constant 39 : i32
    %scan3A_20 = arith.addi %scan3A_18, %scan3A_19 : i32
    %scan3A_21 = arith.constant 1 : i32
    scf.for %scan3A_25 = %scan3A_18 to %scan3A_20 step %scan3A_21  : i32 {
      %mul3A_26 = arith.constant 2 : i32
      %mul3A_27 = arith.muli %mul3A_26, %scan3A_25 : i32
      %mul3A_28 = arith.constant 32 : i32
      %mul3A_29 = arith.muli %mul3A_27, %mul3A_28 : i32
      %add3A_30 = arith.addi %add3A, %mul3A_29 : i32
      %mul3A_31 = arith.constant 128 : i32
      %mul3A_32 = arith.muli %add3A_30, %mul3A_31 : i32
      %multiple_of3A_33 = tpu.assume_multiple %mul3A_32, 128 : i32
      "tpu.region"() ({
        %run_scoped3A = tpu.sem_alloc : memref<!tpu.dma_semaphore, #tpu.memory_space<semaphore_mem>>
        %dma_start3A_66 = tpu.memref_slice %arg4[%multiple_of3A_33] : memref<320000xi32, #tpu.memory_space<hbm>> -> memref<128xi32, #tpu.memory_space<hbm>>
        %dma_start3A_67 = tpu.memref_slice %arg4[%multiple_of3A_33] : memref<320000xi32, #tpu.memory_space<hbm>> -> memref<128xi32, #tpu.memory_space<hbm>>
        tpu.enqueue_dma source(%dma_start3A_67 : memref<128xi32, #tpu.memory_space<hbm>>) target(%arg7 : memref<128xi32, #tpu.memory_space<vmem>>) target_semaphore(%run_scoped3A : memref<!tpu.dma_semaphore, #tpu.memory_space<semaphore_mem>>)
        %dma_wait3A_68 = tpu.memref_slice %arg4[%multiple_of3A_33] : memref<320000xi32, #tpu.memory_space<hbm>> -> memref<128xi32, #tpu.memory_space<hbm>>
        %dma_wait3A_69 = tpu.memref_slice %arg4[%multiple_of3A_33] : memref<320000xi32, #tpu.memory_space<hbm>> -> memref<128xi32, #tpu.memory_space<hbm>>
        tpu.wait_dma2 semaphore(%run_scoped3A : memref<!tpu.dma_semaphore, #tpu.memory_space<semaphore_mem>>) src(%dma_wait3A_69 : memref<128xi32, #tpu.memory_space<hbm>>) dst(%arg7 : memref<128xi32, #tpu.memory_space<vmem>>)
        tpu.yield
      }) : () -> ()
      "tpu.region"() ({
        %run_scoped3A = tpu.sem_alloc : memref<!tpu.dma_semaphore, #tpu.memory_space<semaphore_mem>>
        %dma_start3A_66 = tpu.memref_slice %arg5[%multiple_of3A_33] : memref<320000xi32, #tpu.memory_space<hbm>> -> memref<128xi32, #tpu.memory_space<hbm>>
        %dma_start3A_67 = tpu.memref_slice %arg5[%multiple_of3A_33] : memref<320000xi32, #tpu.memory_space<hbm>> -> memref<128xi32, #tpu.memory_space<hbm>>
        tpu.enqueue_dma source(%dma_start3A_67 : memref<128xi32, #tpu.memory_space<hbm>>) target(%arg8 : memref<128xi32, #tpu.memory_space<vmem>>) target_semaphore(%run_scoped3A : memref<!tpu.dma_semaphore, #tpu.memory_space<semaphore_mem>>)
        %dma_wait3A_68 = tpu.memref_slice %arg5[%multiple_of3A_33] : memref<320000xi32, #tpu.memory_space<hbm>> -> memref<128xi32, #tpu.memory_space<hbm>>
        %dma_wait3A_69 = tpu.memref_slice %arg5[%multiple_of3A_33] : memref<320000xi32, #tpu.memory_space<hbm>> -> memref<128xi32, #tpu.memory_space<hbm>>
        tpu.wait_dma2 semaphore(%run_scoped3A : memref<!tpu.dma_semaphore, #tpu.memory_space<semaphore_mem>>) src(%dma_wait3A_69 : memref<128xi32, #tpu.memory_space<hbm>>) dst(%arg8 : memref<128xi32, #tpu.memory_space<vmem>>)
        tpu.yield
      }) : () -> ()
      %dma_start3A = arith.constant 0 : i32
      %dma_start3A_34 = arith.constant 0 : i32
      %dma_start3A_35 = tpu.memref_slice %arg2[%dma_start3A, %dma_start3A_34] : memref<10000x128xf32, #tpu.memory_space<hbm>> -> memref<10000x128xf32, #tpu.memory_space<hbm>>
      tpu.enqueue_indirect_dma source(%dma_start3A_35 : memref<10000x128xf32, #tpu.memory_space<hbm>>) target(%arg12 : memref<128x128xf32, #tpu.memory_space<vmem>>) offsets(%arg7 : memref<128xi32, #tpu.memory_space<vmem>>) semaphore(%arg17 : memref<!tpu.dma_semaphore, #tpu.memory_space<semaphore_mem>>)
      %dma_start3A_36 = arith.constant 0 : i32
      %dma_start3A_37 = arith.constant 0 : i32
      %dma_start3A_38 = tpu.memref_slice %arg3[%dma_start3A_36, %dma_start3A_37] : memref<10000x128xf32, #tpu.memory_space<hbm>> -> memref<10000x128xf32, #tpu.memory_space<hbm>>
      tpu.enqueue_indirect_dma source(%dma_start3A_38 : memref<10000x128xf32, #tpu.memory_space<hbm>>) target(%arg13 : memref<128x128xf32, #tpu.memory_space<vmem>>) offsets(%arg8 : memref<128xi32, #tpu.memory_space<vmem>>) semaphore(%arg18 : memref<!tpu.dma_semaphore, #tpu.memory_space<semaphore_mem>>)
      %mul3A_39 = arith.constant 2 : i32
      %mul3A_40 = arith.muli %mul3A_39, %scan3A_25 : i32
      %add3A_41 = arith.constant 1 : i32
      %add3A_42 = arith.addi %mul3A_40, %add3A_41 : i32
      %mul3A_43 = arith.constant 32 : i32
      %mul3A_44 = arith.muli %add3A_42, %mul3A_43 : i32
      %add3A_45 = arith.addi %add3A, %mul3A_44 : i32
      %mul3A_46 = arith.constant 128 : i32
      %mul3A_47 = arith.muli %add3A_45, %mul3A_46 : i32
      %multiple_of3A_48 = tpu.assume_multiple %mul3A_47, 128 : i32
      "tpu.region"() ({
        %run_scoped3A = tpu.sem_alloc : memref<!tpu.dma_semaphore, #tpu.memory_space<semaphore_mem>>
        %dma_start3A_66 = tpu.memref_slice %arg4[%multiple_of3A_48] : memref<320000xi32, #tpu.memory_space<hbm>> -> memref<128xi32, #tpu.memory_space<hbm>>
        %dma_start3A_67 = tpu.memref_slice %arg4[%multiple_of3A_48] : memref<320000xi32, #tpu.memory_space<hbm>> -> memref<128xi32, #tpu.memory_space<hbm>>
        tpu.enqueue_dma source(%dma_start3A_67 : memref<128xi32, #tpu.memory_space<hbm>>) target(%arg9 : memref<128xi32, #tpu.memory_space<vmem>>) target_semaphore(%run_scoped3A : memref<!tpu.dma_semaphore, #tpu.memory_space<semaphore_mem>>)
        %dma_wait3A_68 = tpu.memref_slice %arg4[%multiple_of3A_48] : memref<320000xi32, #tpu.memory_space<hbm>> -> memref<128xi32, #tpu.memory_space<hbm>>
        %dma_wait3A_69 = tpu.memref_slice %arg4[%multiple_of3A_48] : memref<320000xi32, #tpu.memory_space<hbm>> -> memref<128xi32, #tpu.memory_space<hbm>>
        tpu.wait_dma2 semaphore(%run_scoped3A : memref<!tpu.dma_semaphore, #tpu.memory_space<semaphore_mem>>) src(%dma_wait3A_69 : memref<128xi32, #tpu.memory_space<hbm>>) dst(%arg9 : memref<128xi32, #tpu.memory_space<vmem>>)
        tpu.yield
      }) : () -> ()
      "tpu.region"() ({
        %run_scoped3A = tpu.sem_alloc : memref<!tpu.dma_semaphore, #tpu.memory_space<semaphore_mem>>
        %dma_start3A_66 = tpu.memref_slice %arg5[%multiple_of3A_48] : memref<320000xi32, #tpu.memory_space<hbm>> -> memref<128xi32, #tpu.memory_space<hbm>>
        %dma_start3A_67 = tpu.memref_slice %arg5[%multiple_of3A_48] : memref<320000xi32, #tpu.memory_space<hbm>> -> memref<128xi32, #tpu.memory_space<hbm>>
        tpu.enqueue_dma source(%dma_start3A_67 : memref<128xi32, #tpu.memory_space<hbm>>) target(%arg10 : memref<128xi32, #tpu.memory_space<vmem>>) target_semaphore(%run_scoped3A : memref<!tpu.dma_semaphore, #tpu.memory_space<semaphore_mem>>)
        %dma_wait3A_68 = tpu.memref_slice %arg5[%multiple_of3A_48] : memref<320000xi32, #tpu.memory_space<hbm>> -> memref<128xi32, #tpu.memory_space<hbm>>
        %dma_wait3A_69 = tpu.memref_slice %arg5[%multiple_of3A_48] : memref<320000xi32, #tpu.memory_space<hbm>> -> memref<128xi32, #tpu.memory_space<hbm>>
        tpu.wait_dma2 semaphore(%run_scoped3A : memref<!tpu.dma_semaphore, #tpu.memory_space<semaphore_mem>>) src(%dma_wait3A_69 : memref<128xi32, #tpu.memory_space<hbm>>) dst(%arg10 : memref<128xi32, #tpu.memory_space<vmem>>)
        tpu.yield
      }) : () -> ()
      %dma_start3A_49 = arith.constant 0 : i32
      %dma_start3A_50 = arith.constant 0 : i32
      %dma_start3A_51 = tpu.memref_slice %arg2[%dma_start3A_49, %dma_start3A_50] : memref<10000x128xf32, #tpu.memory_space<hbm>> -> memref<10000x128xf32, #tpu.memory_space<hbm>>
      tpu.enqueue_indirect_dma source(%dma_start3A_51 : memref<10000x128xf32, #tpu.memory_space<hbm>>) target(%arg14 : memref<128x128xf32, #tpu.memory_space<vmem>>) offsets(%arg9 : memref<128xi32, #tpu.memory_space<vmem>>) semaphore(%arg19 : memref<!tpu.dma_semaphore, #tpu.memory_space<semaphore_mem>>)
      %dma_start3A_52 = arith.constant 0 : i32
      %dma_start3A_53 = arith.constant 0 : i32
      %dma_start3A_54 = tpu.memref_slice %arg3[%dma_start3A_52, %dma_start3A_53] : memref<10000x128xf32, #tpu.memory_space<hbm>> -> memref<10000x128xf32, #tpu.memory_space<hbm>>
      tpu.enqueue_indirect_dma source(%dma_start3A_54 : memref<10000x128xf32, #tpu.memory_space<hbm>>) target(%arg15 : memref<128x128xf32, #tpu.memory_space<vmem>>) offsets(%arg10 : memref<128xi32, #tpu.memory_space<vmem>>) semaphore(%arg20 : memref<!tpu.dma_semaphore, #tpu.memory_space<semaphore_mem>>)
      %dma_wait3A = arith.constant 0 : i32
      %dma_wait3A_55 = arith.constant 0 : i32
      %dma_wait3A_56 = tpu.memref_slice %arg2[%dma_wait3A, %dma_wait3A_55] : memref<10000x128xf32, #tpu.memory_space<hbm>> -> memref<10000x128xf32, #tpu.memory_space<hbm>>
      tpu.wait_indirect_dma semaphore(%arg17 : memref<!tpu.dma_semaphore, #tpu.memory_space<semaphore_mem>>) src(%dma_wait3A_56 : memref<10000x128xf32, #tpu.memory_space<hbm>>) dst(%arg12 : memref<128x128xf32, #tpu.memory_space<vmem>>)
      "tpu.region"() ({
        %run_scoped3A = tpu.sem_alloc : memref<!tpu.dma_semaphore, #tpu.memory_space<semaphore_mem>>
        %dma_start3A_66 = arith.constant 0 : i32
        %dma_start3A_67 = tpu.memref_slice %arg16[%multiple_of3A, %dma_start3A_66] : memref<4096x128xf32, #tpu.memory_space<vmem_shared>> -> memref<128x128xf32, #tpu.memory_space<vmem_shared>>
        %dma_start3A_68 = arith.constant 0 : i32
        %dma_start3A_69 = arith.constant 0 : i32
        %dma_start3A_70 = tpu.memref_slice %dma_start3A_67[%dma_start3A_68, %dma_start3A_69] : memref<128x128xf32, #tpu.memory_space<vmem_shared>> -> memref<128x128xf32, #tpu.memory_space<vmem_shared>>
        tpu.enqueue_indirect_dma source(%arg12 : memref<128x128xf32, #tpu.memory_space<vmem>>) target(%dma_start3A_70 : memref<128x128xf32, #tpu.memory_space<vmem_shared>>) offsets(%arg11 : memref<128xi32, #tpu.memory_space<vmem>>) semaphore(%run_scoped3A : memref<!tpu.dma_semaphore, #tpu.memory_space<semaphore_mem>>)
        %dma_wait3A_71 = arith.constant 0 : i32
        %dma_wait3A_72 = tpu.memref_slice %arg16[%multiple_of3A, %dma_wait3A_71] : memref<4096x128xf32, #tpu.memory_space<vmem_shared>> -> memref<128x128xf32, #tpu.memory_space<vmem_shared>>
        %dma_wait3A_73 = arith.constant 0 : i32
        %dma_wait3A_74 = arith.constant 0 : i32
        %dma_wait3A_75 = tpu.memref_slice %dma_wait3A_72[%dma_wait3A_73, %dma_wait3A_74] : memref<128x128xf32, #tpu.memory_space<vmem_shared>> -> memref<128x128xf32, #tpu.memory_space<vmem_shared>>
        tpu.wait_indirect_dma semaphore(%run_scoped3A : memref<!tpu.dma_semaphore, #tpu.memory_space<semaphore_mem>>) src(%arg12 : memref<128x128xf32, #tpu.memory_space<vmem>>) dst(%dma_wait3A_75 : memref<128x128xf32, #tpu.memory_space<vmem_shared>>)
        tpu.yield
      }) : () -> ()
      %dma_wait3A_57 = arith.constant 0 : i32
      %dma_wait3A_58 = arith.constant 0 : i32
      %dma_wait3A_59 = tpu.memref_slice %arg3[%dma_wait3A_57, %dma_wait3A_58] : memref<10000x128xf32, #tpu.memory_space<hbm>> -> memref<10000x128xf32, #tpu.memory_space<hbm>>
      tpu.wait_indirect_dma semaphore(%arg18 : memref<!tpu.dma_semaphore, #tpu.memory_space<semaphore_mem>>) src(%dma_wait3A_59 : memref<10000x128xf32, #tpu.memory_space<hbm>>) dst(%arg13 : memref<128x128xf32, #tpu.memory_space<vmem>>)
      "tpu.region"() ({
        %run_scoped3A = tpu.sem_alloc : memref<!tpu.dma_semaphore, #tpu.memory_space<semaphore_mem>>
        %dma_start3A_66 = arith.constant 0 : i32
        %dma_start3A_67 = tpu.memref_slice %arg16[%multiple_of3A, %dma_start3A_66] : memref<4096x128xf32, #tpu.memory_space<vmem_shared>> -> memref<128x128xf32, #tpu.memory_space<vmem_shared>>
        %dma_start3A_68 = arith.constant 0 : i32
        %dma_start3A_69 = arith.constant 0 : i32
        %dma_start3A_70 = tpu.memref_slice %dma_start3A_67[%dma_start3A_68, %dma_start3A_69] : memref<128x128xf32, #tpu.memory_space<vmem_shared>> -> memref<128x128xf32, #tpu.memory_space<vmem_shared>>
        tpu.enqueue_indirect_dma source(%arg13 : memref<128x128xf32, #tpu.memory_space<vmem>>) target(%dma_start3A_70 : memref<128x128xf32, #tpu.memory_space<vmem_shared>>) offsets(%arg11 : memref<128xi32, #tpu.memory_space<vmem>>) semaphore(%run_scoped3A : memref<!tpu.dma_semaphore, #tpu.memory_space<semaphore_mem>>) {add = true}
        %dma_wait3A_71 = arith.constant 0 : i32
        %dma_wait3A_72 = tpu.memref_slice %arg16[%multiple_of3A, %dma_wait3A_71] : memref<4096x128xf32, #tpu.memory_space<vmem_shared>> -> memref<128x128xf32, #tpu.memory_space<vmem_shared>>
        %dma_wait3A_73 = arith.constant 0 : i32
        %dma_wait3A_74 = arith.constant 0 : i32
        %dma_wait3A_75 = tpu.memref_slice %dma_wait3A_72[%dma_wait3A_73, %dma_wait3A_74] : memref<128x128xf32, #tpu.memory_space<vmem_shared>> -> memref<128x128xf32, #tpu.memory_space<vmem_shared>>
        tpu.wait_indirect_dma semaphore(%run_scoped3A : memref<!tpu.dma_semaphore, #tpu.memory_space<semaphore_mem>>) src(%arg13 : memref<128x128xf32, #tpu.memory_space<vmem>>) dst(%dma_wait3A_75 : memref<128x128xf32, #tpu.memory_space<vmem_shared>>)
        tpu.yield
      }) : () -> ()
      "tpu.region"() ({
        %run_scoped3A = tpu.sem_alloc : memref<!tpu.dma_semaphore, #tpu.memory_space<semaphore_mem>>
        %dma_start3A_66 = arith.constant 0 : i32
        %dma_start3A_67 = tpu.memref_slice %arg6[%multiple_of3A_33, %dma_start3A_66] : memref<320000x128xf32, #tpu.memory_space<hbm>> -> memref<128x128xf32, #tpu.memory_space<hbm>>
        %dma_start3A_68 = arith.constant 0 : i32
        %dma_start3A_69 = tpu.memref_slice %arg16[%multiple_of3A, %dma_start3A_68] : memref<4096x128xf32, #tpu.memory_space<vmem_shared>> -> memref<128x128xf32, #tpu.memory_space<vmem_shared>>
        tpu.enqueue_dma source(%dma_start3A_69 : memref<128x128xf32, #tpu.memory_space<vmem_shared>>) target(%dma_start3A_67 : memref<128x128xf32, #tpu.memory_space<hbm>>) target_semaphore(%run_scoped3A : memref<!tpu.dma_semaphore, #tpu.memory_space<semaphore_mem>>)
        %dma_wait3A_70 = arith.constant 0 : i32
        %dma_wait3A_71 = tpu.memref_slice %arg6[%multiple_of3A_33, %dma_wait3A_70] : memref<320000x128xf32, #tpu.memory_space<hbm>> -> memref<128x128xf32, #tpu.memory_space<hbm>>
        %dma_wait3A_72 = arith.constant 0 : i32
        %dma_wait3A_73 = tpu.memref_slice %arg16[%multiple_of3A, %dma_wait3A_72] : memref<4096x128xf32, #tpu.memory_space<vmem_shared>> -> memref<128x128xf32, #tpu.memory_space<vmem_shared>>
        tpu.wait_dma2 semaphore(%run_scoped3A : memref<!tpu.dma_semaphore, #tpu.memory_space<semaphore_mem>>) src(%dma_wait3A_73 : memref<128x128xf32, #tpu.memory_space<vmem_shared>>) dst(%dma_wait3A_71 : memref<128x128xf32, #tpu.memory_space<hbm>>)
        tpu.yield
      }) : () -> ()
      %dma_wait3A_60 = arith.constant 0 : i32
      %dma_wait3A_61 = arith.constant 0 : i32
      %dma_wait3A_62 = tpu.memref_slice %arg2[%dma_wait3A_60, %dma_wait3A_61] : memref<10000x128xf32, #tpu.memory_space<hbm>> -> memref<10000x128xf32, #tpu.memory_space<hbm>>
      tpu.wait_indirect_dma semaphore(%arg19 : memref<!tpu.dma_semaphore, #tpu.memory_space<semaphore_mem>>) src(%dma_wait3A_62 : memref<10000x128xf32, #tpu.memory_space<hbm>>) dst(%arg14 : memref<128x128xf32, #tpu.memory_space<vmem>>)
      "tpu.region"() ({
        %run_scoped3A = tpu.sem_alloc : memref<!tpu.dma_semaphore, #tpu.memory_space<semaphore_mem>>
        %dma_start3A_66 = arith.constant 0 : i32
        %dma_start3A_67 = tpu.memref_slice %arg16[%multiple_of3A_16, %dma_start3A_66] : memref<4096x128xf32, #tpu.memory_space<vmem_shared>> -> memref<128x128xf32, #tpu.memory_space<vmem_shared>>
        %dma_start3A_68 = arith.constant 0 : i32
        %dma_start3A_69 = arith.constant 0 : i32
        %dma_start3A_70 = tpu.memref_slice %dma_start3A_67[%dma_start3A_68, %dma_start3A_69] : memref<128x128xf32, #tpu.memory_space<vmem_shared>> -> memref<128x128xf32, #tpu.memory_space<vmem_shared>>
        tpu.enqueue_indirect_dma source(%arg14 : memref<128x128xf32, #tpu.memory_space<vmem>>) target(%dma_start3A_70 : memref<128x128xf32, #tpu.memory_space<vmem_shared>>) offsets(%arg11 : memref<128xi32, #tpu.memory_space<vmem>>) semaphore(%run_scoped3A : memref<!tpu.dma_semaphore, #tpu.memory_space<semaphore_mem>>)
        %dma_wait3A_71 = arith.constant 0 : i32
        %dma_wait3A_72 = tpu.memref_slice %arg16[%multiple_of3A_16, %dma_wait3A_71] : memref<4096x128xf32, #tpu.memory_space<vmem_shared>> -> memref<128x128xf32, #tpu.memory_space<vmem_shared>>
        %dma_wait3A_73 = arith.constant 0 : i32
        %dma_wait3A_74 = arith.constant 0 : i32
        %dma_wait3A_75 = tpu.memref_slice %dma_wait3A_72[%dma_wait3A_73, %dma_wait3A_74] : memref<128x128xf32, #tpu.memory_space<vmem_shared>> -> memref<128x128xf32, #tpu.memory_space<vmem_shared>>
        tpu.wait_indirect_dma semaphore(%run_scoped3A : memref<!tpu.dma_semaphore, #tpu.memory_space<semaphore_mem>>) src(%arg14 : memref<128x128xf32, #tpu.memory_space<vmem>>) dst(%dma_wait3A_75 : memref<128x128xf32, #tpu.memory_space<vmem_shared>>)
        tpu.yield
      }) : () -> ()
      %dma_wait3A_63 = arith.constant 0 : i32
      %dma_wait3A_64 = arith.constant 0 : i32
      %dma_wait3A_65 = tpu.memref_slice %arg3[%dma_wait3A_63, %dma_wait3A_64] : memref<10000x128xf32, #tpu.memory_space<hbm>> -> memref<10000x128xf32, #tpu.memory_space<hbm>>
      tpu.wait_indirect_dma semaphore(%arg20 : memref<!tpu.dma_semaphore, #tpu.memory_space<semaphore_mem>>) src(%dma_wait3A_65 : memref<10000x128xf32, #tpu.memory_space<hbm>>) dst(%arg15 : memref<128x128xf32, #tpu.memory_space<vmem>>)
      "tpu.region"() ({
        %run_scoped3A = tpu.sem_alloc : memref<!tpu.dma_semaphore, #tpu.memory_space<semaphore_mem>>
        %dma_start3A_66 = arith.constant 0 : i32
        %dma_start3A_67 = tpu.memref_slice %arg16[%multiple_of3A_16, %dma_start3A_66] : memref<4096x128xf32, #tpu.memory_space<vmem_shared>> -> memref<128x128xf32, #tpu.memory_space<vmem_shared>>
        %dma_start3A_68 = arith.constant 0 : i32
        %dma_start3A_69 = arith.constant 0 : i32
        %dma_start3A_70 = tpu.memref_slice %dma_start3A_67[%dma_start3A_68, %dma_start3A_69] : memref<128x128xf32, #tpu.memory_space<vmem_shared>> -> memref<128x128xf32, #tpu.memory_space<vmem_shared>>
        tpu.enqueue_indirect_dma source(%arg15 : memref<128x128xf32, #tpu.memory_space<vmem>>) target(%dma_start3A_70 : memref<128x128xf32, #tpu.memory_space<vmem_shared>>) offsets(%arg11 : memref<128xi32, #tpu.memory_space<vmem>>) semaphore(%run_scoped3A : memref<!tpu.dma_semaphore, #tpu.memory_space<semaphore_mem>>) {add = true}
        %dma_wait3A_71 = arith.constant 0 : i32
        %dma_wait3A_72 = tpu.memref_slice %arg16[%multiple_of3A_16, %dma_wait3A_71] : memref<4096x128xf32, #tpu.memory_space<vmem_shared>> -> memref<128x128xf32, #tpu.memory_space<vmem_shared>>
        %dma_wait3A_73 = arith.constant 0 : i32
        %dma_wait3A_74 = arith.constant 0 : i32
        %dma_wait3A_75 = tpu.memref_slice %dma_wait3A_72[%dma_wait3A_73, %dma_wait3A_74] : memref<128x128xf32, #tpu.memory_space<vmem_shared>> -> memref<128x128xf32, #tpu.memory_space<vmem_shared>>
        tpu.wait_indirect_dma semaphore(%run_scoped3A : memref<!tpu.dma_semaphore, #tpu.memory_space<semaphore_mem>>) src(%arg15 : memref<128x128xf32, #tpu.memory_space<vmem>>) dst(%dma_wait3A_75 : memref<128x128xf32, #tpu.memory_space<vmem_shared>>)
        tpu.yield
      }) : () -> ()
      "tpu.region"() ({
        %run_scoped3A = tpu.sem_alloc : memref<!tpu.dma_semaphore, #tpu.memory_space<semaphore_mem>>
        %dma_start3A_66 = arith.constant 0 : i32
        %dma_start3A_67 = tpu.memref_slice %arg6[%multiple_of3A_48, %dma_start3A_66] : memref<320000x128xf32, #tpu.memory_space<hbm>> -> memref<128x128xf32, #tpu.memory_space<hbm>>
        %dma_start3A_68 = arith.constant 0 : i32
        %dma_start3A_69 = tpu.memref_slice %arg16[%multiple_of3A_16, %dma_start3A_68] : memref<4096x128xf32, #tpu.memory_space<vmem_shared>> -> memref<128x128xf32, #tpu.memory_space<vmem_shared>>
        tpu.enqueue_dma source(%dma_start3A_69 : memref<128x128xf32, #tpu.memory_space<vmem_shared>>) target(%dma_start3A_67 : memref<128x128xf32, #tpu.memory_space<hbm>>) target_semaphore(%run_scoped3A : memref<!tpu.dma_semaphore, #tpu.memory_space<semaphore_mem>>)
        %dma_wait3A_70 = arith.constant 0 : i32
        %dma_wait3A_71 = tpu.memref_slice %arg6[%multiple_of3A_48, %dma_wait3A_70] : memref<320000x128xf32, #tpu.memory_space<hbm>> -> memref<128x128xf32, #tpu.memory_space<hbm>>
        %dma_wait3A_72 = arith.constant 0 : i32
        %dma_wait3A_73 = tpu.memref_slice %arg16[%multiple_of3A_16, %dma_wait3A_72] : memref<4096x128xf32, #tpu.memory_space<vmem_shared>> -> memref<128x128xf32, #tpu.memory_space<vmem_shared>>
        tpu.wait_dma2 semaphore(%run_scoped3A : memref<!tpu.dma_semaphore, #tpu.memory_space<semaphore_mem>>) src(%dma_wait3A_73 : memref<128x128xf32, #tpu.memory_space<vmem_shared>>) dst(%dma_wait3A_71 : memref<128x128xf32, #tpu.memory_space<hbm>>)
        tpu.yield
      }) : () -> ()
    }
    %scan3A_22 = arith.constant 39 : i32
    %lt3A = arith.constant 4 : i32
    %lt3A_23 = arith.cmpi slt, %add3A, %lt3A : i32
    %convert_element_type3A = arith.extui %lt3A_23 : i1 to i32
    %cond3A = arith.constant 0 : i32
    %cond3A_24 = arith.cmpi ne, %convert_element_type3A, %cond3A : i32
    scf.if %cond3A_24 {
      %add3A_25 = arith.constant 2496 : i32
      %add3A_26 = arith.addi %add3A, %add3A_25 : i32
      %mul3A_27 = arith.constant 128 : i32
      %mul3A_28 = arith.muli %add3A_26, %mul3A_27 : i32
      %multiple_of3A_29 = tpu.assume_multiple %mul3A_28, 128 : i32
      "tpu.region"() ({
        %run_scoped3A = tpu.sem_alloc : memref<!tpu.dma_semaphore, #tpu.memory_space<semaphore_mem>>
        %dma_start3A_40 = tpu.memref_slice %arg4[%multiple_of3A_29] : memref<320000xi32, #tpu.memory_space<hbm>> -> memref<128xi32, #tpu.memory_space<hbm>>
        %dma_start3A_41 = tpu.memref_slice %arg4[%multiple_of3A_29] : memref<320000xi32, #tpu.memory_space<hbm>> -> memref<128xi32, #tpu.memory_space<hbm>>
        tpu.enqueue_dma source(%dma_start3A_41 : memref<128xi32, #tpu.memory_space<hbm>>) target(%arg7 : memref<128xi32, #tpu.memory_space<vmem>>) target_semaphore(%run_scoped3A : memref<!tpu.dma_semaphore, #tpu.memory_space<semaphore_mem>>)
        %dma_wait3A_42 = tpu.memref_slice %arg4[%multiple_of3A_29] : memref<320000xi32, #tpu.memory_space<hbm>> -> memref<128xi32, #tpu.memory_space<hbm>>
        %dma_wait3A_43 = tpu.memref_slice %arg4[%multiple_of3A_29] : memref<320000xi32, #tpu.memory_space<hbm>> -> memref<128xi32, #tpu.memory_space<hbm>>
        tpu.wait_dma2 semaphore(%run_scoped3A : memref<!tpu.dma_semaphore, #tpu.memory_space<semaphore_mem>>) src(%dma_wait3A_43 : memref<128xi32, #tpu.memory_space<hbm>>) dst(%arg7 : memref<128xi32, #tpu.memory_space<vmem>>)
        tpu.yield
      }) : () -> ()
      "tpu.region"() ({
        %run_scoped3A = tpu.sem_alloc : memref<!tpu.dma_semaphore, #tpu.memory_space<semaphore_mem>>
        %dma_start3A_40 = tpu.memref_slice %arg5[%multiple_of3A_29] : memref<320000xi32, #tpu.memory_space<hbm>> -> memref<128xi32, #tpu.memory_space<hbm>>
        %dma_start3A_41 = tpu.memref_slice %arg5[%multiple_of3A_29] : memref<320000xi32, #tpu.memory_space<hbm>> -> memref<128xi32, #tpu.memory_space<hbm>>
        tpu.enqueue_dma source(%dma_start3A_41 : memref<128xi32, #tpu.memory_space<hbm>>) target(%arg8 : memref<128xi32, #tpu.memory_space<vmem>>) target_semaphore(%run_scoped3A : memref<!tpu.dma_semaphore, #tpu.memory_space<semaphore_mem>>)
        %dma_wait3A_42 = tpu.memref_slice %arg5[%multiple_of3A_29] : memref<320000xi32, #tpu.memory_space<hbm>> -> memref<128xi32, #tpu.memory_space<hbm>>
        %dma_wait3A_43 = tpu.memref_slice %arg5[%multiple_of3A_29] : memref<320000xi32, #tpu.memory_space<hbm>> -> memref<128xi32, #tpu.memory_space<hbm>>
        tpu.wait_dma2 semaphore(%run_scoped3A : memref<!tpu.dma_semaphore, #tpu.memory_space<semaphore_mem>>) src(%dma_wait3A_43 : memref<128xi32, #tpu.memory_space<hbm>>) dst(%arg8 : memref<128xi32, #tpu.memory_space<vmem>>)
        tpu.yield
      }) : () -> ()
      %dma_start3A = arith.constant 0 : i32
      %dma_start3A_30 = arith.constant 0 : i32
      %dma_start3A_31 = tpu.memref_slice %arg2[%dma_start3A, %dma_start3A_30] : memref<10000x128xf32, #tpu.memory_space<hbm>> -> memref<10000x128xf32, #tpu.memory_space<hbm>>
      tpu.enqueue_indirect_dma source(%dma_start3A_31 : memref<10000x128xf32, #tpu.memory_space<hbm>>) target(%arg12 : memref<128x128xf32, #tpu.memory_space<vmem>>) offsets(%arg7 : memref<128xi32, #tpu.memory_space<vmem>>) semaphore(%arg17 : memref<!tpu.dma_semaphore, #tpu.memory_space<semaphore_mem>>)
      %dma_start3A_32 = arith.constant 0 : i32
      %dma_start3A_33 = arith.constant 0 : i32
      %dma_start3A_34 = tpu.memref_slice %arg3[%dma_start3A_32, %dma_start3A_33] : memref<10000x128xf32, #tpu.memory_space<hbm>> -> memref<10000x128xf32, #tpu.memory_space<hbm>>
      tpu.enqueue_indirect_dma source(%dma_start3A_34 : memref<10000x128xf32, #tpu.memory_space<hbm>>) target(%arg13 : memref<128x128xf32, #tpu.memory_space<vmem>>) offsets(%arg8 : memref<128xi32, #tpu.memory_space<vmem>>) semaphore(%arg18 : memref<!tpu.dma_semaphore, #tpu.memory_space<semaphore_mem>>)
      %dma_wait3A = arith.constant 0 : i32
      %dma_wait3A_35 = arith.constant 0 : i32
      %dma_wait3A_36 = tpu.memref_slice %arg2[%dma_wait3A, %dma_wait3A_35] : memref<10000x128xf32, #tpu.memory_space<hbm>> -> memref<10000x128xf32, #tpu.memory_space<hbm>>
      tpu.wait_indirect_dma semaphore(%arg17 : memref<!tpu.dma_semaphore, #tpu.memory_space<semaphore_mem>>) src(%dma_wait3A_36 : memref<10000x128xf32, #tpu.memory_space<hbm>>) dst(%arg12 : memref<128x128xf32, #tpu.memory_space<vmem>>)
      "tpu.region"() ({
        %run_scoped3A = tpu.sem_alloc : memref<!tpu.dma_semaphore, #tpu.memory_space<semaphore_mem>>
        %dma_start3A_40 = arith.constant 0 : i32
        %dma_start3A_41 = tpu.memref_slice %arg16[%multiple_of3A, %dma_start3A_40] : memref<4096x128xf32, #tpu.memory_space<vmem_shared>> -> memref<128x128xf32, #tpu.memory_space<vmem_shared>>
        %dma_start3A_42 = arith.constant 0 : i32
        %dma_start3A_43 = arith.constant 0 : i32
        %dma_start3A_44 = tpu.memref_slice %dma_start3A_41[%dma_start3A_42, %dma_start3A_43] : memref<128x128xf32, #tpu.memory_space<vmem_shared>> -> memref<128x128xf32, #tpu.memory_space<vmem_shared>>
        tpu.enqueue_indirect_dma source(%arg12 : memref<128x128xf32, #tpu.memory_space<vmem>>) target(%dma_start3A_44 : memref<128x128xf32, #tpu.memory_space<vmem_shared>>) offsets(%arg11 : memref<128xi32, #tpu.memory_space<vmem>>) semaphore(%run_scoped3A : memref<!tpu.dma_semaphore, #tpu.memory_space<semaphore_mem>>)
        %dma_wait3A_45 = arith.constant 0 : i32
        %dma_wait3A_46 = tpu.memref_slice %arg16[%multiple_of3A, %dma_wait3A_45] : memref<4096x128xf32, #tpu.memory_space<vmem_shared>> -> memref<128x128xf32, #tpu.memory_space<vmem_shared>>
        %dma_wait3A_47 = arith.constant 0 : i32
        %dma_wait3A_48 = arith.constant 0 : i32
        %dma_wait3A_49 = tpu.memref_slice %dma_wait3A_46[%dma_wait3A_47, %dma_wait3A_48] : memref<128x128xf32, #tpu.memory_space<vmem_shared>> -> memref<128x128xf32, #tpu.memory_space<vmem_shared>>
        tpu.wait_indirect_dma semaphore(%run_scoped3A : memref<!tpu.dma_semaphore, #tpu.memory_space<semaphore_mem>>) src(%arg12 : memref<128x128xf32, #tpu.memory_space<vmem>>) dst(%dma_wait3A_49 : memref<128x128xf32, #tpu.memory_space<vmem_shared>>)
        tpu.yield
      }) : () -> ()
      %dma_wait3A_37 = arith.constant 0 : i32
      %dma_wait3A_38 = arith.constant 0 : i32
      %dma_wait3A_39 = tpu.memref_slice %arg3[%dma_wait3A_37, %dma_wait3A_38] : memref<10000x128xf32, #tpu.memory_space<hbm>> -> memref<10000x128xf32, #tpu.memory_space<hbm>>
      tpu.wait_indirect_dma semaphore(%arg18 : memref<!tpu.dma_semaphore, #tpu.memory_space<semaphore_mem>>) src(%dma_wait3A_39 : memref<10000x128xf32, #tpu.memory_space<hbm>>) dst(%arg13 : memref<128x128xf32, #tpu.memory_space<vmem>>)
      "tpu.region"() ({
        %run_scoped3A = tpu.sem_alloc : memref<!tpu.dma_semaphore, #tpu.memory_space<semaphore_mem>>
        %dma_start3A_40 = arith.constant 0 : i32
        %dma_start3A_41 = tpu.memref_slice %arg16[%multiple_of3A, %dma_start3A_40] : memref<4096x128xf32, #tpu.memory_space<vmem_shared>> -> memref<128x128xf32, #tpu.memory_space<vmem_shared>>
        %dma_start3A_42 = arith.constant 0 : i32
        %dma_start3A_43 = arith.constant 0 : i32
        %dma_start3A_44 = tpu.memref_slice %dma_start3A_41[%dma_start3A_42, %dma_start3A_43] : memref<128x128xf32, #tpu.memory_space<vmem_shared>> -> memref<128x128xf32, #tpu.memory_space<vmem_shared>>
        tpu.enqueue_indirect_dma source(%arg13 : memref<128x128xf32, #tpu.memory_space<vmem>>) target(%dma_start3A_44 : memref<128x128xf32, #tpu.memory_space<vmem_shared>>) offsets(%arg11 : memref<128xi32, #tpu.memory_space<vmem>>) semaphore(%run_scoped3A : memref<!tpu.dma_semaphore, #tpu.memory_space<semaphore_mem>>) {add = true}
        %dma_wait3A_45 = arith.constant 0 : i32
        %dma_wait3A_46 = tpu.memref_slice %arg16[%multiple_of3A, %dma_wait3A_45] : memref<4096x128xf32, #tpu.memory_space<vmem_shared>> -> memref<128x128xf32, #tpu.memory_space<vmem_shared>>
        %dma_wait3A_47 = arith.constant 0 : i32
        %dma_wait3A_48 = arith.constant 0 : i32
        %dma_wait3A_49 = tpu.memref_slice %dma_wait3A_46[%dma_wait3A_47, %dma_wait3A_48] : memref<128x128xf32, #tpu.memory_space<vmem_shared>> -> memref<128x128xf32, #tpu.memory_space<vmem_shared>>
        tpu.wait_indirect_dma semaphore(%run_scoped3A : memref<!tpu.dma_semaphore, #tpu.memory_space<semaphore_mem>>) src(%arg13 : memref<128x128xf32, #tpu.memory_space<vmem>>) dst(%dma_wait3A_49 : memref<128x128xf32, #tpu.memory_space<vmem_shared>>)
        tpu.yield
      }) : () -> ()
      "tpu.region"() ({
        %run_scoped3A = tpu.sem_alloc : memref<!tpu.dma_semaphore, #tpu.memory_space<semaphore_mem>>
        %dma_start3A_40 = arith.constant 0 : i32
        %dma_start3A_41 = tpu.memref_slice %arg6[%multiple_of3A_29, %dma_start3A_40] : memref<320000x128xf32, #tpu.memory_space<hbm>> -> memref<128x128xf32, #tpu.memory_space<hbm>>
        %dma_start3A_42 = arith.constant 0 : i32
        %dma_start3A_43 = tpu.memref_slice %arg16[%multiple_of3A, %dma_start3A_42] : memref<4096x128xf32, #tpu.memory_space<vmem_shared>> -> memref<128x128xf32, #tpu.memory_space<vmem_shared>>
        tpu.enqueue_dma source(%dma_start3A_43 : memref<128x128xf32, #tpu.memory_space<vmem_shared>>) target(%dma_start3A_41 : memref<128x128xf32, #tpu.memory_space<hbm>>) target_semaphore(%run_scoped3A : memref<!tpu.dma_semaphore, #tpu.memory_space<semaphore_mem>>)
        %dma_wait3A_44 = arith.constant 0 : i32
        %dma_wait3A_45 = tpu.memref_slice %arg6[%multiple_of3A_29, %dma_wait3A_44] : memref<320000x128xf32, #tpu.memory_space<hbm>> -> memref<128x128xf32, #tpu.memory_space<hbm>>
        %dma_wait3A_46 = arith.constant 0 : i32
        %dma_wait3A_47 = tpu.memref_slice %arg16[%multiple_of3A, %dma_wait3A_46] : memref<4096x128xf32, #tpu.memory_space<vmem_shared>> -> memref<128x128xf32, #tpu.memory_space<vmem_shared>>
        tpu.wait_dma2 semaphore(%run_scoped3A : memref<!tpu.dma_semaphore, #tpu.memory_space<semaphore_mem>>) src(%dma_wait3A_47 : memref<128x128xf32, #tpu.memory_space<vmem_shared>>) dst(%dma_wait3A_45 : memref<128x128xf32, #tpu.memory_space<hbm>>)
        tpu.yield
      }) : () -> ()
    } else {
    }
    return
  }
}

#map = affine_map<(d0, d1) -> (0, 0)>
#map1 = affine_map<(d0, d1) -> (0)>
#map2 = affine_map<(d0, d1) -> (0, 0, 0)>
module attributes {stable_mosaic.version = 14 : i64} {
  func.func @_sc_scatter_body(%arg0: i32, %arg1: i32, %arg2: memref<320000x128xf32, #tpu.memory_space<hbm>>, %arg3: memref<320000xi32, #tpu.memory_space<hbm>>, %arg4: memref<2x10240x128xf32, #tpu.memory_space<hbm>>, %arg5: memref<128xi32, #tpu.memory_space<vmem>>, %arg6: memref<128xi32, #tpu.memory_space<vmem>>, %arg7: memref<128x128xf32, #tpu.memory_space<vmem>>, %arg8: memref<128x128xf32, #tpu.memory_space<vmem>>, %arg9: memref<10240x128xf32, #tpu.memory_space<vmem_shared>>, %arg10: memref<!tpu.dma_semaphore, #tpu.memory_space<semaphore_mem>>, %arg11: memref<!tpu.dma_semaphore, #tpu.memory_space<semaphore_mem>>) attributes {dimension_semantics = [#tpu.dimension_semantics<core_parallel>, #tpu.dimension_semantics<subcore_parallel>], iteration_bounds = array<i64: 2, 16>, scalar_prefetch = 0 : i64, scratch_operands = 7 : i64, tpu.core_type = #tpu.core_type<sc_vector_subcore>, window_params = [{transform_indices = #map}, {transform_indices = #map1}, {transform_indices = #map2}]} {
    %mul3A = arith.constant 16 : i32
    %mul3A_0 = arith.muli %arg0, %mul3A : i32
    %add3A = arith.addi %mul3A_0, %arg1 : i32
    %broadcast_in_dim3A = arith.constant 0.000000e+00 : f32
    %broadcast_in_dim3A_1 = vector.broadcast %broadcast_in_dim3A : f32 to vector<16xf32>
    %scan3A = arith.constant 0 : i32
    %scan3A_2 = arith.constant 0 : i32
    %scan3A_3 = arith.constant 128 : i32
    %scan3A_4 = arith.addi %scan3A_2, %scan3A_3 : i32
    %scan3A_5 = arith.constant 1 : i32
    scf.for %scan3A_28 = %scan3A_2 to %scan3A_4 step %scan3A_5  : i32 {
      %swap3A = arith.index_cast %scan3A_28 : i32 to index
      %swap3A_29 = arith.constant 0 : index
      %swap3A_30 = tpu.vector_load %arg7[%swap3A, %swap3A_29] {strides = array<i32>} : memref<128x128xf32, #tpu.memory_space<vmem>>, vector<1x16xf32>,
      %swap3A_31 = vector.shape_cast %swap3A_30 : vector<1x16xf32> to vector<16xf32>
      %swap3A_32 = vector.shape_cast %broadcast_in_dim3A_1 : vector<16xf32> to vector<1x16xf32>
      tpu.vector_store %arg7[%swap3A, %swap3A_29], %swap3A_32 {strides = array<i32>} : memref<128x128xf32, #tpu.memory_space<vmem>>, vector<1x16xf32>,
      %swap3A_33 = arith.index_cast %scan3A_28 : i32 to index
      %swap3A_34 = arith.constant 16 : index
      %swap3A_35 = tpu.vector_load %arg7[%swap3A_33, %swap3A_34] {strides = array<i32>} : memref<128x128xf32, #tpu.memory_space<vmem>>, vector<1x16xf32>,
      %swap3A_36 = vector.shape_cast %swap3A_35 : vector<1x16xf32> to vector<16xf32>
      %swap3A_37 = vector.shape_cast %broadcast_in_dim3A_1 : vector<16xf32> to vector<1x16xf32>
      tpu.vector_store %arg7[%swap3A_33, %swap3A_34], %swap3A_37 {strides = array<i32>} : memref<128x128xf32, #tpu.memory_space<vmem>>, vector<1x16xf32>,
      %swap3A_38 = arith.index_cast %scan3A_28 : i32 to index
      %swap3A_39 = arith.constant 32 : index
      %swap3A_40 = tpu.vector_load %arg7[%swap3A_38, %swap3A_39] {strides = array<i32>} : memref<128x128xf32, #tpu.memory_space<vmem>>, vector<1x16xf32>,
      %swap3A_41 = vector.shape_cast %swap3A_40 : vector<1x16xf32> to vector<16xf32>
      %swap3A_42 = vector.shape_cast %broadcast_in_dim3A_1 : vector<16xf32> to vector<1x16xf32>
      tpu.vector_store %arg7[%swap3A_38, %swap3A_39], %swap3A_42 {strides = array<i32>} : memref<128x128xf32, #tpu.memory_space<vmem>>, vector<1x16xf32>,
      %swap3A_43 = arith.index_cast %scan3A_28 : i32 to index
      %swap3A_44 = arith.constant 48 : index
      %swap3A_45 = tpu.vector_load %arg7[%swap3A_43, %swap3A_44] {strides = array<i32>} : memref<128x128xf32, #tpu.memory_space<vmem>>, vector<1x16xf32>,
      %swap3A_46 = vector.shape_cast %swap3A_45 : vector<1x16xf32> to vector<16xf32>
      %swap3A_47 = vector.shape_cast %broadcast_in_dim3A_1 : vector<16xf32> to vector<1x16xf32>
      tpu.vector_store %arg7[%swap3A_43, %swap3A_44], %swap3A_47 {strides = array<i32>} : memref<128x128xf32, #tpu.memory_space<vmem>>, vector<1x16xf32>,
      %swap3A_48 = arith.index_cast %scan3A_28 : i32 to index
      %swap3A_49 = arith.constant 64 : index
      %swap3A_50 = tpu.vector_load %arg7[%swap3A_48, %swap3A_49] {strides = array<i32>} : memref<128x128xf32, #tpu.memory_space<vmem>>, vector<1x16xf32>,
      %swap3A_51 = vector.shape_cast %swap3A_50 : vector<1x16xf32> to vector<16xf32>
      %swap3A_52 = vector.shape_cast %broadcast_in_dim3A_1 : vector<16xf32> to vector<1x16xf32>
      tpu.vector_store %arg7[%swap3A_48, %swap3A_49], %swap3A_52 {strides = array<i32>} : memref<128x128xf32, #tpu.memory_space<vmem>>, vector<1x16xf32>,
      %swap3A_53 = arith.index_cast %scan3A_28 : i32 to index
      %swap3A_54 = arith.constant 80 : index
      %swap3A_55 = tpu.vector_load %arg7[%swap3A_53, %swap3A_54] {strides = array<i32>} : memref<128x128xf32, #tpu.memory_space<vmem>>, vector<1x16xf32>,
      %swap3A_56 = vector.shape_cast %swap3A_55 : vector<1x16xf32> to vector<16xf32>
      %swap3A_57 = vector.shape_cast %broadcast_in_dim3A_1 : vector<16xf32> to vector<1x16xf32>
      tpu.vector_store %arg7[%swap3A_53, %swap3A_54], %swap3A_57 {strides = array<i32>} : memref<128x128xf32, #tpu.memory_space<vmem>>, vector<1x16xf32>,
      %swap3A_58 = arith.index_cast %scan3A_28 : i32 to index
      %swap3A_59 = arith.constant 96 : index
      %swap3A_60 = tpu.vector_load %arg7[%swap3A_58, %swap3A_59] {strides = array<i32>} : memref<128x128xf32, #tpu.memory_space<vmem>>, vector<1x16xf32>,
      %swap3A_61 = vector.shape_cast %swap3A_60 : vector<1x16xf32> to vector<16xf32>
      %swap3A_62 = vector.shape_cast %broadcast_in_dim3A_1 : vector<16xf32> to vector<1x16xf32>
      tpu.vector_store %arg7[%swap3A_58, %swap3A_59], %swap3A_62 {strides = array<i32>} : memref<128x128xf32, #tpu.memory_space<vmem>>, vector<1x16xf32>,
      %swap3A_63 = arith.index_cast %scan3A_28 : i32 to index
      %swap3A_64 = arith.constant 112 : index
      %swap3A_65 = tpu.vector_load %arg7[%swap3A_63, %swap3A_64] {strides = array<i32>} : memref<128x128xf32, #tpu.memory_space<vmem>>, vector<1x16xf32>,
      %swap3A_66 = vector.shape_cast %swap3A_65 : vector<1x16xf32> to vector<16xf32>
      %swap3A_67 = vector.shape_cast %broadcast_in_dim3A_1 : vector<16xf32> to vector<1x16xf32>
      tpu.vector_store %arg7[%swap3A_63, %swap3A_64], %swap3A_67 {strides = array<i32>} : memref<128x128xf32, #tpu.memory_space<vmem>>, vector<1x16xf32>,
    }
    %scan3A_6 = arith.constant 128 : i32
    %mul3A_7 = arith.constant 640 : i32
    %mul3A_8 = arith.muli %arg1, %mul3A_7 : i32
    %multiple_of3A = tpu.assume_multiple %mul3A_8, 128 : i32
    %add3A_9 = arith.constant 0 : i32
    %add3A_10 = arith.addi %multiple_of3A, %add3A_9 : i32
    "tpu.region"() ({
      %run_scoped3A = tpu.sem_alloc : memref<!tpu.dma_semaphore, #tpu.memory_space<semaphore_mem>>
      %dma_start3A = arith.constant 0 : i32
      %dma_start3A_28 = tpu.memref_slice %arg9[%add3A_10, %dma_start3A] : memref<10240x128xf32, #tpu.memory_space<vmem_shared>> -> memref<128x128xf32, #tpu.memory_space<vmem_shared>>
      %dma_start3A_29 = arith.constant 0 : i32
      %dma_start3A_30 = tpu.memref_slice %arg9[%add3A_10, %dma_start3A_29] : memref<10240x128xf32, #tpu.memory_space<vmem_shared>> -> memref<128x128xf32, #tpu.memory_space<vmem_shared>>
      tpu.enqueue_dma source(%arg7 : memref<128x128xf32, #tpu.memory_space<vmem>>) target(%dma_start3A_30 : memref<128x128xf32, #tpu.memory_space<vmem_shared>>) target_semaphore(%run_scoped3A : memref<!tpu.dma_semaphore, #tpu.memory_space<semaphore_mem>>)
      %dma_wait3A = arith.constant 0 : i32
      %dma_wait3A_31 = tpu.memref_slice %arg9[%add3A_10, %dma_wait3A] : memref<10240x128xf32, #tpu.memory_space<vmem_shared>> -> memref<128x128xf32, #tpu.memory_space<vmem_shared>>
      %dma_wait3A_32 = arith.constant 0 : i32
      %dma_wait3A_33 = tpu.memref_slice %arg9[%add3A_10, %dma_wait3A_32] : memref<10240x128xf32, #tpu.memory_space<vmem_shared>> -> memref<128x128xf32, #tpu.memory_space<vmem_shared>>
      tpu.wait_dma2 semaphore(%run_scoped3A : memref<!tpu.dma_semaphore, #tpu.memory_space<semaphore_mem>>) src(%arg7 : memref<128x128xf32, #tpu.memory_space<vmem>>) dst(%dma_wait3A_33 : memref<128x128xf32, #tpu.memory_space<vmem_shared>>)
      tpu.yield
    }) : () -> ()
    %add3A_11 = arith.constant 128 : i32
    %add3A_12 = arith.addi %multiple_of3A, %add3A_11 : i32
    "tpu.region"() ({
      %run_scoped3A = tpu.sem_alloc : memref<!tpu.dma_semaphore, #tpu.memory_space<semaphore_mem>>
      %dma_start3A = arith.constant 0 : i32
      %dma_start3A_28 = tpu.memref_slice %arg9[%add3A_12, %dma_start3A] : memref<10240x128xf32, #tpu.memory_space<vmem_shared>> -> memref<128x128xf32, #tpu.memory_space<vmem_shared>>
      %dma_start3A_29 = arith.constant 0 : i32
      %dma_start3A_30 = tpu.memref_slice %arg9[%add3A_12, %dma_start3A_29] : memref<10240x128xf32, #tpu.memory_space<vmem_shared>> -> memref<128x128xf32, #tpu.memory_space<vmem_shared>>
      tpu.enqueue_dma source(%arg7 : memref<128x128xf32, #tpu.memory_space<vmem>>) target(%dma_start3A_30 : memref<128x128xf32, #tpu.memory_space<vmem_shared>>) target_semaphore(%run_scoped3A : memref<!tpu.dma_semaphore, #tpu.memory_space<semaphore_mem>>)
      %dma_wait3A = arith.constant 0 : i32
      %dma_wait3A_31 = tpu.memref_slice %arg9[%add3A_12, %dma_wait3A] : memref<10240x128xf32, #tpu.memory_space<vmem_shared>> -> memref<128x128xf32, #tpu.memory_space<vmem_shared>>
      %dma_wait3A_32 = arith.constant 0 : i32
      %dma_wait3A_33 = tpu.memref_slice %arg9[%add3A_12, %dma_wait3A_32] : memref<10240x128xf32, #tpu.memory_space<vmem_shared>> -> memref<128x128xf32, #tpu.memory_space<vmem_shared>>
      tpu.wait_dma2 semaphore(%run_scoped3A : memref<!tpu.dma_semaphore, #tpu.memory_space<semaphore_mem>>) src(%arg7 : memref<128x128xf32, #tpu.memory_space<vmem>>) dst(%dma_wait3A_33 : memref<128x128xf32, #tpu.memory_space<vmem_shared>>)
      tpu.yield
    }) : () -> ()
    %add3A_13 = arith.constant 256 : i32
    %add3A_14 = arith.addi %multiple_of3A, %add3A_13 : i32
    "tpu.region"() ({
      %run_scoped3A = tpu.sem_alloc : memref<!tpu.dma_semaphore, #tpu.memory_space<semaphore_mem>>
      %dma_start3A = arith.constant 0 : i32
      %dma_start3A_28 = tpu.memref_slice %arg9[%add3A_14, %dma_start3A] : memref<10240x128xf32, #tpu.memory_space<vmem_shared>> -> memref<128x128xf32, #tpu.memory_space<vmem_shared>>
      %dma_start3A_29 = arith.constant 0 : i32
      %dma_start3A_30 = tpu.memref_slice %arg9[%add3A_14, %dma_start3A_29] : memref<10240x128xf32, #tpu.memory_space<vmem_shared>> -> memref<128x128xf32, #tpu.memory_space<vmem_shared>>
      tpu.enqueue_dma source(%arg7 : memref<128x128xf32, #tpu.memory_space<vmem>>) target(%dma_start3A_30 : memref<128x128xf32, #tpu.memory_space<vmem_shared>>) target_semaphore(%run_scoped3A : memref<!tpu.dma_semaphore, #tpu.memory_space<semaphore_mem>>)
      %dma_wait3A = arith.constant 0 : i32
      %dma_wait3A_31 = tpu.memref_slice %arg9[%add3A_14, %dma_wait3A] : memref<10240x128xf32, #tpu.memory_space<vmem_shared>> -> memref<128x128xf32, #tpu.memory_space<vmem_shared>>
      %dma_wait3A_32 = arith.constant 0 : i32
      %dma_wait3A_33 = tpu.memref_slice %arg9[%add3A_14, %dma_wait3A_32] : memref<10240x128xf32, #tpu.memory_space<vmem_shared>> -> memref<128x128xf32, #tpu.memory_space<vmem_shared>>
      tpu.wait_dma2 semaphore(%run_scoped3A : memref<!tpu.dma_semaphore, #tpu.memory_space<semaphore_mem>>) src(%arg7 : memref<128x128xf32, #tpu.memory_space<vmem>>) dst(%dma_wait3A_33 : memref<128x128xf32, #tpu.memory_space<vmem_shared>>)
      tpu.yield
    }) : () -> ()
    %add3A_15 = arith.constant 384 : i32
    %add3A_16 = arith.addi %multiple_of3A, %add3A_15 : i32
    "tpu.region"() ({
      %run_scoped3A = tpu.sem_alloc : memref<!tpu.dma_semaphore, #tpu.memory_space<semaphore_mem>>
      %dma_start3A = arith.constant 0 : i32
      %dma_start3A_28 = tpu.memref_slice %arg9[%add3A_16, %dma_start3A] : memref<10240x128xf32, #tpu.memory_space<vmem_shared>> -> memref<128x128xf32, #tpu.memory_space<vmem_shared>>
      %dma_start3A_29 = arith.constant 0 : i32
      %dma_start3A_30 = tpu.memref_slice %arg9[%add3A_16, %dma_start3A_29] : memref<10240x128xf32, #tpu.memory_space<vmem_shared>> -> memref<128x128xf32, #tpu.memory_space<vmem_shared>>
      tpu.enqueue_dma source(%arg7 : memref<128x128xf32, #tpu.memory_space<vmem>>) target(%dma_start3A_30 : memref<128x128xf32, #tpu.memory_space<vmem_shared>>) target_semaphore(%run_scoped3A : memref<!tpu.dma_semaphore, #tpu.memory_space<semaphore_mem>>)
      %dma_wait3A = arith.constant 0 : i32
      %dma_wait3A_31 = tpu.memref_slice %arg9[%add3A_16, %dma_wait3A] : memref<10240x128xf32, #tpu.memory_space<vmem_shared>> -> memref<128x128xf32, #tpu.memory_space<vmem_shared>>
      %dma_wait3A_32 = arith.constant 0 : i32
      %dma_wait3A_33 = tpu.memref_slice %arg9[%add3A_16, %dma_wait3A_32] : memref<10240x128xf32, #tpu.memory_space<vmem_shared>> -> memref<128x128xf32, #tpu.memory_space<vmem_shared>>
      tpu.wait_dma2 semaphore(%run_scoped3A : memref<!tpu.dma_semaphore, #tpu.memory_space<semaphore_mem>>) src(%arg7 : memref<128x128xf32, #tpu.memory_space<vmem>>) dst(%dma_wait3A_33 : memref<128x128xf32, #tpu.memory_space<vmem_shared>>)
      tpu.yield
    }) : () -> ()
    %add3A_17 = arith.constant 512 : i32
    %add3A_18 = arith.addi %multiple_of3A, %add3A_17 : i32
    "tpu.region"() ({
      %run_scoped3A = tpu.sem_alloc : memref<!tpu.dma_semaphore, #tpu.memory_space<semaphore_mem>>
      %dma_start3A = arith.constant 0 : i32
      %dma_start3A_28 = tpu.memref_slice %arg9[%add3A_18, %dma_start3A] : memref<10240x128xf32, #tpu.memory_space<vmem_shared>> -> memref<128x128xf32, #tpu.memory_space<vmem_shared>>
      %dma_start3A_29 = arith.constant 0 : i32
      %dma_start3A_30 = tpu.memref_slice %arg9[%add3A_18, %dma_start3A_29] : memref<10240x128xf32, #tpu.memory_space<vmem_shared>> -> memref<128x128xf32, #tpu.memory_space<vmem_shared>>
      tpu.enqueue_dma source(%arg7 : memref<128x128xf32, #tpu.memory_space<vmem>>) target(%dma_start3A_30 : memref<128x128xf32, #tpu.memory_space<vmem_shared>>) target_semaphore(%run_scoped3A : memref<!tpu.dma_semaphore, #tpu.memory_space<semaphore_mem>>)
      %dma_wait3A = arith.constant 0 : i32
      %dma_wait3A_31 = tpu.memref_slice %arg9[%add3A_18, %dma_wait3A] : memref<10240x128xf32, #tpu.memory_space<vmem_shared>> -> memref<128x128xf32, #tpu.memory_space<vmem_shared>>
      %dma_wait3A_32 = arith.constant 0 : i32
      %dma_wait3A_33 = tpu.memref_slice %arg9[%add3A_18, %dma_wait3A_32] : memref<10240x128xf32, #tpu.memory_space<vmem_shared>> -> memref<128x128xf32, #tpu.memory_space<vmem_shared>>
      tpu.wait_dma2 semaphore(%run_scoped3A : memref<!tpu.dma_semaphore, #tpu.memory_space<semaphore_mem>>) src(%arg7 : memref<128x128xf32, #tpu.memory_space<vmem>>) dst(%dma_wait3A_33 : memref<128x128xf32, #tpu.memory_space<vmem_shared>>)
      tpu.yield
    }) : () -> ()
    %barrier3A = arith.constant 0 : index
    tpu.barrier barrier_id(%barrier3A)
    %scan3A_19 = arith.constant 0 : i32
    %scan3A_20 = arith.constant 0 : i32
    %scan3A_21 = arith.constant 39 : i32
    %scan3A_22 = arith.addi %scan3A_20, %scan3A_21 : i32
    %scan3A_23 = arith.constant 1 : i32
    scf.for %scan3A_28 = %scan3A_20 to %scan3A_22 step %scan3A_23  : i32 {
      %mul3A_29 = arith.constant 2 : i32
      %mul3A_30 = arith.muli %mul3A_29, %scan3A_28 : i32
      %mul3A_31 = arith.constant 32 : i32
      %mul3A_32 = arith.muli %mul3A_30, %mul3A_31 : i32
      %add3A_33 = arith.addi %add3A, %mul3A_32 : i32
      %mul3A_34 = arith.constant 128 : i32
      %mul3A_35 = arith.muli %add3A_33, %mul3A_34 : i32
      %multiple_of3A_36 = tpu.assume_multiple %mul3A_35, 128 : i32
      %dma_start3A = arith.constant 0 : i32
      %dma_start3A_37 = tpu.memref_slice %arg2[%multiple_of3A_36, %dma_start3A] : memref<320000x128xf32, #tpu.memory_space<hbm>> -> memref<128x128xf32, #tpu.memory_space<hbm>>
      %dma_start3A_38 = arith.constant 0 : i32
      %dma_start3A_39 = tpu.memref_slice %arg2[%multiple_of3A_36, %dma_start3A_38] : memref<320000x128xf32, #tpu.memory_space<hbm>> -> memref<128x128xf32, #tpu.memory_space<hbm>>
      tpu.enqueue_dma source(%dma_start3A_39 : memref<128x128xf32, #tpu.memory_space<hbm>>) target(%arg7 : memref<128x128xf32, #tpu.memory_space<vmem>>) target_semaphore(%arg10 : memref<!tpu.dma_semaphore, #tpu.memory_space<semaphore_mem>>)
      "tpu.region"() ({
        %run_scoped3A = tpu.sem_alloc : memref<!tpu.dma_semaphore, #tpu.memory_space<semaphore_mem>>
        %dma_start3A_61 = tpu.memref_slice %arg3[%multiple_of3A_36] : memref<320000xi32, #tpu.memory_space<hbm>> -> memref<128xi32, #tpu.memory_space<hbm>>
        %dma_start3A_62 = tpu.memref_slice %arg3[%multiple_of3A_36] : memref<320000xi32, #tpu.memory_space<hbm>> -> memref<128xi32, #tpu.memory_space<hbm>>
        tpu.enqueue_dma source(%dma_start3A_62 : memref<128xi32, #tpu.memory_space<hbm>>) target(%arg5 : memref<128xi32, #tpu.memory_space<vmem>>) target_semaphore(%run_scoped3A : memref<!tpu.dma_semaphore, #tpu.memory_space<semaphore_mem>>)
        %dma_wait3A_63 = tpu.memref_slice %arg3[%multiple_of3A_36] : memref<320000xi32, #tpu.memory_space<hbm>> -> memref<128xi32, #tpu.memory_space<hbm>>
        %dma_wait3A_64 = tpu.memref_slice %arg3[%multiple_of3A_36] : memref<320000xi32, #tpu.memory_space<hbm>> -> memref<128xi32, #tpu.memory_space<hbm>>
        tpu.wait_dma2 semaphore(%run_scoped3A : memref<!tpu.dma_semaphore, #tpu.memory_space<semaphore_mem>>) src(%dma_wait3A_64 : memref<128xi32, #tpu.memory_space<hbm>>) dst(%arg5 : memref<128xi32, #tpu.memory_space<vmem>>)
        tpu.yield
      }) : () -> ()
      %mul3A_40 = arith.constant 2 : i32
      %mul3A_41 = arith.muli %mul3A_40, %scan3A_28 : i32
      %add3A_42 = arith.constant 1 : i32
      %add3A_43 = arith.addi %mul3A_41, %add3A_42 : i32
      %mul3A_44 = arith.constant 32 : i32
      %mul3A_45 = arith.muli %add3A_43, %mul3A_44 : i32
      %add3A_46 = arith.addi %add3A, %mul3A_45 : i32
      %mul3A_47 = arith.constant 128 : i32
      %mul3A_48 = arith.muli %add3A_46, %mul3A_47 : i32
      %multiple_of3A_49 = tpu.assume_multiple %mul3A_48, 128 : i32
      %dma_start3A_50 = arith.constant 0 : i32
      %dma_start3A_51 = tpu.memref_slice %arg2[%multiple_of3A_49, %dma_start3A_50] : memref<320000x128xf32, #tpu.memory_space<hbm>> -> memref<128x128xf32, #tpu.memory_space<hbm>>
      %dma_start3A_52 = arith.constant 0 : i32
      %dma_start3A_53 = tpu.memref_slice %arg2[%multiple_of3A_49, %dma_start3A_52] : memref<320000x128xf32, #tpu.memory_space<hbm>> -> memref<128x128xf32, #tpu.memory_space<hbm>>
      tpu.enqueue_dma source(%dma_start3A_53 : memref<128x128xf32, #tpu.memory_space<hbm>>) target(%arg8 : memref<128x128xf32, #tpu.memory_space<vmem>>) target_semaphore(%arg11 : memref<!tpu.dma_semaphore, #tpu.memory_space<semaphore_mem>>)
      "tpu.region"() ({
        %run_scoped3A = tpu.sem_alloc : memref<!tpu.dma_semaphore, #tpu.memory_space<semaphore_mem>>
        %dma_start3A_61 = tpu.memref_slice %arg3[%multiple_of3A_49] : memref<320000xi32, #tpu.memory_space<hbm>> -> memref<128xi32, #tpu.memory_space<hbm>>
        %dma_start3A_62 = tpu.memref_slice %arg3[%multiple_of3A_49] : memref<320000xi32, #tpu.memory_space<hbm>> -> memref<128xi32, #tpu.memory_space<hbm>>
        tpu.enqueue_dma source(%dma_start3A_62 : memref<128xi32, #tpu.memory_space<hbm>>) target(%arg6 : memref<128xi32, #tpu.memory_space<vmem>>) target_semaphore(%run_scoped3A : memref<!tpu.dma_semaphore, #tpu.memory_space<semaphore_mem>>)
        %dma_wait3A_63 = tpu.memref_slice %arg3[%multiple_of3A_49] : memref<320000xi32, #tpu.memory_space<hbm>> -> memref<128xi32, #tpu.memory_space<hbm>>
        %dma_wait3A_64 = tpu.memref_slice %arg3[%multiple_of3A_49] : memref<320000xi32, #tpu.memory_space<hbm>> -> memref<128xi32, #tpu.memory_space<hbm>>
        tpu.wait_dma2 semaphore(%run_scoped3A : memref<!tpu.dma_semaphore, #tpu.memory_space<semaphore_mem>>) src(%dma_wait3A_64 : memref<128xi32, #tpu.memory_space<hbm>>) dst(%arg6 : memref<128xi32, #tpu.memory_space<vmem>>)
        tpu.yield
      }) : () -> ()
      %dma_wait3A = arith.constant 0 : i32
      %dma_wait3A_54 = tpu.memref_slice %arg2[%multiple_of3A_36, %dma_wait3A] : memref<320000x128xf32, #tpu.memory_space<hbm>> -> memref<128x128xf32, #tpu.memory_space<hbm>>
      %dma_wait3A_55 = arith.constant 0 : i32
      %dma_wait3A_56 = tpu.memref_slice %arg2[%multiple_of3A_36, %dma_wait3A_55] : memref<320000x128xf32, #tpu.memory_space<hbm>> -> memref<128x128xf32, #tpu.memory_space<hbm>>
      tpu.wait_dma2 semaphore(%arg10 : memref<!tpu.dma_semaphore, #tpu.memory_space<semaphore_mem>>) src(%dma_wait3A_56 : memref<128x128xf32, #tpu.memory_space<hbm>>) dst(%arg7 : memref<128x128xf32, #tpu.memory_space<vmem>>)
      "tpu.region"() ({
        %run_scoped3A = tpu.sem_alloc : memref<!tpu.dma_semaphore, #tpu.memory_space<semaphore_mem>>
        %dma_start3A_61 = arith.constant 0 : i32
        %dma_start3A_62 = arith.constant 0 : i32
        %dma_start3A_63 = tpu.memref_slice %arg9[%dma_start3A_61, %dma_start3A_62] : memref<10240x128xf32, #tpu.memory_space<vmem_shared>> -> memref<10240x128xf32, #tpu.memory_space<vmem_shared>>
        tpu.enqueue_indirect_dma source(%arg7 : memref<128x128xf32, #tpu.memory_space<vmem>>) target(%dma_start3A_63 : memref<10240x128xf32, #tpu.memory_space<vmem_shared>>) offsets(%arg5 : memref<128xi32, #tpu.memory_space<vmem>>) semaphore(%run_scoped3A : memref<!tpu.dma_semaphore, #tpu.memory_space<semaphore_mem>>) {add = true}
        %dma_wait3A_64 = arith.constant 0 : i32
        %dma_wait3A_65 = arith.constant 0 : i32
        %dma_wait3A_66 = tpu.memref_slice %arg9[%dma_wait3A_64, %dma_wait3A_65] : memref<10240x128xf32, #tpu.memory_space<vmem_shared>> -> memref<10240x128xf32, #tpu.memory_space<vmem_shared>>
        tpu.wait_indirect_dma semaphore(%run_scoped3A : memref<!tpu.dma_semaphore, #tpu.memory_space<semaphore_mem>>) src(%arg7 : memref<128x128xf32, #tpu.memory_space<vmem>>) dst(%dma_wait3A_66 : memref<10240x128xf32, #tpu.memory_space<vmem_shared>>)
        tpu.yield
      }) : () -> ()
      %dma_wait3A_57 = arith.constant 0 : i32
      %dma_wait3A_58 = tpu.memref_slice %arg2[%multiple_of3A_49, %dma_wait3A_57] : memref<320000x128xf32, #tpu.memory_space<hbm>> -> memref<128x128xf32, #tpu.memory_space<hbm>>
      %dma_wait3A_59 = arith.constant 0 : i32
      %dma_wait3A_60 = tpu.memref_slice %arg2[%multiple_of3A_49, %dma_wait3A_59] : memref<320000x128xf32, #tpu.memory_space<hbm>> -> memref<128x128xf32, #tpu.memory_space<hbm>>
      tpu.wait_dma2 semaphore(%arg11 : memref<!tpu.dma_semaphore, #tpu.memory_space<semaphore_mem>>) src(%dma_wait3A_60 : memref<128x128xf32, #tpu.memory_space<hbm>>) dst(%arg8 : memref<128x128xf32, #tpu.memory_space<vmem>>)
      "tpu.region"() ({
        %run_scoped3A = tpu.sem_alloc : memref<!tpu.dma_semaphore, #tpu.memory_space<semaphore_mem>>
        %dma_start3A_61 = arith.constant 0 : i32
        %dma_start3A_62 = arith.constant 0 : i32
        %dma_start3A_63 = tpu.memref_slice %arg9[%dma_start3A_61, %dma_start3A_62] : memref<10240x128xf32, #tpu.memory_space<vmem_shared>> -> memref<10240x128xf32, #tpu.memory_space<vmem_shared>>
        tpu.enqueue_indirect_dma source(%arg8 : memref<128x128xf32, #tpu.memory_space<vmem>>) target(%dma_start3A_63 : memref<10240x128xf32, #tpu.memory_space<vmem_shared>>) offsets(%arg6 : memref<128xi32, #tpu.memory_space<vmem>>) semaphore(%run_scoped3A : memref<!tpu.dma_semaphore, #tpu.memory_space<semaphore_mem>>) {add = true}
        %dma_wait3A_64 = arith.constant 0 : i32
        %dma_wait3A_65 = arith.constant 0 : i32
        %dma_wait3A_66 = tpu.memref_slice %arg9[%dma_wait3A_64, %dma_wait3A_65] : memref<10240x128xf32, #tpu.memory_space<vmem_shared>> -> memref<10240x128xf32, #tpu.memory_space<vmem_shared>>
        tpu.wait_indirect_dma semaphore(%run_scoped3A : memref<!tpu.dma_semaphore, #tpu.memory_space<semaphore_mem>>) src(%arg8 : memref<128x128xf32, #tpu.memory_space<vmem>>) dst(%dma_wait3A_66 : memref<10240x128xf32, #tpu.memory_space<vmem_shared>>)
        tpu.yield
      }) : () -> ()
    }
    %scan3A_24 = arith.constant 39 : i32
    %lt3A = arith.constant 4 : i32
    %lt3A_25 = arith.cmpi slt, %add3A, %lt3A : i32
    %convert_element_type3A = arith.extui %lt3A_25 : i1 to i32
    %cond3A = arith.constant 0 : i32
    %cond3A_26 = arith.cmpi ne, %convert_element_type3A, %cond3A : i32
    scf.if %cond3A_26 {
      %add3A_28 = arith.constant 2496 : i32
      %add3A_29 = arith.addi %add3A, %add3A_28 : i32
      %mul3A_30 = arith.constant 128 : i32
      %mul3A_31 = arith.muli %add3A_29, %mul3A_30 : i32
      %multiple_of3A_32 = tpu.assume_multiple %mul3A_31, 128 : i32
      %dma_start3A = arith.constant 0 : i32
      %dma_start3A_33 = tpu.memref_slice %arg2[%multiple_of3A_32, %dma_start3A] : memref<320000x128xf32, #tpu.memory_space<hbm>> -> memref<128x128xf32, #tpu.memory_space<hbm>>
      %dma_start3A_34 = arith.constant 0 : i32
      %dma_start3A_35 = tpu.memref_slice %arg2[%multiple_of3A_32, %dma_start3A_34] : memref<320000x128xf32, #tpu.memory_space<hbm>> -> memref<128x128xf32, #tpu.memory_space<hbm>>
      tpu.enqueue_dma source(%dma_start3A_35 : memref<128x128xf32, #tpu.memory_space<hbm>>) target(%arg7 : memref<128x128xf32, #tpu.memory_space<vmem>>) target_semaphore(%arg10 : memref<!tpu.dma_semaphore, #tpu.memory_space<semaphore_mem>>)
      "tpu.region"() ({
        %run_scoped3A = tpu.sem_alloc : memref<!tpu.dma_semaphore, #tpu.memory_space<semaphore_mem>>
        %dma_start3A_39 = tpu.memref_slice %arg3[%multiple_of3A_32] : memref<320000xi32, #tpu.memory_space<hbm>> -> memref<128xi32, #tpu.memory_space<hbm>>
        %dma_start3A_40 = tpu.memref_slice %arg3[%multiple_of3A_32] : memref<320000xi32, #tpu.memory_space<hbm>> -> memref<128xi32, #tpu.memory_space<hbm>>
        tpu.enqueue_dma source(%dma_start3A_40 : memref<128xi32, #tpu.memory_space<hbm>>) target(%arg5 : memref<128xi32, #tpu.memory_space<vmem>>) target_semaphore(%run_scoped3A : memref<!tpu.dma_semaphore, #tpu.memory_space<semaphore_mem>>)
        %dma_wait3A_41 = tpu.memref_slice %arg3[%multiple_of3A_32] : memref<320000xi32, #tpu.memory_space<hbm>> -> memref<128xi32, #tpu.memory_space<hbm>>
        %dma_wait3A_42 = tpu.memref_slice %arg3[%multiple_of3A_32] : memref<320000xi32, #tpu.memory_space<hbm>> -> memref<128xi32, #tpu.memory_space<hbm>>
        tpu.wait_dma2 semaphore(%run_scoped3A : memref<!tpu.dma_semaphore, #tpu.memory_space<semaphore_mem>>) src(%dma_wait3A_42 : memref<128xi32, #tpu.memory_space<hbm>>) dst(%arg5 : memref<128xi32, #tpu.memory_space<vmem>>)
        tpu.yield
      }) : () -> ()
      %dma_wait3A = arith.constant 0 : i32
      %dma_wait3A_36 = tpu.memref_slice %arg2[%multiple_of3A_32, %dma_wait3A] : memref<320000x128xf32, #tpu.memory_space<hbm>> -> memref<128x128xf32, #tpu.memory_space<hbm>>
      %dma_wait3A_37 = arith.constant 0 : i32
      %dma_wait3A_38 = tpu.memref_slice %arg2[%multiple_of3A_32, %dma_wait3A_37] : memref<320000x128xf32, #tpu.memory_space<hbm>> -> memref<128x128xf32, #tpu.memory_space<hbm>>
      tpu.wait_dma2 semaphore(%arg10 : memref<!tpu.dma_semaphore, #tpu.memory_space<semaphore_mem>>) src(%dma_wait3A_38 : memref<128x128xf32, #tpu.memory_space<hbm>>) dst(%arg7 : memref<128x128xf32, #tpu.memory_space<vmem>>)
      "tpu.region"() ({
        %run_scoped3A = tpu.sem_alloc : memref<!tpu.dma_semaphore, #tpu.memory_space<semaphore_mem>>
        %dma_start3A_39 = arith.constant 0 : i32
        %dma_start3A_40 = arith.constant 0 : i32
        %dma_start3A_41 = tpu.memref_slice %arg9[%dma_start3A_39, %dma_start3A_40] : memref<10240x128xf32, #tpu.memory_space<vmem_shared>> -> memref<10240x128xf32, #tpu.memory_space<vmem_shared>>
        tpu.enqueue_indirect_dma source(%arg7 : memref<128x128xf32, #tpu.memory_space<vmem>>) target(%dma_start3A_41 : memref<10240x128xf32, #tpu.memory_space<vmem_shared>>) offsets(%arg5 : memref<128xi32, #tpu.memory_space<vmem>>) semaphore(%run_scoped3A : memref<!tpu.dma_semaphore, #tpu.memory_space<semaphore_mem>>) {add = true}
        %dma_wait3A_42 = arith.constant 0 : i32
        %dma_wait3A_43 = arith.constant 0 : i32
        %dma_wait3A_44 = tpu.memref_slice %arg9[%dma_wait3A_42, %dma_wait3A_43] : memref<10240x128xf32, #tpu.memory_space<vmem_shared>> -> memref<10240x128xf32, #tpu.memory_space<vmem_shared>>
        tpu.wait_indirect_dma semaphore(%run_scoped3A : memref<!tpu.dma_semaphore, #tpu.memory_space<semaphore_mem>>) src(%arg7 : memref<128x128xf32, #tpu.memory_space<vmem>>) dst(%dma_wait3A_44 : memref<10240x128xf32, #tpu.memory_space<vmem_shared>>)
        tpu.yield
      }) : () -> ()
    } else {
    }
    %barrier3A_27 = arith.constant 0 : index
    tpu.barrier barrier_id(%barrier3A_27)
    "tpu.region"() ({
      %run_scoped3A = tpu.sem_alloc : memref<!tpu.dma_semaphore, #tpu.memory_space<semaphore_mem>>
      %dma_start3A = arith.constant 0 : i32
      %dma_start3A_28 = tpu.memref_slice %arg4[%arg0, %multiple_of3A, %dma_start3A] : memref<2x10240x128xf32, #tpu.memory_space<hbm>> -> memref<1x640x128xf32, #tpu.memory_space<hbm>>
      %dma_start3A_29 = tpu.memref_squeeze %dma_start3A_28 : memref<1x640x128xf32, #tpu.memory_space<hbm>> -> memref<640x128xf32, #tpu.memory_space<hbm>>
      %dma_start3A_30 = arith.constant 0 : i32
      %dma_start3A_31 = tpu.memref_slice %arg9[%multiple_of3A, %dma_start3A_30] : memref<10240x128xf32, #tpu.memory_space<vmem_shared>> -> memref<640x128xf32, #tpu.memory_space<vmem_shared>>
      tpu.enqueue_dma source(%dma_start3A_31 : memref<640x128xf32, #tpu.memory_space<vmem_shared>>) target(%dma_start3A_29 : memref<640x128xf32, #tpu.memory_space<hbm>>) target_semaphore(%run_scoped3A : memref<!tpu.dma_semaphore, #tpu.memory_space<semaphore_mem>>)
      %dma_wait3A = arith.constant 0 : i32
      %dma_wait3A_32 = tpu.memref_slice %arg4[%arg0, %multiple_of3A, %dma_wait3A] : memref<2x10240x128xf32, #tpu.memory_space<hbm>> -> memref<1x640x128xf32, #tpu.memory_space<hbm>>
      %dma_wait3A_33 = tpu.memref_squeeze %dma_wait3A_32 : memref<1x640x128xf32, #tpu.memory_space<hbm>> -> memref<640x128xf32, #tpu.memory_space<hbm>>
      %dma_wait3A_34 = arith.constant 0 : i32
      %dma_wait3A_35 = tpu.memref_slice %arg9[%multiple_of3A, %dma_wait3A_34] : memref<10240x128xf32, #tpu.memory_space<vmem_shared>> -> memref<640x128xf32, #tpu.memory_space<vmem_shared>>
      tpu.wait_dma2 semaphore(%run_scoped3A : memref<!tpu.dma_semaphore, #tpu.memory_space<semaphore_mem>>) src(%dma_wait3A_35 : memref<640x128xf32, #tpu.memory_space<vmem_shared>>) dst(%dma_wait3A_33 : memref<640x128xf32, #tpu.memory_space<hbm>>)
      tpu.yield
    }) : () -> ()
    return
  }
}

module attributes {stable_mosaic.version = 14 : i64} {
  func.func @_tc_encode_pre_body(%arg0: memref<10000x128xf32, #tpu.memory_space<vmem>>, %arg1: memref<128x64xf32, #tpu.memory_space<vmem>>, %arg2: memref<1x64xf32, #tpu.memory_space<vmem>>, %arg3: memref<64x128xf32, #tpu.memory_space<vmem>>, %arg4: memref<10000x64xf32, #tpu.memory_space<vmem>>, %arg5: memref<10000x128xf32, #tpu.memory_space<vmem>>, %arg6: memref<10000x128xf32, #tpu.memory_space<vmem>>) attributes {dimension_semantics = [], scalar_prefetch = 0 : i64, scratch_operands = 0 : i64, tpu.core_type = #tpu.core_type<tc>} {
    %get3A = arith.constant 0 : index
    %get3A_0 = arith.constant 0 : index
    %get3A_1 = vector.load %arg0[%get3A, %get3A_0] : memref<10000x128xf32, #tpu.memory_space<vmem>>, vector<10000x128xf32>
    %get3A_2 = arith.constant 0 : index
    %get3A_3 = arith.constant 0 : index
    %get3A_4 = vector.load %arg1[%get3A_2, %get3A_3] : memref<128x64xf32, #tpu.memory_space<vmem>>, vector<128x64xf32>
    %dot_general3A = arith.constant dense<0.000000e+00> : vector<10000x64xf32>
    %dot_general3A_5 = tpu.matmul %get3A_1, %get3A_4, %dot_general3A {dimension_numbers = #tpu.dot_dimension_numbers<[1], [0], [0], [1], [0, 0, 1, 1], [], []>, transpose_lhs_hint = false} : vector<10000x128xf32>, vector<128x64xf32>, vector<10000x64xf32> -> vector<10000x64xf32>
    %get3A_6 = arith.constant 0 : index
    %get3A_7 = arith.constant 0 : index
    %get3A_8 = vector.load %arg2[%get3A_6, %get3A_7] : memref<1x64xf32, #tpu.memory_space<vmem>>, vector<1x64xf32>
    %add3A = vector.broadcast %get3A_8 : vector<1x64xf32> to vector<10000x64xf32>
    %add3A_9 = arith.addf %dot_general3A_5, %add3A : vector<10000x64xf32>
    %swap3A = arith.constant 0 : index
    %swap3A_10 = arith.constant 0 : index
    %swap3A_11 = vector.load %arg4[%swap3A, %swap3A_10] : memref<10000x64xf32, #tpu.memory_space<vmem>>, vector<10000x64xf32>
    tpu.vector_store %arg4[%swap3A, %swap3A_10], %add3A_9 {strides = array<i32>} : memref<10000x64xf32, #tpu.memory_space<vmem>>, vector<10000x64xf32>,
    %get3A_12 = arith.constant 0 : index
    %get3A_13 = arith.constant 0 : index
    %get3A_14 = vector.load %arg3[%get3A_12, %get3A_13] : memref<64x128xf32, #tpu.memory_space<vmem>>, vector<64x128xf32>
    %dot_general3A_15 = arith.constant dense<0.000000e+00> : vector<10000x128xf32>
    %dot_general3A_16 = tpu.matmul %add3A_9, %get3A_14, %dot_general3A_15 {dimension_numbers = #tpu.dot_dimension_numbers<[1], [0], [0], [1], [0, 0, 1, 1], [], []>, transpose_lhs_hint = false} : vector<10000x64xf32>, vector<64x128xf32>, vector<10000x128xf32> -> vector<10000x128xf32>
    %broadcast_in_dim3A = arith.constant 0.000000e+00 : f32
    %broadcast_in_dim3A_17 = vector.broadcast %broadcast_in_dim3A : f32 to vector<10000x64xf32>
    %slice3A = vector.extract_strided_slice %dot_general3A_16 {offsets = [0, 0], sizes = [10000, 64], strides = [1, 1]} : vector<10000x128xf32> to vector<10000x64xf32>
    %concatenate3A = tpu.concatenate %slice3A, %broadcast_in_dim3A_17 in 1 : vector<10000x64xf32>, vector<10000x64xf32> -> vector<10000x128xf32>
    %swap3A_18 = arith.constant 0 : index
    %swap3A_19 = arith.constant 0 : index
    %swap3A_20 = vector.load %arg5[%swap3A_18, %swap3A_19] : memref<10000x128xf32, #tpu.memory_space<vmem>>, vector<10000x128xf32>
    tpu.vector_store %arg5[%swap3A_18, %swap3A_19], %concatenate3A {strides = array<i32>} : memref<10000x128xf32, #tpu.memory_space<vmem>>, vector<10000x128xf32>,
    %slice3A_21 = vector.extract_strided_slice %dot_general3A_16 {offsets = [0, 64], sizes = [10000, 64], strides = [1, 1]} : vector<10000x128xf32> to vector<10000x64xf32>
    %concatenate3A_22 = tpu.concatenate %slice3A_21, %broadcast_in_dim3A_17 in 1 : vector<10000x64xf32>, vector<10000x64xf32> -> vector<10000x128xf32>
    %swap3A_23 = arith.constant 0 : index
    %swap3A_24 = arith.constant 0 : index
    %swap3A_25 = vector.load %arg6[%swap3A_23, %swap3A_24] : memref<10000x128xf32, #tpu.memory_space<vmem>>, vector<10000x128xf32>
    tpu.vector_store %arg6[%swap3A_23, %swap3A_24], %concatenate3A_22 {strides = array<i32>} : memref<10000x128xf32, #tpu.memory_space<vmem>>, vector<10000x128xf32>,
    return
  }
}

module attributes {stable_mosaic.version = 14 : i64} {
  func.func @_tc_edge_enc_body(%arg0: i32, %arg1: memref<8000x16xf32, #tpu.memory_space<vmem>>, %arg2: memref<16x192xf32, #tpu.memory_space<vmem>>, %arg3: memref<1x192xf32, #tpu.memory_space<vmem>>, %arg4: memref<8000x64xf32, #tpu.memory_space<vmem>>, %arg5: memref<8000x64xf32, #tpu.memory_space<vmem>>, %arg6: memref<8000x64xf32, #tpu.memory_space<vmem>>) attributes {dimension_semantics = [#tpu.dimension_semantics<arbitrary>], iteration_bounds = array<i64: 40>, scalar_prefetch = 0 : i64, scratch_operands = 0 : i64, tpu.core_type = #tpu.core_type<tc>, window_params = [{transform_indices = @transform_0, window_bounds = array<i64: 8000, 16>}, {pipeline_mode = #tpu.pipeline_mode<synchronous>, transform_indices = @transform_1, window_bounds = array<i64: 16, 192>}, {pipeline_mode = #tpu.pipeline_mode<synchronous>, transform_indices = @transform_2, window_bounds = array<i64: 1, 192>}, {transform_indices = @transform_3, window_bounds = array<i64: 8000, 64>}, {transform_indices = @transform_4, window_bounds = array<i64: 8000, 64>}, {transform_indices = @transform_5, window_bounds = array<i64: 8000, 64>}]} {
    %get3A = arith.constant 0 : index
    %get3A_0 = arith.constant 0 : index
    %get3A_1 = vector.load %arg1[%get3A, %get3A_0] : memref<8000x16xf32, #tpu.memory_space<vmem>>, vector<8000x16xf32>
    %get3A_2 = arith.constant 0 : index
    %get3A_3 = arith.constant 0 : index
    %get3A_4 = vector.load %arg2[%get3A_2, %get3A_3] : memref<16x192xf32, #tpu.memory_space<vmem>>, vector<16x192xf32>
    %dot_general3A = arith.constant dense<0.000000e+00> : vector<8000x192xf32>
    %dot_general3A_5 = tpu.matmul %get3A_1, %get3A_4, %dot_general3A {dimension_numbers = #tpu.dot_dimension_numbers<[1], [0], [0], [1], [0, 0, 1, 1], [], []>, transpose_lhs_hint = false} : vector<8000x16xf32>, vector<16x192xf32>, vector<8000x192xf32> -> vector<8000x192xf32>
    %get3A_6 = arith.constant 0 : index
    %get3A_7 = arith.constant 0 : index
    %get3A_8 = vector.load %arg3[%get3A_6, %get3A_7] : memref<1x192xf32, #tpu.memory_space<vmem>>, vector<1x192xf32>
    %add3A = vector.broadcast %get3A_8 : vector<1x192xf32> to vector<8000x192xf32>
    %add3A_9 = arith.addf %dot_general3A_5, %add3A : vector<8000x192xf32>
    %slice3A = vector.extract_strided_slice %add3A_9 {offsets = [0, 0], sizes = [8000, 64], strides = [1, 1]} : vector<8000x192xf32> to vector<8000x64xf32>
    %swap3A = arith.constant 0 : index
    %swap3A_10 = arith.constant 0 : index
    %swap3A_11 = vector.load %arg4[%swap3A, %swap3A_10] : memref<8000x64xf32, #tpu.memory_space<vmem>>, vector<8000x64xf32>
    tpu.vector_store %arg4[%swap3A, %swap3A_10], %slice3A {strides = array<i32>} : memref<8000x64xf32, #tpu.memory_space<vmem>>, vector<8000x64xf32>,
    %slice3A_12 = vector.extract_strided_slice %add3A_9 {offsets = [0, 64], sizes = [8000, 64], strides = [1, 1]} : vector<8000x192xf32> to vector<8000x64xf32>
    %swap3A_13 = arith.constant 0 : index
    %swap3A_14 = arith.constant 0 : index
    %swap3A_15 = vector.load %arg5[%swap3A_13, %swap3A_14] : memref<8000x64xf32, #tpu.memory_space<vmem>>, vector<8000x64xf32>
    tpu.vector_store %arg5[%swap3A_13, %swap3A_14], %slice3A_12 {strides = array<i32>} : memref<8000x64xf32, #tpu.memory_space<vmem>>, vector<8000x64xf32>,
    %slice3A_16 = vector.extract_strided_slice %add3A_9 {offsets = [0, 128], sizes = [8000, 64], strides = [1, 1]} : vector<8000x192xf32> to vector<8000x64xf32>
    %swap3A_17 = arith.constant 0 : index
    %swap3A_18 = arith.constant 0 : index
    %swap3A_19 = vector.load %arg6[%swap3A_17, %swap3A_18] : memref<8000x64xf32, #tpu.memory_space<vmem>>, vector<8000x64xf32>
    tpu.vector_store %arg6[%swap3A_17, %swap3A_18], %slice3A_16 {strides = array<i32>} : memref<8000x64xf32, #tpu.memory_space<vmem>>, vector<8000x64xf32>,
    return
  }
  func.func @transform_0(%arg0: i32) -> (i32, i32) {
    %c0_i32 = arith.constant 0 : i32
    %c0_i32_0 = arith.constant 0 : i32
    return %arg0, %c0_i32 : i32, i32
  }
  func.func @transform_1(%arg0: i32) -> (i32, i32) {
    %c0_i32 = arith.constant 0 : i32
    %c0_i32_0 = arith.constant 0 : i32
    %c0_i32_1 = arith.constant 0 : i32
    return %c0_i32, %c0_i32_0 : i32, i32
  }
  func.func @transform_2(%arg0: i32) -> (i32, i32) {
    %c0_i32 = arith.constant 0 : i32
    %c0_i32_0 = arith.constant 0 : i32
    %c0_i32_1 = arith.constant 0 : i32
    return %c0_i32, %c0_i32_0 : i32, i32
  }
  func.func @transform_3(%arg0: i32) -> (i32, i32) {
    %c0_i32 = arith.constant 0 : i32
    %c0_i32_0 = arith.constant 0 : i32
    return %arg0, %c0_i32 : i32, i32
  }
  func.func @transform_4(%arg0: i32) -> (i32, i32) {
    %c0_i32 = arith.constant 0 : i32
    %c0_i32_0 = arith.constant 0 : i32
    return %arg0, %c0_i32 : i32, i32
  }
  func.func @transform_5(%arg0: i32) -> (i32, i32) {
    %c0_i32 = arith.constant 0 : i32
    %c0_i32_0 = arith.constant 0 : i32
    return %arg0, %c0_i32 : i32, i32
  }
}

module attributes {stable_mosaic.version = 14 : i64} {
  func.func @_tc_relu_body(%arg0: i32, %arg1: memref<8000x128xf32, #tpu.memory_space<vmem>>, %arg2: memref<8000x64xf32, #tpu.memory_space<vmem>>, %arg3: memref<8000x128xf32, #tpu.memory_space<vmem>>) attributes {dimension_semantics = [#tpu.dimension_semantics<arbitrary>], iteration_bounds = array<i64: 40>, scalar_prefetch = 0 : i64, scratch_operands = 0 : i64, tpu.core_type = #tpu.core_type<tc>, window_params = [{transform_indices = @transform_0, window_bounds = array<i64: 8000, 128>}, {transform_indices = @transform_1, window_bounds = array<i64: 8000, 64>}, {transform_indices = @transform_2, window_bounds = array<i64: 8000, 128>}]} {
    %get3A = arith.constant 0 : index
    %get3A_0 = arith.constant 0 : index
    %get3A_1 = vector.load %arg1[%get3A, %get3A_0] : memref<8000x128xf32, #tpu.memory_space<vmem>>, vector<8000x64xf32>
    %get3A_2 = arith.constant 0 : index
    %get3A_3 = arith.constant 0 : index
    %get3A_4 = vector.load %arg2[%get3A_2, %get3A_3] : memref<8000x64xf32, #tpu.memory_space<vmem>>, vector<8000x64xf32>
    %add3A = arith.addf %get3A_1, %get3A_4 : vector<8000x64xf32>
    %max3A = arith.constant 0.000000e+00 : f32
    %max3A_5 = vector.broadcast %max3A : f32 to vector<8000x64xf32>
    %max3A_6 = arith.maximumf %add3A, %max3A_5 : vector<8000x64xf32>
    %broadcast_in_dim3A = arith.constant 0.000000e+00 : f32
    %broadcast_in_dim3A_7 = vector.broadcast %broadcast_in_dim3A : f32 to vector<8000x64xf32>
    %concatenate3A = tpu.concatenate %max3A_6, %broadcast_in_dim3A_7 in 1 : vector<8000x64xf32>, vector<8000x64xf32> -> vector<8000x128xf32>
    %swap3A = arith.constant 0 : index
    %swap3A_8 = arith.constant 0 : index
    %swap3A_9 = vector.load %arg3[%swap3A, %swap3A_8] : memref<8000x128xf32, #tpu.memory_space<vmem>>, vector<8000x128xf32>
    tpu.vector_store %arg3[%swap3A, %swap3A_8], %concatenate3A {strides = array<i32>} : memref<8000x128xf32, #tpu.memory_space<vmem>>, vector<8000x128xf32>,
    return
  }
  func.func @transform_0(%arg0: i32) -> (i32, i32) {
    %c0_i32 = arith.constant 0 : i32
    %c0_i32_0 = arith.constant 0 : i32
    return %arg0, %c0_i32 : i32, i32
  }
  func.func @transform_1(%arg0: i32) -> (i32, i32) {
    %c0_i32 = arith.constant 0 : i32
    %c0_i32_0 = arith.constant 0 : i32
    return %arg0, %c0_i32 : i32, i32
  }
  func.func @transform_2(%arg0: i32) -> (i32, i32) {
    %c0_i32 = arith.constant 0 : i32
    %c0_i32_0 = arith.constant 0 : i32
    return %arg0, %c0_i32 : i32, i32
  }
}

module attributes {stable_mosaic.version = 14 : i64} {
  func.func @_tc_update_body(%arg0: memref<10000x64xf32, #tpu.memory_space<vmem>>, %arg1: memref<2x10240x128xf32, #tpu.memory_space<vmem>>, %arg2: memref<2x10240x16xf32, #tpu.memory_space<vmem>>, %arg3: memref<64x64xf32, #tpu.memory_space<vmem>>, %arg4: memref<1x64xf32, #tpu.memory_space<vmem>>, %arg5: memref<128x64xf32, #tpu.memory_space<vmem>>, %arg6: memref<1x64xf32, #tpu.memory_space<vmem>>, %arg7: memref<64x64xf32, #tpu.memory_space<vmem>>, %arg8: memref<1x64xf32, #tpu.memory_space<vmem>>, %arg9: memref<64x128xf32, #tpu.memory_space<vmem>>, %arg10: memref<10000x64xf32, #tpu.memory_space<vmem>>, %arg11: memref<10000x128xf32, #tpu.memory_space<vmem>>, %arg12: memref<10000x128xf32, #tpu.memory_space<vmem>>) attributes {dimension_semantics = [], scalar_prefetch = 0 : i64, scratch_operands = 0 : i64, tpu.core_type = #tpu.core_type<tc>} {
    %get3A = arith.constant 0 : index
    %get3A_0 = arith.constant 0 : index
    %get3A_1 = arith.constant 0 : index
    %get3A_2 = vector.load %arg1[%get3A, %get3A_0, %get3A_1] : memref<2x10240x128xf32, #tpu.memory_space<vmem>>, vector<1x10000x64xf32>
    %get3A_3 = vector.shape_cast %get3A_2 : vector<1x10000x64xf32> to vector<10000x64xf32>
    %get3A_4 = arith.constant 1 : index
    %get3A_5 = arith.constant 0 : index
    %get3A_6 = arith.constant 0 : index
    %get3A_7 = vector.load %arg1[%get3A_4, %get3A_5, %get3A_6] : memref<2x10240x128xf32, #tpu.memory_space<vmem>>, vector<1x10000x64xf32>
    %get3A_8 = vector.shape_cast %get3A_7 : vector<1x10000x64xf32> to vector<10000x64xf32>
    %add3A = arith.addf %get3A_3, %get3A_8 : vector<10000x64xf32>
    %get3A_9 = arith.constant 0 : index
    %get3A_10 = arith.constant 0 : index
    %get3A_11 = arith.constant 0 : index
    %get3A_12 = vector.load %arg2[%get3A_9, %get3A_10, %get3A_11] : memref<2x10240x16xf32, #tpu.memory_space<vmem>>, vector<1x10000x1xf32>
    %get3A_13 = vector.shape_cast %get3A_12 : vector<1x10000x1xf32> to vector<10000xf32>
    %get3A_14 = arith.constant 1 : index
    %get3A_15 = arith.constant 0 : index
    %get3A_16 = arith.constant 0 : index
    %get3A_17 = vector.load %arg2[%get3A_14, %get3A_15, %get3A_16] : memref<2x10240x16xf32, #tpu.memory_space<vmem>>, vector<1x10000x1xf32>
    %get3A_18 = vector.shape_cast %get3A_17 : vector<1x10000x1xf32> to vector<10000xf32>
    %add3A_19 = arith.addf %get3A_13, %get3A_18 : vector<10000xf32>
    %get3A_20 = arith.constant 0 : index
    %get3A_21 = arith.constant 0 : index
    %get3A_22 = vector.load %arg3[%get3A_20, %get3A_21] : memref<64x64xf32, #tpu.memory_space<vmem>>, vector<64x64xf32>
    %dot_general3A = arith.constant dense<0.000000e+00> : vector<10000x64xf32>
    %dot_general3A_23 = tpu.matmul %add3A, %get3A_22, %dot_general3A {dimension_numbers = #tpu.dot_dimension_numbers<[1], [0], [0], [1], [0, 0, 1, 1], [], []>, transpose_lhs_hint = false} : vector<10000x64xf32>, vector<64x64xf32>, vector<10000x64xf32> -> vector<10000x64xf32>
    %broadcast_in_dim3A = vector.shape_cast %add3A_19 : vector<10000xf32> to vector<10000x1xf32>
    %get3A_24 = arith.constant 0 : index
    %get3A_25 = arith.constant 0 : index
    %get3A_26 = vector.load %arg4[%get3A_24, %get3A_25] : memref<1x64xf32, #tpu.memory_space<vmem>>, vector<1x64xf32>
    %mul3A = vector.broadcast %broadcast_in_dim3A : vector<10000x1xf32> to vector<10000x64xf32>
    %mul3A_27 = vector.broadcast %get3A_26 : vector<1x64xf32> to vector<10000x64xf32>
    %mul3A_28 = arith.mulf %mul3A, %mul3A_27 : vector<10000x64xf32>
    %add3A_29 = arith.addf %dot_general3A_23, %mul3A_28 : vector<10000x64xf32>
    %get3A_30 = arith.constant 0 : index
    %get3A_31 = arith.constant 0 : index
    %get3A_32 = vector.load %arg5[%get3A_30, %get3A_31] : memref<128x64xf32, #tpu.memory_space<vmem>>, vector<128x64xf32>
    %get3A_33 = arith.constant 0 : index
    %get3A_34 = arith.constant 0 : index
    %get3A_35 = vector.load %arg0[%get3A_33, %get3A_34] : memref<10000x64xf32, #tpu.memory_space<vmem>>, vector<10000x64xf32>
    %slice3A = vector.extract_strided_slice %get3A_32 {offsets = [0, 0], sizes = [64, 64], strides = [1, 1]} : vector<128x64xf32> to vector<64x64xf32>
    %dot_general3A_36 = arith.constant dense<0.000000e+00> : vector<10000x64xf32>
    %dot_general3A_37 = tpu.matmul %get3A_35, %slice3A, %dot_general3A_36 {dimension_numbers = #tpu.dot_dimension_numbers<[1], [0], [0], [1], [0, 0, 1, 1], [], []>, transpose_lhs_hint = false} : vector<10000x64xf32>, vector<64x64xf32>, vector<10000x64xf32> -> vector<10000x64xf32>
    %slice3A_38 = vector.extract_strided_slice %get3A_32 {offsets = [64, 0], sizes = [64, 64], strides = [1, 1]} : vector<128x64xf32> to vector<64x64xf32>
    %dot_general3A_39 = arith.constant dense<0.000000e+00> : vector<10000x64xf32>
    %dot_general3A_40 = tpu.matmul %add3A_29, %slice3A_38, %dot_general3A_39 {dimension_numbers = #tpu.dot_dimension_numbers<[1], [0], [0], [1], [0, 0, 1, 1], [], []>, transpose_lhs_hint = false} : vector<10000x64xf32>, vector<64x64xf32>, vector<10000x64xf32> -> vector<10000x64xf32>
    %add3A_41 = arith.addf %dot_general3A_37, %dot_general3A_40 : vector<10000x64xf32>
    %get3A_42 = arith.constant 0 : index
    %get3A_43 = arith.constant 0 : index
    %get3A_44 = vector.load %arg6[%get3A_42, %get3A_43] : memref<1x64xf32, #tpu.memory_space<vmem>>, vector<1x64xf32>
    %add3A_45 = vector.broadcast %get3A_44 : vector<1x64xf32> to vector<10000x64xf32>
    %add3A_46 = arith.addf %add3A_41, %add3A_45 : vector<10000x64xf32>
    %max3A = arith.constant 0.000000e+00 : f32
    %max3A_47 = vector.broadcast %max3A : f32 to vector<10000x64xf32>
    %max3A_48 = arith.maximumf %add3A_46, %max3A_47 : vector<10000x64xf32>
    %get3A_49 = arith.constant 0 : index
    %get3A_50 = arith.constant 0 : index
    %get3A_51 = vector.load %arg7[%get3A_49, %get3A_50] : memref<64x64xf32, #tpu.memory_space<vmem>>, vector<64x64xf32>
    %dot_general3A_52 = arith.constant dense<0.000000e+00> : vector<10000x64xf32>
    %dot_general3A_53 = tpu.matmul %max3A_48, %get3A_51, %dot_general3A_52 {dimension_numbers = #tpu.dot_dimension_numbers<[1], [0], [0], [1], [0, 0, 1, 1], [], []>, transpose_lhs_hint = false} : vector<10000x64xf32>, vector<64x64xf32>, vector<10000x64xf32> -> vector<10000x64xf32>
    %get3A_54 = arith.constant 0 : index
    %get3A_55 = arith.constant 0 : index
    %get3A_56 = vector.load %arg8[%get3A_54, %get3A_55] : memref<1x64xf32, #tpu.memory_space<vmem>>, vector<1x64xf32>
    %add3A_57 = vector.broadcast %get3A_56 : vector<1x64xf32> to vector<10000x64xf32>
    %add3A_58 = arith.addf %dot_general3A_53, %add3A_57 : vector<10000x64xf32>
    %swap3A = arith.constant 0 : index
    %swap3A_59 = arith.constant 0 : index
    %swap3A_60 = vector.load %arg10[%swap3A, %swap3A_59] : memref<10000x64xf32, #tpu.memory_space<vmem>>, vector<10000x64xf32>
    tpu.vector_store %arg10[%swap3A, %swap3A_59], %add3A_58 {strides = array<i32>} : memref<10000x64xf32, #tpu.memory_space<vmem>>, vector<10000x64xf32>,
    %get3A_61 = arith.constant 0 : index
    %get3A_62 = arith.constant 0 : index
    %get3A_63 = vector.load %arg9[%get3A_61, %get3A_62] : memref<64x128xf32, #tpu.memory_space<vmem>>, vector<64x128xf32>
    %dot_general3A_64 = arith.constant dense<0.000000e+00> : vector<10000x128xf32>
    %dot_general3A_65 = tpu.matmul %add3A_58, %get3A_63, %dot_general3A_64 {dimension_numbers = #tpu.dot_dimension_numbers<[1], [0], [0], [1], [0, 0, 1, 1], [], []>, transpose_lhs_hint = false} : vector<10000x64xf32>, vector<64x128xf32>, vector<10000x128xf32> -> vector<10000x128xf32>
    %broadcast_in_dim3A_66 = arith.constant 0.000000e+00 : f32
    %broadcast_in_dim3A_67 = vector.broadcast %broadcast_in_dim3A_66 : f32 to vector<10000x64xf32>
    %slice3A_68 = vector.extract_strided_slice %dot_general3A_65 {offsets = [0, 0], sizes = [10000, 64], strides = [1, 1]} : vector<10000x128xf32> to vector<10000x64xf32>
    %concatenate3A = tpu.concatenate %slice3A_68, %broadcast_in_dim3A_67 in 1 : vector<10000x64xf32>, vector<10000x64xf32> -> vector<10000x128xf32>
    %swap3A_69 = arith.constant 0 : index
    %swap3A_70 = arith.constant 0 : index
    %swap3A_71 = vector.load %arg11[%swap3A_69, %swap3A_70] : memref<10000x128xf32, #tpu.memory_space<vmem>>, vector<10000x128xf32>
    tpu.vector_store %arg11[%swap3A_69, %swap3A_70], %concatenate3A {strides = array<i32>} : memref<10000x128xf32, #tpu.memory_space<vmem>>, vector<10000x128xf32>,
    %slice3A_72 = vector.extract_strided_slice %dot_general3A_65 {offsets = [0, 64], sizes = [10000, 64], strides = [1, 1]} : vector<10000x128xf32> to vector<10000x64xf32>
    %concatenate3A_73 = tpu.concatenate %slice3A_72, %broadcast_in_dim3A_67 in 1 : vector<10000x64xf32>, vector<10000x64xf32> -> vector<10000x128xf32>
    %swap3A_74 = arith.constant 0 : index
    %swap3A_75 = arith.constant 0 : index
    %swap3A_76 = vector.load %arg12[%swap3A_74, %swap3A_75] : memref<10000x128xf32, #tpu.memory_space<vmem>>, vector<10000x128xf32>
    tpu.vector_store %arg12[%swap3A_74, %swap3A_75], %concatenate3A_73 {strides = array<i32>} : memref<10000x128xf32, #tpu.memory_space<vmem>>, vector<10000x128xf32>,
    return
  }
}

module attributes {stable_mosaic.version = 14 : i64} {
  func.func @_tc_update_body(%arg0: memref<10000x64xf32, #tpu.memory_space<vmem>>, %arg1: memref<2x10240x128xf32, #tpu.memory_space<vmem>>, %arg2: memref<2x10240x16xf32, #tpu.memory_space<vmem>>, %arg3: memref<64x64xf32, #tpu.memory_space<vmem>>, %arg4: memref<1x64xf32, #tpu.memory_space<vmem>>, %arg5: memref<128x64xf32, #tpu.memory_space<vmem>>, %arg6: memref<1x64xf32, #tpu.memory_space<vmem>>, %arg7: memref<64x64xf32, #tpu.memory_space<vmem>>, %arg8: memref<1x64xf32, #tpu.memory_space<vmem>>, %arg9: memref<64x128xf32, #tpu.memory_space<vmem>>, %arg10: memref<10000x64xf32, #tpu.memory_space<vmem>>) attributes {dimension_semantics = [], scalar_prefetch = 0 : i64, scratch_operands = 0 : i64, tpu.core_type = #tpu.core_type<tc>} {
    %get3A = arith.constant 0 : index
    %get3A_0 = arith.constant 0 : index
    %get3A_1 = arith.constant 0 : index
    %get3A_2 = vector.load %arg1[%get3A, %get3A_0, %get3A_1] : memref<2x10240x128xf32, #tpu.memory_space<vmem>>, vector<1x10000x64xf32>
    %get3A_3 = vector.shape_cast %get3A_2 : vector<1x10000x64xf32> to vector<10000x64xf32>
    %get3A_4 = arith.constant 1 : index
    %get3A_5 = arith.constant 0 : index
    %get3A_6 = arith.constant 0 : index
    %get3A_7 = vector.load %arg1[%get3A_4, %get3A_5, %get3A_6] : memref<2x10240x128xf32, #tpu.memory_space<vmem>>, vector<1x10000x64xf32>
    %get3A_8 = vector.shape_cast %get3A_7 : vector<1x10000x64xf32> to vector<10000x64xf32>
    %add3A = arith.addf %get3A_3, %get3A_8 : vector<10000x64xf32>
    %get3A_9 = arith.constant 0 : index
    %get3A_10 = arith.constant 0 : index
    %get3A_11 = arith.constant 0 : index
    %get3A_12 = vector.load %arg2[%get3A_9, %get3A_10, %get3A_11] : memref<2x10240x16xf32, #tpu.memory_space<vmem>>, vector<1x10000x1xf32>
    %get3A_13 = vector.shape_cast %get3A_12 : vector<1x10000x1xf32> to vector<10000xf32>
    %get3A_14 = arith.constant 1 : index
    %get3A_15 = arith.constant 0 : index
    %get3A_16 = arith.constant 0 : index
    %get3A_17 = vector.load %arg2[%get3A_14, %get3A_15, %get3A_16] : memref<2x10240x16xf32, #tpu.memory_space<vmem>>, vector<1x10000x1xf32>
    %get3A_18 = vector.shape_cast %get3A_17 : vector<1x10000x1xf32> to vector<10000xf32>
    %add3A_19 = arith.addf %get3A_13, %get3A_18 : vector<10000xf32>
    %get3A_20 = arith.constant 0 : index
    %get3A_21 = arith.constant 0 : index
    %get3A_22 = vector.load %arg3[%get3A_20, %get3A_21] : memref<64x64xf32, #tpu.memory_space<vmem>>, vector<64x64xf32>
    %dot_general3A = arith.constant dense<0.000000e+00> : vector<10000x64xf32>
    %dot_general3A_23 = tpu.matmul %add3A, %get3A_22, %dot_general3A {dimension_numbers = #tpu.dot_dimension_numbers<[1], [0], [0], [1], [0, 0, 1, 1], [], []>, transpose_lhs_hint = false} : vector<10000x64xf32>, vector<64x64xf32>, vector<10000x64xf32> -> vector<10000x64xf32>
    %broadcast_in_dim3A = vector.shape_cast %add3A_19 : vector<10000xf32> to vector<10000x1xf32>
    %get3A_24 = arith.constant 0 : index
    %get3A_25 = arith.constant 0 : index
    %get3A_26 = vector.load %arg4[%get3A_24, %get3A_25] : memref<1x64xf32, #tpu.memory_space<vmem>>, vector<1x64xf32>
    %mul3A = vector.broadcast %broadcast_in_dim3A : vector<10000x1xf32> to vector<10000x64xf32>
    %mul3A_27 = vector.broadcast %get3A_26 : vector<1x64xf32> to vector<10000x64xf32>
    %mul3A_28 = arith.mulf %mul3A, %mul3A_27 : vector<10000x64xf32>
    %add3A_29 = arith.addf %dot_general3A_23, %mul3A_28 : vector<10000x64xf32>
    %get3A_30 = arith.constant 0 : index
    %get3A_31 = arith.constant 0 : index
    %get3A_32 = vector.load %arg5[%get3A_30, %get3A_31] : memref<128x64xf32, #tpu.memory_space<vmem>>, vector<128x64xf32>
    %get3A_33 = arith.constant 0 : index
    %get3A_34 = arith.constant 0 : index
    %get3A_35 = vector.load %arg0[%get3A_33, %get3A_34] : memref<10000x64xf32, #tpu.memory_space<vmem>>, vector<10000x64xf32>
    %slice3A = vector.extract_strided_slice %get3A_32 {offsets = [0, 0], sizes = [64, 64], strides = [1, 1]} : vector<128x64xf32> to vector<64x64xf32>
    %dot_general3A_36 = arith.constant dense<0.000000e+00> : vector<10000x64xf32>
    %dot_general3A_37 = tpu.matmul %get3A_35, %slice3A, %dot_general3A_36 {dimension_numbers = #tpu.dot_dimension_numbers<[1], [0], [0], [1], [0, 0, 1, 1], [], []>, transpose_lhs_hint = false} : vector<10000x64xf32>, vector<64x64xf32>, vector<10000x64xf32> -> vector<10000x64xf32>
    %slice3A_38 = vector.extract_strided_slice %get3A_32 {offsets = [64, 0], sizes = [64, 64], strides = [1, 1]} : vector<128x64xf32> to vector<64x64xf32>
    %dot_general3A_39 = arith.constant dense<0.000000e+00> : vector<10000x64xf32>
    %dot_general3A_40 = tpu.matmul %add3A_29, %slice3A_38, %dot_general3A_39 {dimension_numbers = #tpu.dot_dimension_numbers<[1], [0], [0], [1], [0, 0, 1, 1], [], []>, transpose_lhs_hint = false} : vector<10000x64xf32>, vector<64x64xf32>, vector<10000x64xf32> -> vector<10000x64xf32>
    %add3A_41 = arith.addf %dot_general3A_37, %dot_general3A_40 : vector<10000x64xf32>
    %get3A_42 = arith.constant 0 : index
    %get3A_43 = arith.constant 0 : index
    %get3A_44 = vector.load %arg6[%get3A_42, %get3A_43] : memref<1x64xf32, #tpu.memory_space<vmem>>, vector<1x64xf32>
    %add3A_45 = vector.broadcast %get3A_44 : vector<1x64xf32> to vector<10000x64xf32>
    %add3A_46 = arith.addf %add3A_41, %add3A_45 : vector<10000x64xf32>
    %max3A = arith.constant 0.000000e+00 : f32
    %max3A_47 = vector.broadcast %max3A : f32 to vector<10000x64xf32>
    %max3A_48 = arith.maximumf %add3A_46, %max3A_47 : vector<10000x64xf32>
    %get3A_49 = arith.constant 0 : index
    %get3A_50 = arith.constant 0 : index
    %get3A_51 = vector.load %arg7[%get3A_49, %get3A_50] : memref<64x64xf32, #tpu.memory_space<vmem>>, vector<64x64xf32>
    %dot_general3A_52 = arith.constant dense<0.000000e+00> : vector<10000x64xf32>
    %dot_general3A_53 = tpu.matmul %max3A_48, %get3A_51, %dot_general3A_52 {dimension_numbers = #tpu.dot_dimension_numbers<[1], [0], [0], [1], [0, 0, 1, 1], [], []>, transpose_lhs_hint = false} : vector<10000x64xf32>, vector<64x64xf32>, vector<10000x64xf32> -> vector<10000x64xf32>
    %get3A_54 = arith.constant 0 : index
    %get3A_55 = arith.constant 0 : index
    %get3A_56 = vector.load %arg8[%get3A_54, %get3A_55] : memref<1x64xf32, #tpu.memory_space<vmem>>, vector<1x64xf32>
    %add3A_57 = vector.broadcast %get3A_56 : vector<1x64xf32> to vector<10000x64xf32>
    %add3A_58 = arith.addf %dot_general3A_53, %add3A_57 : vector<10000x64xf32>
    %swap3A = arith.constant 0 : index
    %swap3A_59 = arith.constant 0 : index
    %swap3A_60 = vector.load %arg10[%swap3A, %swap3A_59] : memref<10000x64xf32, #tpu.memory_space<vmem>>, vector<10000x64xf32>
    tpu.vector_store %arg10[%swap3A, %swap3A_59], %add3A_58 {strides = array<i32>} : memref<10000x64xf32, #tpu.memory_space<vmem>>, vector<10000x64xf32>,
    return
  }
}

</mosaic_0001>

<sc_bundles>
// kernel: kernel.17.cloned.1.call-start
scs
__scs_entry_jumppad:
0x0: {  	(pc) =	sbr.rel $0x88, $3  }
0x1: {  	(tag) =	ssettag $0x0;
	lr =	simm.s32 $0x1  }
0x2: {  	[smem:$0x3F82] =	sst lr;
	_ =	strace $0xD0000000  }
0x3: {  	_ = 	snop  }
0x4: {  	_ = 	snop  }
0x5: {  	_ = 	snop  }
0x6: {  	_ = 	snop  }
0x7: {  	_ = 	snop  }
__scs_overlays_trampoline_lowered:
0x8: {  	[smem:$0x3F91] =	sst s0  }
0x9: {  	[smem:$0x3F92] =	sst s1  }
0xa: {  	[smem:$0x3F93] =	sst s2  }
0xb: {  	[smem:$0x3F94] =	sst s3  }
0xc: {  	[smem:$0x3F95] =	sst s4  }
0xd: {  	[smem:$0x3F96] =	sst s5  }
0xe: {  	[smem:$0x3F97] =	sst s6  }
0xf: {  	[smem:$0x3F98] =	sst s7  }
0x10: {  	[smem:$0x3F99] =	sst s8  }
0x11: {  	[smem:$0x3F9A] =	sst s9;
	s0 =	simm.s32 @!p0 $0x0  }
0x12: {  	s1 =	sld [smem:$0x3F80];
	s0 =	simm.s32 @p0 $0x1  }
0x13: {  	[smem:$0x3F9B] =	sst s0;
	s0 =	simm.s32 @!p1 $0x0  }
0x14: {  	s2 =	sld [smem:$0x3F7F];
	s0 =	simm.s32 @p1 $0x1  }
0x15: {  	[smem:$0x3F9C] =	sst s0;
	s0 =	simm.s32 @!p2 $0x0  }
0x16: {  	s3 =	sld [smem:$0x3FDB];
	s0 =	simm.s32 @p2 $0x1  }
0x17: {  	s4 =	simm.s32 $0x1BF5;
	[smem:$0x3F9E] =	sst s0  }
0x18: {  	s0 =	sld [smem:$0x3F81];
	_ =	swait.ge [sflag:s4], $0x0  }
0x19: {  	s7 =	sld [smem:$0x3F82]  }
0x1a: {  	s8 =	sadd.s32 $0xFFFFE003, lr  }
0x1b: {  	s9 =	sadd.s32 $0xFFFFFEF7, lr;
	s5 =	simm.s32 $0xFFFFFFFF;
	p2 =	slt.u32 s8, $0xFFFFF086  }
0x1c: {  	p1 =	slt.u32 s9, $0xF7A;
	s5 =	simm.s32 @!p2 $0x0  }
0x1d: {  	s5 =	simm.s32 @p1 $0x1;
	p0 =	seq.s32 s7, s2  }
0x1e: {  	s7 =	smul.u32 @!p0 $0xF7A, s2;
	p2 =	seq.s32 @!p0 s5, $0x0  }
0x1f: {  	s9 =	smul.u32 $0xF7A, s1;
	s8 =	simm.s32 @!p0 $0x1BF5;
	p2 =	por !p2, p0  }
0x20: {  	[sflag:s8] =	ssyncset.s32 @!p0 $0xFFFFF086;
	s6 =	sadd.s32 @!p0 s3, s7;
	s7 =	simm.s32 @!p0 $0x108  }
0x21: {  	s3 =	sadd.s32 s3, s9;
	s6 =	sadd.s32 @!p0 $0x88, s6;
	s7 =	simm.s32 @p2 $0x1082  }
0x22: {  	[simem:s7], [sflag:s8] =	dma.local @!p0 [hbm:s6], $0xF7A  }
0x23: {  	s9 =	sor.u32 $0xD0000000, s2;
	s6 =	simm.s32 $0x108;
	_ =	swait.ge @!p0 [sflag:s8], $0x0  }
0x24: {  	s3 =	sadd.s32 $0x88, s3;
	s6 =	simm.s32 @!p1 $0x1082;
	[sflag:s4] =	ssyncset.s32 $0xFFFFF086  }
0x25: {  	[simem:s6], [sflag:s4] =	dma.local [hbm:s3], $0xF7A  }
0x26: {  	[smem:$0x3F82] =	sst s1;
	(tag) =	ssettag s2;
	_ =	strace s9  }
0x27: {  	s1 =	sld [smem:$0x3F92]  }
0x28: {  	s2 =	sld [smem:$0x3F93]  }
0x29: {  	s4 =	sld [smem:$0x3F95]  }
0x2a: {  	p0 =	seq.s32 s5, $0x0;
	s5 =	sld [smem:$0x3F96]  }
0x2b: {  	s6 =	sld [smem:$0x3F97]  }
0x2c: {  	s7 =	sld [smem:$0x3F98]  }
0x2d: {  	s3 =	simm.s32 $0x108;
	s8 =	sld [smem:$0x3F99]  }
0x2e: {  	s3 =	simm.s32 @!p0 $0x1082;
	s9 =	sld [smem:$0x3F9A]  }
0x2f: {  	lr =	sadd.s32 s0, s3;
	s0 =	sld [smem:$0x3F91]  }
0x30: {  	s3 =	sld [smem:$0x3F94]  }
0x31: {  	[smem:$0x3F9D] =	sst s10  }
0x32: {  	s10 =	sld [smem:$0x3F9B];
	_ =	sdelay $0x3  }
0x33: {  	p0 =	seq.s32 s10, $0x1;
	s10 =	sld [smem:$0x3F9D];
	_ =	sdelay $0x3  }
0x34: {  	[smem:$0x3F9D] =	sst s10  }
0x35: {  	s10 =	sld [smem:$0x3F9C];
	_ =	sdelay $0x3  }
0x36: {  	p1 =	seq.s32 s10, $0x1;
	s10 =	sld [smem:$0x3F9D];
	_ =	sdelay $0x3  }
0x37: {  	[smem:$0x3F9D] =	sst s10  }
0x38: {  	s10 =	sld [smem:$0x3F9E]  }
0x39: {  	_ = 	snop;
	(pc) =	sbr.ind lr, $3  }
0x3a: {  	_ = 	snop  }
0x3b: {  	_ = 	snop  }
0x3c: {  	p2 =	seq.s32 s10, $0x1;
	s10 =	sld [smem:$0x3F9D]  }
0x3d: {  	_ =	shalt  }
0x3e: {  	_ =	shalt  }
0x3f: {  	_ =	shalt  }
0x40: {  	_ =	shalt  }
0x41: {  	_ =	shalt  }
0x42: {  	_ =	shalt  }
0x43: {  	_ =	shalt  }
0x44: {  	_ =	shalt  }
0x45: {  	_ =	shalt  }
0x46: {  	_ =	shalt  }
0x47: {  	_ =	shalt  }
0x48: {  	_ =	shalt  }
0x49: {  	_ =	shalt  }
0x4a: {  	_ =	shalt  }
0x4b: {  	_ =	shalt  }
0x4c: {  	_ =	shalt  }
0x4d: {  	_ =	shalt  }
0x4e: {  	_ =	shalt  }
0x4f: {  	_ =	shalt  }
0x50: {  	_ =	shalt  }
0x51: {  	_ =	shalt  }
0x52: {  	_ =	shalt  }
0x53: {  	_ =	shalt  }
0x54: {  	_ =	shalt  }
0x55: {  	_ =	shalt  }
0x56: {  	_ =	shalt  }
0x57: {  	_ =	shalt  }
0x58: {  	_ =	shalt  }
0x59: {  	_ =	shalt  }
0x5a: {  	_ =	shalt  }
0x5b: {  	_ =	shalt  }
0x5c: {  	_ =	shalt  }
0x5d: {  	_ =	shalt  }
0x5e: {  	_ =	shalt  }
0x5f: {  	_ =	shalt  }
0x60: {  	_ =	shalt  }
0x61: {  	_ =	shalt  }
0x62: {  	_ =	shalt  }
0x63: {  	_ =	shalt  }
0x64: {  	_ =	shalt  }
0x65: {  	_ =	shalt  }
0x66: {  	_ =	shalt  }
0x67: {  	_ =	shalt  }
0x68: {  	_ =	shalt  }
0x69: {  	_ =	shalt  }
0x6a: {  	_ =	shalt  }
0x6b: {  	_ =	shalt  }
0x6c: {  	_ =	shalt  }
0x6d: {  	_ =	shalt  }
0x6e: {  	_ =	shalt  }
0x6f: {  	_ =	shalt  }
0x70: {  	_ =	shalt  }
0x71: {  	_ =	shalt  }
0x72: {  	_ =	shalt  }
0x73: {  	_ =	shalt  }
0x74: {  	_ =	shalt  }
0x75: {  	_ =	shalt  }
0x76: {  	_ =	shalt  }
0x77: {  	_ =	shalt  }
0x78: {  	_ =	shalt  }
0x79: {  	_ =	shalt  }
0x7a: {  	_ =	shalt  }
0x7b: {  	_ =	shalt  }
0x7c: {  	_ =	shalt  }
0x7d: {  	_ =	shalt  }
0x7e: {  	_ =	shalt  }
0x7f: {  	_ =	shalt  }
0x80: {  	_ =	shalt  }
0x81: {  	_ =	shalt  }
0x82: {  	_ =	shalt  }
0x83: {  	_ =	shalt  }
0x84: {  	_ =	shalt  }
0x85: {  	_ =	shalt  }
0x86: {  	_ =	shalt  }
0x87: {  	_ =	shalt  }
.Lfunc_end0:
.L_simem_size_0:
called_computation_lowered:
.L_overlay_start_0:
0x88: {  	s2 =	sld [smem:$0x3FD9]  }
0x89: {  	s3 =	sld [smem:$0x3FFE];
	_ =	sdelay $0x1  }
0x8a: {  	s1 =	srdreg.scid  }
0x8b: {  	s0 =	sand.u32 $0x1, s1  }
0x8c: {  	s17 =	sshll.u32 s0, $0xA;
	s2 =	sadd.s32 s3, s2  }
0x8d: {  	s2 =	sadd.s32 s2, s17  }
0x8e: {  	[smem:$0x3FA9] =	sst s2  }
0x8f: {  	_ = 	snop  }
0x90: {  	s18 =	sld [smem:$0x3FD0];
	(tm) =	ssettm $0x1  }
0x91: {  	s19 =	sld [smem:$0x3FFB];
	_ =	sdelay $0x3  }
0x92: {  	_ =	strace s19  }
0x93: {  	s2 =	sld [smem:$0x3FFC];
	_ =	sdelay $0x3  }
0x94: {  	_ =	strace s2  }
0x95: {  	s2 =	sld [smem:$0x3FFD];
	_ =	sdelay $0x3  }
0x96: {  	_ =	strace s2  }
0x97: {  	_ =	strace $0x8FFFFFFF  }
0x98: {  	s20 =	sld [smem:$0x3FDB];
	_ =	sdelay $0x1  }
0x99: {  	s4 =	simm.s32 $_scs_section_size  }
0x9a: {  	s5 =	simm.s32 $_size__tile_overlayer_lowered;
	s6 =	simm.s32 $_tile_overlayer_lowered  }
0x9b: {  	s7 =	simm.s32 $0x1BFF;
	s21 =	sshll.u32 s6, $0x1;
	s4 =	sadd.s32 s4, s20  }
0x9c: {  	s22 =	simm.s32 $0x0;
	s5 =	sshll.u32 s5, $0x1;
	s6 =	sadd.s32 s21, s4  }
0x9d: {  	[timem:s22], [sflag:s7] =	dma.local [hbm:s6], s5  }
0x9e: {  	_ =	swait.ge [sflag:s7], s5  }
0x9f: {  	s5 =	ssub.s32 $0x0, s5;
	[sflag:s7] =	ssyncset.done $0x0  }
0xa0: {  	[sflag:s7] =	ssyncadd.s32 s5;
	_ =	sdelay $0x1  }
0xa1: {  	s23 =	simm.s32 $0x1B8B  }
0xa2: {  	_ =	swait.ge [sflag:s23], $0x1  }
0xa3: {  	[sflag:s23] =	ssyncset.done $0x0  }
0xa4: {  	[sflag:s23] =	ssyncadd.s32 $0xFFFFFFFF  }
0xa5: {  	s5 =	sld [smem:$0x0]  }
0xa6: {  	s6 =	sand.u32 $0xFFFFFFFE, s1  }
0xa7: {  	p0 =	sne.s32 s1, s6  }
0xa8: {  	s6 =	sshll.u32 @p0 s6, $0xE  }
0xa9: {  	s6 =	sadd.s32 @p0 $0x11B8D, s6;
	s7 =	sshll.u32 @p0 s5, $0x11  }
0xaa: {  	s6 =	sor.u32 @p0 s7, s6  }
0xab: {  	[sflag:s6] =	ssyncadd.remote.s32 @p0 $0x1;
	_ =	sdelay $0x1  }
0xac: {  	s6 =	simm.s32 @p0 $0x1B8D  }
0xad: {  	_ =	swait.eq @p0 [sflag:s6], $0x1  }
0xae: {  	[sflag:s6] =	ssyncadd.s32 @p0 $0xFFFFFFFF  }
0xaf: {  	s7 =	sshll.u32 @!p0 s1, $0xE  }
0xb0: {  	s7 =	sor.u32 @!p0 $0x4000, s7;
	s6 =	simm.s32 @!p0 $0x1B8D  }
0xb1: {  	s5 =	sshll.u32 @!p0 s5, $0x11;
	s7 =	sadd.s32 @!p0 $0x11B8D, s7;
	_ =	swait.eq @!p0 [sflag:s6], $0x1  }
0xb2: {  	s5 =	sor.u32 @!p0 s5, s7;
	[sflag:s6] =	ssyncadd.s32 @!p0 $0xFFFFFFFF  }
0xb3: {  	s25 =	simm.s32 $0x1B8E;
	s24 =	sld [smem:$0x3FFE];
	[sflag:s5] =	ssyncadd.remote.s32 @!p0 $0x1  }
0xb4: {  	s26 =	simm.s32 $execute0_lowered;
	[smem:$0x3FD2] =	sst s25  }
0xb5: {  	s6 =	sshll.u32 s26, $0x1;
	_ =	strace $0x80000049;
	[dreg:$0x1] =	wrdreg $0xFFFFFFFF  }
0xb6: {  	s28 =	simm.s32 $_size_execute0_lowered;
	s4 =	sadd.s32 s4, s6;
	[dreg:$0x0] =	wrdreg $0x0  }
0xb7: {  	s6 =	sshll.u32 s28, $0x1;
	[dreg:$0x2] =	wrdreg s4  }
0xb8: {  	[dreg:$0x3] =	wrdreg s6  }
0xb9: {  	[dreg:$0x4] =	wrdreg $0xC0  }
0xba: {  	_ =	task [dreg:s22], $0x5FFFF  }
0xbb: {  	[dreg:$0x1] =	wrdreg $0xFFFFFFFF  }
0xbc: {  	[dreg:$0x0] =	wrdreg $0x60  }
0xbd: {  	[dreg:$0x2] =	wrdreg s18  }
0xbe: {  	[dreg:$0x3] =	wrdreg s24  }
0xbf: {  	[dreg:$0x4] =	wrdreg $0x68800  }
0xc0: {  	[dreg:$0x5] =	wrdreg $0x9  }
0xc1: {  	_ =	task.clear_ibuf [dreg:s22], $0x6FFFF;
	_ =	strace $0x90000049  }
0xc2: {  	s29 =	simm.s32 $0x9;
	_ =	strace $0x8000004B  }
0xc3: {  	_ =	swait.ge [sflag:s29], $0x1  }
0xc4: {  	[sflag:s29] =	ssyncadd.s32 $0xFFFFFFFF  }
0xc5: {  	_ =	strace $0x9000004B  }
0xc6: {  	_ =	sfence  }
0xc7: {  	s30 =	sld [smem:$0x0];
	_ =	sdelay $0x2  }
0xc8: {  	s31 =	sshll.u32 s1, $0xD;
	s1 =	sshrl.u32 s1, $0x2  }
0xc9: {  	s4 =	sand.u32 $0x4000, s31;
	s1 =	sadd.s32 s1, s30  }
0xca: {  	s0 =	sor.u32 s4, s0;
	s1 =	sshll.u32 s1, $0x11  }
0xcb: {  	s0 =	sor.u32 s1, s0  }
0xcc: {  	s0 =	sadd.s32 $0x8F2B, s0  }
0xcd: {  	[sflag:s0] =	ssyncadd.remote.s32 $0x1  }
0xce: {  	_ =	sfence.sel $0xFFFF  }
0xcf: {  	[dreg:$0x0] =	wrdreg $0xFFFFFFFF;
	(pc) =	sbr.abs _section_cstart, $3  }
0xd0: {  	[dreg:$0x1] =	wrdreg $0xFFFFFFFF  }
0xd1: {  	_ =	task.clear_ibuf [dreg:s22], $0x2FFFF;
	_ =	strace $0x9FFFFFFF  }
0xd2: {  	(tm) =	ssettm $0x7FFFFFFF  }
0xd3: {  	_ =	shalt  }
tec
execute0_lowered:
.L_overlay_start_1:
0x0: {  	(tag) =	ssettag $0x1  }
0x1: {  	s11 =	rddreg [dreg:$0x0]  }
0x2: {  	s6 =	rddreg [dreg:$0x1]  }
0x3: {  	s0 =	srdreg.scid;
	s2 =	rddreg [dreg:$0x2]  }
0x4: {  	s1 =	rddreg [dreg:$0x3];
	s3 =	simm.s32 $0x0;
	s4 =	sand.u32 $0x1, s0  }
0x5: {  	s14 =	simm.s32 $0x50;
	s0 =	stileid.u32;
	s5 =	smul.u32 $0x140000, s4  }
0x6: {  	s15 =	simm.s32 $0x80;
	[smem:$0x7FF] =	sst s3;
	s7 =	smul.u32 $0x14000, s0  }
0x7: {  	s18 =	simm.s32 $0x0;
	s28 =	smul.u32 $0x50000, s0;
	_ =	strace $0x8000004A  }
0x8: {  	s29 =	ssub.s32 $0x2, s4;
	s10 =	smul.u32 $0x27100, s4;
	s16 =	sshll.u32 s0, $0x6  }
0x9: {  	s12 =	smul.u32 $0x2710, s0;
	s31 =	sshrl.u32 s29, $0x1;
	s16 =	sor.u32 $0x1C01, s16  }
0xa: {  	s5 =	sadd.s32 s7, s5;
	s30 =	sshrl.u32 s28, $0x2;
	s13 =	ssub.s32 s29, s31  }
0xb: {  	s12 =	sadd.s32 s12, s10;
	s5 =	sshrl.u32 s5, $0x3;
	s4 =	sadd.s32 s30, s2  }
0xc: {  	s10 =	smax.u32 s13, $0x1;
	s12 =	sshrl.u32 s12, $0x3;
	s13 =	simm.s32 $0x1  }
0xd: {  	s9 =	sadd.s32 s5, s6;
	s5 =	sadd.s32 $0x4000, s4;
	s6 =	sadd.s32 $0x8000, s4  }
0xe: {  	v0 =	vimm.f32 $0.0e+00;
	vm0 =	vcmask $0x300;
	s7 =	sadd.s32 $0xC000, s4;
	s8 =	sadd.s32 $0x10000, s4;
	s11 =	sadd.s32 s12, s11  }
0xf: {  	v1 =	vsel vm0, $0x3F800000, v0;
	s12 =	simm.s32 $0x2880;
	s17 =	sshrl.u32 s4, $0x3;
	s9 =	sadd.s32 $0x569800, s9  }
.LBB2_1:
0x10: {  	s19 =	simm.s32 $0x0  }
.LBB2_2:
0x11: {  	p0 =	sne.s32 s19, $0x9E00  }
.Ltmp0:
0x12: {  	_ = 	snop;
	(pc) =	sbr.rel @p0 .LBB2_2-.Ltmp0, $3  }
0x13: {  	_ =	sdelay $0x1  }
0x14: {  	s20 =	sshra.s32 s19, $0x2  }
0x15: {  	s19 =	sadd.s32 $0x200, s19;
	[tilespmem:s20+$0x80] =	vst v1  }
0x16: {  	s19 =	simm.s32 $0x200;
	s20 =	simm.s32 $0x0  }
.LBB2_4:
0x17: {  	p0 =	sne.s32 s19, $0xFE00;
	[tilespmem:s20+$0x2880] =	vst v0;
	s20 =	smov.u32 s19;
	s19 =	sadd.s32 $0x200, s19  }
.Ltmp1:
0x18: {  	(pc) =	sbr.rel @p0 .LBB2_4-.Ltmp1, $2  }
0x19: {  	_ =	sdelay $0x2  }
0x1a: {  	s20 =	sshra.s32 s20, $0x2  }
0x1b: {  	[tilespmem:s20+$0x2880] =	vst v0  }
0x1c: {  	[spmem:s4] =	stream.linear.scatter [tilespmem:s12], [sflag:$0x1], $0x4000, $0x38;
	[tilespmem:$0x9080] =	vst v63  }
0x1d: {  	_ =	swait.ge [sflag:s13], $0x4000  }
0x1e: {  	[sflag:s13] =	ssyncset.done $0x0  }
0x1f: {  	[sflag:s13] =	ssyncadd.s32 $0xFFFFC000  }
0x20: {  	[spmem:s5] =	stream.linear.scatter [tilespmem:s12], [sflag:$0x1], $0x4000, $0x38;
	[tilespmem:$0x9080] =	vst v63  }
0x21: {  	_ =	swait.ge [sflag:s13], $0x4000  }
0x22: {  	[sflag:s13] =	ssyncset.done $0x0  }
0x23: {  	[sflag:s13] =	ssyncadd.s32 $0xFFFFC000  }
0x24: {  	[spmem:s6] =	stream.linear.scatter [tilespmem:s12], [sflag:$0x1], $0x4000, $0x38;
	[tilespmem:$0x9080] =	vst v63  }
0x25: {  	_ =	swait.ge [sflag:s13], $0x4000  }
0x26: {  	[sflag:s13] =	ssyncset.done $0x0  }
0x27: {  	[sflag:s13] =	ssyncadd.s32 $0xFFFFC000  }
0x28: {  	[spmem:s7] =	stream.linear.scatter [tilespmem:s12], [sflag:$0x1], $0x4000, $0x38;
	[tilespmem:$0x9080] =	vst v63  }
0x29: {  	_ =	swait.ge [sflag:s13], $0x4000  }
0x2a: {  	[sflag:s13] =	ssyncset.done $0x0  }
0x2b: {  	[sflag:s13] =	ssyncadd.s32 $0xFFFFC000  }
0x2c: {  	[spmem:s8] =	stream.linear.scatter [tilespmem:s12], [sflag:$0x1], $0x4000, $0x38;
	[tilespmem:$0x9080] =	vst v63  }
0x2d: {  	_ =	swait.ge [sflag:s13], $0x4000  }
0x2e: {  	[sflag:s13] =	ssyncset.done $0x0  }
0x2f: {  	[sflag:s13] =	ssyncadd.s32 $0xFFFFC000  }
0x30: {  	s19 =	sadd.s32 $0x0, s11;
	[bflag:$0x0] =	sbarrier.arrive $0xFFFF  }
0x31: {  	[tilespmem:s3], [sflag:$0x1] =	stream.linear.gather [hbm4b:s19+s3], $0x50, $0x38;
	[tilespmem:$0x9080] =	vst v63  }
0x32: {  	_ =	swait.ge [sflag:s13], $0x50  }
0x33: {  	[sflag:s13] =	ssyncset.done $0x0  }
0x34: {  	[sflag:s13] =	ssyncadd.s32 $0xFFFFFFB0  }
0x35: {  	[spmem:s2] =	stream.indirect.scatter.add.f32 [tilespmem:s15], [sflag:$0x1], $0x10, s3, s14, $0xb8;
	[tilespmem:$0x9080] =	vst v63  }
0x36: {  	_ =	swait.ge [sflag:s13], $0x500  }
0x37: {  	s20 =	simm.s32 $0x14;
	s19 =	simm.s32 $0xA;
	[sflag:s13] =	ssyncset.done $0x0  }
.LBB2_6:
0x38: {  	s21 =	sadd.s32 s19, s11  }
0x39: {  	[sflag:s13] =	ssyncadd.s32 $0xFFFFFB00;
	s19 =	smov.u32 s20;
	s22 =	sadd.s32 $0xA, s20  }
0x3a: {  	[tilespmem:s3], [sflag:$0x1] =	stream.linear.gather [hbm4b:s21+s3], $0x50, $0x38;
	[tilespmem:$0x9080] =	vst v63  }
0x3b: {  	p0 =	sne.s32 s20, $0x4D8;
	_ =	swait.ge [sflag:s13], $0x50  }
.Ltmp2:
0x3c: {  	[sflag:s13] =	ssyncset.done $0x0;
	(pc) =	sbr.rel @p0 .LBB2_6-.Ltmp2, $4  }
0x3d: {  	[sflag:s13] =	ssyncadd.s32 $0xFFFFFFB0  }
0x3e: {  	[spmem:s2] =	stream.indirect.scatter.add.f32 [tilespmem:s15], [sflag:$0x1], $0x10, s3, s14, $0xb8;
	[tilespmem:$0x9080] =	vst v63  }
0x3f: {  	_ =	swait.ge [sflag:s13], $0x500  }
0x40: {  	s20 =	smov.u32 s22;
	[sflag:s13] =	ssyncset.done $0x0  }
0x41: {  	s19 =	sadd.s32 s19, s11;
	[sflag:s13] =	ssyncadd.s32 $0xFFFFFB00  }
0x42: {  	[tilespmem:s3], [sflag:$0x1] =	stream.linear.gather [hbm4b:s19+s3], $0x50, $0x38;
	[tilespmem:$0x9080] =	vst v63  }
0x43: {  	_ =	swait.ge [sflag:s13], $0x50  }
0x44: {  	[sflag:s13] =	ssyncset.done $0x0  }
0x45: {  	[sflag:s13] =	ssyncadd.s32 $0xFFFFFFB0  }
0x46: {  	[spmem:s2] =	stream.indirect.scatter.add.f32 [tilespmem:s15], [sflag:$0x1], $0x10, s3, s14, $0xb8;
	[tilespmem:$0x9080] =	vst v63  }
0x47: {  	_ =	swait.ge [sflag:s13], $0x500  }
0x48: {  	s18 =	sadd.s32 $0x1, s18;
	[sflag:s13] =	ssyncset.done $0x0  }
0x49: {  	p0 =	sne.s32 s18, s10;
	[sflag:s13] =	ssyncadd.s32 $0xFFFFFB00  }
.Ltmp3:
0x4a: {  	[bflag:$0x0] =	sbarrier.arrive $0xFFFF;
	(pc) =	sbr.rel @p0 .LBB2_1-.Ltmp3, $4  }
0x4b: {  	[hbm:s9], [sflag:s16] =	dma.local [spmem:s17], $0x2800  }
0x4c: {  	_ =	swait.ge [sflag:s13], $0x2800  }
0x4d: {  	[sflag:s13] =	ssyncset.done $0x0  }
0x4e: {  	[sflag:s13] =	ssyncadd.s32 $0xFFFFD800  }
0x4f: {  	_ =	sfence.sel $0x180000  }
0x50: {  	[bflag:$0x0] =	sbarrier.arrive $0xFFFF  }
0x51: {  	p0 =	sne.s32 s0, $0x0;
	_ =	strace $0x9000004A  }
0x52: {  	s0 =	sadd.s32 @!p0 $0x100000, s1;
	[bflag:$0x2] =	sbarrier.arrive $0xFFFF  }
0x53: {  	[sflag:s0] =	ssyncadd.tile.s32 @!p0 $0x1;
	_ =	shalt  }
.Lfunc_end2:
_tile_overlayer_lowered:
.L_overlay_start_2:
0x54: {  	(tag) =	ssettag $0x2  }
0x55: {  	s0 =	rddreg [dreg:$0x0];
	s2 =	stileid.u32  }
0x56: {  	s1 =	rddreg [dreg:$0x1];
	p0 =	sne.s32 s2, $0x0  }
0x57: {  	s3 =	rddreg [dreg:$0x2];
	[bflag:$0x3] =	sbarrier.arrive $0xFFFF;
	s2 =	simm.s32 @!p0 $0x1C01  }
0x58: {  	[timem:s3], [sflag:s2] =	dma.local @!p0 [hbm:s0], s1  }
0x59: {  	s0 =	simm.s32 @!p0 $0x1  }
0x5a: {  	_ =	swait.ge @!p0 [sflag:s0], s1  }
0x5b: {  	s1 =	ssub.s32 @!p0 $0x0, s1;
	[sflag:s0] =	ssyncset.done @!p0 $0x0  }
0x5c: {  	[sflag:s0] =	ssyncadd.s32 @!p0 s1  }
0x5d: {  	[bflag:$0x3] =	sbarrier.arrive $0xFFFF  }
0x5e: {  	_ =	shalt  }

// kernel: kernel.20.cloned.1.call-start
scs
__scs_entry_jumppad:
0x0: {  	(pc) =	sbr.rel $0x88, $3  }
0x1: {  	(tag) =	ssettag $0x0;
	lr =	simm.s32 $0x1  }
0x2: {  	[smem:$0x3F82] =	sst lr;
	_ =	strace $0xD0000000  }
0x3: {  	_ = 	snop  }
0x4: {  	_ = 	snop  }
0x5: {  	_ = 	snop  }
0x6: {  	_ = 	snop  }
0x7: {  	_ = 	snop  }
__scs_overlays_trampoline_lowered:
0x8: {  	[smem:$0x3F91] =	sst s0  }
0x9: {  	[smem:$0x3F92] =	sst s1  }
0xa: {  	[smem:$0x3F93] =	sst s2  }
0xb: {  	[smem:$0x3F94] =	sst s3  }
0xc: {  	[smem:$0x3F95] =	sst s4  }
0xd: {  	[smem:$0x3F96] =	sst s5  }
0xe: {  	[smem:$0x3F97] =	sst s6  }
0xf: {  	[smem:$0x3F98] =	sst s7  }
0x10: {  	[smem:$0x3F99] =	sst s8  }
0x11: {  	[smem:$0x3F9A] =	sst s9;
	s0 =	simm.s32 @!p0 $0x0  }
0x12: {  	s1 =	sld [smem:$0x3F80];
	s0 =	simm.s32 @p0 $0x1  }
0x13: {  	[smem:$0x3F9B] =	sst s0;
	s0 =	simm.s32 @!p1 $0x0  }
0x14: {  	s2 =	sld [smem:$0x3F7F];
	s0 =	simm.s32 @p1 $0x1  }
0x15: {  	[smem:$0x3F9C] =	sst s0;
	s0 =	simm.s32 @!p2 $0x0  }
0x16: {  	s3 =	sld [smem:$0x3FDB];
	s0 =	simm.s32 @p2 $0x1  }
0x17: {  	s4 =	simm.s32 $0x1BF5;
	[smem:$0x3F9E] =	sst s0  }
0x18: {  	s0 =	sld [smem:$0x3F81];
	_ =	swait.ge [sflag:s4], $0x0  }
0x19: {  	s7 =	sld [smem:$0x3F82]  }
0x1a: {  	s8 =	sadd.s32 $0xFFFFE003, lr  }
0x1b: {  	s9 =	sadd.s32 $0xFFFFFEF7, lr;
	s5 =	simm.s32 $0xFFFFFFFF;
	p2 =	slt.u32 s8, $0xFFFFF086  }
0x1c: {  	p1 =	slt.u32 s9, $0xF7A;
	s5 =	simm.s32 @!p2 $0x0  }
0x1d: {  	s5 =	simm.s32 @p1 $0x1;
	p0 =	seq.s32 s7, s2  }
0x1e: {  	s7 =	smul.u32 @!p0 $0xF7A, s2;
	p2 =	seq.s32 @!p0 s5, $0x0  }
0x1f: {  	s9 =	smul.u32 $0xF7A, s1;
	s8 =	simm.s32 @!p0 $0x1BF5;
	p2 =	por !p2, p0  }
0x20: {  	[sflag:s8] =	ssyncset.s32 @!p0 $0xFFFFF086;
	s6 =	sadd.s32 @!p0 s3, s7;
	s7 =	simm.s32 @!p0 $0x108  }
0x21: {  	s3 =	sadd.s32 s3, s9;
	s6 =	sadd.s32 @!p0 $0x88, s6;
	s7 =	simm.s32 @p2 $0x1082  }
0x22: {  	[simem:s7], [sflag:s8] =	dma.local @!p0 [hbm:s6], $0xF7A  }
0x23: {  	s9 =	sor.u32 $0xD0000000, s2;
	s6 =	simm.s32 $0x108;
	_ =	swait.ge @!p0 [sflag:s8], $0x0  }
0x24: {  	s3 =	sadd.s32 $0x88, s3;
	s6 =	simm.s32 @!p1 $0x1082;
	[sflag:s4] =	ssyncset.s32 $0xFFFFF086  }
0x25: {  	[simem:s6], [sflag:s4] =	dma.local [hbm:s3], $0xF7A  }
0x26: {  	[smem:$0x3F82] =	sst s1;
	(tag) =	ssettag s2;
	_ =	strace s9  }
0x27: {  	s1 =	sld [smem:$0x3F92]  }
0x28: {  	s2 =	sld [smem:$0x3F93]  }
0x29: {  	s4 =	sld [smem:$0x3F95]  }
0x2a: {  	p0 =	seq.s32 s5, $0x0;
	s5 =	sld [smem:$0x3F96]  }
0x2b: {  	s6 =	sld [smem:$0x3F97]  }
0x2c: {  	s7 =	sld [smem:$0x3F98]  }
0x2d: {  	s3 =	simm.s32 $0x108;
	s8 =	sld [smem:$0x3F99]  }
0x2e: {  	s3 =	simm.s32 @!p0 $0x1082;
	s9 =	sld [smem:$0x3F9A]  }
0x2f: {  	lr =	sadd.s32 s0, s3;
	s0 =	sld [smem:$0x3F91]  }
0x30: {  	s3 =	sld [smem:$0x3F94]  }
0x31: {  	[smem:$0x3F9D] =	sst s10  }
0x32: {  	s10 =	sld [smem:$0x3F9B];
	_ =	sdelay $0x3  }
0x33: {  	p0 =	seq.s32 s10, $0x1;
	s10 =	sld [smem:$0x3F9D];
	_ =	sdelay $0x3  }
0x34: {  	[smem:$0x3F9D] =	sst s10  }
0x35: {  	s10 =	sld [smem:$0x3F9C];
	_ =	sdelay $0x3  }
0x36: {  	p1 =	seq.s32 s10, $0x1;
	s10 =	sld [smem:$0x3F9D];
	_ =	sdelay $0x3  }
0x37: {  	[smem:$0x3F9D] =	sst s10  }
0x38: {  	s10 =	sld [smem:$0x3F9E]  }
0x39: {  	_ = 	snop;
	(pc) =	sbr.ind lr, $3  }
0x3a: {  	_ = 	snop  }
0x3b: {  	_ = 	snop  }
0x3c: {  	p2 =	seq.s32 s10, $0x1;
	s10 =	sld [smem:$0x3F9D]  }
0x3d: {  	_ =	shalt  }
0x3e: {  	_ =	shalt  }
0x3f: {  	_ =	shalt  }
0x40: {  	_ =	shalt  }
0x41: {  	_ =	shalt  }
0x42: {  	_ =	shalt  }
0x43: {  	_ =	shalt  }
0x44: {  	_ =	shalt  }
0x45: {  	_ =	shalt  }
0x46: {  	_ =	shalt  }
0x47: {  	_ =	shalt  }
0x48: {  	_ =	shalt  }
0x49: {  	_ =	shalt  }
0x4a: {  	_ =	shalt  }
0x4b: {  	_ =	shalt  }
0x4c: {  	_ =	shalt  }
0x4d: {  	_ =	shalt  }
0x4e: {  	_ =	shalt  }
0x4f: {  	_ =	shalt  }
0x50: {  	_ =	shalt  }
0x51: {  	_ =	shalt  }
0x52: {  	_ =	shalt  }
0x53: {  	_ =	shalt  }
0x54: {  	_ =	shalt  }
0x55: {  	_ =	shalt  }
0x56: {  	_ =	shalt  }
0x57: {  	_ =	shalt  }
0x58: {  	_ =	shalt  }
0x59: {  	_ =	shalt  }
0x5a: {  	_ =	shalt  }
0x5b: {  	_ =	shalt  }
0x5c: {  	_ =	shalt  }
0x5d: {  	_ =	shalt  }
0x5e: {  	_ =	shalt  }
0x5f: {  	_ =	shalt  }
0x60: {  	_ =	shalt  }
0x61: {  	_ =	shalt  }
0x62: {  	_ =	shalt  }
0x63: {  	_ =	shalt  }
0x64: {  	_ =	shalt  }
0x65: {  	_ =	shalt  }
0x66: {  	_ =	shalt  }
0x67: {  	_ =	shalt  }
0x68: {  	_ =	shalt  }
0x69: {  	_ =	shalt  }
0x6a: {  	_ =	shalt  }
0x6b: {  	_ =	shalt  }
0x6c: {  	_ =	shalt  }
0x6d: {  	_ =	shalt  }
0x6e: {  	_ =	shalt  }
0x6f: {  	_ =	shalt  }
0x70: {  	_ =	shalt  }
0x71: {  	_ =	shalt  }
0x72: {  	_ =	shalt  }
0x73: {  	_ =	shalt  }
0x74: {  	_ =	shalt  }
0x75: {  	_ =	shalt  }
0x76: {  	_ =	shalt  }
0x77: {  	_ =	shalt  }
0x78: {  	_ =	shalt  }
0x79: {  	_ =	shalt  }
0x7a: {  	_ =	shalt  }
0x7b: {  	_ =	shalt  }
0x7c: {  	_ =	shalt  }
0x7d: {  	_ =	shalt  }
0x7e: {  	_ =	shalt  }
0x7f: {  	_ =	shalt  }
0x80: {  	_ =	shalt  }
0x81: {  	_ =	shalt  }
0x82: {  	_ =	shalt  }
0x83: {  	_ =	shalt  }
0x84: {  	_ =	shalt  }
0x85: {  	_ =	shalt  }
0x86: {  	_ =	shalt  }
0x87: {  	_ =	shalt  }
.Lfunc_end0:
.L_simem_size_0:
called_computation.1_lowered:
.L_overlay_start_0:
0x88: {  	s2 =	sld [smem:$0x3FD9]  }
0x89: {  	s3 =	sld [smem:$0x3FFE];
	_ =	sdelay $0x1  }
0x8a: {  	s1 =	srdreg.scid  }
0x8b: {  	s0 =	sand.u32 $0x1, s1  }
0x8c: {  	s17 =	sshll.u32 s0, $0xA;
	s2 =	sadd.s32 s3, s2  }
0x8d: {  	s2 =	sadd.s32 s2, s17  }
0x8e: {  	[smem:$0x3FA9] =	sst s2  }
0x8f: {  	_ = 	snop  }
0x90: {  	s2 =	sld [smem:$0x3FD0];
	(tm) =	ssettm $0x1  }
0x91: {  	s18 =	sld [smem:$0x3FFB];
	_ =	sdelay $0x3  }
0x92: {  	_ =	strace s18  }
0x93: {  	s3 =	sld [smem:$0x3FFC];
	_ =	sdelay $0x3  }
0x94: {  	_ =	strace s3  }
0x95: {  	s3 =	sld [smem:$0x3FFD];
	_ =	sdelay $0x3  }
0x96: {  	_ =	strace s3  }
0x97: {  	_ =	strace $0x8FFFFFFF  }
0x98: {  	s19 =	sld [smem:$0x3FDB];
	_ =	sdelay $0x1  }
0x99: {  	s4 =	simm.s32 $_scs_section_size  }
0x9a: {  	s5 =	simm.s32 $_size__tile_overlayer_lowered;
	s6 =	simm.s32 $_tile_overlayer_lowered  }
0x9b: {  	s22 =	simm.s32 $0x1BFF;
	s21 =	sshll.u32 s6, $0x1;
	s3 =	sadd.s32 s4, s19  }
0x9c: {  	s7 =	simm.s32 $0x0;
	s20 =	sshll.u32 s5, $0x1;
	s5 =	sadd.s32 s21, s3  }
0x9d: {  	[timem:s7], [sflag:s22] =	dma.local [hbm:s5], s20  }
0x9e: {  	_ =	swait.ge [sflag:s22], s20  }
0x9f: {  	s4 =	ssub.s32 $0x0, s20;
	[sflag:s22] =	ssyncset.done $0x0  }
0xa0: {  	[sflag:s22] =	ssyncadd.s32 s4;
	_ =	sdelay $0x1  }
0xa1: {  	s23 =	simm.s32 $0x1B8B  }
0xa2: {  	_ =	swait.ge [sflag:s23], $0x1  }
0xa3: {  	[sflag:s23] =	ssyncset.done $0x0  }
0xa4: {  	s25 =	simm.s32 $0x1B8E;
	s24 =	sld [smem:$0x3FFE];
	[sflag:s23] =	ssyncadd.s32 $0xFFFFFFFF  }
0xa5: {  	s26 =	simm.s32 $execute0_lowered;
	[smem:$0x3FD2] =	sst s25  }
0xa6: {  	s5 =	sshll.u32 s26, $0x1;
	_ =	strace $0x80000046;
	[dreg:$0x1] =	wrdreg $0xFFFFFFFF  }
0xa7: {  	s28 =	simm.s32 $_size_execute0_lowered;
	s3 =	sadd.s32 s3, s5;
	[dreg:$0x0] =	wrdreg $0x0  }
0xa8: {  	s5 =	sshll.u32 s28, $0x1;
	[dreg:$0x2] =	wrdreg s3  }
0xa9: {  	[dreg:$0x3] =	wrdreg s5  }
0xaa: {  	[dreg:$0x4] =	wrdreg $0xC0  }
0xab: {  	_ =	task [dreg:s7], $0x5FFFF  }
0xac: {  	[dreg:$0x1] =	wrdreg $0xFFFFFFFF  }
0xad: {  	[dreg:$0x0] =	wrdreg $0x60  }
0xae: {  	[dreg:$0x2] =	wrdreg s24  }
0xaf: {  	[dreg:$0x3] =	wrdreg s2  }
0xb0: {  	[dreg:$0x4] =	wrdreg $0x102800  }
0xb1: {  	[dreg:$0x5] =	wrdreg $0xA  }
0xb2: {  	_ =	task.clear_ibuf [dreg:s7], $0x6FFFF;
	_ =	strace $0x90000046  }
0xb3: {  	s29 =	simm.s32 $0xA;
	_ =	strace $0x80000048  }
0xb4: {  	_ =	swait.ge [sflag:s29], $0x1  }
0xb5: {  	[sflag:s29] =	ssyncadd.s32 $0xFFFFFFFF  }
0xb6: {  	_ =	strace $0x90000048  }
0xb7: {  	_ =	sfence  }
0xb8: {  	s30 =	sld [smem:$0x0];
	_ =	sdelay $0x2  }
0xb9: {  	s31 =	sshll.u32 s1, $0xD;
	s1 =	sshrl.u32 s1, $0x2  }
0xba: {  	s3 =	sand.u32 $0x4000, s31;
	s1 =	sadd.s32 s1, s30  }
0xbb: {  	s0 =	sor.u32 s3, s0;
	s1 =	sshll.u32 s1, $0x11  }
0xbc: {  	s0 =	sor.u32 s1, s0  }
0xbd: {  	s0 =	sadd.s32 $0x8F2B, s0  }
0xbe: {  	[sflag:s0] =	ssyncadd.remote.s32 $0x1  }
0xbf: {  	_ =	sfence.sel $0xFFFF  }
0xc0: {  	[dreg:$0x0] =	wrdreg $0xFFFFFFFF;
	(pc) =	sbr.abs _section_cstart, $3  }
0xc1: {  	[dreg:$0x1] =	wrdreg $0xFFFFFFFF  }
0xc2: {  	_ =	task.clear_ibuf [dreg:s7], $0x2FFFF;
	_ =	strace $0x9FFFFFFF  }
0xc3: {  	(tm) =	ssettm $0x7FFFFFFF  }
tec
execute0_lowered:
.L_overlay_start_1:
0x0: {  	(tag) =	ssettag $0x1  }
0x1: {  	s0 =	rddreg [dreg:$0x0]  }
0x2: {  	s2 =	rddreg [dreg:$0x1]  }
0x3: {  	s5 =	rddreg [dreg:$0x2];
	s1 =	simm.s32 $0x0;
	s3 =	srdreg.scid  }
0x4: {  	s16 =	stileid.u32;
	s17 =	simm.s32 $0x100;
	s18 =	simm.s32 $0x180  }
0x5: {  	s19 =	simm.s32 $0x8280;
	s20 =	simm.s32 $0xC280;
	s21 =	simm.s32 $0x1  }
0x6: {  	s22 =	simm.s32 $0x200;
	[smem:$0x7FF] =	sst s1;
	s7 =	sand.u32 $0x1, s3  }
0x7: {  	s3 =	sadd.s32 $0x12200, s0;
	s4 =	sadd.s32 $0x39400, s0;
	s12 =	sadd.s32 $0x8000, s0  }
0x8: {  	s0 =	sadd.s32 $0x87800, s0;
	s11 =	sshll.u32 s16, $0x7;
	s24 =	sshll.u32 s16, $0xF  }
0x9: {  	s14 =	sshll.u32 s16, $0xB;
	_ =	strace $0x80000047;
	s6 =	ssub.s32 $0x2, s7  }
0xa: {  	s23 =	sshll.u32 s7, $0x4;
	s9 =	sor.u32 $0x4E000, s11;
	s5 =	sadd.s32 s24, s5  }
0xb: {  	s29 =	sshll.u32 s7, $0xF;
	s30 =	sshll.u32 s7, $0x8;
	s7 =	sshll.u32 s7, $0xB  }
0xc: {  	s24 =	simm.s32 $0x3;
	s8 =	sshrl.u32 s6, $0x1;
	s25 =	sor.u32 s16, s23  }
0xd: {  	s26 =	sshrl.u32 s9, $0x3;
	s9 =	sshll.u32 s9, $0x4;
	s15 =	sadd.s32 s30, s2  }
0xe: {  	s16 =	sshll.u32 s16, $0x4;
	s7 =	sor.u32 s11, s7;
	s23 =	simm.s32 $0x2  }
0xf: {  	s10 =	ssub.s32 s6, s8;
	s6 =	sadd.s32 $0x4000, s5;
	s13 =	sadd.s32 s12, s26  }
0x10: {  	s8 =	sadd.s32 s2, s26;
	s28 =	sadd.s32 s0, s9;
	s0 =	sadd.s32 s29, s0  }
0x11: {  	s15 =	sadd.s32 s16, s15;
	s7 =	sshrl.u32 s7, $0x3;
	[dreg:$0x7] =	wrdreg s13  }
0x12: {  	p0 =	sgt.u32 s25, $0x3;
	s25 =	simm.s32 $0x4;
	[dreg:$0x8] =	wrdreg s8  }
0x13: {  	s26 =	simm.s32 $0x0;
	[dreg:$0x9] =	wrdreg s28;
	s10 =	smax.u32 s10, $0x1  }
0x14: {  	s13 =	sadd.s32 s30, s12;
	s15 =	sadd.s32 $0x200, s15;
	s0 =	sadd.s32 s14, s0  }
0x15: {  	v0 =	vlaneseq.u32;
	s2 =	sadd.s32 s7, s2;
	s12 =	sadd.s32 s7, s12;
	s14 =	simm.s32 $0x80  }
0x16: {  	v1 =	vor.u32 $0x10, v0;
	s13 =	sadd.s32 s16, s13;
	[dreg:$0x4] =	wrdreg s15;
	s11 =	sadd.s32 $0x10000, s0  }
0x17: {  	v2 =	vor.u32 $0x20, v0;
	v3 =	vor.u32 $0x30, v0;
	v4 =	vor.u32 $0x40, v0;
	[dreg:$0x6] =	wrdreg s2;
	s15 =	simm.s32 $0x280;
	s31 =	sadd.s32 $0x200, s13  }
0x18: {  	v5 =	vor.u32 $0x50, v0;
	v6 =	vor.u32 $0x60, v0;
	v7 =	vor.u32 $0x70, v0;
	s16 =	simm.s32 $0x4280;
	s13 =	simm.s32 $0x5;
	[dreg:$0x5] =	wrdreg s31  }
.LBB2_1:
0x19: {  	[tilespmem:$0x200] =	vst v0  }
0x1a: {  	[tilespmem:$0x210] =	vst v1  }
0x1b: {  	[tilespmem:$0x220] =	vst v2  }
0x1c: {  	[tilespmem:$0x230] =	vst v3  }
0x1d: {  	[tilespmem:$0x240] =	vst v4  }
0x1e: {  	[tilespmem:$0x250] =	vst v5  }
0x1f: {  	[tilespmem:$0x260] =	vst v6  }
0x20: {  	[tilespmem:$0x270] =	vst v7;
	s0 =	sadd.s32 $0x0, s12  }
0x21: {  	[tilespmem:s1], [sflag:$0x5] =	stream.linear.gather [hbm4b:s0+s1], $0x80, $0x38;
	[tilespmem:$0x18280] =	vst v63  }
0x22: {  	_ =	swait.ge [sflag:s13], $0x80  }
0x23: {  	s2 =	rddreg [dreg:$0x6];
	[sflag:s13] =	ssyncset.done $0x0  }
0x24: {  	[sflag:s13] =	ssyncadd.s32 $0xFFFFFF80;
	s0 =	sadd.s32 $0x0, s2  }
0x25: {  	[tilespmem:s14], [sflag:$0x5] =	stream.linear.gather [hbm4b:s0+s1], $0x80, $0x38;
	[tilespmem:$0x18280] =	vst v63  }
0x26: {  	_ =	swait.ge [sflag:s13], $0x80  }
0x27: {  	[sflag:s13] =	ssyncset.done $0x0  }
0x28: {  	[sflag:s13] =	ssyncadd.s32 $0xFFFFFF80  }
0x29: {  	[tilespmem:s15], [sflag:$0x1] =	stream.indirect.gather [hbm4b:s3+s14], $0x80, s1, s14, $0xb8;
	[tilespmem:$0x18280] =	vst v63  }
0x2a: {  	s7 =	rddreg [dreg:$0x5]  }
0x2b: {  	[tilespmem:s16], [sflag:$0x2] =	stream.indirect.gather [hbm4b:s4+s14], $0x80, s14, s14, $0xb8;
	[tilespmem:$0x18280] =	vst v63  }
0x2c: {  	s0 =	sadd.s32 $0x0, s7  }
0x2d: {  	[tilespmem:s17], [sflag:$0x5] =	stream.linear.gather [hbm4b:s0+s1], $0x80, $0x38;
	[tilespmem:$0x18280] =	vst v63  }
0x2e: {  	_ =	swait.ge [sflag:s13], $0x80  }
0x2f: {  	s8 =	rddreg [dreg:$0x4];
	[sflag:s13] =	ssyncset.done $0x0  }
0x30: {  	[sflag:s13] =	ssyncadd.s32 $0xFFFFFF80;
	s0 =	sadd.s32 $0x0, s8  }
0x31: {  	[tilespmem:s18], [sflag:$0x5] =	stream.linear.gather [hbm4b:s0+s1], $0x80, $0x38;
	[tilespmem:$0x18280] =	vst v63  }
0x32: {  	_ =	swait.ge [sflag:s13], $0x80  }
0x33: {  	[sflag:s13] =	ssyncset.done $0x0  }
0x34: {  	[sflag:s13] =	ssyncadd.s32 $0xFFFFFF80  }
0x35: {  	[tilespmem:s19], [sflag:$0x3] =	stream.indirect.gather [hbm4b:s3+s14], $0x80, s17, s14, $0xb8;
	[tilespmem:$0x18280] =	vst v63  }
0x36: {  	_ = 	snop  }
0x37: {  	[tilespmem:s20], [sflag:$0x4] =	stream.indirect.gather [hbm4b:s4+s14], $0x80, s18, s14, $0xb8;
	[tilespmem:$0x18280] =	vst v63  }
0x38: {  	_ =	swait.ge [sflag:s21], $0x4000  }
0x39: {  	[sflag:s21] =	ssyncset.done $0x0  }
0x3a: {  	[sflag:s21] =	ssyncadd.s32 $0xFFFFC000  }
0x3b: {  	[spmem:s5] =	stream.indirect.scatter [tilespmem:s15], [sflag:$0x5], $0x80, s22, s14, $0xb8;
	[tilespmem:$0x18280] =	vst v63  }
0x3c: {  	_ =	swait.ge [sflag:s13], $0x4000  }
0x3d: {  	[sflag:s13] =	ssyncset.done $0x0  }
0x3e: {  	[sflag:s13] =	ssyncadd.s32 $0xFFFFC000  }
0x3f: {  	_ =	swait.ge [sflag:s23], $0x4000  }
0x40: {  	[sflag:s23] =	ssyncset.done $0x0  }
0x41: {  	[sflag:s23] =	ssyncadd.s32 $0xFFFFC000  }
0x42: {  	[spmem:s5] =	stream.indirect.scatter.add.f32 [tilespmem:s16], [sflag:$0x5], $0x80, s22, s14, $0xb8;
	[tilespmem:$0x18280] =	vst v63  }
0x43: {  	s9 =	stileid.u32;
	_ =	swait.ge [sflag:s13], $0x4000  }
0x44: {  	s29 =	sshrl.u32 s5, $0x3;
	s0 =	sshll.u32 s9, $0x6;
	[sflag:s13] =	ssyncset.done $0x0  }
0x45: {  	s2 =	sadd.s32 $0xFFFF0000, s11;
	s28 =	sor.u32 $0x1C05, s0;
	[sflag:s13] =	ssyncadd.s32 $0xFFFFC000  }
0x46: {  	[hbm:s2], [sflag:s28] =	dma.local [spmem:s29], $0x800  }
0x47: {  	_ =	swait.ge [sflag:s13], $0x800  }
0x48: {  	[sflag:s13] =	ssyncset.done $0x0  }
0x49: {  	[sflag:s13] =	ssyncadd.s32 $0xFFFFF800  }
0x4a: {  	_ =	swait.ge [sflag:s24], $0x4000  }
0x4b: {  	[sflag:s24] =	ssyncset.done $0x0  }
0x4c: {  	[sflag:s24] =	ssyncadd.s32 $0xFFFFC000  }
0x4d: {  	[spmem:s6] =	stream.indirect.scatter [tilespmem:s19], [sflag:$0x5], $0x80, s22, s14, $0xb8;
	[tilespmem:$0x18280] =	vst v63  }
0x4e: {  	_ =	swait.ge [sflag:s13], $0x4000  }
0x4f: {  	[sflag:s13] =	ssyncset.done $0x0  }
0x50: {  	[sflag:s13] =	ssyncadd.s32 $0xFFFFC000  }
0x51: {  	_ =	swait.ge [sflag:s25], $0x4000  }
0x52: {  	[sflag:s25] =	ssyncset.done $0x0  }
0x53: {  	[sflag:s25] =	ssyncadd.s32 $0xFFFFC000  }
0x54: {  	[spmem:s6] =	stream.indirect.scatter.add.f32 [tilespmem:s20], [sflag:$0x5], $0x80, s22, s14, $0xb8;
	[tilespmem:$0x18280] =	vst v63  }
0x55: {  	_ =	swait.ge [sflag:s13], $0x4000  }
0x56: {  	[sflag:s13] =	ssyncset.done $0x0  }
0x57: {  	s30 =	sshrl.u32 s6, $0x3;
	[sflag:s13] =	ssyncadd.s32 $0xFFFFC000  }
0x58: {  	[hbm:s11], [sflag:s28] =	dma.local [spmem:s30], $0x800  }
0x59: {  	s31 =	sadd.s32 $0x20000, s11;
	_ =	swait.ge [sflag:s13], $0x800  }
0x5a: {  	s0 =	simm.s32 $0x400;
	s2 =	simm.s32 $0x800;
	[sflag:s13] =	ssyncset.done $0x0  }
.LBB2_2:
0x5b: {  	s8 =	sadd.s32 s0, s12;
	[sflag:s13] =	ssyncadd.s32 $0xFFFFF800  }
0x5c: {  	[tilespmem:s1], [sflag:$0x5] =	stream.linear.gather [hbm4b:s8+s1], $0x80, $0x38;
	[tilespmem:$0x18280] =	vst v63  }
0x5d: {  	s9 =	smov.u32 s2;
	_ =	swait.ge [sflag:s13], $0x80  }
0x5e: {  	s7 =	sadd.s32 $0x400, s2;
	s8 =	rddreg [dreg:$0x6];
	[sflag:s13] =	ssyncset.done $0x0  }
0x5f: {  	p1 =	sne.s32 s2, $0x9800;
	[sflag:s13] =	ssyncadd.s32 $0xFFFFFF80;
	s2 =	sadd.s32 s0, s8  }
0x60: {  	[tilespmem:s14], [sflag:$0x5] =	stream.linear.gather [hbm4b:s2+s1], $0x80, $0x38;
	[tilespmem:$0x18280] =	vst v63  }
0x61: {  	_ =	swait.ge [sflag:s13], $0x80  }
0x62: {  	[sflag:s13] =	ssyncset.done $0x0  }
0x63: {  	[sflag:s13] =	ssyncadd.s32 $0xFFFFFF80  }
0x64: {  	[tilespmem:s15], [sflag:$0x1] =	stream.indirect.gather [hbm4b:s3+s14], $0x80, s1, s14, $0xb8;
	[tilespmem:$0x18280] =	vst v63  }
0x65: {  	s8 =	rddreg [dreg:$0x5]  }
0x66: {  	[tilespmem:s16], [sflag:$0x2] =	stream.indirect.gather [hbm4b:s4+s14], $0x80, s14, s14, $0xb8;
	[tilespmem:$0x18280] =	vst v63  }
0x67: {  	s2 =	sadd.s32 s0, s8  }
0x68: {  	[tilespmem:s17], [sflag:$0x5] =	stream.linear.gather [hbm4b:s2+s1], $0x80, $0x38;
	[tilespmem:$0x18280] =	vst v63  }
0x69: {  	_ =	swait.ge [sflag:s13], $0x80  }
0x6a: {  	s8 =	rddreg [dreg:$0x4];
	[sflag:s13] =	ssyncset.done $0x0  }
0x6b: {  	[sflag:s13] =	ssyncadd.s32 $0xFFFFFF80;
	s2 =	sadd.s32 s0, s8  }
0x6c: {  	[tilespmem:s18], [sflag:$0x5] =	stream.linear.gather [hbm4b:s2+s1], $0x80, $0x38;
	[tilespmem:$0x18280] =	vst v63  }
0x6d: {  	_ =	swait.ge [sflag:s13], $0x80  }
0x6e: {  	[sflag:s13] =	ssyncset.done $0x0  }
0x6f: {  	[sflag:s13] =	ssyncadd.s32 $0xFFFFFF80  }
0x70: {  	[tilespmem:s19], [sflag:$0x3] =	stream.indirect.gather [hbm4b:s3+s14], $0x80, s17, s14, $0xb8;
	[tilespmem:$0x18280] =	vst v63  }
0x71: {  	_ = 	snop  }
0x72: {  	[tilespmem:s20], [sflag:$0x4] =	stream.indirect.gather [hbm4b:s4+s14], $0x80, s18, s14, $0xb8;
	[tilespmem:$0x18280] =	vst v63  }
0x73: {  	_ =	swait.ge [sflag:s21], $0x4000  }
0x74: {  	[sflag:s21] =	ssyncset.done $0x0  }
0x75: {  	[sflag:s21] =	ssyncadd.s32 $0xFFFFC000  }
0x76: {  	[spmem:s5] =	stream.indirect.scatter [tilespmem:s15], [sflag:$0x5], $0x80, s22, s14, $0xb8;
	[tilespmem:$0x18280] =	vst v63  }
0x77: {  	_ =	swait.ge [sflag:s13], $0x4000  }
0x78: {  	[sflag:s13] =	ssyncset.done $0x0  }
0x79: {  	[sflag:s13] =	ssyncadd.s32 $0xFFFFC000  }
0x7a: {  	_ =	swait.ge [sflag:s23], $0x4000  }
0x7b: {  	[sflag:s23] =	ssyncset.done $0x0  }
0x7c: {  	[sflag:s23] =	ssyncadd.s32 $0xFFFFC000  }
0x7d: {  	[spmem:s5] =	stream.indirect.scatter.add.f32 [tilespmem:s16], [sflag:$0x5], $0x80, s22, s14, $0xb8;
	[tilespmem:$0x18280] =	vst v63  }
0x7e: {  	_ =	swait.ge [sflag:s13], $0x4000  }
0x7f: {  	[sflag:s13] =	ssyncset.done $0x0  }
0x80: {  	s0 =	smov.u32 s9;
	s9 =	sadd.s32 $0xFFFF0000, s31;
	[sflag:s13] =	ssyncadd.s32 $0xFFFFC000  }
0x81: {  	[hbm:s9], [sflag:s28] =	dma.local [spmem:s29], $0x800  }
0x82: {  	_ =	swait.ge [sflag:s13], $0x800  }
0x83: {  	[sflag:s13] =	ssyncset.done $0x0  }
0x84: {  	[sflag:s13] =	ssyncadd.s32 $0xFFFFF800  }
0x85: {  	_ =	swait.ge [sflag:s24], $0x4000  }
0x86: {  	[sflag:s24] =	ssyncset.done $0x0  }
0x87: {  	[sflag:s24] =	ssyncadd.s32 $0xFFFFC000  }
0x88: {  	[spmem:s6] =	stream.indirect.scatter [tilespmem:s19], [sflag:$0x5], $0x80, s22, s14, $0xb8;
	[tilespmem:$0x18280] =	vst v63  }
0x89: {  	_ =	swait.ge [sflag:s13], $0x4000  }
0x8a: {  	[sflag:s13] =	ssyncset.done $0x0  }
0x8b: {  	[sflag:s13] =	ssyncadd.s32 $0xFFFFC000  }
0x8c: {  	_ =	swait.ge [sflag:s25], $0x4000  }
0x8d: {  	[sflag:s25] =	ssyncset.done $0x0  }
0x8e: {  	[sflag:s25] =	ssyncadd.s32 $0xFFFFC000  }
0x8f: {  	[spmem:s6] =	stream.indirect.scatter.add.f32 [tilespmem:s20], [sflag:$0x5], $0x80, s22, s14, $0xb8;
	[tilespmem:$0x18280] =	vst v63  }
0x90: {  	_ =	swait.ge [sflag:s13], $0x4000  }
.Ltmp0:
0x91: {  	[sflag:s13] =	ssyncset.done $0x0;
	(pc) =	sbr.rel @p1 .LBB2_2-.Ltmp0, $4  }
0x92: {  	[sflag:s13] =	ssyncadd.s32 $0xFFFFC000  }
0x93: {  	[hbm:s31], [sflag:s28] =	dma.local [spmem:s30], $0x800  }
0x94: {  	_ =	swait.ge [sflag:s13], $0x800  }
0x95: {  	s2 =	smov.u32 s7;
	s31 =	sadd.s32 $0x20000, s31;
	[sflag:s13] =	ssyncset.done $0x0  }
0x96: {  	s2 =	sadd.s32 s0, s12;
	[sflag:s13] =	ssyncadd.s32 $0xFFFFF800  }
0x97: {  	[tilespmem:s1], [sflag:$0x5] =	stream.linear.gather [hbm4b:s2+s1], $0x80, $0x38;
	[tilespmem:$0x18280] =	vst v63  }
0x98: {  	_ =	swait.ge [sflag:s13], $0x80  }
0x99: {  	s8 =	rddreg [dreg:$0x6];
	[sflag:s13] =	ssyncset.done $0x0  }
0x9a: {  	[sflag:s13] =	ssyncadd.s32 $0xFFFFFF80;
	s2 =	sadd.s32 s0, s8  }
0x9b: {  	[tilespmem:s14], [sflag:$0x5] =	stream.linear.gather [hbm4b:s2+s1], $0x80, $0x38;
	[tilespmem:$0x18280] =	vst v63  }
0x9c: {  	_ =	swait.ge [sflag:s13], $0x80  }
0x9d: {  	[sflag:s13] =	ssyncset.done $0x0  }
0x9e: {  	[sflag:s13] =	ssyncadd.s32 $0xFFFFFF80  }
0x9f: {  	[tilespmem:s15], [sflag:$0x1] =	stream.indirect.gather [hbm4b:s3+s14], $0x80, s1, s14, $0xb8;
	[tilespmem:$0x18280] =	vst v63  }
0xa0: {  	s9 =	rddreg [dreg:$0x5]  }
0xa1: {  	[tilespmem:s16], [sflag:$0x2] =	stream.indirect.gather [hbm4b:s4+s14], $0x80, s14, s14, $0xb8;
	[tilespmem:$0x18280] =	vst v63  }
0xa2: {  	s2 =	sadd.s32 s0, s9  }
0xa3: {  	[tilespmem:s17], [sflag:$0x5] =	stream.linear.gather [hbm4b:s2+s1], $0x80, $0x38;
	[tilespmem:$0x18280] =	vst v63  }
0xa4: {  	_ =	swait.ge [sflag:s13], $0x80  }
0xa5: {  	s7 =	rddreg [dreg:$0x4];
	[sflag:s13] =	ssyncset.done $0x0  }
0xa6: {  	[sflag:s13] =	ssyncadd.s32 $0xFFFFFF80;
	s8 =	sadd.s32 s0, s7  }
0xa7: {  	[tilespmem:s18], [sflag:$0x5] =	stream.linear.gather [hbm4b:s8+s1], $0x80, $0x38;
	[tilespmem:$0x18280] =	vst v63  }
0xa8: {  	_ =	swait.ge [sflag:s13], $0x80  }
0xa9: {  	[sflag:s13] =	ssyncset.done $0x0  }
0xaa: {  	[sflag:s13] =	ssyncadd.s32 $0xFFFFFF80  }
0xab: {  	[tilespmem:s19], [sflag:$0x3] =	stream.indirect.gather [hbm4b:s3+s14], $0x80, s17, s14, $0xb8;
	[tilespmem:$0x18280] =	vst v63  }
0xac: {  	_ = 	snop  }
0xad: {  	[tilespmem:s20], [sflag:$0x4] =	stream.indirect.gather [hbm4b:s4+s14], $0x80, s18, s14, $0xb8;
	[tilespmem:$0x18280] =	vst v63  }
0xae: {  	_ =	swait.ge [sflag:s21], $0x4000  }
0xaf: {  	[sflag:s21] =	ssyncset.done $0x0  }
0xb0: {  	[sflag:s21] =	ssyncadd.s32 $0xFFFFC000  }
0xb1: {  	[spmem:s5] =	stream.indirect.scatter [tilespmem:s15], [sflag:$0x5], $0x80, s22, s14, $0xb8;
	[tilespmem:$0x18280] =	vst v63  }
0xb2: {  	_ =	swait.ge [sflag:s13], $0x4000  }
0xb3: {  	[sflag:s13] =	ssyncset.done $0x0  }
0xb4: {  	[sflag:s13] =	ssyncadd.s32 $0xFFFFC000  }
0xb5: {  	_ =	swait.ge [sflag:s23], $0x4000  }
0xb6: {  	[sflag:s23] =	ssyncset.done $0x0  }
0xb7: {  	[sflag:s23] =	ssyncadd.s32 $0xFFFFC000  }
0xb8: {  	[spmem:s5] =	stream.indirect.scatter.add.f32 [tilespmem:s16], [sflag:$0x5], $0x80, s22, s14, $0xb8;
	[tilespmem:$0x18280] =	vst v63  }
0xb9: {  	_ =	swait.ge [sflag:s13], $0x4000  }
0xba: {  	[sflag:s13] =	ssyncset.done $0x0  }
0xbb: {  	s9 =	sadd.s32 $0xFFFF0000, s31;
	[sflag:s13] =	ssyncadd.s32 $0xFFFFC000  }
0xbc: {  	[hbm:s9], [sflag:s28] =	dma.local [spmem:s29], $0x800  }
0xbd: {  	_ =	swait.ge [sflag:s13], $0x800  }
0xbe: {  	[sflag:s13] =	ssyncset.done $0x0  }
0xbf: {  	[sflag:s13] =	ssyncadd.s32 $0xFFFFF800  }
0xc0: {  	_ =	swait.ge [sflag:s24], $0x4000  }
0xc1: {  	[sflag:s24] =	ssyncset.done $0x0  }
0xc2: {  	[sflag:s24] =	ssyncadd.s32 $0xFFFFC000  }
0xc3: {  	[spmem:s6] =	stream.indirect.scatter [tilespmem:s19], [sflag:$0x5], $0x80, s22, s14, $0xb8;
	[tilespmem:$0x18280] =	vst v63  }
0xc4: {  	_ =	swait.ge [sflag:s13], $0x4000  }
0xc5: {  	[sflag:s13] =	ssyncset.done $0x0  }
0xc6: {  	[sflag:s13] =	ssyncadd.s32 $0xFFFFC000  }
0xc7: {  	_ =	swait.ge [sflag:s25], $0x4000  }
0xc8: {  	[sflag:s25] =	ssyncset.done $0x0  }
0xc9: {  	[sflag:s25] =	ssyncadd.s32 $0xFFFFC000  }
0xca: {  	[spmem:s6] =	stream.indirect.scatter.add.f32 [tilespmem:s20], [sflag:$0x5], $0x80, s22, s14, $0xb8;
	[tilespmem:$0x18280] =	vst v63  }
0xcb: {  	_ =	swait.ge [sflag:s13], $0x4000  }
0xcc: {  	[sflag:s13] =	ssyncset.done $0x0  }
0xcd: {  	[sflag:s13] =	ssyncadd.s32 $0xFFFFC000  }
0xce: {  	[hbm:s31], [sflag:s28] =	dma.local [spmem:s30], $0x800  }
0xcf: {  	_ =	swait.ge [sflag:s13], $0x800  }
0xd0: {  	[sflag:s13] =	ssyncset.done $0x0  }
0xd1: {  	s0 =	simm.s32 @!p0 $0x0;
	s2 =	rddreg [dreg:$0x7];
	[sflag:s13] =	ssyncadd.s32 $0xFFFFF800  }
0xd2: {  	[tilespmem:s0], [sflag:$0x5] =	stream.linear.gather @!p0 [hbm4b:s2+s0], $0x80, $0x38;
	[tilespmem:$0x18280] =	vst v63  }
0xd3: {  	s2 =	simm.s32 @!p0 $0x5  }
0xd4: {  	_ =	swait.ge @!p0 [sflag:s2], $0x80  }
0xd5: {  	[sflag:s2] =	ssyncset.done @!p0 $0x0  }
0xd6: {  	s7 =	simm.s32 @!p0 $0x80;
	s8 =	rddreg [dreg:$0x8];
	[sflag:s2] =	ssyncadd.s32 @!p0 $0xFFFFFF80  }
0xd7: {  	[tilespmem:s7], [sflag:$0x5] =	stream.linear.gather @!p0 [hbm4b:s8+s0], $0x80, $0x38;
	[tilespmem:$0x18280] =	vst v63  }
0xd8: {  	_ =	swait.ge @!p0 [sflag:s2], $0x80  }
0xd9: {  	[sflag:s2] =	ssyncset.done @!p0 $0x0  }
0xda: {  	s8 =	simm.s32 @!p0 $0x280;
	[sflag:s2] =	ssyncadd.s32 @!p0 $0xFFFFFF80  }
0xdb: {  	[tilespmem:s8], [sflag:$0x1] =	stream.indirect.gather @!p0 [hbm4b:s3+s7], $0x80, s0, s7, $0xb8;
	[tilespmem:$0x18280] =	vst v63  }
0xdc: {  	s9 =	simm.s32 @!p0 $0x1;
	s0 =	simm.s32 @!p0 $0x4280  }
0xdd: {  	[tilespmem:s0], [sflag:$0x2] =	stream.indirect.gather @!p0 [hbm4b:s4+s7], $0x80, s7, s7, $0xb8;
	[tilespmem:$0x18280] =	vst v63  }
0xde: {  	_ =	swait.ge @!p0 [sflag:s9], $0x4000  }
0xdf: {  	[sflag:s9] =	ssyncset.done @!p0 $0x0  }
0xe0: {  	[sflag:s9] =	ssyncadd.s32 @!p0 $0xFFFFC000;
	s9 =	simm.s32 @!p0 $0x200  }
0xe1: {  	[spmem:s5] =	stream.indirect.scatter @!p0 [tilespmem:s8], [sflag:$0x5], $0x80, s9, s7, $0xb8;
	[tilespmem:$0x18280] =	vst v63  }
0xe2: {  	_ =	swait.ge @!p0 [sflag:s2], $0x4000  }
0xe3: {  	[sflag:s2] =	ssyncset.done @!p0 $0x0  }
0xe4: {  	s8 =	simm.s32 @!p0 $0x2;
	[sflag:s2] =	ssyncadd.s32 @!p0 $0xFFFFC000  }
0xe5: {  	_ =	swait.ge @!p0 [sflag:s8], $0x4000  }
0xe6: {  	[sflag:s8] =	ssyncset.done @!p0 $0x0  }
0xe7: {  	[sflag:s8] =	ssyncadd.s32 @!p0 $0xFFFFC000  }
0xe8: {  	[spmem:s5] =	stream.indirect.scatter.add.f32 @!p0 [tilespmem:s0], [sflag:$0x5], $0x80, s9, s7, $0xb8;
	[tilespmem:$0x18280] =	vst v63  }
0xe9: {  	s26 =	sadd.s32 $0x1, s26;
	_ =	swait.ge @!p0 [sflag:s2], $0x4000  }
0xea: {  	p1 =	sne.s32 s26, s10;
	s0 =	sshrl.u32 @!p0 s5, $0x3;
	[sflag:s2] =	ssyncset.done @!p0 $0x0  }
.Ltmp1:
0xeb: {  	s7 =	rddreg [dreg:$0x9];
	[sflag:s2] =	ssyncadd.s32 @!p0 $0xFFFFC000;
	(pc) =	sbr.rel @p1 .LBB2_1-.Ltmp1, $4  }
0xec: {  	[hbm:s7], [sflag:s28] =	dma.local @!p0 [spmem:s0], $0x800  }
0xed: {  	_ =	swait.ge @!p0 [sflag:s2], $0x800  }
0xee: {  	[sflag:s2] =	ssyncset.done @!p0 $0x0  }
0xef: {  	[sflag:s2] =	ssyncadd.s32 @!p0 $0xFFFFF800  }
0xf0: {  	_ =	sfence.sel $0x180000  }
0xf1: {  	[bflag:$0x0] =	sbarrier.arrive $0xFFFF  }
0xf2: {  	_ =	strace $0x90000047  }
0xf3: {  	s0 =	stileid.u32;
	[bflag:$0x2] =	sbarrier.arrive $0xFFFF  }
0xf4: {  	p0 =	sne.s32 s0, $0x0;
	s0 =	rddreg [dreg:$0x3]  }
0xf5: {  	s0 =	sadd.s32 @!p0 $0x100000, s0  }
0xf6: {  	[sflag:s0] =	ssyncadd.tile.s32 @!p0 $0x1;
	_ =	shalt  }
.Lfunc_end2:
_tile_overlayer_lowered:
.L_overlay_start_2:
0xf7: {  	(tag) =	ssettag $0x2  }
0xf8: {  	s0 =	rddreg [dreg:$0x0];
	s2 =	stileid.u32  }
0xf9: {  	s1 =	rddreg [dreg:$0x1];
	p0 =	sne.s32 s2, $0x0  }
0xfa: {  	s3 =	rddreg [dreg:$0x2];
	[bflag:$0x3] =	sbarrier.arrive $0xFFFF;
	s2 =	simm.s32 @!p0 $0x1C05  }
0xfb: {  	[timem:s3], [sflag:s2] =	dma.local @!p0 [hbm:s0], s1  }
0xfc: {  	s0 =	simm.s32 @!p0 $0x5  }
0xfd: {  	_ =	swait.ge @!p0 [sflag:s0], s1  }
0xfe: {  	s1 =	ssub.s32 @!p0 $0x0, s1;
	[sflag:s0] =	ssyncset.done @!p0 $0x0  }
0xff: {  	[sflag:s0] =	ssyncadd.s32 @!p0 s1  }
0x100: {  	[bflag:$0x3] =	sbarrier.arrive $0xFFFF  }
0x101: {  	_ =	shalt  }

// kernel: kernel.23.cloned.1.call-start
scs
__scs_entry_jumppad:
0x0: {  	(pc) =	sbr.rel $0x88, $3  }
0x1: {  	(tag) =	ssettag $0x0;
	lr =	simm.s32 $0x1  }
0x2: {  	[smem:$0x3F82] =	sst lr;
	_ =	strace $0xD0000000  }
0x3: {  	_ = 	snop  }
0x4: {  	_ = 	snop  }
0x5: {  	_ = 	snop  }
0x6: {  	_ = 	snop  }
0x7: {  	_ = 	snop  }
__scs_overlays_trampoline_lowered:
0x8: {  	[smem:$0x3F91] =	sst s0  }
0x9: {  	[smem:$0x3F92] =	sst s1  }
0xa: {  	[smem:$0x3F93] =	sst s2  }
0xb: {  	[smem:$0x3F94] =	sst s3  }
0xc: {  	[smem:$0x3F95] =	sst s4  }
0xd: {  	[smem:$0x3F96] =	sst s5  }
0xe: {  	[smem:$0x3F97] =	sst s6  }
0xf: {  	[smem:$0x3F98] =	sst s7  }
0x10: {  	[smem:$0x3F99] =	sst s8  }
0x11: {  	[smem:$0x3F9A] =	sst s9;
	s0 =	simm.s32 @!p0 $0x0  }
0x12: {  	s1 =	sld [smem:$0x3F80];
	s0 =	simm.s32 @p0 $0x1  }
0x13: {  	[smem:$0x3F9B] =	sst s0;
	s0 =	simm.s32 @!p1 $0x0  }
0x14: {  	s2 =	sld [smem:$0x3F7F];
	s0 =	simm.s32 @p1 $0x1  }
0x15: {  	[smem:$0x3F9C] =	sst s0;
	s0 =	simm.s32 @!p2 $0x0  }
0x16: {  	s3 =	sld [smem:$0x3FDB];
	s0 =	simm.s32 @p2 $0x1  }
0x17: {  	s4 =	simm.s32 $0x1BF5;
	[smem:$0x3F9E] =	sst s0  }
0x18: {  	s0 =	sld [smem:$0x3F81];
	_ =	swait.ge [sflag:s4], $0x0  }
0x19: {  	s7 =	sld [smem:$0x3F82]  }
0x1a: {  	s8 =	sadd.s32 $0xFFFFE003, lr  }
0x1b: {  	s9 =	sadd.s32 $0xFFFFFEF7, lr;
	s5 =	simm.s32 $0xFFFFFFFF;
	p2 =	slt.u32 s8, $0xFFFFF086  }
0x1c: {  	p1 =	slt.u32 s9, $0xF7A;
	s5 =	simm.s32 @!p2 $0x0  }
0x1d: {  	s5 =	simm.s32 @p1 $0x1;
	p0 =	seq.s32 s7, s2  }
0x1e: {  	s7 =	smul.u32 @!p0 $0xF7A, s2;
	p2 =	seq.s32 @!p0 s5, $0x0  }
0x1f: {  	s9 =	smul.u32 $0xF7A, s1;
	s8 =	simm.s32 @!p0 $0x1BF5;
	p2 =	por !p2, p0  }
0x20: {  	[sflag:s8] =	ssyncset.s32 @!p0 $0xFFFFF086;
	s6 =	sadd.s32 @!p0 s3, s7;
	s7 =	simm.s32 @!p0 $0x108  }
0x21: {  	s3 =	sadd.s32 s3, s9;
	s6 =	sadd.s32 @!p0 $0x88, s6;
	s7 =	simm.s32 @p2 $0x1082  }
0x22: {  	[simem:s7], [sflag:s8] =	dma.local @!p0 [hbm:s6], $0xF7A  }
0x23: {  	s9 =	sor.u32 $0xD0000000, s2;
	s6 =	simm.s32 $0x108;
	_ =	swait.ge @!p0 [sflag:s8], $0x0  }
0x24: {  	s3 =	sadd.s32 $0x88, s3;
	s6 =	simm.s32 @!p1 $0x1082;
	[sflag:s4] =	ssyncset.s32 $0xFFFFF086  }
0x25: {  	[simem:s6], [sflag:s4] =	dma.local [hbm:s3], $0xF7A  }
0x26: {  	[smem:$0x3F82] =	sst s1;
	(tag) =	ssettag s2;
	_ =	strace s9  }
0x27: {  	s1 =	sld [smem:$0x3F92]  }
0x28: {  	s2 =	sld [smem:$0x3F93]  }
0x29: {  	s4 =	sld [smem:$0x3F95]  }
0x2a: {  	p0 =	seq.s32 s5, $0x0;
	s5 =	sld [smem:$0x3F96]  }
0x2b: {  	s6 =	sld [smem:$0x3F97]  }
0x2c: {  	s7 =	sld [smem:$0x3F98]  }
0x2d: {  	s3 =	simm.s32 $0x108;
	s8 =	sld [smem:$0x3F99]  }
0x2e: {  	s3 =	simm.s32 @!p0 $0x1082;
	s9 =	sld [smem:$0x3F9A]  }
0x2f: {  	lr =	sadd.s32 s0, s3;
	s0 =	sld [smem:$0x3F91]  }
0x30: {  	s3 =	sld [smem:$0x3F94]  }
0x31: {  	[smem:$0x3F9D] =	sst s10  }
0x32: {  	s10 =	sld [smem:$0x3F9B];
	_ =	sdelay $0x3  }
0x33: {  	p0 =	seq.s32 s10, $0x1;
	s10 =	sld [smem:$0x3F9D];
	_ =	sdelay $0x3  }
0x34: {  	[smem:$0x3F9D] =	sst s10  }
0x35: {  	s10 =	sld [smem:$0x3F9C];
	_ =	sdelay $0x3  }
0x36: {  	p1 =	seq.s32 s10, $0x1;
	s10 =	sld [smem:$0x3F9D];
	_ =	sdelay $0x3  }
0x37: {  	[smem:$0x3F9D] =	sst s10  }
0x38: {  	s10 =	sld [smem:$0x3F9E]  }
0x39: {  	_ = 	snop;
	(pc) =	sbr.ind lr, $3  }
0x3a: {  	_ = 	snop  }
0x3b: {  	_ = 	snop  }
0x3c: {  	p2 =	seq.s32 s10, $0x1;
	s10 =	sld [smem:$0x3F9D]  }
0x3d: {  	_ =	shalt  }
0x3e: {  	_ =	shalt  }
0x3f: {  	_ =	shalt  }
0x40: {  	_ =	shalt  }
0x41: {  	_ =	shalt  }
0x42: {  	_ =	shalt  }
0x43: {  	_ =	shalt  }
0x44: {  	_ =	shalt  }
0x45: {  	_ =	shalt  }
0x46: {  	_ =	shalt  }
0x47: {  	_ =	shalt  }
0x48: {  	_ =	shalt  }
0x49: {  	_ =	shalt  }
0x4a: {  	_ =	shalt  }
0x4b: {  	_ =	shalt  }
0x4c: {  	_ =	shalt  }
0x4d: {  	_ =	shalt  }
0x4e: {  	_ =	shalt  }
0x4f: {  	_ =	shalt  }
0x50: {  	_ =	shalt  }
0x51: {  	_ =	shalt  }
0x52: {  	_ =	shalt  }
0x53: {  	_ =	shalt  }
0x54: {  	_ =	shalt  }
0x55: {  	_ =	shalt  }
0x56: {  	_ =	shalt  }
0x57: {  	_ =	shalt  }
0x58: {  	_ =	shalt  }
0x59: {  	_ =	shalt  }
0x5a: {  	_ =	shalt  }
0x5b: {  	_ =	shalt  }
0x5c: {  	_ =	shalt  }
0x5d: {  	_ =	shalt  }
0x5e: {  	_ =	shalt  }
0x5f: {  	_ =	shalt  }
0x60: {  	_ =	shalt  }
0x61: {  	_ =	shalt  }
0x62: {  	_ =	shalt  }
0x63: {  	_ =	shalt  }
0x64: {  	_ =	shalt  }
0x65: {  	_ =	shalt  }
0x66: {  	_ =	shalt  }
0x67: {  	_ =	shalt  }
0x68: {  	_ =	shalt  }
0x69: {  	_ =	shalt  }
0x6a: {  	_ =	shalt  }
0x6b: {  	_ =	shalt  }
0x6c: {  	_ =	shalt  }
0x6d: {  	_ =	shalt  }
0x6e: {  	_ =	shalt  }
0x6f: {  	_ =	shalt  }
0x70: {  	_ =	shalt  }
0x71: {  	_ =	shalt  }
0x72: {  	_ =	shalt  }
0x73: {  	_ =	shalt  }
0x74: {  	_ =	shalt  }
0x75: {  	_ =	shalt  }
0x76: {  	_ =	shalt  }
0x77: {  	_ =	shalt  }
0x78: {  	_ =	shalt  }
0x79: {  	_ =	shalt  }
0x7a: {  	_ =	shalt  }
0x7b: {  	_ =	shalt  }
0x7c: {  	_ =	shalt  }
0x7d: {  	_ =	shalt  }
0x7e: {  	_ =	shalt  }
0x7f: {  	_ =	shalt  }
0x80: {  	_ =	shalt  }
0x81: {  	_ =	shalt  }
0x82: {  	_ =	shalt  }
0x83: {  	_ =	shalt  }
0x84: {  	_ =	shalt  }
0x85: {  	_ =	shalt  }
0x86: {  	_ =	shalt  }
0x87: {  	_ =	shalt  }
.Lfunc_end0:
.L_simem_size_0:
called_computation.2_lowered:
.L_overlay_start_0:
0x88: {  	s2 =	sld [smem:$0x3FD9]  }
0x89: {  	s3 =	sld [smem:$0x3FFE];
	_ =	sdelay $0x1  }
0x8a: {  	s1 =	srdreg.scid  }
0x8b: {  	s0 =	sand.u32 $0x1, s1  }
0x8c: {  	s17 =	sshll.u32 s0, $0xA;
	s2 =	sadd.s32 s3, s2  }
0x8d: {  	s2 =	sadd.s32 s2, s17  }
0x8e: {  	[smem:$0x3FA9] =	sst s2  }
0x8f: {  	_ = 	snop  }
0x90: {  	s18 =	sld [smem:$0x3FD0];
	(tm) =	ssettm $0x1  }
0x91: {  	s19 =	sld [smem:$0x3FFB];
	_ =	sdelay $0x3  }
0x92: {  	_ =	strace s19  }
0x93: {  	s2 =	sld [smem:$0x3FFC];
	_ =	sdelay $0x3  }
0x94: {  	_ =	strace s2  }
0x95: {  	s2 =	sld [smem:$0x3FFD];
	_ =	sdelay $0x3  }
0x96: {  	_ =	strace s2  }
0x97: {  	_ =	strace $0x8FFFFFFF  }
0x98: {  	s20 =	sld [smem:$0x3FDB];
	_ =	sdelay $0x1  }
0x99: {  	s4 =	simm.s32 $_scs_section_size  }
0x9a: {  	s5 =	simm.s32 $_size__tile_overlayer_lowered;
	s6 =	simm.s32 $_tile_overlayer_lowered  }
0x9b: {  	s7 =	simm.s32 $0x1BFF;
	s21 =	sshll.u32 s6, $0x1;
	s4 =	sadd.s32 s4, s20  }
0x9c: {  	s22 =	simm.s32 $0x0;
	s5 =	sshll.u32 s5, $0x1;
	s6 =	sadd.s32 s21, s4  }
0x9d: {  	[timem:s22], [sflag:s7] =	dma.local [hbm:s6], s5  }
0x9e: {  	_ =	swait.ge [sflag:s7], s5  }
0x9f: {  	s5 =	ssub.s32 $0x0, s5;
	[sflag:s7] =	ssyncset.done $0x0  }
0xa0: {  	[sflag:s7] =	ssyncadd.s32 s5;
	_ =	sdelay $0x1  }
0xa1: {  	s23 =	simm.s32 $0x1B8B  }
0xa2: {  	_ =	swait.ge [sflag:s23], $0x1  }
0xa3: {  	[sflag:s23] =	ssyncset.done $0x0  }
0xa4: {  	[sflag:s23] =	ssyncadd.s32 $0xFFFFFFFF  }
0xa5: {  	s5 =	sld [smem:$0x0]  }
0xa6: {  	s6 =	sand.u32 $0xFFFFFFFE, s1  }
0xa7: {  	p0 =	sne.s32 s1, s6  }
0xa8: {  	s6 =	sshll.u32 @p0 s6, $0xE  }
0xa9: {  	s6 =	sadd.s32 @p0 $0x11B8D, s6;
	s7 =	sshll.u32 @p0 s5, $0x11  }
0xaa: {  	s6 =	sor.u32 @p0 s7, s6  }
0xab: {  	[sflag:s6] =	ssyncadd.remote.s32 @p0 $0x1;
	_ =	sdelay $0x1  }
0xac: {  	s6 =	simm.s32 @p0 $0x1B8D  }
0xad: {  	_ =	swait.eq @p0 [sflag:s6], $0x1  }
0xae: {  	[sflag:s6] =	ssyncadd.s32 @p0 $0xFFFFFFFF  }
0xaf: {  	s7 =	sshll.u32 @!p0 s1, $0xE  }
0xb0: {  	s7 =	sor.u32 @!p0 $0x4000, s7;
	s6 =	simm.s32 @!p0 $0x1B8D  }
0xb1: {  	s5 =	sshll.u32 @!p0 s5, $0x11;
	s7 =	sadd.s32 @!p0 $0x11B8D, s7;
	_ =	swait.eq @!p0 [sflag:s6], $0x1  }
0xb2: {  	s5 =	sor.u32 @!p0 s5, s7;
	[sflag:s6] =	ssyncadd.s32 @!p0 $0xFFFFFFFF  }
0xb3: {  	s25 =	simm.s32 $0x1B8E;
	s24 =	sld [smem:$0x3FFE];
	[sflag:s5] =	ssyncadd.remote.s32 @!p0 $0x1  }
0xb4: {  	s26 =	simm.s32 $execute0_lowered;
	[smem:$0x3FD2] =	sst s25  }
0xb5: {  	s6 =	sshll.u32 s26, $0x1;
	_ =	strace $0x8000004C;
	[dreg:$0x1] =	wrdreg $0xFFFFFFFF  }
0xb6: {  	s28 =	simm.s32 $_size_execute0_lowered;
	s4 =	sadd.s32 s4, s6;
	[dreg:$0x0] =	wrdreg $0x0  }
0xb7: {  	s6 =	sshll.u32 s28, $0x1;
	[dreg:$0x2] =	wrdreg s4  }
0xb8: {  	[dreg:$0x3] =	wrdreg s6  }
0xb9: {  	[dreg:$0x4] =	wrdreg $0xC0  }
0xba: {  	_ =	task [dreg:s22], $0x5FFFF  }
0xbb: {  	[dreg:$0x1] =	wrdreg $0xFFFFFFFF  }
0xbc: {  	[dreg:$0x0] =	wrdreg $0x60  }
0xbd: {  	[dreg:$0x2] =	wrdreg s24  }
0xbe: {  	[dreg:$0x3] =	wrdreg s18  }
0xbf: {  	[dreg:$0x4] =	wrdreg $0x81000  }
0xc0: {  	[dreg:$0x5] =	wrdreg $0xA  }
0xc1: {  	_ =	task.clear_ibuf [dreg:s22], $0x6FFFF;
	_ =	strace $0x9000004C  }
0xc2: {  	s29 =	simm.s32 $0xA;
	_ =	strace $0x8000004E  }
0xc3: {  	_ =	swait.ge [sflag:s29], $0x1  }
0xc4: {  	[sflag:s29] =	ssyncadd.s32 $0xFFFFFFFF  }
0xc5: {  	_ =	strace $0x9000004E  }
0xc6: {  	_ =	sfence  }
0xc7: {  	s30 =	sld [smem:$0x0];
	_ =	sdelay $0x2  }
0xc8: {  	s31 =	sshll.u32 s1, $0xD;
	s1 =	sshrl.u32 s1, $0x2  }
0xc9: {  	s4 =	sand.u32 $0x4000, s31;
	s1 =	sadd.s32 s1, s30  }
0xca: {  	s0 =	sor.u32 s4, s0;
	s1 =	sshll.u32 s1, $0x11  }
0xcb: {  	s0 =	sor.u32 s1, s0  }
0xcc: {  	s0 =	sadd.s32 $0x8F2B, s0  }
0xcd: {  	[sflag:s0] =	ssyncadd.remote.s32 $0x1  }
0xce: {  	_ =	sfence.sel $0xFFFF  }
0xcf: {  	[dreg:$0x0] =	wrdreg $0xFFFFFFFF;
	(pc) =	sbr.abs _section_cstart, $3  }
0xd0: {  	[dreg:$0x1] =	wrdreg $0xFFFFFFFF  }
0xd1: {  	_ =	task.clear_ibuf [dreg:s22], $0x2FFFF;
	_ =	strace $0x9FFFFFFF  }
0xd2: {  	(tm) =	ssettm $0x7FFFFFFF  }
0xd3: {  	_ =	shalt  }
tec
execute0_lowered:
.L_overlay_start_1:
0x0: {  	(tag) =	ssettag $0x1  }
0x1: {  	s4 =	rddreg [dreg:$0x0]  }
0x2: {  	s15 =	rddreg [dreg:$0x1]  }
0x3: {  	s0 =	srdreg.scid;
	s2 =	rddreg [dreg:$0x2]  }
0x4: {  	s1 =	stileid.u32;
	s3 =	simm.s32 $0x0;
	s20 =	simm.s32 $0x1  }
0x5: {  	s13 =	sand.u32 $0x1, s0;
	s0 =	rddreg [dreg:$0x3];
	s6 =	smul.u32 $0x14000, s1  }
0x6: {  	s21 =	simm.s32 $0x2;
	[smem:$0x7FF] =	sst s3;
	s7 =	smul.u32 $0x50000, s1  }
0x7: {  	s14 =	sadd.s32 $0x5B9800, s4;
	s16 =	sshll.u32 s1, $0x7;
	s18 =	sshll.u32 s1, $0x4  }
0x8: {  	s31 =	sshll.u32 s1, $0xB;
	s5 =	smul.u32 $0x140000, s13;
	_ =	strace $0x8000004D  }
0x9: {  	s26 =	ssub.s32 $0x2, s13;
	s29 =	sshll.u32 s13, $0x4;
	s8 =	sor.u32 $0x4E000, s16  }
0xa: {  	s17 =	sshll.u32 s13, $0x8;
	s19 =	sshll.u32 s13, $0xF;
	s13 =	sshll.u32 s13, $0xB  }
0xb: {  	s28 =	sshrl.u32 s26, $0x1;
	s30 =	sshrl.u32 s7, $0x2;
	s22 =	sor.u32 s1, s29  }
0xc: {  	s9 =	sshll.u32 s8, $0x4;
	s10 =	sshrl.u32 s8, $0x3;
	s17 =	sadd.s32 s17, s15  }
0xd: {  	s16 =	sor.u32 s16, s13;
	s5 =	sadd.s32 s6, s5;
	s12 =	ssub.s32 s26, s28  }
0xe: {  	s9 =	sadd.s32 s14, s9;
	s10 =	sadd.s32 s15, s10;
	s14 =	sadd.s32 s19, s14  }
0xf: {  	s17 =	sadd.s32 s18, s17;
	s16 =	sshrl.u32 s16, $0x3;
	s18 =	simm.s32 $0x4100  }
0x10: {  	s19 =	simm.s32 $0x80;
	p0 =	sgt.u32 s22, $0x3;
	s22 =	simm.s32 $0x0  }
0x11: {  	s5 =	sshrl.u32 s5, $0x3;
	s12 =	smax.u32 s12, $0x1;
	s14 =	sadd.s32 s31, s14  }
0x12: {  	s13 =	sadd.s32 $0x200, s17;
	s15 =	sadd.s32 s16, s15;
	s16 =	simm.s32 $0x100  }
0x13: {  	s17 =	simm.s32 $0x3;
	s11 =	sadd.s32 s5, s4;
	s4 =	sadd.s32 s30, s2  }
0x14: {  	s14 =	sadd.s32 $0x10000, s14;
	s5 =	sadd.s32 $0x4000, s4;
	s6 =	sadd.s32 $0x8000, s4  }
0x15: {  	v0 =	vimm.f32 $0.0e+00;
	s7 =	sadd.s32 $0xC000, s4;
	s8 =	sadd.s32 $0x10000, s4;
	s11 =	sadd.s32 $0x87800, s11  }
.LBB2_1:
0x16: {  	s23 =	simm.s32 $0x0;
	s24 =	simm.s32 $0x200  }
.LBB2_2:
0x17: {  	p1 =	sne.s32 s24, $0xFE00;
	[tilespmem:s23+$0x170] =	vst v0  }
0x18: {  	[tilespmem:s23+$0x100] =	vst v0  }
0x19: {  	[tilespmem:s23+$0x110] =	vst v0  }
.Ltmp0:
0x1a: {  	[tilespmem:s23+$0x120] =	vst v0;
	(pc) =	sbr.rel @p1 .LBB2_2-.Ltmp0, $4  }
0x1b: {  	[tilespmem:s23+$0x130] =	vst v0  }
0x1c: {  	[tilespmem:s23+$0x140] =	vst v0  }
0x1d: {  	[tilespmem:s23+$0x150] =	vst v0  }
0x1e: {  	[tilespmem:s23+$0x160] =	vst v0;
	s23 =	sshra.s32 s24, $0x2;
	s24 =	sadd.s32 $0x200, s24  }
0x1f: {  	[tilespmem:s23+$0x170] =	vst v0  }
0x20: {  	[tilespmem:s23+$0x100] =	vst v0  }
0x21: {  	[tilespmem:s23+$0x110] =	vst v0  }
0x22: {  	[tilespmem:s23+$0x120] =	vst v0  }
0x23: {  	[tilespmem:s23+$0x130] =	vst v0  }
0x24: {  	[tilespmem:s23+$0x140] =	vst v0  }
0x25: {  	[tilespmem:s23+$0x150] =	vst v0  }
0x26: {  	[tilespmem:s23+$0x160] =	vst v0  }
0x27: {  	[spmem:s4] =	stream.linear.scatter [tilespmem:s16], [sflag:$0x3], $0x4000, $0x38;
	[tilespmem:$0x1C100] =	vst v63  }
0x28: {  	_ =	swait.ge [sflag:s17], $0x4000  }
0x29: {  	[sflag:s17] =	ssyncset.done $0x0  }
0x2a: {  	[sflag:s17] =	ssyncadd.s32 $0xFFFFC000  }
0x2b: {  	[spmem:s5] =	stream.linear.scatter [tilespmem:s16], [sflag:$0x3], $0x4000, $0x38;
	[tilespmem:$0x1C100] =	vst v63  }
0x2c: {  	_ =	swait.ge [sflag:s17], $0x4000  }
0x2d: {  	[sflag:s17] =	ssyncset.done $0x0  }
0x2e: {  	[sflag:s17] =	ssyncadd.s32 $0xFFFFC000  }
0x2f: {  	[spmem:s6] =	stream.linear.scatter [tilespmem:s16], [sflag:$0x3], $0x4000, $0x38;
	[tilespmem:$0x1C100] =	vst v63  }
0x30: {  	_ =	swait.ge [sflag:s17], $0x4000  }
0x31: {  	[sflag:s17] =	ssyncset.done $0x0  }
0x32: {  	[sflag:s17] =	ssyncadd.s32 $0xFFFFC000  }
0x33: {  	[spmem:s7] =	stream.linear.scatter [tilespmem:s16], [sflag:$0x3], $0x4000, $0x38;
	[tilespmem:$0x1C100] =	vst v63  }
0x34: {  	_ =	swait.ge [sflag:s17], $0x4000  }
0x35: {  	[sflag:s17] =	ssyncset.done $0x0  }
0x36: {  	[sflag:s17] =	ssyncadd.s32 $0xFFFFC000  }
0x37: {  	[spmem:s8] =	stream.linear.scatter [tilespmem:s16], [sflag:$0x3], $0x4000, $0x38;
	[tilespmem:$0x1C100] =	vst v63  }
0x38: {  	_ =	swait.ge [sflag:s17], $0x4000  }
0x39: {  	[sflag:s17] =	ssyncset.done $0x0  }
0x3a: {  	[sflag:s17] =	ssyncadd.s32 $0xFFFFC000  }
0x3b: {  	s29 =	sadd.s32 $0xFFFF0000, s14;
	[bflag:$0x0] =	sbarrier.arrive $0xFFFF  }
0x3c: {  	[tilespmem:s16], [sflag:$0x1] =	stream.linear.gather [hbm4b:s29+s3], $0x4000, $0x38;
	[tilespmem:$0x1C100] =	vst v63  }
0x3d: {  	s30 =	sadd.s32 $0x0, s15  }
0x3e: {  	[tilespmem:s3], [sflag:$0x3] =	stream.linear.gather [hbm4b:s30+s3], $0x80, $0x38;
	[tilespmem:$0x1C100] =	vst v63  }
0x3f: {  	_ =	swait.ge [sflag:s17], $0x80  }
0x40: {  	[sflag:s17] =	ssyncset.done $0x0  }
0x41: {  	[sflag:s17] =	ssyncadd.s32 $0xFFFFFF80  }
0x42: {  	[tilespmem:s18], [sflag:$0x2] =	stream.linear.gather [hbm4b:s14+s3], $0x4000, $0x38;
	[tilespmem:$0x1C100] =	vst v63  }
0x43: {  	s31 =	sadd.s32 $0x0, s13  }
0x44: {  	[tilespmem:s19], [sflag:$0x3] =	stream.linear.gather [hbm4b:s31+s3], $0x80, $0x38;
	[tilespmem:$0x1C100] =	vst v63  }
0x45: {  	_ =	swait.ge [sflag:s17], $0x80  }
0x46: {  	[sflag:s17] =	ssyncset.done $0x0  }
0x47: {  	[sflag:s17] =	ssyncadd.s32 $0xFFFFFF80  }
0x48: {  	_ =	swait.ge [sflag:s20], $0x4000  }
0x49: {  	[sflag:s20] =	ssyncset.done $0x0  }
0x4a: {  	[sflag:s20] =	ssyncadd.s32 $0xFFFFC000  }
0x4b: {  	[spmem:s2] =	stream.indirect.scatter.add.f32 [tilespmem:s16], [sflag:$0x3], $0x80, s3, s19, $0xb8;
	[tilespmem:$0x1C100] =	vst v63  }
0x4c: {  	_ =	swait.ge [sflag:s17], $0x4000  }
0x4d: {  	[sflag:s17] =	ssyncset.done $0x0  }
0x4e: {  	[sflag:s17] =	ssyncadd.s32 $0xFFFFC000  }
0x4f: {  	_ =	swait.ge [sflag:s21], $0x4000  }
0x50: {  	[sflag:s21] =	ssyncset.done $0x0  }
0x51: {  	[sflag:s21] =	ssyncadd.s32 $0xFFFFC000  }
0x52: {  	[spmem:s2] =	stream.indirect.scatter.add.f32 [tilespmem:s18], [sflag:$0x3], $0x80, s19, s19, $0xb8;
	[tilespmem:$0x1C100] =	vst v63  }
0x53: {  	s23 =	simm.s32 $0x400;
	_ =	swait.ge [sflag:s17], $0x4000  }
0x54: {  	s25 =	simm.s32 $0x800;
	s24 =	sadd.s32 $0x20000, s14;
	[sflag:s17] =	ssyncset.done $0x0  }
.LBB2_4:
0x55: {  	p1 =	sne.s32 s25, $0x9800;
	s26 =	sadd.s32 $0xFFFF0000, s24;
	[sflag:s17] =	ssyncadd.s32 $0xFFFFC000  }
0x56: {  	[tilespmem:s16], [sflag:$0x1] =	stream.linear.gather [hbm4b:s26+s3], $0x4000, $0x38;
	[tilespmem:$0x1C100] =	vst v63  }
0x57: {  	s28 =	smov.u32 s25;
	s25 =	sadd.s32 $0x400, s25;
	s26 =	sadd.s32 s23, s15  }
0x58: {  	[tilespmem:s3], [sflag:$0x3] =	stream.linear.gather [hbm4b:s26+s3], $0x80, $0x38;
	[tilespmem:$0x1C100] =	vst v63  }
0x59: {  	_ =	swait.ge [sflag:s17], $0x80  }
0x5a: {  	[sflag:s17] =	ssyncset.done $0x0  }
0x5b: {  	[sflag:s17] =	ssyncadd.s32 $0xFFFFFF80  }
0x5c: {  	[tilespmem:s18], [sflag:$0x2] =	stream.linear.gather [hbm4b:s24+s3], $0x4000, $0x38;
	[tilespmem:$0x1C100] =	vst v63  }
0x5d: {  	s26 =	sadd.s32 s23, s13;
	s23 =	smov.u32 s28  }
0x5e: {  	[tilespmem:s19], [sflag:$0x3] =	stream.linear.gather [hbm4b:s26+s3], $0x80, $0x38;
	[tilespmem:$0x1C100] =	vst v63  }
0x5f: {  	_ =	swait.ge [sflag:s17], $0x80  }
0x60: {  	[sflag:s17] =	ssyncset.done $0x0  }
0x61: {  	[sflag:s17] =	ssyncadd.s32 $0xFFFFFF80  }
0x62: {  	_ =	swait.ge [sflag:s20], $0x4000  }
0x63: {  	[sflag:s20] =	ssyncset.done $0x0  }
0x64: {  	[sflag:s20] =	ssyncadd.s32 $0xFFFFC000  }
0x65: {  	[spmem:s2] =	stream.indirect.scatter.add.f32 [tilespmem:s16], [sflag:$0x3], $0x80, s3, s19, $0xb8;
	[tilespmem:$0x1C100] =	vst v63  }
0x66: {  	_ =	swait.ge [sflag:s17], $0x4000  }
0x67: {  	[sflag:s17] =	ssyncset.done $0x0  }
0x68: {  	[sflag:s17] =	ssyncadd.s32 $0xFFFFC000  }
0x69: {  	_ =	swait.ge [sflag:s21], $0x4000  }
.Ltmp1:
0x6a: {  	[sflag:s21] =	ssyncset.done $0x0;
	(pc) =	sbr.rel @p1 .LBB2_4-.Ltmp1, $4  }
0x6b: {  	[sflag:s21] =	ssyncadd.s32 $0xFFFFC000  }
0x6c: {  	[spmem:s2] =	stream.indirect.scatter.add.f32 [tilespmem:s18], [sflag:$0x3], $0x80, s19, s19, $0xb8;
	[tilespmem:$0x1C100] =	vst v63  }
0x6d: {  	_ =	swait.ge [sflag:s17], $0x4000  }
0x6e: {  	s24 =	sadd.s32 $0x20000, s24;
	[sflag:s17] =	ssyncset.done $0x0  }
0x6f: {  	s25 =	sadd.s32 $0xFFFF0000, s24;
	[sflag:s17] =	ssyncadd.s32 $0xFFFFC000  }
0x70: {  	[tilespmem:s16], [sflag:$0x1] =	stream.linear.gather [hbm4b:s25+s3], $0x4000, $0x38;
	[tilespmem:$0x1C100] =	vst v63  }
0x71: {  	s28 =	sadd.s32 s23, s15  }
0x72: {  	[tilespmem:s3], [sflag:$0x3] =	stream.linear.gather [hbm4b:s28+s3], $0x80, $0x38;
	[tilespmem:$0x1C100] =	vst v63  }
0x73: {  	_ =	swait.ge [sflag:s17], $0x80  }
0x74: {  	[sflag:s17] =	ssyncset.done $0x0  }
0x75: {  	[sflag:s17] =	ssyncadd.s32 $0xFFFFFF80  }
0x76: {  	[tilespmem:s18], [sflag:$0x2] =	stream.linear.gather [hbm4b:s24+s3], $0x4000, $0x38;
	[tilespmem:$0x1C100] =	vst v63  }
0x77: {  	s29 =	sadd.s32 s23, s13  }
0x78: {  	[tilespmem:s19], [sflag:$0x3] =	stream.linear.gather [hbm4b:s29+s3], $0x80, $0x38;
	[tilespmem:$0x1C100] =	vst v63  }
0x79: {  	_ =	swait.ge [sflag:s17], $0x80  }
0x7a: {  	[sflag:s17] =	ssyncset.done $0x0  }
0x7b: {  	[sflag:s17] =	ssyncadd.s32 $0xFFFFFF80  }
0x7c: {  	_ =	swait.ge [sflag:s20], $0x4000  }
0x7d: {  	[sflag:s20] =	ssyncset.done $0x0  }
0x7e: {  	[sflag:s20] =	ssyncadd.s32 $0xFFFFC000  }
0x7f: {  	[spmem:s2] =	stream.indirect.scatter.add.f32 [tilespmem:s16], [sflag:$0x3], $0x80, s3, s19, $0xb8;
	[tilespmem:$0x1C100] =	vst v63  }
0x80: {  	_ =	swait.ge [sflag:s17], $0x4000  }
0x81: {  	[sflag:s17] =	ssyncset.done $0x0  }
0x82: {  	[sflag:s17] =	ssyncadd.s32 $0xFFFFC000  }
0x83: {  	_ =	swait.ge [sflag:s21], $0x4000  }
0x84: {  	[sflag:s21] =	ssyncset.done $0x0  }
0x85: {  	[sflag:s21] =	ssyncadd.s32 $0xFFFFC000  }
0x86: {  	[spmem:s2] =	stream.indirect.scatter.add.f32 [tilespmem:s18], [sflag:$0x3], $0x80, s19, s19, $0xb8;
	[tilespmem:$0x1C100] =	vst v63  }
0x87: {  	_ =	swait.ge [sflag:s17], $0x4000  }
0x88: {  	[sflag:s17] =	ssyncset.done $0x0  }
0x89: {  	s23 =	simm.s32 @!p0 $0x0;
	s24 =	simm.s32 @!p0 $0x100;
	[sflag:s17] =	ssyncadd.s32 $0xFFFFC000  }
0x8a: {  	[tilespmem:s24], [sflag:$0x1] =	stream.linear.gather @!p0 [hbm4b:s9+s23], $0x4000, $0x38;
	[tilespmem:$0x1C100] =	vst v63  }
0x8b: {  	s25 =	simm.s32 @!p0 $0x3  }
0x8c: {  	[tilespmem:s23], [sflag:$0x3] =	stream.linear.gather @!p0 [hbm4b:s10+s23], $0x80, $0x38;
	[tilespmem:$0x1C100] =	vst v63  }
0x8d: {  	_ =	swait.ge @!p0 [sflag:s25], $0x80  }
0x8e: {  	[sflag:s25] =	ssyncset.done @!p0 $0x0  }
0x8f: {  	s26 =	simm.s32 @!p0 $0x1;
	[sflag:s25] =	ssyncadd.s32 @!p0 $0xFFFFFF80  }
0x90: {  	_ =	swait.ge @!p0 [sflag:s26], $0x4000  }
0x91: {  	[sflag:s26] =	ssyncset.done @!p0 $0x0  }
0x92: {  	[sflag:s26] =	ssyncadd.s32 @!p0 $0xFFFFC000;
	s26 =	simm.s32 @!p0 $0x80  }
0x93: {  	[spmem:s2] =	stream.indirect.scatter.add.f32 @!p0 [tilespmem:s24], [sflag:$0x3], $0x80, s23, s26, $0xb8;
	[tilespmem:$0x1C100] =	vst v63  }
0x94: {  	_ =	swait.ge @!p0 [sflag:s25], $0x4000  }
0x95: {  	s30 =	sshll.u32 s1, $0x6;
	s22 =	sadd.s32 $0x1, s22;
	[sflag:s25] =	ssyncset.done @!p0 $0x0  }
0x96: {  	s31 =	sshrl.u32 s4, $0x3;
	p1 =	sne.s32 s22, s12;
	[sflag:s25] =	ssyncadd.s32 @!p0 $0xFFFFC000  }
.Ltmp2:
0x97: {  	s23 =	sor.u32 $0x1C03, s30;
	[bflag:$0x0] =	sbarrier.arrive $0xFFFF;
	(pc) =	sbr.rel @p1 .LBB2_1-.Ltmp2, $4  }
0x98: {  	[hbm:s11], [sflag:s23] =	dma.local [spmem:s31], $0x2800  }
0x99: {  	_ =	swait.ge [sflag:s17], $0x2800  }
0x9a: {  	[sflag:s17] =	ssyncset.done $0x0  }
0x9b: {  	[sflag:s17] =	ssyncadd.s32 $0xFFFFD800  }
0x9c: {  	_ =	sfence.sel $0x180000  }
0x9d: {  	[bflag:$0x0] =	sbarrier.arrive $0xFFFF  }
0x9e: {  	p0 =	sne.s32 s1, $0x0;
	_ =	strace $0x9000004D  }
0x9f: {  	s0 =	sadd.s32 @!p0 $0x100000, s0;
	[bflag:$0x2] =	sbarrier.arrive $0xFFFF  }
0xa0: {  	[sflag:s0] =	ssyncadd.tile.s32 @!p0 $0x1;
	_ =	shalt  }
.Lfunc_end2:
_tile_overlayer_lowered:
.L_overlay_start_2:
0xa1: {  	(tag) =	ssettag $0x2  }
0xa2: {  	s0 =	rddreg [dreg:$0x0];
	s2 =	stileid.u32  }
0xa3: {  	s1 =	rddreg [dreg:$0x1];
	p0 =	sne.s32 s2, $0x0  }
0xa4: {  	s3 =	rddreg [dreg:$0x2];
	[bflag:$0x3] =	sbarrier.arrive $0xFFFF;
	s2 =	simm.s32 @!p0 $0x1C03  }
0xa5: {  	[timem:s3], [sflag:s2] =	dma.local @!p0 [hbm:s0], s1  }
0xa6: {  	s0 =	simm.s32 @!p0 $0x3  }
0xa7: {  	_ =	swait.ge @!p0 [sflag:s0], s1  }
0xa8: {  	s1 =	ssub.s32 @!p0 $0x0, s1;
	[sflag:s0] =	ssyncset.done @!p0 $0x0  }
0xa9: {  	[sflag:s0] =	ssyncadd.s32 @!p0 s1  }
0xaa: {  	[bflag:$0x3] =	sbarrier.arrive $0xFFFF  }
0xab: {  	_ =	shalt  }

// kernel: kernel.26.cloned.1.call-start
scs
__scs_entry_jumppad:
0x0: {  	(pc) =	sbr.rel $0x88, $3  }
0x1: {  	(tag) =	ssettag $0x0;
	lr =	simm.s32 $0x1  }
0x2: {  	[smem:$0x3F82] =	sst lr;
	_ =	strace $0xD0000000  }
0x3: {  	_ = 	snop  }
0x4: {  	_ = 	snop  }
0x5: {  	_ = 	snop  }
0x6: {  	_ = 	snop  }
0x7: {  	_ = 	snop  }
__scs_overlays_trampoline_lowered:
0x8: {  	[smem:$0x3F91] =	sst s0  }
0x9: {  	[smem:$0x3F92] =	sst s1  }
0xa: {  	[smem:$0x3F93] =	sst s2  }
0xb: {  	[smem:$0x3F94] =	sst s3  }
0xc: {  	[smem:$0x3F95] =	sst s4  }
0xd: {  	[smem:$0x3F96] =	sst s5  }
0xe: {  	[smem:$0x3F97] =	sst s6  }
0xf: {  	[smem:$0x3F98] =	sst s7  }
0x10: {  	[smem:$0x3F99] =	sst s8  }
0x11: {  	[smem:$0x3F9A] =	sst s9;
	s0 =	simm.s32 @!p0 $0x0  }
0x12: {  	s1 =	sld [smem:$0x3F80];
	s0 =	simm.s32 @p0 $0x1  }
0x13: {  	[smem:$0x3F9B] =	sst s0;
	s0 =	simm.s32 @!p1 $0x0  }
0x14: {  	s2 =	sld [smem:$0x3F7F];
	s0 =	simm.s32 @p1 $0x1  }
0x15: {  	[smem:$0x3F9C] =	sst s0;
	s0 =	simm.s32 @!p2 $0x0  }
0x16: {  	s3 =	sld [smem:$0x3FDB];
	s0 =	simm.s32 @p2 $0x1  }
0x17: {  	s4 =	simm.s32 $0x1BF5;
	[smem:$0x3F9E] =	sst s0  }
0x18: {  	s0 =	sld [smem:$0x3F81];
	_ =	swait.ge [sflag:s4], $0x0  }
0x19: {  	s7 =	sld [smem:$0x3F82]  }
0x1a: {  	s8 =	sadd.s32 $0xFFFFE003, lr  }
0x1b: {  	s9 =	sadd.s32 $0xFFFFFEF7, lr;
	s5 =	simm.s32 $0xFFFFFFFF;
	p2 =	slt.u32 s8, $0xFFFFF086  }
0x1c: {  	p1 =	slt.u32 s9, $0xF7A;
	s5 =	simm.s32 @!p2 $0x0  }
0x1d: {  	s5 =	simm.s32 @p1 $0x1;
	p0 =	seq.s32 s7, s2  }
0x1e: {  	s7 =	smul.u32 @!p0 $0xF7A, s2;
	p2 =	seq.s32 @!p0 s5, $0x0  }
0x1f: {  	s9 =	smul.u32 $0xF7A, s1;
	s8 =	simm.s32 @!p0 $0x1BF5;
	p2 =	por !p2, p0  }
0x20: {  	[sflag:s8] =	ssyncset.s32 @!p0 $0xFFFFF086;
	s6 =	sadd.s32 @!p0 s3, s7;
	s7 =	simm.s32 @!p0 $0x108  }
0x21: {  	s3 =	sadd.s32 s3, s9;
	s6 =	sadd.s32 @!p0 $0x88, s6;
	s7 =	simm.s32 @p2 $0x1082  }
0x22: {  	[simem:s7], [sflag:s8] =	dma.local @!p0 [hbm:s6], $0xF7A  }
0x23: {  	s9 =	sor.u32 $0xD0000000, s2;
	s6 =	simm.s32 $0x108;
	_ =	swait.ge @!p0 [sflag:s8], $0x0  }
0x24: {  	s3 =	sadd.s32 $0x88, s3;
	s6 =	simm.s32 @!p1 $0x1082;
	[sflag:s4] =	ssyncset.s32 $0xFFFFF086  }
0x25: {  	[simem:s6], [sflag:s4] =	dma.local [hbm:s3], $0xF7A  }
0x26: {  	[smem:$0x3F82] =	sst s1;
	(tag) =	ssettag s2;
	_ =	strace s9  }
0x27: {  	s1 =	sld [smem:$0x3F92]  }
0x28: {  	s2 =	sld [smem:$0x3F93]  }
0x29: {  	s4 =	sld [smem:$0x3F95]  }
0x2a: {  	p0 =	seq.s32 s5, $0x0;
	s5 =	sld [smem:$0x3F96]  }
0x2b: {  	s6 =	sld [smem:$0x3F97]  }
0x2c: {  	s7 =	sld [smem:$0x3F98]  }
0x2d: {  	s3 =	simm.s32 $0x108;
	s8 =	sld [smem:$0x3F99]  }
0x2e: {  	s3 =	simm.s32 @!p0 $0x1082;
	s9 =	sld [smem:$0x3F9A]  }
0x2f: {  	lr =	sadd.s32 s0, s3;
	s0 =	sld [smem:$0x3F91]  }
0x30: {  	s3 =	sld [smem:$0x3F94]  }
0x31: {  	[smem:$0x3F9D] =	sst s10  }
0x32: {  	s10 =	sld [smem:$0x3F9B];
	_ =	sdelay $0x3  }
0x33: {  	p0 =	seq.s32 s10, $0x1;
	s10 =	sld [smem:$0x3F9D];
	_ =	sdelay $0x3  }
0x34: {  	[smem:$0x3F9D] =	sst s10  }
0x35: {  	s10 =	sld [smem:$0x3F9C];
	_ =	sdelay $0x3  }
0x36: {  	p1 =	seq.s32 s10, $0x1;
	s10 =	sld [smem:$0x3F9D];
	_ =	sdelay $0x3  }
0x37: {  	[smem:$0x3F9D] =	sst s10  }
0x38: {  	s10 =	sld [smem:$0x3F9E]  }
0x39: {  	_ = 	snop;
	(pc) =	sbr.ind lr, $3  }
0x3a: {  	_ = 	snop  }
0x3b: {  	_ = 	snop  }
0x3c: {  	p2 =	seq.s32 s10, $0x1;
	s10 =	sld [smem:$0x3F9D]  }
0x3d: {  	_ =	shalt  }
0x3e: {  	_ =	shalt  }
0x3f: {  	_ =	shalt  }
0x40: {  	_ =	shalt  }
0x41: {  	_ =	shalt  }
0x42: {  	_ =	shalt  }
0x43: {  	_ =	shalt  }
0x44: {  	_ =	shalt  }
0x45: {  	_ =	shalt  }
0x46: {  	_ =	shalt  }
0x47: {  	_ =	shalt  }
0x48: {  	_ =	shalt  }
0x49: {  	_ =	shalt  }
0x4a: {  	_ =	shalt  }
0x4b: {  	_ =	shalt  }
0x4c: {  	_ =	shalt  }
0x4d: {  	_ =	shalt  }
0x4e: {  	_ =	shalt  }
0x4f: {  	_ =	shalt  }
0x50: {  	_ =	shalt  }
0x51: {  	_ =	shalt  }
0x52: {  	_ =	shalt  }
0x53: {  	_ =	shalt  }
0x54: {  	_ =	shalt  }
0x55: {  	_ =	shalt  }
0x56: {  	_ =	shalt  }
0x57: {  	_ =	shalt  }
0x58: {  	_ =	shalt  }
0x59: {  	_ =	shalt  }
0x5a: {  	_ =	shalt  }
0x5b: {  	_ =	shalt  }
0x5c: {  	_ =	shalt  }
0x5d: {  	_ =	shalt  }
0x5e: {  	_ =	shalt  }
0x5f: {  	_ =	shalt  }
0x60: {  	_ =	shalt  }
0x61: {  	_ =	shalt  }
0x62: {  	_ =	shalt  }
0x63: {  	_ =	shalt  }
0x64: {  	_ =	shalt  }
0x65: {  	_ =	shalt  }
0x66: {  	_ =	shalt  }
0x67: {  	_ =	shalt  }
0x68: {  	_ =	shalt  }
0x69: {  	_ =	shalt  }
0x6a: {  	_ =	shalt  }
0x6b: {  	_ =	shalt  }
0x6c: {  	_ =	shalt  }
0x6d: {  	_ =	shalt  }
0x6e: {  	_ =	shalt  }
0x6f: {  	_ =	shalt  }
0x70: {  	_ =	shalt  }
0x71: {  	_ =	shalt  }
0x72: {  	_ =	shalt  }
0x73: {  	_ =	shalt  }
0x74: {  	_ =	shalt  }
0x75: {  	_ =	shalt  }
0x76: {  	_ =	shalt  }
0x77: {  	_ =	shalt  }
0x78: {  	_ =	shalt  }
0x79: {  	_ =	shalt  }
0x7a: {  	_ =	shalt  }
0x7b: {  	_ =	shalt  }
0x7c: {  	_ =	shalt  }
0x7d: {  	_ =	shalt  }
0x7e: {  	_ =	shalt  }
0x7f: {  	_ =	shalt  }
0x80: {  	_ =	shalt  }
0x81: {  	_ =	shalt  }
0x82: {  	_ =	shalt  }
0x83: {  	_ =	shalt  }
0x84: {  	_ =	shalt  }
0x85: {  	_ =	shalt  }
0x86: {  	_ =	shalt  }
0x87: {  	_ =	shalt  }
.Lfunc_end0:
.L_simem_size_0:
called_computation.3_lowered:
.L_overlay_start_0:
0x88: {  	s2 =	sld [smem:$0x3FD9]  }
0x89: {  	s3 =	sld [smem:$0x3FFE];
	_ =	sdelay $0x1  }
0x8a: {  	s1 =	srdreg.scid  }
0x8b: {  	s0 =	sand.u32 $0x1, s1  }
0x8c: {  	s17 =	sshll.u32 s0, $0xA;
	s2 =	sadd.s32 s3, s2  }
0x8d: {  	s2 =	sadd.s32 s2, s17  }
0x8e: {  	[smem:$0x3FA9] =	sst s2  }
0x8f: {  	_ = 	snop  }
0x90: {  	s2 =	sld [smem:$0x3FD0];
	(tm) =	ssettm $0x1  }
0x91: {  	s18 =	sld [smem:$0x3FFB];
	_ =	sdelay $0x3  }
0x92: {  	_ =	strace s18  }
0x93: {  	s3 =	sld [smem:$0x3FFC];
	_ =	sdelay $0x3  }
0x94: {  	_ =	strace s3  }
0x95: {  	s3 =	sld [smem:$0x3FFD];
	_ =	sdelay $0x3  }
0x96: {  	_ =	strace s3  }
0x97: {  	_ =	strace $0x8FFFFFFF  }
0x98: {  	s19 =	sld [smem:$0x3FDB];
	_ =	sdelay $0x1  }
0x99: {  	s4 =	simm.s32 $_scs_section_size  }
0x9a: {  	s5 =	simm.s32 $_size__tile_overlayer_lowered;
	s6 =	simm.s32 $_tile_overlayer_lowered  }
0x9b: {  	s22 =	simm.s32 $0x1BFF;
	s21 =	sshll.u32 s6, $0x1;
	s3 =	sadd.s32 s4, s19  }
0x9c: {  	s7 =	simm.s32 $0x0;
	s20 =	sshll.u32 s5, $0x1;
	s5 =	sadd.s32 s21, s3  }
0x9d: {  	[timem:s7], [sflag:s22] =	dma.local [hbm:s5], s20  }
0x9e: {  	_ =	swait.ge [sflag:s22], s20  }
0x9f: {  	s4 =	ssub.s32 $0x0, s20;
	[sflag:s22] =	ssyncset.done $0x0  }
0xa0: {  	[sflag:s22] =	ssyncadd.s32 s4;
	_ =	sdelay $0x1  }
0xa1: {  	s23 =	simm.s32 $0x1B8B  }
0xa2: {  	_ =	swait.ge [sflag:s23], $0x1  }
0xa3: {  	[sflag:s23] =	ssyncset.done $0x0  }
0xa4: {  	s25 =	simm.s32 $0x1B8E;
	s24 =	sld [smem:$0x3FFE];
	[sflag:s23] =	ssyncadd.s32 $0xFFFFFFFF  }
0xa5: {  	s26 =	simm.s32 $execute0_lowered;
	[smem:$0x3FD2] =	sst s25  }
0xa6: {  	s5 =	sshll.u32 s26, $0x1;
	_ =	strace $0x8000004F;
	[dreg:$0x1] =	wrdreg $0xFFFFFFFF  }
0xa7: {  	s28 =	simm.s32 $_size_execute0_lowered;
	s3 =	sadd.s32 s3, s5;
	[dreg:$0x0] =	wrdreg $0x0  }
0xa8: {  	s5 =	sshll.u32 s28, $0x1;
	[dreg:$0x2] =	wrdreg s3  }
0xa9: {  	[dreg:$0x3] =	wrdreg s5  }
0xaa: {  	[dreg:$0x4] =	wrdreg $0xC0  }
0xab: {  	_ =	task [dreg:s7], $0x5FFFF  }
0xac: {  	[dreg:$0x1] =	wrdreg $0xFFFFFFFF  }
0xad: {  	[dreg:$0x0] =	wrdreg $0x60  }
0xae: {  	[dreg:$0x2] =	wrdreg s24  }
0xaf: {  	[dreg:$0x3] =	wrdreg s2  }
0xb0: {  	[dreg:$0x4] =	wrdreg $0x102800  }
0xb1: {  	[dreg:$0x5] =	wrdreg $0x9  }
0xb2: {  	_ =	task.clear_ibuf [dreg:s7], $0x6FFFF;
	_ =	strace $0x9000004F  }
0xb3: {  	s29 =	simm.s32 $0x9;
	_ =	strace $0x80000051  }
0xb4: {  	_ =	swait.ge [sflag:s29], $0x1  }
0xb5: {  	[sflag:s29] =	ssyncadd.s32 $0xFFFFFFFF  }
0xb6: {  	_ =	strace $0x90000051  }
0xb7: {  	_ =	sfence  }
0xb8: {  	s30 =	sld [smem:$0x0];
	_ =	sdelay $0x2  }
0xb9: {  	s31 =	sshll.u32 s1, $0xD;
	s1 =	sshrl.u32 s1, $0x2  }
0xba: {  	s3 =	sand.u32 $0x4000, s31;
	s1 =	sadd.s32 s1, s30  }
0xbb: {  	s0 =	sor.u32 s3, s0;
	s1 =	sshll.u32 s1, $0x11  }
0xbc: {  	s0 =	sor.u32 s1, s0  }
0xbd: {  	s0 =	sadd.s32 $0x8F2B, s0  }
0xbe: {  	[sflag:s0] =	ssyncadd.remote.s32 $0x1  }
0xbf: {  	_ =	sfence.sel $0xFFFF  }
0xc0: {  	[dreg:$0x0] =	wrdreg $0xFFFFFFFF;
	(pc) =	sbr.abs _section_cstart, $3  }
0xc1: {  	[dreg:$0x1] =	wrdreg $0xFFFFFFFF  }
0xc2: {  	_ =	task.clear_ibuf [dreg:s7], $0x2FFFF;
	_ =	strace $0x9FFFFFFF  }
0xc3: {  	(tm) =	ssettm $0x7FFFFFFF  }
tec
execute0_lowered:
.L_overlay_start_1:
0x0: {  	(tag) =	ssettag $0x1  }
0x1: {  	s0 =	rddreg [dreg:$0x0]  }
0x2: {  	s2 =	rddreg [dreg:$0x1]  }
0x3: {  	s5 =	rddreg [dreg:$0x2];
	s1 =	simm.s32 $0x0;
	s3 =	srdreg.scid  }
0x4: {  	s16 =	stileid.u32;
	s17 =	simm.s32 $0x100;
	s18 =	simm.s32 $0x180  }
0x5: {  	s19 =	simm.s32 $0x8280;
	s20 =	simm.s32 $0xC280;
	s21 =	simm.s32 $0x1  }
0x6: {  	s22 =	simm.s32 $0x200;
	[smem:$0x7FF] =	sst s1;
	s7 =	sand.u32 $0x1, s3  }
0x7: {  	s3 =	sadd.s32 $0x12200, s0;
	s4 =	sadd.s32 $0x39400, s0;
	s12 =	sadd.s32 $0x8000, s0  }
0x8: {  	s0 =	sadd.s32 $0x87800, s0;
	s11 =	sshll.u32 s16, $0x7;
	s24 =	sshll.u32 s16, $0xF  }
0x9: {  	s14 =	sshll.u32 s16, $0xB;
	_ =	strace $0x80000050;
	s6 =	ssub.s32 $0x2, s7  }
0xa: {  	s23 =	sshll.u32 s7, $0x4;
	s9 =	sor.u32 $0x4E000, s11;
	s5 =	sadd.s32 s24, s5  }
0xb: {  	s29 =	sshll.u32 s7, $0xF;
	s30 =	sshll.u32 s7, $0x8;
	s7 =	sshll.u32 s7, $0xB  }
0xc: {  	s24 =	simm.s32 $0x3;
	s8 =	sshrl.u32 s6, $0x1;
	s25 =	sor.u32 s16, s23  }
0xd: {  	s26 =	sshrl.u32 s9, $0x3;
	s9 =	sshll.u32 s9, $0x4;
	s15 =	sadd.s32 s30, s2  }
0xe: {  	s16 =	sshll.u32 s16, $0x4;
	s7 =	sor.u32 s11, s7;
	s23 =	simm.s32 $0x2  }
0xf: {  	s10 =	ssub.s32 s6, s8;
	s6 =	sadd.s32 $0x4000, s5;
	s13 =	sadd.s32 s12, s26  }
0x10: {  	s8 =	sadd.s32 s2, s26;
	s28 =	sadd.s32 s0, s9;
	s0 =	sadd.s32 s29, s0  }
0x11: {  	s15 =	sadd.s32 s16, s15;
	s7 =	sshrl.u32 s7, $0x3;
	[dreg:$0x7] =	wrdreg s13  }
0x12: {  	p0 =	sgt.u32 s25, $0x3;
	s25 =	simm.s32 $0x4;
	[dreg:$0x8] =	wrdreg s8  }
0x13: {  	s26 =	simm.s32 $0x0;
	[dreg:$0x9] =	wrdreg s28;
	s10 =	smax.u32 s10, $0x1  }
0x14: {  	s13 =	sadd.s32 s30, s12;
	s15 =	sadd.s32 $0x200, s15;
	s0 =	sadd.s32 s14, s0  }
0x15: {  	v0 =	vlaneseq.u32;
	s2 =	sadd.s32 s7, s2;
	s12 =	sadd.s32 s7, s12;
	s14 =	simm.s32 $0x80  }
0x16: {  	v1 =	vor.u32 $0x10, v0;
	s13 =	sadd.s32 s16, s13;
	[dreg:$0x4] =	wrdreg s15;
	s11 =	sadd.s32 $0x10000, s0  }
0x17: {  	v2 =	vor.u32 $0x20, v0;
	v3 =	vor.u32 $0x30, v0;
	v4 =	vor.u32 $0x40, v0;
	[dreg:$0x6] =	wrdreg s2;
	s15 =	simm.s32 $0x280;
	s31 =	sadd.s32 $0x200, s13  }
0x18: {  	v5 =	vor.u32 $0x50, v0;
	v6 =	vor.u32 $0x60, v0;
	v7 =	vor.u32 $0x70, v0;
	s16 =	simm.s32 $0x4280;
	s13 =	simm.s32 $0x5;
	[dreg:$0x5] =	wrdreg s31  }
.LBB2_1:
0x19: {  	[tilespmem:$0x200] =	vst v0  }
0x1a: {  	[tilespmem:$0x210] =	vst v1  }
0x1b: {  	[tilespmem:$0x220] =	vst v2  }
0x1c: {  	[tilespmem:$0x230] =	vst v3  }
0x1d: {  	[tilespmem:$0x240] =	vst v4  }
0x1e: {  	[tilespmem:$0x250] =	vst v5  }
0x1f: {  	[tilespmem:$0x260] =	vst v6  }
0x20: {  	[tilespmem:$0x270] =	vst v7;
	s0 =	sadd.s32 $0x0, s12  }
0x21: {  	[tilespmem:s1], [sflag:$0x5] =	stream.linear.gather [hbm4b:s0+s1], $0x80, $0x38;
	[tilespmem:$0x18280] =	vst v63  }
0x22: {  	_ =	swait.ge [sflag:s13], $0x80  }
0x23: {  	s2 =	rddreg [dreg:$0x6];
	[sflag:s13] =	ssyncset.done $0x0  }
0x24: {  	[sflag:s13] =	ssyncadd.s32 $0xFFFFFF80;
	s0 =	sadd.s32 $0x0, s2  }
0x25: {  	[tilespmem:s14], [sflag:$0x5] =	stream.linear.gather [hbm4b:s0+s1], $0x80, $0x38;
	[tilespmem:$0x18280] =	vst v63  }
0x26: {  	_ =	swait.ge [sflag:s13], $0x80  }
0x27: {  	[sflag:s13] =	ssyncset.done $0x0  }
0x28: {  	[sflag:s13] =	ssyncadd.s32 $0xFFFFFF80  }
0x29: {  	[tilespmem:s15], [sflag:$0x1] =	stream.indirect.gather [hbm4b:s3+s14], $0x80, s1, s14, $0xb8;
	[tilespmem:$0x18280] =	vst v63  }
0x2a: {  	s7 =	rddreg [dreg:$0x5]  }
0x2b: {  	[tilespmem:s16], [sflag:$0x2] =	stream.indirect.gather [hbm4b:s4+s14], $0x80, s14, s14, $0xb8;
	[tilespmem:$0x18280] =	vst v63  }
0x2c: {  	s0 =	sadd.s32 $0x0, s7  }
0x2d: {  	[tilespmem:s17], [sflag:$0x5] =	stream.linear.gather [hbm4b:s0+s1], $0x80, $0x38;
	[tilespmem:$0x18280] =	vst v63  }
0x2e: {  	_ =	swait.ge [sflag:s13], $0x80  }
0x2f: {  	s8 =	rddreg [dreg:$0x4];
	[sflag:s13] =	ssyncset.done $0x0  }
0x30: {  	[sflag:s13] =	ssyncadd.s32 $0xFFFFFF80;
	s0 =	sadd.s32 $0x0, s8  }
0x31: {  	[tilespmem:s18], [sflag:$0x5] =	stream.linear.gather [hbm4b:s0+s1], $0x80, $0x38;
	[tilespmem:$0x18280] =	vst v63  }
0x32: {  	_ =	swait.ge [sflag:s13], $0x80  }
0x33: {  	[sflag:s13] =	ssyncset.done $0x0  }
0x34: {  	[sflag:s13] =	ssyncadd.s32 $0xFFFFFF80  }
0x35: {  	[tilespmem:s19], [sflag:$0x3] =	stream.indirect.gather [hbm4b:s3+s14], $0x80, s17, s14, $0xb8;
	[tilespmem:$0x18280] =	vst v63  }
0x36: {  	_ = 	snop  }
0x37: {  	[tilespmem:s20], [sflag:$0x4] =	stream.indirect.gather [hbm4b:s4+s14], $0x80, s18, s14, $0xb8;
	[tilespmem:$0x18280] =	vst v63  }
0x38: {  	_ =	swait.ge [sflag:s21], $0x4000  }
0x39: {  	[sflag:s21] =	ssyncset.done $0x0  }
0x3a: {  	[sflag:s21] =	ssyncadd.s32 $0xFFFFC000  }
0x3b: {  	[spmem:s5] =	stream.indirect.scatter [tilespmem:s15], [sflag:$0x5], $0x80, s22, s14, $0xb8;
	[tilespmem:$0x18280] =	vst v63  }
0x3c: {  	_ =	swait.ge [sflag:s13], $0x4000  }
0x3d: {  	[sflag:s13] =	ssyncset.done $0x0  }
0x3e: {  	[sflag:s13] =	ssyncadd.s32 $0xFFFFC000  }
0x3f: {  	_ =	swait.ge [sflag:s23], $0x4000  }
0x40: {  	[sflag:s23] =	ssyncset.done $0x0  }
0x41: {  	[sflag:s23] =	ssyncadd.s32 $0xFFFFC000  }
0x42: {  	[spmem:s5] =	stream.indirect.scatter.add.f32 [tilespmem:s16], [sflag:$0x5], $0x80, s22, s14, $0xb8;
	[tilespmem:$0x18280] =	vst v63  }
0x43: {  	s9 =	stileid.u32;
	_ =	swait.ge [sflag:s13], $0x4000  }
0x44: {  	s29 =	sshrl.u32 s5, $0x3;
	s0 =	sshll.u32 s9, $0x6;
	[sflag:s13] =	ssyncset.done $0x0  }
0x45: {  	s2 =	sadd.s32 $0xFFFF0000, s11;
	s28 =	sor.u32 $0x1C05, s0;
	[sflag:s13] =	ssyncadd.s32 $0xFFFFC000  }
0x46: {  	[hbm:s2], [sflag:s28] =	dma.local [spmem:s29], $0x800  }
0x47: {  	_ =	swait.ge [sflag:s13], $0x800  }
0x48: {  	[sflag:s13] =	ssyncset.done $0x0  }
0x49: {  	[sflag:s13] =	ssyncadd.s32 $0xFFFFF800  }
0x4a: {  	_ =	swait.ge [sflag:s24], $0x4000  }
0x4b: {  	[sflag:s24] =	ssyncset.done $0x0  }
0x4c: {  	[sflag:s24] =	ssyncadd.s32 $0xFFFFC000  }
0x4d: {  	[spmem:s6] =	stream.indirect.scatter [tilespmem:s19], [sflag:$0x5], $0x80, s22, s14, $0xb8;
	[tilespmem:$0x18280] =	vst v63  }
0x4e: {  	_ =	swait.ge [sflag:s13], $0x4000  }
0x4f: {  	[sflag:s13] =	ssyncset.done $0x0  }
0x50: {  	[sflag:s13] =	ssyncadd.s32 $0xFFFFC000  }
0x51: {  	_ =	swait.ge [sflag:s25], $0x4000  }
0x52: {  	[sflag:s25] =	ssyncset.done $0x0  }
0x53: {  	[sflag:s25] =	ssyncadd.s32 $0xFFFFC000  }
0x54: {  	[spmem:s6] =	stream.indirect.scatter.add.f32 [tilespmem:s20], [sflag:$0x5], $0x80, s22, s14, $0xb8;
	[tilespmem:$0x18280] =	vst v63  }
0x55: {  	_ =	swait.ge [sflag:s13], $0x4000  }
0x56: {  	[sflag:s13] =	ssyncset.done $0x0  }
0x57: {  	s30 =	sshrl.u32 s6, $0x3;
	[sflag:s13] =	ssyncadd.s32 $0xFFFFC000  }
0x58: {  	[hbm:s11], [sflag:s28] =	dma.local [spmem:s30], $0x800  }
0x59: {  	s31 =	sadd.s32 $0x20000, s11;
	_ =	swait.ge [sflag:s13], $0x800  }
0x5a: {  	s0 =	simm.s32 $0x400;
	s2 =	simm.s32 $0x800;
	[sflag:s13] =	ssyncset.done $0x0  }
.LBB2_2:
0x5b: {  	s8 =	sadd.s32 s0, s12;
	[sflag:s13] =	ssyncadd.s32 $0xFFFFF800  }
0x5c: {  	[tilespmem:s1], [sflag:$0x5] =	stream.linear.gather [hbm4b:s8+s1], $0x80, $0x38;
	[tilespmem:$0x18280] =	vst v63  }
0x5d: {  	s9 =	smov.u32 s2;
	_ =	swait.ge [sflag:s13], $0x80  }
0x5e: {  	s7 =	sadd.s32 $0x400, s2;
	s8 =	rddreg [dreg:$0x6];
	[sflag:s13] =	ssyncset.done $0x0  }
0x5f: {  	p1 =	sne.s32 s2, $0x9800;
	[sflag:s13] =	ssyncadd.s32 $0xFFFFFF80;
	s2 =	sadd.s32 s0, s8  }
0x60: {  	[tilespmem:s14], [sflag:$0x5] =	stream.linear.gather [hbm4b:s2+s1], $0x80, $0x38;
	[tilespmem:$0x18280] =	vst v63  }
0x61: {  	_ =	swait.ge [sflag:s13], $0x80  }
0x62: {  	[sflag:s13] =	ssyncset.done $0x0  }
0x63: {  	[sflag:s13] =	ssyncadd.s32 $0xFFFFFF80  }
0x64: {  	[tilespmem:s15], [sflag:$0x1] =	stream.indirect.gather [hbm4b:s3+s14], $0x80, s1, s14, $0xb8;
	[tilespmem:$0x18280] =	vst v63  }
0x65: {  	s8 =	rddreg [dreg:$0x5]  }
0x66: {  	[tilespmem:s16], [sflag:$0x2] =	stream.indirect.gather [hbm4b:s4+s14], $0x80, s14, s14, $0xb8;
	[tilespmem:$0x18280] =	vst v63  }
0x67: {  	s2 =	sadd.s32 s0, s8  }
0x68: {  	[tilespmem:s17], [sflag:$0x5] =	stream.linear.gather [hbm4b:s2+s1], $0x80, $0x38;
	[tilespmem:$0x18280] =	vst v63  }
0x69: {  	_ =	swait.ge [sflag:s13], $0x80  }
0x6a: {  	s8 =	rddreg [dreg:$0x4];
	[sflag:s13] =	ssyncset.done $0x0  }
0x6b: {  	[sflag:s13] =	ssyncadd.s32 $0xFFFFFF80;
	s2 =	sadd.s32 s0, s8  }
0x6c: {  	[tilespmem:s18], [sflag:$0x5] =	stream.linear.gather [hbm4b:s2+s1], $0x80, $0x38;
	[tilespmem:$0x18280] =	vst v63  }
0x6d: {  	_ =	swait.ge [sflag:s13], $0x80  }
0x6e: {  	[sflag:s13] =	ssyncset.done $0x0  }
0x6f: {  	[sflag:s13] =	ssyncadd.s32 $0xFFFFFF80  }
0x70: {  	[tilespmem:s19], [sflag:$0x3] =	stream.indirect.gather [hbm4b:s3+s14], $0x80, s17, s14, $0xb8;
	[tilespmem:$0x18280] =	vst v63  }
0x71: {  	_ = 	snop  }
0x72: {  	[tilespmem:s20], [sflag:$0x4] =	stream.indirect.gather [hbm4b:s4+s14], $0x80, s18, s14, $0xb8;
	[tilespmem:$0x18280] =	vst v63  }
0x73: {  	_ =	swait.ge [sflag:s21], $0x4000  }
0x74: {  	[sflag:s21] =	ssyncset.done $0x0  }
0x75: {  	[sflag:s21] =	ssyncadd.s32 $0xFFFFC000  }
0x76: {  	[spmem:s5] =	stream.indirect.scatter [tilespmem:s15], [sflag:$0x5], $0x80, s22, s14, $0xb8;
	[tilespmem:$0x18280] =	vst v63  }
0x77: {  	_ =	swait.ge [sflag:s13], $0x4000  }
0x78: {  	[sflag:s13] =	ssyncset.done $0x0  }
0x79: {  	[sflag:s13] =	ssyncadd.s32 $0xFFFFC000  }
0x7a: {  	_ =	swait.ge [sflag:s23], $0x4000  }
0x7b: {  	[sflag:s23] =	ssyncset.done $0x0  }
0x7c: {  	[sflag:s23] =	ssyncadd.s32 $0xFFFFC000  }
0x7d: {  	[spmem:s5] =	stream.indirect.scatter.add.f32 [tilespmem:s16], [sflag:$0x5], $0x80, s22, s14, $0xb8;
	[tilespmem:$0x18280] =	vst v63  }
0x7e: {  	_ =	swait.ge [sflag:s13], $0x4000  }
0x7f: {  	[sflag:s13] =	ssyncset.done $0x0  }
0x80: {  	s0 =	smov.u32 s9;
	s9 =	sadd.s32 $0xFFFF0000, s31;
	[sflag:s13] =	ssyncadd.s32 $0xFFFFC000  }
0x81: {  	[hbm:s9], [sflag:s28] =	dma.local [spmem:s29], $0x800  }
0x82: {  	_ =	swait.ge [sflag:s13], $0x800  }
0x83: {  	[sflag:s13] =	ssyncset.done $0x0  }
0x84: {  	[sflag:s13] =	ssyncadd.s32 $0xFFFFF800  }
0x85: {  	_ =	swait.ge [sflag:s24], $0x4000  }
0x86: {  	[sflag:s24] =	ssyncset.done $0x0  }
0x87: {  	[sflag:s24] =	ssyncadd.s32 $0xFFFFC000  }
0x88: {  	[spmem:s6] =	stream.indirect.scatter [tilespmem:s19], [sflag:$0x5], $0x80, s22, s14, $0xb8;
	[tilespmem:$0x18280] =	vst v63  }
0x89: {  	_ =	swait.ge [sflag:s13], $0x4000  }
0x8a: {  	[sflag:s13] =	ssyncset.done $0x0  }
0x8b: {  	[sflag:s13] =	ssyncadd.s32 $0xFFFFC000  }
0x8c: {  	_ =	swait.ge [sflag:s25], $0x4000  }
0x8d: {  	[sflag:s25] =	ssyncset.done $0x0  }
0x8e: {  	[sflag:s25] =	ssyncadd.s32 $0xFFFFC000  }
0x8f: {  	[spmem:s6] =	stream.indirect.scatter.add.f32 [tilespmem:s20], [sflag:$0x5], $0x80, s22, s14, $0xb8;
	[tilespmem:$0x18280] =	vst v63  }
0x90: {  	_ =	swait.ge [sflag:s13], $0x4000  }
.Ltmp0:
0x91: {  	[sflag:s13] =	ssyncset.done $0x0;
	(pc) =	sbr.rel @p1 .LBB2_2-.Ltmp0, $4  }
0x92: {  	[sflag:s13] =	ssyncadd.s32 $0xFFFFC000  }
0x93: {  	[hbm:s31], [sflag:s28] =	dma.local [spmem:s30], $0x800  }
0x94: {  	_ =	swait.ge [sflag:s13], $0x800  }
0x95: {  	s2 =	smov.u32 s7;
	s31 =	sadd.s32 $0x20000, s31;
	[sflag:s13] =	ssyncset.done $0x0  }
0x96: {  	s2 =	sadd.s32 s0, s12;
	[sflag:s13] =	ssyncadd.s32 $0xFFFFF800  }
0x97: {  	[tilespmem:s1], [sflag:$0x5] =	stream.linear.gather [hbm4b:s2+s1], $0x80, $0x38;
	[tilespmem:$0x18280] =	vst v63  }
0x98: {  	_ =	swait.ge [sflag:s13], $0x80  }
0x99: {  	s8 =	rddreg [dreg:$0x6];
	[sflag:s13] =	ssyncset.done $0x0  }
0x9a: {  	[sflag:s13] =	ssyncadd.s32 $0xFFFFFF80;
	s2 =	sadd.s32 s0, s8  }
0x9b: {  	[tilespmem:s14], [sflag:$0x5] =	stream.linear.gather [hbm4b:s2+s1], $0x80, $0x38;
	[tilespmem:$0x18280] =	vst v63  }
0x9c: {  	_ =	swait.ge [sflag:s13], $0x80  }
0x9d: {  	[sflag:s13] =	ssyncset.done $0x0  }
0x9e: {  	[sflag:s13] =	ssyncadd.s32 $0xFFFFFF80  }
0x9f: {  	[tilespmem:s15], [sflag:$0x1] =	stream.indirect.gather [hbm4b:s3+s14], $0x80, s1, s14, $0xb8;
	[tilespmem:$0x18280] =	vst v63  }
0xa0: {  	s9 =	rddreg [dreg:$0x5]  }
0xa1: {  	[tilespmem:s16], [sflag:$0x2] =	stream.indirect.gather [hbm4b:s4+s14], $0x80, s14, s14, $0xb8;
	[tilespmem:$0x18280] =	vst v63  }
0xa2: {  	s2 =	sadd.s32 s0, s9  }
0xa3: {  	[tilespmem:s17], [sflag:$0x5] =	stream.linear.gather [hbm4b:s2+s1], $0x80, $0x38;
	[tilespmem:$0x18280] =	vst v63  }
0xa4: {  	_ =	swait.ge [sflag:s13], $0x80  }
0xa5: {  	s7 =	rddreg [dreg:$0x4];
	[sflag:s13] =	ssyncset.done $0x0  }
0xa6: {  	[sflag:s13] =	ssyncadd.s32 $0xFFFFFF80;
	s8 =	sadd.s32 s0, s7  }
0xa7: {  	[tilespmem:s18], [sflag:$0x5] =	stream.linear.gather [hbm4b:s8+s1], $0x80, $0x38;
	[tilespmem:$0x18280] =	vst v63  }
0xa8: {  	_ =	swait.ge [sflag:s13], $0x80  }
0xa9: {  	[sflag:s13] =	ssyncset.done $0x0  }
0xaa: {  	[sflag:s13] =	ssyncadd.s32 $0xFFFFFF80  }
0xab: {  	[tilespmem:s19], [sflag:$0x3] =	stream.indirect.gather [hbm4b:s3+s14], $0x80, s17, s14, $0xb8;
	[tilespmem:$0x18280] =	vst v63  }
0xac: {  	_ = 	snop  }
0xad: {  	[tilespmem:s20], [sflag:$0x4] =	stream.indirect.gather [hbm4b:s4+s14], $0x80, s18, s14, $0xb8;
	[tilespmem:$0x18280] =	vst v63  }
0xae: {  	_ =	swait.ge [sflag:s21], $0x4000  }
0xaf: {  	[sflag:s21] =	ssyncset.done $0x0  }
0xb0: {  	[sflag:s21] =	ssyncadd.s32 $0xFFFFC000  }
0xb1: {  	[spmem:s5] =	stream.indirect.scatter [tilespmem:s15], [sflag:$0x5], $0x80, s22, s14, $0xb8;
	[tilespmem:$0x18280] =	vst v63  }
0xb2: {  	_ =	swait.ge [sflag:s13], $0x4000  }
0xb3: {  	[sflag:s13] =	ssyncset.done $0x0  }
0xb4: {  	[sflag:s13] =	ssyncadd.s32 $0xFFFFC000  }
0xb5: {  	_ =	swait.ge [sflag:s23], $0x4000  }
0xb6: {  	[sflag:s23] =	ssyncset.done $0x0  }
0xb7: {  	[sflag:s23] =	ssyncadd.s32 $0xFFFFC000  }
0xb8: {  	[spmem:s5] =	stream.indirect.scatter.add.f32 [tilespmem:s16], [sflag:$0x5], $0x80, s22, s14, $0xb8;
	[tilespmem:$0x18280] =	vst v63  }
0xb9: {  	_ =	swait.ge [sflag:s13], $0x4000  }
0xba: {  	[sflag:s13] =	ssyncset.done $0x0  }
0xbb: {  	s9 =	sadd.s32 $0xFFFF0000, s31;
	[sflag:s13] =	ssyncadd.s32 $0xFFFFC000  }
0xbc: {  	[hbm:s9], [sflag:s28] =	dma.local [spmem:s29], $0x800  }
0xbd: {  	_ =	swait.ge [sflag:s13], $0x800  }
0xbe: {  	[sflag:s13] =	ssyncset.done $0x0  }
0xbf: {  	[sflag:s13] =	ssyncadd.s32 $0xFFFFF800  }
0xc0: {  	_ =	swait.ge [sflag:s24], $0x4000  }
0xc1: {  	[sflag:s24] =	ssyncset.done $0x0  }
0xc2: {  	[sflag:s24] =	ssyncadd.s32 $0xFFFFC000  }
0xc3: {  	[spmem:s6] =	stream.indirect.scatter [tilespmem:s19], [sflag:$0x5], $0x80, s22, s14, $0xb8;
	[tilespmem:$0x18280] =	vst v63  }
0xc4: {  	_ =	swait.ge [sflag:s13], $0x4000  }
0xc5: {  	[sflag:s13] =	ssyncset.done $0x0  }
0xc6: {  	[sflag:s13] =	ssyncadd.s32 $0xFFFFC000  }
0xc7: {  	_ =	swait.ge [sflag:s25], $0x4000  }
0xc8: {  	[sflag:s25] =	ssyncset.done $0x0  }
0xc9: {  	[sflag:s25] =	ssyncadd.s32 $0xFFFFC000  }
0xca: {  	[spmem:s6] =	stream.indirect.scatter.add.f32 [tilespmem:s20], [sflag:$0x5], $0x80, s22, s14, $0xb8;
	[tilespmem:$0x18280] =	vst v63  }
0xcb: {  	_ =	swait.ge [sflag:s13], $0x4000  }
0xcc: {  	[sflag:s13] =	ssyncset.done $0x0  }
0xcd: {  	[sflag:s13] =	ssyncadd.s32 $0xFFFFC000  }
0xce: {  	[hbm:s31], [sflag:s28] =	dma.local [spmem:s30], $0x800  }
0xcf: {  	_ =	swait.ge [sflag:s13], $0x800  }
0xd0: {  	[sflag:s13] =	ssyncset.done $0x0  }
0xd1: {  	s0 =	simm.s32 @!p0 $0x0;
	s2 =	rddreg [dreg:$0x7];
	[sflag:s13] =	ssyncadd.s32 $0xFFFFF800  }
0xd2: {  	[tilespmem:s0], [sflag:$0x5] =	stream.linear.gather @!p0 [hbm4b:s2+s0], $0x80, $0x38;
	[tilespmem:$0x18280] =	vst v63  }
0xd3: {  	s2 =	simm.s32 @!p0 $0x5  }
0xd4: {  	_ =	swait.ge @!p0 [sflag:s2], $0x80  }
0xd5: {  	[sflag:s2] =	ssyncset.done @!p0 $0x0  }
0xd6: {  	s7 =	simm.s32 @!p0 $0x80;
	s8 =	rddreg [dreg:$0x8];
	[sflag:s2] =	ssyncadd.s32 @!p0 $0xFFFFFF80  }
0xd7: {  	[tilespmem:s7], [sflag:$0x5] =	stream.linear.gather @!p0 [hbm4b:s8+s0], $0x80, $0x38;
	[tilespmem:$0x18280] =	vst v63  }
0xd8: {  	_ =	swait.ge @!p0 [sflag:s2], $0x80  }
0xd9: {  	[sflag:s2] =	ssyncset.done @!p0 $0x0  }
0xda: {  	s8 =	simm.s32 @!p0 $0x280;
	[sflag:s2] =	ssyncadd.s32 @!p0 $0xFFFFFF80  }
0xdb: {  	[tilespmem:s8], [sflag:$0x1] =	stream.indirect.gather @!p0 [hbm4b:s3+s7], $0x80, s0, s7, $0xb8;
	[tilespmem:$0x18280] =	vst v63  }
0xdc: {  	s9 =	simm.s32 @!p0 $0x1;
	s0 =	simm.s32 @!p0 $0x4280  }
0xdd: {  	[tilespmem:s0], [sflag:$0x2] =	stream.indirect.gather @!p0 [hbm4b:s4+s7], $0x80, s7, s7, $0xb8;
	[tilespmem:$0x18280] =	vst v63  }
0xde: {  	_ =	swait.ge @!p0 [sflag:s9], $0x4000  }
0xdf: {  	[sflag:s9] =	ssyncset.done @!p0 $0x0  }
0xe0: {  	[sflag:s9] =	ssyncadd.s32 @!p0 $0xFFFFC000;
	s9 =	simm.s32 @!p0 $0x200  }
0xe1: {  	[spmem:s5] =	stream.indirect.scatter @!p0 [tilespmem:s8], [sflag:$0x5], $0x80, s9, s7, $0xb8;
	[tilespmem:$0x18280] =	vst v63  }
0xe2: {  	_ =	swait.ge @!p0 [sflag:s2], $0x4000  }
0xe3: {  	[sflag:s2] =	ssyncset.done @!p0 $0x0  }
0xe4: {  	s8 =	simm.s32 @!p0 $0x2;
	[sflag:s2] =	ssyncadd.s32 @!p0 $0xFFFFC000  }
0xe5: {  	_ =	swait.ge @!p0 [sflag:s8], $0x4000  }
0xe6: {  	[sflag:s8] =	ssyncset.done @!p0 $0x0  }
0xe7: {  	[sflag:s8] =	ssyncadd.s32 @!p0 $0xFFFFC000  }
0xe8: {  	[spmem:s5] =	stream.indirect.scatter.add.f32 @!p0 [tilespmem:s0], [sflag:$0x5], $0x80, s9, s7, $0xb8;
	[tilespmem:$0x18280] =	vst v63  }
0xe9: {  	s26 =	sadd.s32 $0x1, s26;
	_ =	swait.ge @!p0 [sflag:s2], $0x4000  }
0xea: {  	p1 =	sne.s32 s26, s10;
	s0 =	sshrl.u32 @!p0 s5, $0x3;
	[sflag:s2] =	ssyncset.done @!p0 $0x0  }
.Ltmp1:
0xeb: {  	s7 =	rddreg [dreg:$0x9];
	[sflag:s2] =	ssyncadd.s32 @!p0 $0xFFFFC000;
	(pc) =	sbr.rel @p1 .LBB2_1-.Ltmp1, $4  }
0xec: {  	[hbm:s7], [sflag:s28] =	dma.local @!p0 [spmem:s0], $0x800  }
0xed: {  	_ =	swait.ge @!p0 [sflag:s2], $0x800  }
0xee: {  	[sflag:s2] =	ssyncset.done @!p0 $0x0  }
0xef: {  	[sflag:s2] =	ssyncadd.s32 @!p0 $0xFFFFF800  }
0xf0: {  	_ =	sfence.sel $0x180000  }
0xf1: {  	[bflag:$0x0] =	sbarrier.arrive $0xFFFF  }
0xf2: {  	_ =	strace $0x90000050  }
0xf3: {  	s0 =	stileid.u32;
	[bflag:$0x2] =	sbarrier.arrive $0xFFFF  }
0xf4: {  	p0 =	sne.s32 s0, $0x0;
	s0 =	rddreg [dreg:$0x3]  }
0xf5: {  	s0 =	sadd.s32 @!p0 $0x100000, s0  }
0xf6: {  	[sflag:s0] =	ssyncadd.tile.s32 @!p0 $0x1;
	_ =	shalt  }
.Lfunc_end2:
_tile_overlayer_lowered:
.L_overlay_start_2:
0xf7: {  	(tag) =	ssettag $0x2  }
0xf8: {  	s0 =	rddreg [dreg:$0x0];
	s2 =	stileid.u32  }
0xf9: {  	s1 =	rddreg [dreg:$0x1];
	p0 =	sne.s32 s2, $0x0  }
0xfa: {  	s3 =	rddreg [dreg:$0x2];
	[bflag:$0x3] =	sbarrier.arrive $0xFFFF;
	s2 =	simm.s32 @!p0 $0x1C05  }
0xfb: {  	[timem:s3], [sflag:s2] =	dma.local @!p0 [hbm:s0], s1  }
0xfc: {  	s0 =	simm.s32 @!p0 $0x5  }
0xfd: {  	_ =	swait.ge @!p0 [sflag:s0], s1  }
0xfe: {  	s1 =	ssub.s32 @!p0 $0x0, s1;
	[sflag:s0] =	ssyncset.done @!p0 $0x0  }
0xff: {  	[sflag:s0] =	ssyncadd.s32 @!p0 s1  }
0x100: {  	[bflag:$0x3] =	sbarrier.arrive $0xFFFF  }
0x101: {  	_ =	shalt  }

// kernel: kernel.29.cloned.1.call-start
scs
__scs_entry_jumppad:
0x0: {  	(pc) =	sbr.rel $0x88, $3  }
0x1: {  	(tag) =	ssettag $0x0;
	lr =	simm.s32 $0x1  }
0x2: {  	[smem:$0x3F82] =	sst lr;
	_ =	strace $0xD0000000  }
0x3: {  	_ = 	snop  }
0x4: {  	_ = 	snop  }
0x5: {  	_ = 	snop  }
0x6: {  	_ = 	snop  }
0x7: {  	_ = 	snop  }
__scs_overlays_trampoline_lowered:
0x8: {  	[smem:$0x3F91] =	sst s0  }
0x9: {  	[smem:$0x3F92] =	sst s1  }
0xa: {  	[smem:$0x3F93] =	sst s2  }
0xb: {  	[smem:$0x3F94] =	sst s3  }
0xc: {  	[smem:$0x3F95] =	sst s4  }
0xd: {  	[smem:$0x3F96] =	sst s5  }
0xe: {  	[smem:$0x3F97] =	sst s6  }
0xf: {  	[smem:$0x3F98] =	sst s7  }
0x10: {  	[smem:$0x3F99] =	sst s8  }
0x11: {  	[smem:$0x3F9A] =	sst s9;
	s0 =	simm.s32 @!p0 $0x0  }
0x12: {  	s1 =	sld [smem:$0x3F80];
	s0 =	simm.s32 @p0 $0x1  }
0x13: {  	[smem:$0x3F9B] =	sst s0;
	s0 =	simm.s32 @!p1 $0x0  }
0x14: {  	s2 =	sld [smem:$0x3F7F];
	s0 =	simm.s32 @p1 $0x1  }
0x15: {  	[smem:$0x3F9C] =	sst s0;
	s0 =	simm.s32 @!p2 $0x0  }
0x16: {  	s3 =	sld [smem:$0x3FDB];
	s0 =	simm.s32 @p2 $0x1  }
0x17: {  	s4 =	simm.s32 $0x1BF5;
	[smem:$0x3F9E] =	sst s0  }
0x18: {  	s0 =	sld [smem:$0x3F81];
	_ =	swait.ge [sflag:s4], $0x0  }
0x19: {  	s7 =	sld [smem:$0x3F82]  }
0x1a: {  	s8 =	sadd.s32 $0xFFFFE003, lr  }
0x1b: {  	s9 =	sadd.s32 $0xFFFFFEF7, lr;
	s5 =	simm.s32 $0xFFFFFFFF;
	p2 =	slt.u32 s8, $0xFFFFF086  }
0x1c: {  	p1 =	slt.u32 s9, $0xF7A;
	s5 =	simm.s32 @!p2 $0x0  }
0x1d: {  	s5 =	simm.s32 @p1 $0x1;
	p0 =	seq.s32 s7, s2  }
0x1e: {  	s7 =	smul.u32 @!p0 $0xF7A, s2;
	p2 =	seq.s32 @!p0 s5, $0x0  }
0x1f: {  	s9 =	smul.u32 $0xF7A, s1;
	s8 =	simm.s32 @!p0 $0x1BF5;
	p2 =	por !p2, p0  }
0x20: {  	[sflag:s8] =	ssyncset.s32 @!p0 $0xFFFFF086;
	s6 =	sadd.s32 @!p0 s3, s7;
	s7 =	simm.s32 @!p0 $0x108  }
0x21: {  	s3 =	sadd.s32 s3, s9;
	s6 =	sadd.s32 @!p0 $0x88, s6;
	s7 =	simm.s32 @p2 $0x1082  }
0x22: {  	[simem:s7], [sflag:s8] =	dma.local @!p0 [hbm:s6], $0xF7A  }
0x23: {  	s9 =	sor.u32 $0xD0000000, s2;
	s6 =	simm.s32 $0x108;
	_ =	swait.ge @!p0 [sflag:s8], $0x0  }
0x24: {  	s3 =	sadd.s32 $0x88, s3;
	s6 =	simm.s32 @!p1 $0x1082;
	[sflag:s4] =	ssyncset.s32 $0xFFFFF086  }
0x25: {  	[simem:s6], [sflag:s4] =	dma.local [hbm:s3], $0xF7A  }
0x26: {  	[smem:$0x3F82] =	sst s1;
	(tag) =	ssettag s2;
	_ =	strace s9  }
0x27: {  	s1 =	sld [smem:$0x3F92]  }
0x28: {  	s2 =	sld [smem:$0x3F93]  }
0x29: {  	s4 =	sld [smem:$0x3F95]  }
0x2a: {  	p0 =	seq.s32 s5, $0x0;
	s5 =	sld [smem:$0x3F96]  }
0x2b: {  	s6 =	sld [smem:$0x3F97]  }
0x2c: {  	s7 =	sld [smem:$0x3F98]  }
0x2d: {  	s3 =	simm.s32 $0x108;
	s8 =	sld [smem:$0x3F99]  }
0x2e: {  	s3 =	simm.s32 @!p0 $0x1082;
	s9 =	sld [smem:$0x3F9A]  }
0x2f: {  	lr =	sadd.s32 s0, s3;
	s0 =	sld [smem:$0x3F91]  }
0x30: {  	s3 =	sld [smem:$0x3F94]  }
0x31: {  	[smem:$0x3F9D] =	sst s10  }
0x32: {  	s10 =	sld [smem:$0x3F9B];
	_ =	sdelay $0x3  }
0x33: {  	p0 =	seq.s32 s10, $0x1;
	s10 =	sld [smem:$0x3F9D];
	_ =	sdelay $0x3  }
0x34: {  	[smem:$0x3F9D] =	sst s10  }
0x35: {  	s10 =	sld [smem:$0x3F9C];
	_ =	sdelay $0x3  }
0x36: {  	p1 =	seq.s32 s10, $0x1;
	s10 =	sld [smem:$0x3F9D];
	_ =	sdelay $0x3  }
0x37: {  	[smem:$0x3F9D] =	sst s10  }
0x38: {  	s10 =	sld [smem:$0x3F9E]  }
0x39: {  	_ = 	snop;
	(pc) =	sbr.ind lr, $3  }
0x3a: {  	_ = 	snop  }
0x3b: {  	_ = 	snop  }
0x3c: {  	p2 =	seq.s32 s10, $0x1;
	s10 =	sld [smem:$0x3F9D]  }
0x3d: {  	_ =	shalt  }
0x3e: {  	_ =	shalt  }
0x3f: {  	_ =	shalt  }
0x40: {  	_ =	shalt  }
0x41: {  	_ =	shalt  }
0x42: {  	_ =	shalt  }
0x43: {  	_ =	shalt  }
0x44: {  	_ =	shalt  }
0x45: {  	_ =	shalt  }
0x46: {  	_ =	shalt  }
0x47: {  	_ =	shalt  }
0x48: {  	_ =	shalt  }
0x49: {  	_ =	shalt  }
0x4a: {  	_ =	shalt  }
0x4b: {  	_ =	shalt  }
0x4c: {  	_ =	shalt  }
0x4d: {  	_ =	shalt  }
0x4e: {  	_ =	shalt  }
0x4f: {  	_ =	shalt  }
0x50: {  	_ =	shalt  }
0x51: {  	_ =	shalt  }
0x52: {  	_ =	shalt  }
0x53: {  	_ =	shalt  }
0x54: {  	_ =	shalt  }
0x55: {  	_ =	shalt  }
0x56: {  	_ =	shalt  }
0x57: {  	_ =	shalt  }
0x58: {  	_ =	shalt  }
0x59: {  	_ =	shalt  }
0x5a: {  	_ =	shalt  }
0x5b: {  	_ =	shalt  }
0x5c: {  	_ =	shalt  }
0x5d: {  	_ =	shalt  }
0x5e: {  	_ =	shalt  }
0x5f: {  	_ =	shalt  }
0x60: {  	_ =	shalt  }
0x61: {  	_ =	shalt  }
0x62: {  	_ =	shalt  }
0x63: {  	_ =	shalt  }
0x64: {  	_ =	shalt  }
0x65: {  	_ =	shalt  }
0x66: {  	_ =	shalt  }
0x67: {  	_ =	shalt  }
0x68: {  	_ =	shalt  }
0x69: {  	_ =	shalt  }
0x6a: {  	_ =	shalt  }
0x6b: {  	_ =	shalt  }
0x6c: {  	_ =	shalt  }
0x6d: {  	_ =	shalt  }
0x6e: {  	_ =	shalt  }
0x6f: {  	_ =	shalt  }
0x70: {  	_ =	shalt  }
0x71: {  	_ =	shalt  }
0x72: {  	_ =	shalt  }
0x73: {  	_ =	shalt  }
0x74: {  	_ =	shalt  }
0x75: {  	_ =	shalt  }
0x76: {  	_ =	shalt  }
0x77: {  	_ =	shalt  }
0x78: {  	_ =	shalt  }
0x79: {  	_ =	shalt  }
0x7a: {  	_ =	shalt  }
0x7b: {  	_ =	shalt  }
0x7c: {  	_ =	shalt  }
0x7d: {  	_ =	shalt  }
0x7e: {  	_ =	shalt  }
0x7f: {  	_ =	shalt  }
0x80: {  	_ =	shalt  }
0x81: {  	_ =	shalt  }
0x82: {  	_ =	shalt  }
0x83: {  	_ =	shalt  }
0x84: {  	_ =	shalt  }
0x85: {  	_ =	shalt  }
0x86: {  	_ =	shalt  }
0x87: {  	_ =	shalt  }
.Lfunc_end0:
.L_simem_size_0:
called_computation.4_lowered:
.L_overlay_start_0:
0x88: {  	s2 =	sld [smem:$0x3FD9]  }
0x89: {  	s3 =	sld [smem:$0x3FFE];
	_ =	sdelay $0x1  }
0x8a: {  	s1 =	srdreg.scid  }
0x8b: {  	s0 =	sand.u32 $0x1, s1  }
0x8c: {  	s17 =	sshll.u32 s0, $0xA;
	s2 =	sadd.s32 s3, s2  }
0x8d: {  	s2 =	sadd.s32 s2, s17  }
0x8e: {  	[smem:$0x3FA9] =	sst s2  }
0x8f: {  	_ = 	snop  }
0x90: {  	s2 =	sld [smem:$0x3FD0];
	(tm) =	ssettm $0x1  }
0x91: {  	s18 =	sld [smem:$0x3FFB];
	_ =	sdelay $0x3  }
0x92: {  	_ =	strace s18  }
0x93: {  	s3 =	sld [smem:$0x3FFC];
	_ =	sdelay $0x3  }
0x94: {  	_ =	strace s3  }
0x95: {  	s3 =	sld [smem:$0x3FFD];
	_ =	sdelay $0x3  }
0x96: {  	_ =	strace s3  }
0x97: {  	_ =	strace $0x8FFFFFFF  }
0x98: {  	s19 =	sld [smem:$0x3FDB];
	_ =	sdelay $0x1  }
0x99: {  	s4 =	simm.s32 $_scs_section_size  }
0x9a: {  	s5 =	simm.s32 $_size__tile_overlayer_lowered;
	s6 =	simm.s32 $_tile_overlayer_lowered  }
0x9b: {  	s22 =	simm.s32 $0x1BFF;
	s21 =	sshll.u32 s6, $0x1;
	s3 =	sadd.s32 s4, s19  }
0x9c: {  	s7 =	simm.s32 $0x0;
	s20 =	sshll.u32 s5, $0x1;
	s5 =	sadd.s32 s21, s3  }
0x9d: {  	[timem:s7], [sflag:s22] =	dma.local [hbm:s5], s20  }
0x9e: {  	_ =	swait.ge [sflag:s22], s20  }
0x9f: {  	s4 =	ssub.s32 $0x0, s20;
	[sflag:s22] =	ssyncset.done $0x0  }
0xa0: {  	[sflag:s22] =	ssyncadd.s32 s4;
	_ =	sdelay $0x1  }
0xa1: {  	s23 =	simm.s32 $0x1B8B  }
0xa2: {  	_ =	swait.ge [sflag:s23], $0x1  }
0xa3: {  	[sflag:s23] =	ssyncset.done $0x0  }
0xa4: {  	s25 =	simm.s32 $0x1B8E;
	s24 =	sld [smem:$0x3FFE];
	[sflag:s23] =	ssyncadd.s32 $0xFFFFFFFF  }
0xa5: {  	s26 =	simm.s32 $execute0_lowered;
	[smem:$0x3FD2] =	sst s25  }
0xa6: {  	s5 =	sshll.u32 s26, $0x1;
	_ =	strace $0x80000052;
	[dreg:$0x1] =	wrdreg $0xFFFFFFFF  }
0xa7: {  	s28 =	simm.s32 $_size_execute0_lowered;
	s3 =	sadd.s32 s3, s5;
	[dreg:$0x0] =	wrdreg $0x0  }
0xa8: {  	s5 =	sshll.u32 s28, $0x1;
	[dreg:$0x2] =	wrdreg s3  }
0xa9: {  	[dreg:$0x3] =	wrdreg s5  }
0xaa: {  	[dreg:$0x4] =	wrdreg $0xC0  }
0xab: {  	_ =	task [dreg:s7], $0x5FFFF  }
0xac: {  	[dreg:$0x1] =	wrdreg $0xFFFFFFFF  }
0xad: {  	[dreg:$0x0] =	wrdreg $0x60  }
0xae: {  	[dreg:$0x2] =	wrdreg s24  }
0xaf: {  	[dreg:$0x3] =	wrdreg s2  }
0xb0: {  	[dreg:$0x4] =	wrdreg $0x81000  }
0xb1: {  	[dreg:$0x5] =	wrdreg $0x9  }
0xb2: {  	_ =	task.clear_ibuf [dreg:s7], $0x6FFFF;
	_ =	strace $0x90000052  }
0xb3: {  	s29 =	simm.s32 $0x9;
	_ =	strace $0x80000054  }
0xb4: {  	_ =	swait.ge [sflag:s29], $0x1  }
0xb5: {  	[sflag:s29] =	ssyncadd.s32 $0xFFFFFFFF  }
0xb6: {  	_ =	strace $0x90000054  }
0xb7: {  	_ =	sfence  }
0xb8: {  	s30 =	sld [smem:$0x0];
	_ =	sdelay $0x2  }
0xb9: {  	s31 =	sshll.u32 s1, $0xD;
	s1 =	sshrl.u32 s1, $0x2  }
0xba: {  	s3 =	sand.u32 $0x4000, s31;
	s1 =	sadd.s32 s1, s30  }
0xbb: {  	s0 =	sor.u32 s3, s0;
	s1 =	sshll.u32 s1, $0x11  }
0xbc: {  	s0 =	sor.u32 s1, s0  }
0xbd: {  	s0 =	sadd.s32 $0x8F2B, s0  }
0xbe: {  	[sflag:s0] =	ssyncadd.remote.s32 $0x1  }
0xbf: {  	_ =	sfence.sel $0xFFFF  }
0xc0: {  	[dreg:$0x0] =	wrdreg $0xFFFFFFFF;
	(pc) =	sbr.abs _section_cstart, $3  }
0xc1: {  	[dreg:$0x1] =	wrdreg $0xFFFFFFFF  }
0xc2: {  	_ =	task.clear_ibuf [dreg:s7], $0x2FFFF;
	_ =	strace $0x9FFFFFFF  }
0xc3: {  	(tm) =	ssettm $0x7FFFFFFF  }
tec
execute0_lowered:
.L_overlay_start_1:
0x0: {  	(tag) =	ssettag $0x1  }
0x1: {  	s4 =	rddreg [dreg:$0x0]  }
0x2: {  	s15 =	rddreg [dreg:$0x1]  }
0x3: {  	s0 =	srdreg.scid;
	s2 =	rddreg [dreg:$0x2]  }
0x4: {  	s1 =	stileid.u32;
	s3 =	simm.s32 $0x0;
	s20 =	simm.s32 $0x1  }
0x5: {  	s13 =	sand.u32 $0x1, s0;
	s0 =	rddreg [dreg:$0x3];
	s6 =	smul.u32 $0x14000, s1  }
0x6: {  	s21 =	simm.s32 $0x2;
	[smem:$0x7FF] =	sst s3;
	s7 =	smul.u32 $0x50000, s1  }
0x7: {  	s14 =	sadd.s32 $0x5B9800, s4;
	s16 =	sshll.u32 s1, $0x7;
	s18 =	sshll.u32 s1, $0x4  }
0x8: {  	s31 =	sshll.u32 s1, $0xB;
	s5 =	smul.u32 $0x140000, s13;
	_ =	strace $0x80000053  }
0x9: {  	s26 =	ssub.s32 $0x2, s13;
	s29 =	sshll.u32 s13, $0x4;
	s8 =	sor.u32 $0x4E000, s16  }
0xa: {  	s17 =	sshll.u32 s13, $0x8;
	s19 =	sshll.u32 s13, $0xF;
	s13 =	sshll.u32 s13, $0xB  }
0xb: {  	s28 =	sshrl.u32 s26, $0x1;
	s30 =	sshrl.u32 s7, $0x2;
	s22 =	sor.u32 s1, s29  }
0xc: {  	s9 =	sshll.u32 s8, $0x4;
	s10 =	sshrl.u32 s8, $0x3;
	s17 =	sadd.s32 s17, s15  }
0xd: {  	s16 =	sor.u32 s16, s13;
	s5 =	sadd.s32 s6, s5;
	s12 =	ssub.s32 s26, s28  }
0xe: {  	s9 =	sadd.s32 s14, s9;
	s10 =	sadd.s32 s15, s10;
	s14 =	sadd.s32 s19, s14  }
0xf: {  	s17 =	sadd.s32 s18, s17;
	s16 =	sshrl.u32 s16, $0x3;
	s18 =	simm.s32 $0x4100  }
0x10: {  	s19 =	simm.s32 $0x80;
	p0 =	sgt.u32 s22, $0x3;
	s22 =	simm.s32 $0x0  }
0x11: {  	s5 =	sshrl.u32 s5, $0x3;
	s12 =	smax.u32 s12, $0x1;
	s14 =	sadd.s32 s31, s14  }
0x12: {  	s13 =	sadd.s32 $0x200, s17;
	s15 =	sadd.s32 s16, s15;
	s16 =	simm.s32 $0x100  }
0x13: {  	s17 =	simm.s32 $0x3;
	s11 =	sadd.s32 s5, s4;
	s4 =	sadd.s32 s30, s2  }
0x14: {  	s14 =	sadd.s32 $0x10000, s14;
	s5 =	sadd.s32 $0x4000, s4;
	s6 =	sadd.s32 $0x8000, s4  }
0x15: {  	v0 =	vimm.f32 $0.0e+00;
	s7 =	sadd.s32 $0xC000, s4;
	s8 =	sadd.s32 $0x10000, s4;
	s11 =	sadd.s32 $0x87800, s11  }
.LBB2_1:
0x16: {  	s23 =	simm.s32 $0x0;
	s24 =	simm.s32 $0x200  }
.LBB2_2:
0x17: {  	p1 =	sne.s32 s24, $0xFE00;
	[tilespmem:s23+$0x170] =	vst v0  }
0x18: {  	[tilespmem:s23+$0x100] =	vst v0  }
0x19: {  	[tilespmem:s23+$0x110] =	vst v0  }
.Ltmp0:
0x1a: {  	[tilespmem:s23+$0x120] =	vst v0;
	(pc) =	sbr.rel @p1 .LBB2_2-.Ltmp0, $4  }
0x1b: {  	[tilespmem:s23+$0x130] =	vst v0  }
0x1c: {  	[tilespmem:s23+$0x140] =	vst v0  }
0x1d: {  	[tilespmem:s23+$0x150] =	vst v0  }
0x1e: {  	[tilespmem:s23+$0x160] =	vst v0;
	s23 =	sshra.s32 s24, $0x2;
	s24 =	sadd.s32 $0x200, s24  }
0x1f: {  	[tilespmem:s23+$0x170] =	vst v0  }
0x20: {  	[tilespmem:s23+$0x100] =	vst v0  }
0x21: {  	[tilespmem:s23+$0x110] =	vst v0  }
0x22: {  	[tilespmem:s23+$0x120] =	vst v0  }
0x23: {  	[tilespmem:s23+$0x130] =	vst v0  }
0x24: {  	[tilespmem:s23+$0x140] =	vst v0  }
0x25: {  	[tilespmem:s23+$0x150] =	vst v0  }
0x26: {  	[tilespmem:s23+$0x160] =	vst v0  }
0x27: {  	[spmem:s4] =	stream.linear.scatter [tilespmem:s16], [sflag:$0x3], $0x4000, $0x38;
	[tilespmem:$0x1C100] =	vst v63  }
0x28: {  	_ =	swait.ge [sflag:s17], $0x4000  }
0x29: {  	[sflag:s17] =	ssyncset.done $0x0  }
0x2a: {  	[sflag:s17] =	ssyncadd.s32 $0xFFFFC000  }
0x2b: {  	[spmem:s5] =	stream.linear.scatter [tilespmem:s16], [sflag:$0x3], $0x4000, $0x38;
	[tilespmem:$0x1C100] =	vst v63  }
0x2c: {  	_ =	swait.ge [sflag:s17], $0x4000  }
0x2d: {  	[sflag:s17] =	ssyncset.done $0x0  }
0x2e: {  	[sflag:s17] =	ssyncadd.s32 $0xFFFFC000  }
0x2f: {  	[spmem:s6] =	stream.linear.scatter [tilespmem:s16], [sflag:$0x3], $0x4000, $0x38;
	[tilespmem:$0x1C100] =	vst v63  }
0x30: {  	_ =	swait.ge [sflag:s17], $0x4000  }
0x31: {  	[sflag:s17] =	ssyncset.done $0x0  }
0x32: {  	[sflag:s17] =	ssyncadd.s32 $0xFFFFC000  }
0x33: {  	[spmem:s7] =	stream.linear.scatter [tilespmem:s16], [sflag:$0x3], $0x4000, $0x38;
	[tilespmem:$0x1C100] =	vst v63  }
0x34: {  	_ =	swait.ge [sflag:s17], $0x4000  }
0x35: {  	[sflag:s17] =	ssyncset.done $0x0  }
0x36: {  	[sflag:s17] =	ssyncadd.s32 $0xFFFFC000  }
0x37: {  	[spmem:s8] =	stream.linear.scatter [tilespmem:s16], [sflag:$0x3], $0x4000, $0x38;
	[tilespmem:$0x1C100] =	vst v63  }
0x38: {  	_ =	swait.ge [sflag:s17], $0x4000  }
0x39: {  	[sflag:s17] =	ssyncset.done $0x0  }
0x3a: {  	[sflag:s17] =	ssyncadd.s32 $0xFFFFC000  }
0x3b: {  	s29 =	sadd.s32 $0xFFFF0000, s14;
	[bflag:$0x0] =	sbarrier.arrive $0xFFFF  }
0x3c: {  	[tilespmem:s16], [sflag:$0x1] =	stream.linear.gather [hbm4b:s29+s3], $0x4000, $0x38;
	[tilespmem:$0x1C100] =	vst v63  }
0x3d: {  	s30 =	sadd.s32 $0x0, s15  }
0x3e: {  	[tilespmem:s3], [sflag:$0x3] =	stream.linear.gather [hbm4b:s30+s3], $0x80, $0x38;
	[tilespmem:$0x1C100] =	vst v63  }
0x3f: {  	_ =	swait.ge [sflag:s17], $0x80  }
0x40: {  	[sflag:s17] =	ssyncset.done $0x0  }
0x41: {  	[sflag:s17] =	ssyncadd.s32 $0xFFFFFF80  }
0x42: {  	[tilespmem:s18], [sflag:$0x2] =	stream.linear.gather [hbm4b:s14+s3], $0x4000, $0x38;
	[tilespmem:$0x1C100] =	vst v63  }
0x43: {  	s31 =	sadd.s32 $0x0, s13  }
0x44: {  	[tilespmem:s19], [sflag:$0x3] =	stream.linear.gather [hbm4b:s31+s3], $0x80, $0x38;
	[tilespmem:$0x1C100] =	vst v63  }
0x45: {  	_ =	swait.ge [sflag:s17], $0x80  }
0x46: {  	[sflag:s17] =	ssyncset.done $0x0  }
0x47: {  	[sflag:s17] =	ssyncadd.s32 $0xFFFFFF80  }
0x48: {  	_ =	swait.ge [sflag:s20], $0x4000  }
0x49: {  	[sflag:s20] =	ssyncset.done $0x0  }
0x4a: {  	[sflag:s20] =	ssyncadd.s32 $0xFFFFC000  }
0x4b: {  	[spmem:s2] =	stream.indirect.scatter.add.f32 [tilespmem:s16], [sflag:$0x3], $0x80, s3, s19, $0xb8;
	[tilespmem:$0x1C100] =	vst v63  }
0x4c: {  	_ =	swait.ge [sflag:s17], $0x4000  }
0x4d: {  	[sflag:s17] =	ssyncset.done $0x0  }
0x4e: {  	[sflag:s17] =	ssyncadd.s32 $0xFFFFC000  }
0x4f: {  	_ =	swait.ge [sflag:s21], $0x4000  }
0x50: {  	[sflag:s21] =	ssyncset.done $0x0  }
0x51: {  	[sflag:s21] =	ssyncadd.s32 $0xFFFFC000  }
0x52: {  	[spmem:s2] =	stream.indirect.scatter.add.f32 [tilespmem:s18], [sflag:$0x3], $0x80, s19, s19, $0xb8;
	[tilespmem:$0x1C100] =	vst v63  }
0x53: {  	s23 =	simm.s32 $0x400;
	_ =	swait.ge [sflag:s17], $0x4000  }
0x54: {  	s25 =	simm.s32 $0x800;
	s24 =	sadd.s32 $0x20000, s14;
	[sflag:s17] =	ssyncset.done $0x0  }
.LBB2_4:
0x55: {  	p1 =	sne.s32 s25, $0x9800;
	s26 =	sadd.s32 $0xFFFF0000, s24;
	[sflag:s17] =	ssyncadd.s32 $0xFFFFC000  }
0x56: {  	[tilespmem:s16], [sflag:$0x1] =	stream.linear.gather [hbm4b:s26+s3], $0x4000, $0x38;
	[tilespmem:$0x1C100] =	vst v63  }
0x57: {  	s28 =	smov.u32 s25;
	s25 =	sadd.s32 $0x400, s25;
	s26 =	sadd.s32 s23, s15  }
0x58: {  	[tilespmem:s3], [sflag:$0x3] =	stream.linear.gather [hbm4b:s26+s3], $0x80, $0x38;
	[tilespmem:$0x1C100] =	vst v63  }
0x59: {  	_ =	swait.ge [sflag:s17], $0x80  }
0x5a: {  	[sflag:s17] =	ssyncset.done $0x0  }
0x5b: {  	[sflag:s17] =	ssyncadd.s32 $0xFFFFFF80  }
0x5c: {  	[tilespmem:s18], [sflag:$0x2] =	stream.linear.gather [hbm4b:s24+s3], $0x4000, $0x38;
	[tilespmem:$0x1C100] =	vst v63  }
0x5d: {  	s26 =	sadd.s32 s23, s13;
	s23 =	smov.u32 s28  }
0x5e: {  	[tilespmem:s19], [sflag:$0x3] =	stream.linear.gather [hbm4b:s26+s3], $0x80, $0x38;
	[tilespmem:$0x1C100] =	vst v63  }
0x5f: {  	_ =	swait.ge [sflag:s17], $0x80  }
0x60: {  	[sflag:s17] =	ssyncset.done $0x0  }
0x61: {  	[sflag:s17] =	ssyncadd.s32 $0xFFFFFF80  }
0x62: {  	_ =	swait.ge [sflag:s20], $0x4000  }
0x63: {  	[sflag:s20] =	ssyncset.done $0x0  }
0x64: {  	[sflag:s20] =	ssyncadd.s32 $0xFFFFC000  }
0x65: {  	[spmem:s2] =	stream.indirect.scatter.add.f32 [tilespmem:s16], [sflag:$0x3], $0x80, s3, s19, $0xb8;
	[tilespmem:$0x1C100] =	vst v63  }
0x66: {  	_ =	swait.ge [sflag:s17], $0x4000  }
0x67: {  	[sflag:s17] =	ssyncset.done $0x0  }
0x68: {  	[sflag:s17] =	ssyncadd.s32 $0xFFFFC000  }
0x69: {  	_ =	swait.ge [sflag:s21], $0x4000  }
.Ltmp1:
0x6a: {  	[sflag:s21] =	ssyncset.done $0x0;
	(pc) =	sbr.rel @p1 .LBB2_4-.Ltmp1, $4  }
0x6b: {  	[sflag:s21] =	ssyncadd.s32 $0xFFFFC000  }
0x6c: {  	[spmem:s2] =	stream.indirect.scatter.add.f32 [tilespmem:s18], [sflag:$0x3], $0x80, s19, s19, $0xb8;
	[tilespmem:$0x1C100] =	vst v63  }
0x6d: {  	_ =	swait.ge [sflag:s17], $0x4000  }
0x6e: {  	s24 =	sadd.s32 $0x20000, s24;
	[sflag:s17] =	ssyncset.done $0x0  }
0x6f: {  	s25 =	sadd.s32 $0xFFFF0000, s24;
	[sflag:s17] =	ssyncadd.s32 $0xFFFFC000  }
0x70: {  	[tilespmem:s16], [sflag:$0x1] =	stream.linear.gather [hbm4b:s25+s3], $0x4000, $0x38;
	[tilespmem:$0x1C100] =	vst v63  }
0x71: {  	s28 =	sadd.s32 s23, s15  }
0x72: {  	[tilespmem:s3], [sflag:$0x3] =	stream.linear.gather [hbm4b:s28+s3], $0x80, $0x38;
	[tilespmem:$0x1C100] =	vst v63  }
0x73: {  	_ =	swait.ge [sflag:s17], $0x80  }
0x74: {  	[sflag:s17] =	ssyncset.done $0x0  }
0x75: {  	[sflag:s17] =	ssyncadd.s32 $0xFFFFFF80  }
0x76: {  	[tilespmem:s18], [sflag:$0x2] =	stream.linear.gather [hbm4b:s24+s3], $0x4000, $0x38;
	[tilespmem:$0x1C100] =	vst v63  }
0x77: {  	s29 =	sadd.s32 s23, s13  }
0x78: {  	[tilespmem:s19], [sflag:$0x3] =	stream.linear.gather [hbm4b:s29+s3], $0x80, $0x38;
	[tilespmem:$0x1C100] =	vst v63  }
0x79: {  	_ =	swait.ge [sflag:s17], $0x80  }
0x7a: {  	[sflag:s17] =	ssyncset.done $0x0  }
0x7b: {  	[sflag:s17] =	ssyncadd.s32 $0xFFFFFF80  }
0x7c: {  	_ =	swait.ge [sflag:s20], $0x4000  }
0x7d: {  	[sflag:s20] =	ssyncset.done $0x0  }
0x7e: {  	[sflag:s20] =	ssyncadd.s32 $0xFFFFC000  }
0x7f: {  	[spmem:s2] =	stream.indirect.scatter.add.f32 [tilespmem:s16], [sflag:$0x3], $0x80, s3, s19, $0xb8;
	[tilespmem:$0x1C100] =	vst v63  }
0x80: {  	_ =	swait.ge [sflag:s17], $0x4000  }
0x81: {  	[sflag:s17] =	ssyncset.done $0x0  }
0x82: {  	[sflag:s17] =	ssyncadd.s32 $0xFFFFC000  }
0x83: {  	_ =	swait.ge [sflag:s21], $0x4000  }
0x84: {  	[sflag:s21] =	ssyncset.done $0x0  }
0x85: {  	[sflag:s21] =	ssyncadd.s32 $0xFFFFC000  }
0x86: {  	[spmem:s2] =	stream.indirect.scatter.add.f32 [tilespmem:s18], [sflag:$0x3], $0x80, s19, s19, $0xb8;
	[tilespmem:$0x1C100] =	vst v63  }
0x87: {  	_ =	swait.ge [sflag:s17], $0x4000  }
0x88: {  	[sflag:s17] =	ssyncset.done $0x0  }
0x89: {  	s23 =	simm.s32 @!p0 $0x0;
	s24 =	simm.s32 @!p0 $0x100;
	[sflag:s17] =	ssyncadd.s32 $0xFFFFC000  }
0x8a: {  	[tilespmem:s24], [sflag:$0x1] =	stream.linear.gather @!p0 [hbm4b:s9+s23], $0x4000, $0x38;
	[tilespmem:$0x1C100] =	vst v63  }
0x8b: {  	s25 =	simm.s32 @!p0 $0x3  }
0x8c: {  	[tilespmem:s23], [sflag:$0x3] =	stream.linear.gather @!p0 [hbm4b:s10+s23], $0x80, $0x38;
	[tilespmem:$0x1C100] =	vst v63  }
0x8d: {  	_ =	swait.ge @!p0 [sflag:s25], $0x80  }
0x8e: {  	[sflag:s25] =	ssyncset.done @!p0 $0x0  }
0x8f: {  	s26 =	simm.s32 @!p0 $0x1;
	[sflag:s25] =	ssyncadd.s32 @!p0 $0xFFFFFF80  }
0x90: {  	_ =	swait.ge @!p0 [sflag:s26], $0x4000  }
0x91: {  	[sflag:s26] =	ssyncset.done @!p0 $0x0  }
0x92: {  	[sflag:s26] =	ssyncadd.s32 @!p0 $0xFFFFC000;
	s26 =	simm.s32 @!p0 $0x80  }
0x93: {  	[spmem:s2] =	stream.indirect.scatter.add.f32 @!p0 [tilespmem:s24], [sflag:$0x3], $0x80, s23, s26, $0xb8;
	[tilespmem:$0x1C100] =	vst v63  }
0x94: {  	_ =	swait.ge @!p0 [sflag:s25], $0x4000  }
0x95: {  	s30 =	sshll.u32 s1, $0x6;
	s22 =	sadd.s32 $0x1, s22;
	[sflag:s25] =	ssyncset.done @!p0 $0x0  }
0x96: {  	s31 =	sshrl.u32 s4, $0x3;
	p1 =	sne.s32 s22, s12;
	[sflag:s25] =	ssyncadd.s32 @!p0 $0xFFFFC000  }
.Ltmp2:
0x97: {  	s23 =	sor.u32 $0x1C03, s30;
	[bflag:$0x0] =	sbarrier.arrive $0xFFFF;
	(pc) =	sbr.rel @p1 .LBB2_1-.Ltmp2, $4  }
0x98: {  	[hbm:s11], [sflag:s23] =	dma.local [spmem:s31], $0x2800  }
0x99: {  	_ =	swait.ge [sflag:s17], $0x2800  }
0x9a: {  	[sflag:s17] =	ssyncset.done $0x0  }
0x9b: {  	[sflag:s17] =	ssyncadd.s32 $0xFFFFD800  }
0x9c: {  	_ =	sfence.sel $0x180000  }
0x9d: {  	[bflag:$0x0] =	sbarrier.arrive $0xFFFF  }
0x9e: {  	p0 =	sne.s32 s1, $0x0;
	_ =	strace $0x90000053  }
0x9f: {  	s0 =	sadd.s32 @!p0 $0x100000, s0;
	[bflag:$0x2] =	sbarrier.arrive $0xFFFF  }
0xa0: {  	[sflag:s0] =	ssyncadd.tile.s32 @!p0 $0x1;
	_ =	shalt  }
.Lfunc_end2:
_tile_overlayer_lowered:
.L_overlay_start_2:
0xa1: {  	(tag) =	ssettag $0x2  }
0xa2: {  	s0 =	rddreg [dreg:$0x0];
	s2 =	stileid.u32  }
0xa3: {  	s1 =	rddreg [dreg:$0x1];
	p0 =	sne.s32 s2, $0x0  }
0xa4: {  	s3 =	rddreg [dreg:$0x2];
	[bflag:$0x3] =	sbarrier.arrive $0xFFFF;
	s2 =	simm.s32 @!p0 $0x1C03  }
0xa5: {  	[timem:s3], [sflag:s2] =	dma.local @!p0 [hbm:s0], s1  }
0xa6: {  	s0 =	simm.s32 @!p0 $0x3  }
0xa7: {  	_ =	swait.ge @!p0 [sflag:s0], s1  }
0xa8: {  	s1 =	ssub.s32 @!p0 $0x0, s1;
	[sflag:s0] =	ssyncset.done @!p0 $0x0  }
0xa9: {  	[sflag:s0] =	ssyncadd.s32 @!p0 s1  }
0xaa: {  	[bflag:$0x3] =	sbarrier.arrive $0xFFFF  }
0xab: {  	_ =	shalt  }

// kernel: kernel.32.cloned.1.call-start
scs
__scs_entry_jumppad:
0x0: {  	(pc) =	sbr.rel $0x88, $3  }
0x1: {  	(tag) =	ssettag $0x0;
	lr =	simm.s32 $0x1  }
0x2: {  	[smem:$0x3F82] =	sst lr;
	_ =	strace $0xD0000000  }
0x3: {  	_ = 	snop  }
0x4: {  	_ = 	snop  }
0x5: {  	_ = 	snop  }
0x6: {  	_ = 	snop  }
0x7: {  	_ = 	snop  }
__scs_overlays_trampoline_lowered:
0x8: {  	[smem:$0x3F91] =	sst s0  }
0x9: {  	[smem:$0x3F92] =	sst s1  }
0xa: {  	[smem:$0x3F93] =	sst s2  }
0xb: {  	[smem:$0x3F94] =	sst s3  }
0xc: {  	[smem:$0x3F95] =	sst s4  }
0xd: {  	[smem:$0x3F96] =	sst s5  }
0xe: {  	[smem:$0x3F97] =	sst s6  }
0xf: {  	[smem:$0x3F98] =	sst s7  }
0x10: {  	[smem:$0x3F99] =	sst s8  }
0x11: {  	[smem:$0x3F9A] =	sst s9;
	s0 =	simm.s32 @!p0 $0x0  }
0x12: {  	s1 =	sld [smem:$0x3F80];
	s0 =	simm.s32 @p0 $0x1  }
0x13: {  	[smem:$0x3F9B] =	sst s0;
	s0 =	simm.s32 @!p1 $0x0  }
0x14: {  	s2 =	sld [smem:$0x3F7F];
	s0 =	simm.s32 @p1 $0x1  }
0x15: {  	[smem:$0x3F9C] =	sst s0;
	s0 =	simm.s32 @!p2 $0x0  }
0x16: {  	s3 =	sld [smem:$0x3FDB];
	s0 =	simm.s32 @p2 $0x1  }
0x17: {  	s4 =	simm.s32 $0x1BF5;
	[smem:$0x3F9E] =	sst s0  }
0x18: {  	s0 =	sld [smem:$0x3F81];
	_ =	swait.ge [sflag:s4], $0x0  }
0x19: {  	s7 =	sld [smem:$0x3F82]  }
0x1a: {  	s8 =	sadd.s32 $0xFFFFE003, lr  }
0x1b: {  	s9 =	sadd.s32 $0xFFFFFEF7, lr;
	s5 =	simm.s32 $0xFFFFFFFF;
	p2 =	slt.u32 s8, $0xFFFFF086  }
0x1c: {  	p1 =	slt.u32 s9, $0xF7A;
	s5 =	simm.s32 @!p2 $0x0  }
0x1d: {  	s5 =	simm.s32 @p1 $0x1;
	p0 =	seq.s32 s7, s2  }
0x1e: {  	s7 =	smul.u32 @!p0 $0xF7A, s2;
	p2 =	seq.s32 @!p0 s5, $0x0  }
0x1f: {  	s9 =	smul.u32 $0xF7A, s1;
	s8 =	simm.s32 @!p0 $0x1BF5;
	p2 =	por !p2, p0  }
0x20: {  	[sflag:s8] =	ssyncset.s32 @!p0 $0xFFFFF086;
	s6 =	sadd.s32 @!p0 s3, s7;
	s7 =	simm.s32 @!p0 $0x108  }
0x21: {  	s3 =	sadd.s32 s3, s9;
	s6 =	sadd.s32 @!p0 $0x88, s6;
	s7 =	simm.s32 @p2 $0x1082  }
0x22: {  	[simem:s7], [sflag:s8] =	dma.local @!p0 [hbm:s6], $0xF7A  }
0x23: {  	s9 =	sor.u32 $0xD0000000, s2;
	s6 =	simm.s32 $0x108;
	_ =	swait.ge @!p0 [sflag:s8], $0x0  }
0x24: {  	s3 =	sadd.s32 $0x88, s3;
	s6 =	simm.s32 @!p1 $0x1082;
	[sflag:s4] =	ssyncset.s32 $0xFFFFF086  }
0x25: {  	[simem:s6], [sflag:s4] =	dma.local [hbm:s3], $0xF7A  }
0x26: {  	[smem:$0x3F82] =	sst s1;
	(tag) =	ssettag s2;
	_ =	strace s9  }
0x27: {  	s1 =	sld [smem:$0x3F92]  }
0x28: {  	s2 =	sld [smem:$0x3F93]  }
0x29: {  	s4 =	sld [smem:$0x3F95]  }
0x2a: {  	p0 =	seq.s32 s5, $0x0;
	s5 =	sld [smem:$0x3F96]  }
0x2b: {  	s6 =	sld [smem:$0x3F97]  }
0x2c: {  	s7 =	sld [smem:$0x3F98]  }
0x2d: {  	s3 =	simm.s32 $0x108;
	s8 =	sld [smem:$0x3F99]  }
0x2e: {  	s3 =	simm.s32 @!p0 $0x1082;
	s9 =	sld [smem:$0x3F9A]  }
0x2f: {  	lr =	sadd.s32 s0, s3;
	s0 =	sld [smem:$0x3F91]  }
0x30: {  	s3 =	sld [smem:$0x3F94]  }
0x31: {  	[smem:$0x3F9D] =	sst s10  }
0x32: {  	s10 =	sld [smem:$0x3F9B];
	_ =	sdelay $0x3  }
0x33: {  	p0 =	seq.s32 s10, $0x1;
	s10 =	sld [smem:$0x3F9D];
	_ =	sdelay $0x3  }
0x34: {  	[smem:$0x3F9D] =	sst s10  }
0x35: {  	s10 =	sld [smem:$0x3F9C];
	_ =	sdelay $0x3  }
0x36: {  	p1 =	seq.s32 s10, $0x1;
	s10 =	sld [smem:$0x3F9D];
	_ =	sdelay $0x3  }
0x37: {  	[smem:$0x3F9D] =	sst s10  }
0x38: {  	s10 =	sld [smem:$0x3F9E]  }
0x39: {  	_ = 	snop;
	(pc) =	sbr.ind lr, $3  }
0x3a: {  	_ = 	snop  }
0x3b: {  	_ = 	snop  }
0x3c: {  	p2 =	seq.s32 s10, $0x1;
	s10 =	sld [smem:$0x3F9D]  }
0x3d: {  	_ =	shalt  }
0x3e: {  	_ =	shalt  }
0x3f: {  	_ =	shalt  }
0x40: {  	_ =	shalt  }
0x41: {  	_ =	shalt  }
0x42: {  	_ =	shalt  }
0x43: {  	_ =	shalt  }
0x44: {  	_ =	shalt  }
0x45: {  	_ =	shalt  }
0x46: {  	_ =	shalt  }
0x47: {  	_ =	shalt  }
0x48: {  	_ =	shalt  }
0x49: {  	_ =	shalt  }
0x4a: {  	_ =	shalt  }
0x4b: {  	_ =	shalt  }
0x4c: {  	_ =	shalt  }
0x4d: {  	_ =	shalt  }
0x4e: {  	_ =	shalt  }
0x4f: {  	_ =	shalt  }
0x50: {  	_ =	shalt  }
0x51: {  	_ =	shalt  }
0x52: {  	_ =	shalt  }
0x53: {  	_ =	shalt  }
0x54: {  	_ =	shalt  }
0x55: {  	_ =	shalt  }
0x56: {  	_ =	shalt  }
0x57: {  	_ =	shalt  }
0x58: {  	_ =	shalt  }
0x59: {  	_ =	shalt  }
0x5a: {  	_ =	shalt  }
0x5b: {  	_ =	shalt  }
0x5c: {  	_ =	shalt  }
0x5d: {  	_ =	shalt  }
0x5e: {  	_ =	shalt  }
0x5f: {  	_ =	shalt  }
0x60: {  	_ =	shalt  }
0x61: {  	_ =	shalt  }
0x62: {  	_ =	shalt  }
0x63: {  	_ =	shalt  }
0x64: {  	_ =	shalt  }
0x65: {  	_ =	shalt  }
0x66: {  	_ =	shalt  }
0x67: {  	_ =	shalt  }
0x68: {  	_ =	shalt  }
0x69: {  	_ =	shalt  }
0x6a: {  	_ =	shalt  }
0x6b: {  	_ =	shalt  }
0x6c: {  	_ =	shalt  }
0x6d: {  	_ =	shalt  }
0x6e: {  	_ =	shalt  }
0x6f: {  	_ =	shalt  }
0x70: {  	_ =	shalt  }
0x71: {  	_ =	shalt  }
0x72: {  	_ =	shalt  }
0x73: {  	_ =	shalt  }
0x74: {  	_ =	shalt  }
0x75: {  	_ =	shalt  }
0x76: {  	_ =	shalt  }
0x77: {  	_ =	shalt  }
0x78: {  	_ =	shalt  }
0x79: {  	_ =	shalt  }
0x7a: {  	_ =	shalt  }
0x7b: {  	_ =	shalt  }
0x7c: {  	_ =	shalt  }
0x7d: {  	_ =	shalt  }
0x7e: {  	_ =	shalt  }
0x7f: {  	_ =	shalt  }
0x80: {  	_ =	shalt  }
0x81: {  	_ =	shalt  }
0x82: {  	_ =	shalt  }
0x83: {  	_ =	shalt  }
0x84: {  	_ =	shalt  }
0x85: {  	_ =	shalt  }
0x86: {  	_ =	shalt  }
0x87: {  	_ =	shalt  }
.Lfunc_end0:
.L_simem_size_0:
called_computation.5_lowered:
.L_overlay_start_0:
0x88: {  	s2 =	sld [smem:$0x3FD9]  }
0x89: {  	s3 =	sld [smem:$0x3FFE];
	_ =	sdelay $0x1  }
0x8a: {  	s1 =	srdreg.scid  }
0x8b: {  	s0 =	sand.u32 $0x1, s1  }
0x8c: {  	s17 =	sshll.u32 s0, $0xA;
	s2 =	sadd.s32 s3, s2  }
0x8d: {  	s2 =	sadd.s32 s2, s17  }
0x8e: {  	[smem:$0x3FA9] =	sst s2  }
0x8f: {  	_ = 	snop  }
0x90: {  	s2 =	sld [smem:$0x3FD0];
	(tm) =	ssettm $0x1  }
0x91: {  	s18 =	sld [smem:$0x3FFB];
	_ =	sdelay $0x3  }
0x92: {  	_ =	strace s18  }
0x93: {  	s3 =	sld [smem:$0x3FFC];
	_ =	sdelay $0x3  }
0x94: {  	_ =	strace s3  }
0x95: {  	s3 =	sld [smem:$0x3FFD];
	_ =	sdelay $0x3  }
0x96: {  	_ =	strace s3  }
0x97: {  	_ =	strace $0x8FFFFFFF  }
0x98: {  	s19 =	sld [smem:$0x3FDB];
	_ =	sdelay $0x1  }
0x99: {  	s4 =	simm.s32 $_scs_section_size  }
0x9a: {  	s5 =	simm.s32 $_size__tile_overlayer_lowered;
	s6 =	simm.s32 $_tile_overlayer_lowered  }
0x9b: {  	s22 =	simm.s32 $0x1BFF;
	s21 =	sshll.u32 s6, $0x1;
	s3 =	sadd.s32 s4, s19  }
0x9c: {  	s7 =	simm.s32 $0x0;
	s20 =	sshll.u32 s5, $0x1;
	s5 =	sadd.s32 s21, s3  }
0x9d: {  	[timem:s7], [sflag:s22] =	dma.local [hbm:s5], s20  }
0x9e: {  	_ =	swait.ge [sflag:s22], s20  }
0x9f: {  	s4 =	ssub.s32 $0x0, s20;
	[sflag:s22] =	ssyncset.done $0x0  }
0xa0: {  	[sflag:s22] =	ssyncadd.s32 s4;
	_ =	sdelay $0x1  }
0xa1: {  	s23 =	simm.s32 $0x1B8B  }
0xa2: {  	_ =	swait.ge [sflag:s23], $0x1  }
0xa3: {  	[sflag:s23] =	ssyncset.done $0x0  }
0xa4: {  	s25 =	simm.s32 $0x1B8E;
	s24 =	sld [smem:$0x3FFE];
	[sflag:s23] =	ssyncadd.s32 $0xFFFFFFFF  }
0xa5: {  	s26 =	simm.s32 $execute0_lowered;
	[smem:$0x3FD2] =	sst s25  }
0xa6: {  	s5 =	sshll.u32 s26, $0x1;
	_ =	strace $0x80000055;
	[dreg:$0x1] =	wrdreg $0xFFFFFFFF  }
0xa7: {  	s28 =	simm.s32 $_size_execute0_lowered;
	s3 =	sadd.s32 s3, s5;
	[dreg:$0x0] =	wrdreg $0x0  }
0xa8: {  	s5 =	sshll.u32 s28, $0x1;
	[dreg:$0x2] =	wrdreg s3  }
0xa9: {  	[dreg:$0x3] =	wrdreg s5  }
0xaa: {  	[dreg:$0x4] =	wrdreg $0xC0  }
0xab: {  	_ =	task [dreg:s7], $0x5FFFF  }
0xac: {  	[dreg:$0x1] =	wrdreg $0xFFFFFFFF  }
0xad: {  	[dreg:$0x0] =	wrdreg $0x60  }
0xae: {  	[dreg:$0x2] =	wrdreg s24  }
0xaf: {  	[dreg:$0x3] =	wrdreg s2  }
0xb0: {  	[dreg:$0x4] =	wrdreg $0x102800  }
0xb1: {  	[dreg:$0x5] =	wrdreg $0x9  }
0xb2: {  	_ =	task.clear_ibuf [dreg:s7], $0x6FFFF;
	_ =	strace $0x90000055  }
0xb3: {  	s29 =	simm.s32 $0x9;
	_ =	strace $0x80000057  }
0xb4: {  	_ =	swait.ge [sflag:s29], $0x1  }
0xb5: {  	[sflag:s29] =	ssyncadd.s32 $0xFFFFFFFF  }
0xb6: {  	_ =	strace $0x90000057  }
0xb7: {  	_ =	sfence  }
0xb8: {  	s30 =	sld [smem:$0x0];
	_ =	sdelay $0x2  }
0xb9: {  	s31 =	sshll.u32 s1, $0xD;
	s1 =	sshrl.u32 s1, $0x2  }
0xba: {  	s3 =	sand.u32 $0x4000, s31;
	s1 =	sadd.s32 s1, s30  }
0xbb: {  	s0 =	sor.u32 s3, s0;
	s1 =	sshll.u32 s1, $0x11  }
0xbc: {  	s0 =	sor.u32 s1, s0  }
0xbd: {  	s0 =	sadd.s32 $0x8F2B, s0  }
0xbe: {  	[sflag:s0] =	ssyncadd.remote.s32 $0x1  }
0xbf: {  	_ =	sfence.sel $0xFFFF  }
0xc0: {  	[dreg:$0x0] =	wrdreg $0xFFFFFFFF;
	(pc) =	sbr.abs _section_cstart, $3  }
0xc1: {  	[dreg:$0x1] =	wrdreg $0xFFFFFFFF  }
0xc2: {  	_ =	task.clear_ibuf [dreg:s7], $0x2FFFF;
	_ =	strace $0x9FFFFFFF  }
0xc3: {  	(tm) =	ssettm $0x7FFFFFFF  }
tec
execute0_lowered:
.L_overlay_start_1:
0x0: {  	(tag) =	ssettag $0x1  }
0x1: {  	s0 =	rddreg [dreg:$0x0]  }
0x2: {  	s2 =	rddreg [dreg:$0x1]  }
0x3: {  	s5 =	rddreg [dreg:$0x2];
	s1 =	simm.s32 $0x0;
	s3 =	srdreg.scid  }
0x4: {  	s16 =	stileid.u32;
	s17 =	simm.s32 $0x100;
	s18 =	simm.s32 $0x180  }
0x5: {  	s19 =	simm.s32 $0x8280;
	s20 =	simm.s32 $0xC280;
	s21 =	simm.s32 $0x1  }
0x6: {  	s22 =	simm.s32 $0x200;
	[smem:$0x7FF] =	sst s1;
	s7 =	sand.u32 $0x1, s3  }
0x7: {  	s3 =	sadd.s32 $0x12200, s0;
	s4 =	sadd.s32 $0x39400, s0;
	s12 =	sadd.s32 $0x8000, s0  }
0x8: {  	s0 =	sadd.s32 $0x87800, s0;
	s11 =	sshll.u32 s16, $0x7;
	s24 =	sshll.u32 s16, $0xF  }
0x9: {  	s14 =	sshll.u32 s16, $0xB;
	_ =	strace $0x80000056;
	s6 =	ssub.s32 $0x2, s7  }
0xa: {  	s23 =	sshll.u32 s7, $0x4;
	s9 =	sor.u32 $0x4E000, s11;
	s5 =	sadd.s32 s24, s5  }
0xb: {  	s29 =	sshll.u32 s7, $0xF;
	s30 =	sshll.u32 s7, $0x8;
	s7 =	sshll.u32 s7, $0xB  }
0xc: {  	s24 =	simm.s32 $0x3;
	s8 =	sshrl.u32 s6, $0x1;
	s25 =	sor.u32 s16, s23  }
0xd: {  	s26 =	sshrl.u32 s9, $0x3;
	s9 =	sshll.u32 s9, $0x4;
	s15 =	sadd.s32 s30, s2  }
0xe: {  	s16 =	sshll.u32 s16, $0x4;
	s7 =	sor.u32 s11, s7;
	s23 =	simm.s32 $0x2  }
0xf: {  	s10 =	ssub.s32 s6, s8;
	s6 =	sadd.s32 $0x4000, s5;
	s13 =	sadd.s32 s12, s26  }
0x10: {  	s8 =	sadd.s32 s2, s26;
	s28 =	sadd.s32 s0, s9;
	s0 =	sadd.s32 s29, s0  }
0x11: {  	s15 =	sadd.s32 s16, s15;
	s7 =	sshrl.u32 s7, $0x3;
	[dreg:$0x7] =	wrdreg s13  }
0x12: {  	p0 =	sgt.u32 s25, $0x3;
	s25 =	simm.s32 $0x4;
	[dreg:$0x8] =	wrdreg s8  }
0x13: {  	s26 =	simm.s32 $0x0;
	[dreg:$0x9] =	wrdreg s28;
	s10 =	smax.u32 s10, $0x1  }
0x14: {  	s13 =	sadd.s32 s30, s12;
	s15 =	sadd.s32 $0x200, s15;
	s0 =	sadd.s32 s14, s0  }
0x15: {  	v0 =	vlaneseq.u32;
	s2 =	sadd.s32 s7, s2;
	s12 =	sadd.s32 s7, s12;
	s14 =	simm.s32 $0x80  }
0x16: {  	v1 =	vor.u32 $0x10, v0;
	s13 =	sadd.s32 s16, s13;
	[dreg:$0x4] =	wrdreg s15;
	s11 =	sadd.s32 $0x10000, s0  }
0x17: {  	v2 =	vor.u32 $0x20, v0;
	v3 =	vor.u32 $0x30, v0;
	v4 =	vor.u32 $0x40, v0;
	[dreg:$0x6] =	wrdreg s2;
	s15 =	simm.s32 $0x280;
	s31 =	sadd.s32 $0x200, s13  }
0x18: {  	v5 =	vor.u32 $0x50, v0;
	v6 =	vor.u32 $0x60, v0;
	v7 =	vor.u32 $0x70, v0;
	s16 =	simm.s32 $0x4280;
	s13 =	simm.s32 $0x5;
	[dreg:$0x5] =	wrdreg s31  }
.LBB2_1:
0x19: {  	[tilespmem:$0x200] =	vst v0  }
0x1a: {  	[tilespmem:$0x210] =	vst v1  }
0x1b: {  	[tilespmem:$0x220] =	vst v2  }
0x1c: {  	[tilespmem:$0x230] =	vst v3  }
0x1d: {  	[tilespmem:$0x240] =	vst v4  }
0x1e: {  	[tilespmem:$0x250] =	vst v5  }
0x1f: {  	[tilespmem:$0x260] =	vst v6  }
0x20: {  	[tilespmem:$0x270] =	vst v7;
	s0 =	sadd.s32 $0x0, s12  }
0x21: {  	[tilespmem:s1], [sflag:$0x5] =	stream.linear.gather [hbm4b:s0+s1], $0x80, $0x38;
	[tilespmem:$0x18280] =	vst v63  }
0x22: {  	_ =	swait.ge [sflag:s13], $0x80  }
0x23: {  	s2 =	rddreg [dreg:$0x6];
	[sflag:s13] =	ssyncset.done $0x0  }
0x24: {  	[sflag:s13] =	ssyncadd.s32 $0xFFFFFF80;
	s0 =	sadd.s32 $0x0, s2  }
0x25: {  	[tilespmem:s14], [sflag:$0x5] =	stream.linear.gather [hbm4b:s0+s1], $0x80, $0x38;
	[tilespmem:$0x18280] =	vst v63  }
0x26: {  	_ =	swait.ge [sflag:s13], $0x80  }
0x27: {  	[sflag:s13] =	ssyncset.done $0x0  }
0x28: {  	[sflag:s13] =	ssyncadd.s32 $0xFFFFFF80  }
0x29: {  	[tilespmem:s15], [sflag:$0x1] =	stream.indirect.gather [hbm4b:s3+s14], $0x80, s1, s14, $0xb8;
	[tilespmem:$0x18280] =	vst v63  }
0x2a: {  	s7 =	rddreg [dreg:$0x5]  }
0x2b: {  	[tilespmem:s16], [sflag:$0x2] =	stream.indirect.gather [hbm4b:s4+s14], $0x80, s14, s14, $0xb8;
	[tilespmem:$0x18280] =	vst v63  }
0x2c: {  	s0 =	sadd.s32 $0x0, s7  }
0x2d: {  	[tilespmem:s17], [sflag:$0x5] =	stream.linear.gather [hbm4b:s0+s1], $0x80, $0x38;
	[tilespmem:$0x18280] =	vst v63  }
0x2e: {  	_ =	swait.ge [sflag:s13], $0x80  }
0x2f: {  	s8 =	rddreg [dreg:$0x4];
	[sflag:s13] =	ssyncset.done $0x0  }
0x30: {  	[sflag:s13] =	ssyncadd.s32 $0xFFFFFF80;
	s0 =	sadd.s32 $0x0, s8  }
0x31: {  	[tilespmem:s18], [sflag:$0x5] =	stream.linear.gather [hbm4b:s0+s1], $0x80, $0x38;
	[tilespmem:$0x18280] =	vst v63  }
0x32: {  	_ =	swait.ge [sflag:s13], $0x80  }
0x33: {  	[sflag:s13] =	ssyncset.done $0x0  }
0x34: {  	[sflag:s13] =	ssyncadd.s32 $0xFFFFFF80  }
0x35: {  	[tilespmem:s19], [sflag:$0x3] =	stream.indirect.gather [hbm4b:s3+s14], $0x80, s17, s14, $0xb8;
	[tilespmem:$0x18280] =	vst v63  }
0x36: {  	_ = 	snop  }
0x37: {  	[tilespmem:s20], [sflag:$0x4] =	stream.indirect.gather [hbm4b:s4+s14], $0x80, s18, s14, $0xb8;
	[tilespmem:$0x18280] =	vst v63  }
0x38: {  	_ =	swait.ge [sflag:s21], $0x4000  }
0x39: {  	[sflag:s21] =	ssyncset.done $0x0  }
0x3a: {  	[sflag:s21] =	ssyncadd.s32 $0xFFFFC000  }
0x3b: {  	[spmem:s5] =	stream.indirect.scatter [tilespmem:s15], [sflag:$0x5], $0x80, s22, s14, $0xb8;
	[tilespmem:$0x18280] =	vst v63  }
0x3c: {  	_ =	swait.ge [sflag:s13], $0x4000  }
0x3d: {  	[sflag:s13] =	ssyncset.done $0x0  }
0x3e: {  	[sflag:s13] =	ssyncadd.s32 $0xFFFFC000  }
0x3f: {  	_ =	swait.ge [sflag:s23], $0x4000  }
0x40: {  	[sflag:s23] =	ssyncset.done $0x0  }
0x41: {  	[sflag:s23] =	ssyncadd.s32 $0xFFFFC000  }
0x42: {  	[spmem:s5] =	stream.indirect.scatter.add.f32 [tilespmem:s16], [sflag:$0x5], $0x80, s22, s14, $0xb8;
	[tilespmem:$0x18280] =	vst v63  }
0x43: {  	s9 =	stileid.u32;
	_ =	swait.ge [sflag:s13], $0x4000  }
0x44: {  	s29 =	sshrl.u32 s5, $0x3;
	s0 =	sshll.u32 s9, $0x6;
	[sflag:s13] =	ssyncset.done $0x0  }
0x45: {  	s2 =	sadd.s32 $0xFFFF0000, s11;
	s28 =	sor.u32 $0x1C05, s0;
	[sflag:s13] =	ssyncadd.s32 $0xFFFFC000  }
0x46: {  	[hbm:s2], [sflag:s28] =	dma.local [spmem:s29], $0x800  }
0x47: {  	_ =	swait.ge [sflag:s13], $0x800  }
0x48: {  	[sflag:s13] =	ssyncset.done $0x0  }
0x49: {  	[sflag:s13] =	ssyncadd.s32 $0xFFFFF800  }
0x4a: {  	_ =	swait.ge [sflag:s24], $0x4000  }
0x4b: {  	[sflag:s24] =	ssyncset.done $0x0  }
0x4c: {  	[sflag:s24] =	ssyncadd.s32 $0xFFFFC000  }
0x4d: {  	[spmem:s6] =	stream.indirect.scatter [tilespmem:s19], [sflag:$0x5], $0x80, s22, s14, $0xb8;
	[tilespmem:$0x18280] =	vst v63  }
0x4e: {  	_ =	swait.ge [sflag:s13], $0x4000  }
0x4f: {  	[sflag:s13] =	ssyncset.done $0x0  }
0x50: {  	[sflag:s13] =	ssyncadd.s32 $0xFFFFC000  }
0x51: {  	_ =	swait.ge [sflag:s25], $0x4000  }
0x52: {  	[sflag:s25] =	ssyncset.done $0x0  }
0x53: {  	[sflag:s25] =	ssyncadd.s32 $0xFFFFC000  }
0x54: {  	[spmem:s6] =	stream.indirect.scatter.add.f32 [tilespmem:s20], [sflag:$0x5], $0x80, s22, s14, $0xb8;
	[tilespmem:$0x18280] =	vst v63  }
0x55: {  	_ =	swait.ge [sflag:s13], $0x4000  }
0x56: {  	[sflag:s13] =	ssyncset.done $0x0  }
0x57: {  	s30 =	sshrl.u32 s6, $0x3;
	[sflag:s13] =	ssyncadd.s32 $0xFFFFC000  }
0x58: {  	[hbm:s11], [sflag:s28] =	dma.local [spmem:s30], $0x800  }
0x59: {  	s31 =	sadd.s32 $0x20000, s11;
	_ =	swait.ge [sflag:s13], $0x800  }
0x5a: {  	s0 =	simm.s32 $0x400;
	s2 =	simm.s32 $0x800;
	[sflag:s13] =	ssyncset.done $0x0  }
.LBB2_2:
0x5b: {  	s8 =	sadd.s32 s0, s12;
	[sflag:s13] =	ssyncadd.s32 $0xFFFFF800  }
0x5c: {  	[tilespmem:s1], [sflag:$0x5] =	stream.linear.gather [hbm4b:s8+s1], $0x80, $0x38;
	[tilespmem:$0x18280] =	vst v63  }
0x5d: {  	s9 =	smov.u32 s2;
	_ =	swait.ge [sflag:s13], $0x80  }
0x5e: {  	s7 =	sadd.s32 $0x400, s2;
	s8 =	rddreg [dreg:$0x6];
	[sflag:s13] =	ssyncset.done $0x0  }
0x5f: {  	p1 =	sne.s32 s2, $0x9800;
	[sflag:s13] =	ssyncadd.s32 $0xFFFFFF80;
	s2 =	sadd.s32 s0, s8  }
0x60: {  	[tilespmem:s14], [sflag:$0x5] =	stream.linear.gather [hbm4b:s2+s1], $0x80, $0x38;
	[tilespmem:$0x18280] =	vst v63  }
0x61: {  	_ =	swait.ge [sflag:s13], $0x80  }
0x62: {  	[sflag:s13] =	ssyncset.done $0x0  }
0x63: {  	[sflag:s13] =	ssyncadd.s32 $0xFFFFFF80  }
0x64: {  	[tilespmem:s15], [sflag:$0x1] =	stream.indirect.gather [hbm4b:s3+s14], $0x80, s1, s14, $0xb8;
	[tilespmem:$0x18280] =	vst v63  }
0x65: {  	s8 =	rddreg [dreg:$0x5]  }
0x66: {  	[tilespmem:s16], [sflag:$0x2] =	stream.indirect.gather [hbm4b:s4+s14], $0x80, s14, s14, $0xb8;
	[tilespmem:$0x18280] =	vst v63  }
0x67: {  	s2 =	sadd.s32 s0, s8  }
0x68: {  	[tilespmem:s17], [sflag:$0x5] =	stream.linear.gather [hbm4b:s2+s1], $0x80, $0x38;
	[tilespmem:$0x18280] =	vst v63  }
0x69: {  	_ =	swait.ge [sflag:s13], $0x80  }
0x6a: {  	s8 =	rddreg [dreg:$0x4];
	[sflag:s13] =	ssyncset.done $0x0  }
0x6b: {  	[sflag:s13] =	ssyncadd.s32 $0xFFFFFF80;
	s2 =	sadd.s32 s0, s8  }
0x6c: {  	[tilespmem:s18], [sflag:$0x5] =	stream.linear.gather [hbm4b:s2+s1], $0x80, $0x38;
	[tilespmem:$0x18280] =	vst v63  }
0x6d: {  	_ =	swait.ge [sflag:s13], $0x80  }
0x6e: {  	[sflag:s13] =	ssyncset.done $0x0  }
0x6f: {  	[sflag:s13] =	ssyncadd.s32 $0xFFFFFF80  }
0x70: {  	[tilespmem:s19], [sflag:$0x3] =	stream.indirect.gather [hbm4b:s3+s14], $0x80, s17, s14, $0xb8;
	[tilespmem:$0x18280] =	vst v63  }
0x71: {  	_ = 	snop  }
0x72: {  	[tilespmem:s20], [sflag:$0x4] =	stream.indirect.gather [hbm4b:s4+s14], $0x80, s18, s14, $0xb8;
	[tilespmem:$0x18280] =	vst v63  }
0x73: {  	_ =	swait.ge [sflag:s21], $0x4000  }
0x74: {  	[sflag:s21] =	ssyncset.done $0x0  }
0x75: {  	[sflag:s21] =	ssyncadd.s32 $0xFFFFC000  }
0x76: {  	[spmem:s5] =	stream.indirect.scatter [tilespmem:s15], [sflag:$0x5], $0x80, s22, s14, $0xb8;
	[tilespmem:$0x18280] =	vst v63  }
0x77: {  	_ =	swait.ge [sflag:s13], $0x4000  }
0x78: {  	[sflag:s13] =	ssyncset.done $0x0  }
0x79: {  	[sflag:s13] =	ssyncadd.s32 $0xFFFFC000  }
0x7a: {  	_ =	swait.ge [sflag:s23], $0x4000  }
0x7b: {  	[sflag:s23] =	ssyncset.done $0x0  }
0x7c: {  	[sflag:s23] =	ssyncadd.s32 $0xFFFFC000  }
0x7d: {  	[spmem:s5] =	stream.indirect.scatter.add.f32 [tilespmem:s16], [sflag:$0x5], $0x80, s22, s14, $0xb8;
	[tilespmem:$0x18280] =	vst v63  }
0x7e: {  	_ =	swait.ge [sflag:s13], $0x4000  }
0x7f: {  	[sflag:s13] =	ssyncset.done $0x0  }
0x80: {  	s0 =	smov.u32 s9;
	s9 =	sadd.s32 $0xFFFF0000, s31;
	[sflag:s13] =	ssyncadd.s32 $0xFFFFC000  }
0x81: {  	[hbm:s9], [sflag:s28] =	dma.local [spmem:s29], $0x800  }
0x82: {  	_ =	swait.ge [sflag:s13], $0x800  }
0x83: {  	[sflag:s13] =	ssyncset.done $0x0  }
0x84: {  	[sflag:s13] =	ssyncadd.s32 $0xFFFFF800  }
0x85: {  	_ =	swait.ge [sflag:s24], $0x4000  }
0x86: {  	[sflag:s24] =	ssyncset.done $0x0  }
0x87: {  	[sflag:s24] =	ssyncadd.s32 $0xFFFFC000  }
0x88: {  	[spmem:s6] =	stream.indirect.scatter [tilespmem:s19], [sflag:$0x5], $0x80, s22, s14, $0xb8;
	[tilespmem:$0x18280] =	vst v63  }
0x89: {  	_ =	swait.ge [sflag:s13], $0x4000  }
0x8a: {  	[sflag:s13] =	ssyncset.done $0x0  }
0x8b: {  	[sflag:s13] =	ssyncadd.s32 $0xFFFFC000  }
0x8c: {  	_ =	swait.ge [sflag:s25], $0x4000  }
0x8d: {  	[sflag:s25] =	ssyncset.done $0x0  }
0x8e: {  	[sflag:s25] =	ssyncadd.s32 $0xFFFFC000  }
0x8f: {  	[spmem:s6] =	stream.indirect.scatter.add.f32 [tilespmem:s20], [sflag:$0x5], $0x80, s22, s14, $0xb8;
	[tilespmem:$0x18280] =	vst v63  }
0x90: {  	_ =	swait.ge [sflag:s13], $0x4000  }
.Ltmp0:
0x91: {  	[sflag:s13] =	ssyncset.done $0x0;
	(pc) =	sbr.rel @p1 .LBB2_2-.Ltmp0, $4  }
0x92: {  	[sflag:s13] =	ssyncadd.s32 $0xFFFFC000  }
0x93: {  	[hbm:s31], [sflag:s28] =	dma.local [spmem:s30], $0x800  }
0x94: {  	_ =	swait.ge [sflag:s13], $0x800  }
0x95: {  	s2 =	smov.u32 s7;
	s31 =	sadd.s32 $0x20000, s31;
	[sflag:s13] =	ssyncset.done $0x0  }
0x96: {  	s2 =	sadd.s32 s0, s12;
	[sflag:s13] =	ssyncadd.s32 $0xFFFFF800  }
0x97: {  	[tilespmem:s1], [sflag:$0x5] =	stream.linear.gather [hbm4b:s2+s1], $0x80, $0x38;
	[tilespmem:$0x18280] =	vst v63  }
0x98: {  	_ =	swait.ge [sflag:s13], $0x80  }
0x99: {  	s8 =	rddreg [dreg:$0x6];
	[sflag:s13] =	ssyncset.done $0x0  }
0x9a: {  	[sflag:s13] =	ssyncadd.s32 $0xFFFFFF80;
	s2 =	sadd.s32 s0, s8  }
0x9b: {  	[tilespmem:s14], [sflag:$0x5] =	stream.linear.gather [hbm4b:s2+s1], $0x80, $0x38;
	[tilespmem:$0x18280] =	vst v63  }
0x9c: {  	_ =	swait.ge [sflag:s13], $0x80  }
0x9d: {  	[sflag:s13] =	ssyncset.done $0x0  }
0x9e: {  	[sflag:s13] =	ssyncadd.s32 $0xFFFFFF80  }
0x9f: {  	[tilespmem:s15], [sflag:$0x1] =	stream.indirect.gather [hbm4b:s3+s14], $0x80, s1, s14, $0xb8;
	[tilespmem:$0x18280] =	vst v63  }
0xa0: {  	s9 =	rddreg [dreg:$0x5]  }
0xa1: {  	[tilespmem:s16], [sflag:$0x2] =	stream.indirect.gather [hbm4b:s4+s14], $0x80, s14, s14, $0xb8;
	[tilespmem:$0x18280] =	vst v63  }
0xa2: {  	s2 =	sadd.s32 s0, s9  }
0xa3: {  	[tilespmem:s17], [sflag:$0x5] =	stream.linear.gather [hbm4b:s2+s1], $0x80, $0x38;
	[tilespmem:$0x18280] =	vst v63  }
0xa4: {  	_ =	swait.ge [sflag:s13], $0x80  }
0xa5: {  	s7 =	rddreg [dreg:$0x4];
	[sflag:s13] =	ssyncset.done $0x0  }
0xa6: {  	[sflag:s13] =	ssyncadd.s32 $0xFFFFFF80;
	s8 =	sadd.s32 s0, s7  }
0xa7: {  	[tilespmem:s18], [sflag:$0x5] =	stream.linear.gather [hbm4b:s8+s1], $0x80, $0x38;
	[tilespmem:$0x18280] =	vst v63  }
0xa8: {  	_ =	swait.ge [sflag:s13], $0x80  }
0xa9: {  	[sflag:s13] =	ssyncset.done $0x0  }
0xaa: {  	[sflag:s13] =	ssyncadd.s32 $0xFFFFFF80  }
0xab: {  	[tilespmem:s19], [sflag:$0x3] =	stream.indirect.gather [hbm4b:s3+s14], $0x80, s17, s14, $0xb8;
	[tilespmem:$0x18280] =	vst v63  }
0xac: {  	_ = 	snop  }
0xad: {  	[tilespmem:s20], [sflag:$0x4] =	stream.indirect.gather [hbm4b:s4+s14], $0x80, s18, s14, $0xb8;
	[tilespmem:$0x18280] =	vst v63  }
0xae: {  	_ =	swait.ge [sflag:s21], $0x4000  }
0xaf: {  	[sflag:s21] =	ssyncset.done $0x0  }
0xb0: {  	[sflag:s21] =	ssyncadd.s32 $0xFFFFC000  }
0xb1: {  	[spmem:s5] =	stream.indirect.scatter [tilespmem:s15], [sflag:$0x5], $0x80, s22, s14, $0xb8;
	[tilespmem:$0x18280] =	vst v63  }
0xb2: {  	_ =	swait.ge [sflag:s13], $0x4000  }
0xb3: {  	[sflag:s13] =	ssyncset.done $0x0  }
0xb4: {  	[sflag:s13] =	ssyncadd.s32 $0xFFFFC000  }
0xb5: {  	_ =	swait.ge [sflag:s23], $0x4000  }
0xb6: {  	[sflag:s23] =	ssyncset.done $0x0  }
0xb7: {  	[sflag:s23] =	ssyncadd.s32 $0xFFFFC000  }
0xb8: {  	[spmem:s5] =	stream.indirect.scatter.add.f32 [tilespmem:s16], [sflag:$0x5], $0x80, s22, s14, $0xb8;
	[tilespmem:$0x18280] =	vst v63  }
0xb9: {  	_ =	swait.ge [sflag:s13], $0x4000  }
0xba: {  	[sflag:s13] =	ssyncset.done $0x0  }
0xbb: {  	s9 =	sadd.s32 $0xFFFF0000, s31;
	[sflag:s13] =	ssyncadd.s32 $0xFFFFC000  }
0xbc: {  	[hbm:s9], [sflag:s28] =	dma.local [spmem:s29], $0x800  }
0xbd: {  	_ =	swait.ge [sflag:s13], $0x800  }
0xbe: {  	[sflag:s13] =	ssyncset.done $0x0  }
0xbf: {  	[sflag:s13] =	ssyncadd.s32 $0xFFFFF800  }
0xc0: {  	_ =	swait.ge [sflag:s24], $0x4000  }
0xc1: {  	[sflag:s24] =	ssyncset.done $0x0  }
0xc2: {  	[sflag:s24] =	ssyncadd.s32 $0xFFFFC000  }
0xc3: {  	[spmem:s6] =	stream.indirect.scatter [tilespmem:s19], [sflag:$0x5], $0x80, s22, s14, $0xb8;
	[tilespmem:$0x18280] =	vst v63  }
0xc4: {  	_ =	swait.ge [sflag:s13], $0x4000  }
0xc5: {  	[sflag:s13] =	ssyncset.done $0x0  }
0xc6: {  	[sflag:s13] =	ssyncadd.s32 $0xFFFFC000  }
0xc7: {  	_ =	swait.ge [sflag:s25], $0x4000  }
0xc8: {  	[sflag:s25] =	ssyncset.done $0x0  }
0xc9: {  	[sflag:s25] =	ssyncadd.s32 $0xFFFFC000  }
0xca: {  	[spmem:s6] =	stream.indirect.scatter.add.f32 [tilespmem:s20], [sflag:$0x5], $0x80, s22, s14, $0xb8;
	[tilespmem:$0x18280] =	vst v63  }
0xcb: {  	_ =	swait.ge [sflag:s13], $0x4000  }
0xcc: {  	[sflag:s13] =	ssyncset.done $0x0  }
0xcd: {  	[sflag:s13] =	ssyncadd.s32 $0xFFFFC000  }
0xce: {  	[hbm:s31], [sflag:s28] =	dma.local [spmem:s30], $0x800  }
0xcf: {  	_ =	swait.ge [sflag:s13], $0x800  }
0xd0: {  	[sflag:s13] =	ssyncset.done $0x0  }
0xd1: {  	s0 =	simm.s32 @!p0 $0x0;
	s2 =	rddreg [dreg:$0x7];
	[sflag:s13] =	ssyncadd.s32 $0xFFFFF800  }
0xd2: {  	[tilespmem:s0], [sflag:$0x5] =	stream.linear.gather @!p0 [hbm4b:s2+s0], $0x80, $0x38;
	[tilespmem:$0x18280] =	vst v63  }
0xd3: {  	s2 =	simm.s32 @!p0 $0x5  }
0xd4: {  	_ =	swait.ge @!p0 [sflag:s2], $0x80  }
0xd5: {  	[sflag:s2] =	ssyncset.done @!p0 $0x0  }
0xd6: {  	s7 =	simm.s32 @!p0 $0x80;
	s8 =	rddreg [dreg:$0x8];
	[sflag:s2] =	ssyncadd.s32 @!p0 $0xFFFFFF80  }
0xd7: {  	[tilespmem:s7], [sflag:$0x5] =	stream.linear.gather @!p0 [hbm4b:s8+s0], $0x80, $0x38;
	[tilespmem:$0x18280] =	vst v63  }
0xd8: {  	_ =	swait.ge @!p0 [sflag:s2], $0x80  }
0xd9: {  	[sflag:s2] =	ssyncset.done @!p0 $0x0  }
0xda: {  	s8 =	simm.s32 @!p0 $0x280;
	[sflag:s2] =	ssyncadd.s32 @!p0 $0xFFFFFF80  }
0xdb: {  	[tilespmem:s8], [sflag:$0x1] =	stream.indirect.gather @!p0 [hbm4b:s3+s7], $0x80, s0, s7, $0xb8;
	[tilespmem:$0x18280] =	vst v63  }
0xdc: {  	s9 =	simm.s32 @!p0 $0x1;
	s0 =	simm.s32 @!p0 $0x4280  }
0xdd: {  	[tilespmem:s0], [sflag:$0x2] =	stream.indirect.gather @!p0 [hbm4b:s4+s7], $0x80, s7, s7, $0xb8;
	[tilespmem:$0x18280] =	vst v63  }
0xde: {  	_ =	swait.ge @!p0 [sflag:s9], $0x4000  }
0xdf: {  	[sflag:s9] =	ssyncset.done @!p0 $0x0  }
0xe0: {  	[sflag:s9] =	ssyncadd.s32 @!p0 $0xFFFFC000;
	s9 =	simm.s32 @!p0 $0x200  }
0xe1: {  	[spmem:s5] =	stream.indirect.scatter @!p0 [tilespmem:s8], [sflag:$0x5], $0x80, s9, s7, $0xb8;
	[tilespmem:$0x18280] =	vst v63  }
0xe2: {  	_ =	swait.ge @!p0 [sflag:s2], $0x4000  }
0xe3: {  	[sflag:s2] =	ssyncset.done @!p0 $0x0  }
0xe4: {  	s8 =	simm.s32 @!p0 $0x2;
	[sflag:s2] =	ssyncadd.s32 @!p0 $0xFFFFC000  }
0xe5: {  	_ =	swait.ge @!p0 [sflag:s8], $0x4000  }
0xe6: {  	[sflag:s8] =	ssyncset.done @!p0 $0x0  }
0xe7: {  	[sflag:s8] =	ssyncadd.s32 @!p0 $0xFFFFC000  }
0xe8: {  	[spmem:s5] =	stream.indirect.scatter.add.f32 @!p0 [tilespmem:s0], [sflag:$0x5], $0x80, s9, s7, $0xb8;
	[tilespmem:$0x18280] =	vst v63  }
0xe9: {  	s26 =	sadd.s32 $0x1, s26;
	_ =	swait.ge @!p0 [sflag:s2], $0x4000  }
0xea: {  	p1 =	sne.s32 s26, s10;
	s0 =	sshrl.u32 @!p0 s5, $0x3;
	[sflag:s2] =	ssyncset.done @!p0 $0x0  }
.Ltmp1:
0xeb: {  	s7 =	rddreg [dreg:$0x9];
	[sflag:s2] =	ssyncadd.s32 @!p0 $0xFFFFC000;
	(pc) =	sbr.rel @p1 .LBB2_1-.Ltmp1, $4  }
0xec: {  	[hbm:s7], [sflag:s28] =	dma.local @!p0 [spmem:s0], $0x800  }
0xed: {  	_ =	swait.ge @!p0 [sflag:s2], $0x800  }
0xee: {  	[sflag:s2] =	ssyncset.done @!p0 $0x0  }
0xef: {  	[sflag:s2] =	ssyncadd.s32 @!p0 $0xFFFFF800  }
0xf0: {  	_ =	sfence.sel $0x180000  }
0xf1: {  	[bflag:$0x0] =	sbarrier.arrive $0xFFFF  }
0xf2: {  	_ =	strace $0x90000056  }
0xf3: {  	s0 =	stileid.u32;
	[bflag:$0x2] =	sbarrier.arrive $0xFFFF  }
0xf4: {  	p0 =	sne.s32 s0, $0x0;
	s0 =	rddreg [dreg:$0x3]  }
0xf5: {  	s0 =	sadd.s32 @!p0 $0x100000, s0  }
0xf6: {  	[sflag:s0] =	ssyncadd.tile.s32 @!p0 $0x1;
	_ =	shalt  }
.Lfunc_end2:
_tile_overlayer_lowered:
.L_overlay_start_2:
0xf7: {  	(tag) =	ssettag $0x2  }
0xf8: {  	s0 =	rddreg [dreg:$0x0];
	s2 =	stileid.u32  }
0xf9: {  	s1 =	rddreg [dreg:$0x1];
	p0 =	sne.s32 s2, $0x0  }
0xfa: {  	s3 =	rddreg [dreg:$0x2];
	[bflag:$0x3] =	sbarrier.arrive $0xFFFF;
	s2 =	simm.s32 @!p0 $0x1C05  }
0xfb: {  	[timem:s3], [sflag:s2] =	dma.local @!p0 [hbm:s0], s1  }
0xfc: {  	s0 =	simm.s32 @!p0 $0x5  }
0xfd: {  	_ =	swait.ge @!p0 [sflag:s0], s1  }
0xfe: {  	s1 =	ssub.s32 @!p0 $0x0, s1;
	[sflag:s0] =	ssyncset.done @!p0 $0x0  }
0xff: {  	[sflag:s0] =	ssyncadd.s32 @!p0 s1  }
0x100: {  	[bflag:$0x3] =	sbarrier.arrive $0xFFFF  }
0x101: {  	_ =	shalt  }

// kernel: kernel.35.cloned.1.call-start
scs
__scs_entry_jumppad:
0x0: {  	(pc) =	sbr.rel $0x88, $3  }
0x1: {  	(tag) =	ssettag $0x0;
	lr =	simm.s32 $0x1  }
0x2: {  	[smem:$0x3F82] =	sst lr;
	_ =	strace $0xD0000000  }
0x3: {  	_ = 	snop  }
0x4: {  	_ = 	snop  }
0x5: {  	_ = 	snop  }
0x6: {  	_ = 	snop  }
0x7: {  	_ = 	snop  }
__scs_overlays_trampoline_lowered:
0x8: {  	[smem:$0x3F91] =	sst s0  }
0x9: {  	[smem:$0x3F92] =	sst s1  }
0xa: {  	[smem:$0x3F93] =	sst s2  }
0xb: {  	[smem:$0x3F94] =	sst s3  }
0xc: {  	[smem:$0x3F95] =	sst s4  }
0xd: {  	[smem:$0x3F96] =	sst s5  }
0xe: {  	[smem:$0x3F97] =	sst s6  }
0xf: {  	[smem:$0x3F98] =	sst s7  }
0x10: {  	[smem:$0x3F99] =	sst s8  }
0x11: {  	[smem:$0x3F9A] =	sst s9;
	s0 =	simm.s32 @!p0 $0x0  }
0x12: {  	s1 =	sld [smem:$0x3F80];
	s0 =	simm.s32 @p0 $0x1  }
0x13: {  	[smem:$0x3F9B] =	sst s0;
	s0 =	simm.s32 @!p1 $0x0  }
0x14: {  	s2 =	sld [smem:$0x3F7F];
	s0 =	simm.s32 @p1 $0x1  }
0x15: {  	[smem:$0x3F9C] =	sst s0;
	s0 =	simm.s32 @!p2 $0x0  }
0x16: {  	s3 =	sld [smem:$0x3FDB];
	s0 =	simm.s32 @p2 $0x1  }
0x17: {  	s4 =	simm.s32 $0x1BF5;
	[smem:$0x3F9E] =	sst s0  }
0x18: {  	s0 =	sld [smem:$0x3F81];
	_ =	swait.ge [sflag:s4], $0x0  }
0x19: {  	s7 =	sld [smem:$0x3F82]  }
0x1a: {  	s8 =	sadd.s32 $0xFFFFE003, lr  }
0x1b: {  	s9 =	sadd.s32 $0xFFFFFEF7, lr;
	s5 =	simm.s32 $0xFFFFFFFF;
	p2 =	slt.u32 s8, $0xFFFFF086  }
0x1c: {  	p1 =	slt.u32 s9, $0xF7A;
	s5 =	simm.s32 @!p2 $0x0  }
0x1d: {  	s5 =	simm.s32 @p1 $0x1;
	p0 =	seq.s32 s7, s2  }
0x1e: {  	s7 =	smul.u32 @!p0 $0xF7A, s2;
	p2 =	seq.s32 @!p0 s5, $0x0  }
0x1f: {  	s9 =	smul.u32 $0xF7A, s1;
	s8 =	simm.s32 @!p0 $0x1BF5;
	p2 =	por !p2, p0  }
0x20: {  	[sflag:s8] =	ssyncset.s32 @!p0 $0xFFFFF086;
	s6 =	sadd.s32 @!p0 s3, s7;
	s7 =	simm.s32 @!p0 $0x108  }
0x21: {  	s3 =	sadd.s32 s3, s9;
	s6 =	sadd.s32 @!p0 $0x88, s6;
	s7 =	simm.s32 @p2 $0x1082  }
0x22: {  	[simem:s7], [sflag:s8] =	dma.local @!p0 [hbm:s6], $0xF7A  }
0x23: {  	s9 =	sor.u32 $0xD0000000, s2;
	s6 =	simm.s32 $0x108;
	_ =	swait.ge @!p0 [sflag:s8], $0x0  }
0x24: {  	s3 =	sadd.s32 $0x88, s3;
	s6 =	simm.s32 @!p1 $0x1082;
	[sflag:s4] =	ssyncset.s32 $0xFFFFF086  }
0x25: {  	[simem:s6], [sflag:s4] =	dma.local [hbm:s3], $0xF7A  }
0x26: {  	[smem:$0x3F82] =	sst s1;
	(tag) =	ssettag s2;
	_ =	strace s9  }
0x27: {  	s1 =	sld [smem:$0x3F92]  }
0x28: {  	s2 =	sld [smem:$0x3F93]  }
0x29: {  	s4 =	sld [smem:$0x3F95]  }
0x2a: {  	p0 =	seq.s32 s5, $0x0;
	s5 =	sld [smem:$0x3F96]  }
0x2b: {  	s6 =	sld [smem:$0x3F97]  }
0x2c: {  	s7 =	sld [smem:$0x3F98]  }
0x2d: {  	s3 =	simm.s32 $0x108;
	s8 =	sld [smem:$0x3F99]  }
0x2e: {  	s3 =	simm.s32 @!p0 $0x1082;
	s9 =	sld [smem:$0x3F9A]  }
0x2f: {  	lr =	sadd.s32 s0, s3;
	s0 =	sld [smem:$0x3F91]  }
0x30: {  	s3 =	sld [smem:$0x3F94]  }
0x31: {  	[smem:$0x3F9D] =	sst s10  }
0x32: {  	s10 =	sld [smem:$0x3F9B];
	_ =	sdelay $0x3  }
0x33: {  	p0 =	seq.s32 s10, $0x1;
	s10 =	sld [smem:$0x3F9D];
	_ =	sdelay $0x3  }
0x34: {  	[smem:$0x3F9D] =	sst s10  }
0x35: {  	s10 =	sld [smem:$0x3F9C];
	_ =	sdelay $0x3  }
0x36: {  	p1 =	seq.s32 s10, $0x1;
	s10 =	sld [smem:$0x3F9D];
	_ =	sdelay $0x3  }
0x37: {  	[smem:$0x3F9D] =	sst s10  }
0x38: {  	s10 =	sld [smem:$0x3F9E]  }
0x39: {  	_ = 	snop;
	(pc) =	sbr.ind lr, $3  }
0x3a: {  	_ = 	snop  }
0x3b: {  	_ = 	snop  }
0x3c: {  	p2 =	seq.s32 s10, $0x1;
	s10 =	sld [smem:$0x3F9D]  }
0x3d: {  	_ =	shalt  }
0x3e: {  	_ =	shalt  }
0x3f: {  	_ =	shalt  }
0x40: {  	_ =	shalt  }
0x41: {  	_ =	shalt  }
0x42: {  	_ =	shalt  }
0x43: {  	_ =	shalt  }
0x44: {  	_ =	shalt  }
0x45: {  	_ =	shalt  }
0x46: {  	_ =	shalt  }
0x47: {  	_ =	shalt  }
0x48: {  	_ =	shalt  }
0x49: {  	_ =	shalt  }
0x4a: {  	_ =	shalt  }
0x4b: {  	_ =	shalt  }
0x4c: {  	_ =	shalt  }
0x4d: {  	_ =	shalt  }
0x4e: {  	_ =	shalt  }
0x4f: {  	_ =	shalt  }
0x50: {  	_ =	shalt  }
0x51: {  	_ =	shalt  }
0x52: {  	_ =	shalt  }
0x53: {  	_ =	shalt  }
0x54: {  	_ =	shalt  }
0x55: {  	_ =	shalt  }
0x56: {  	_ =	shalt  }
0x57: {  	_ =	shalt  }
0x58: {  	_ =	shalt  }
0x59: {  	_ =	shalt  }
0x5a: {  	_ =	shalt  }
0x5b: {  	_ =	shalt  }
0x5c: {  	_ =	shalt  }
0x5d: {  	_ =	shalt  }
0x5e: {  	_ =	shalt  }
0x5f: {  	_ =	shalt  }
0x60: {  	_ =	shalt  }
0x61: {  	_ =	shalt  }
0x62: {  	_ =	shalt  }
0x63: {  	_ =	shalt  }
0x64: {  	_ =	shalt  }
0x65: {  	_ =	shalt  }
0x66: {  	_ =	shalt  }
0x67: {  	_ =	shalt  }
0x68: {  	_ =	shalt  }
0x69: {  	_ =	shalt  }
0x6a: {  	_ =	shalt  }
0x6b: {  	_ =	shalt  }
0x6c: {  	_ =	shalt  }
0x6d: {  	_ =	shalt  }
0x6e: {  	_ =	shalt  }
0x6f: {  	_ =	shalt  }
0x70: {  	_ =	shalt  }
0x71: {  	_ =	shalt  }
0x72: {  	_ =	shalt  }
0x73: {  	_ =	shalt  }
0x74: {  	_ =	shalt  }
0x75: {  	_ =	shalt  }
0x76: {  	_ =	shalt  }
0x77: {  	_ =	shalt  }
0x78: {  	_ =	shalt  }
0x79: {  	_ =	shalt  }
0x7a: {  	_ =	shalt  }
0x7b: {  	_ =	shalt  }
0x7c: {  	_ =	shalt  }
0x7d: {  	_ =	shalt  }
0x7e: {  	_ =	shalt  }
0x7f: {  	_ =	shalt  }
0x80: {  	_ =	shalt  }
0x81: {  	_ =	shalt  }
0x82: {  	_ =	shalt  }
0x83: {  	_ =	shalt  }
0x84: {  	_ =	shalt  }
0x85: {  	_ =	shalt  }
0x86: {  	_ =	shalt  }
0x87: {  	_ =	shalt  }
.Lfunc_end0:
.L_simem_size_0:
called_computation.6_lowered:
.L_overlay_start_0:
0x88: {  	s2 =	sld [smem:$0x3FD9]  }
0x89: {  	s3 =	sld [smem:$0x3FFE];
	_ =	sdelay $0x1  }
0x8a: {  	s1 =	srdreg.scid  }
0x8b: {  	s0 =	sand.u32 $0x1, s1  }
0x8c: {  	s17 =	sshll.u32 s0, $0xA;
	s2 =	sadd.s32 s3, s2  }
0x8d: {  	s2 =	sadd.s32 s2, s17  }
0x8e: {  	[smem:$0x3FA9] =	sst s2  }
0x8f: {  	_ = 	snop  }
0x90: {  	s2 =	sld [smem:$0x3FD0];
	(tm) =	ssettm $0x1  }
0x91: {  	s18 =	sld [smem:$0x3FFB];
	_ =	sdelay $0x3  }
0x92: {  	_ =	strace s18  }
0x93: {  	s3 =	sld [smem:$0x3FFC];
	_ =	sdelay $0x3  }
0x94: {  	_ =	strace s3  }
0x95: {  	s3 =	sld [smem:$0x3FFD];
	_ =	sdelay $0x3  }
0x96: {  	_ =	strace s3  }
0x97: {  	_ =	strace $0x8FFFFFFF  }
0x98: {  	s19 =	sld [smem:$0x3FDB];
	_ =	sdelay $0x1  }
0x99: {  	s4 =	simm.s32 $_scs_section_size  }
0x9a: {  	s5 =	simm.s32 $_size__tile_overlayer_lowered;
	s6 =	simm.s32 $_tile_overlayer_lowered  }
0x9b: {  	s22 =	simm.s32 $0x1BFF;
	s21 =	sshll.u32 s6, $0x1;
	s3 =	sadd.s32 s4, s19  }
0x9c: {  	s7 =	simm.s32 $0x0;
	s20 =	sshll.u32 s5, $0x1;
	s5 =	sadd.s32 s21, s3  }
0x9d: {  	[timem:s7], [sflag:s22] =	dma.local [hbm:s5], s20  }
0x9e: {  	_ =	swait.ge [sflag:s22], s20  }
0x9f: {  	s4 =	ssub.s32 $0x0, s20;
	[sflag:s22] =	ssyncset.done $0x0  }
0xa0: {  	[sflag:s22] =	ssyncadd.s32 s4;
	_ =	sdelay $0x1  }
0xa1: {  	s23 =	simm.s32 $0x1B8B  }
0xa2: {  	_ =	swait.ge [sflag:s23], $0x1  }
0xa3: {  	[sflag:s23] =	ssyncset.done $0x0  }
0xa4: {  	s25 =	simm.s32 $0x1B8E;
	s24 =	sld [smem:$0x3FFE];
	[sflag:s23] =	ssyncadd.s32 $0xFFFFFFFF  }
0xa5: {  	s26 =	simm.s32 $execute0_lowered;
	[smem:$0x3FD2] =	sst s25  }
0xa6: {  	s5 =	sshll.u32 s26, $0x1;
	_ =	strace $0x80000058;
	[dreg:$0x1] =	wrdreg $0xFFFFFFFF  }
0xa7: {  	s28 =	simm.s32 $_size_execute0_lowered;
	s3 =	sadd.s32 s3, s5;
	[dreg:$0x0] =	wrdreg $0x0  }
0xa8: {  	s5 =	sshll.u32 s28, $0x1;
	[dreg:$0x2] =	wrdreg s3  }
0xa9: {  	[dreg:$0x3] =	wrdreg s5  }
0xaa: {  	[dreg:$0x4] =	wrdreg $0xC0  }
0xab: {  	_ =	task [dreg:s7], $0x5FFFF  }
0xac: {  	[dreg:$0x1] =	wrdreg $0xFFFFFFFF  }
0xad: {  	[dreg:$0x0] =	wrdreg $0x60  }
0xae: {  	[dreg:$0x2] =	wrdreg s24  }
0xaf: {  	[dreg:$0x3] =	wrdreg s2  }
0xb0: {  	[dreg:$0x4] =	wrdreg $0x81000  }
0xb1: {  	[dreg:$0x5] =	wrdreg $0x9  }
0xb2: {  	_ =	task.clear_ibuf [dreg:s7], $0x6FFFF;
	_ =	strace $0x90000058  }
0xb3: {  	s29 =	simm.s32 $0x9;
	_ =	strace $0x8000005A  }
0xb4: {  	_ =	swait.ge [sflag:s29], $0x1  }
0xb5: {  	[sflag:s29] =	ssyncadd.s32 $0xFFFFFFFF  }
0xb6: {  	_ =	strace $0x9000005A  }
0xb7: {  	_ =	sfence  }
0xb8: {  	s30 =	sld [smem:$0x0];
	_ =	sdelay $0x2  }
0xb9: {  	s31 =	sshll.u32 s1, $0xD;
	s1 =	sshrl.u32 s1, $0x2  }
0xba: {  	s3 =	sand.u32 $0x4000, s31;
	s1 =	sadd.s32 s1, s30  }
0xbb: {  	s0 =	sor.u32 s3, s0;
	s1 =	sshll.u32 s1, $0x11  }
0xbc: {  	s0 =	sor.u32 s1, s0  }
0xbd: {  	s0 =	sadd.s32 $0x8F2B, s0  }
0xbe: {  	[sflag:s0] =	ssyncadd.remote.s32 $0x1  }
0xbf: {  	_ =	sfence.sel $0xFFFF  }
0xc0: {  	[dreg:$0x0] =	wrdreg $0xFFFFFFFF;
	(pc) =	sbr.abs _section_cstart, $3  }
0xc1: {  	[dreg:$0x1] =	wrdreg $0xFFFFFFFF  }
0xc2: {  	_ =	task.clear_ibuf [dreg:s7], $0x2FFFF;
	_ =	strace $0x9FFFFFFF  }
0xc3: {  	(tm) =	ssettm $0x7FFFFFFF  }
tec
execute0_lowered:
.L_overlay_start_1:
0x0: {  	(tag) =	ssettag $0x1  }
0x1: {  	s4 =	rddreg [dreg:$0x0]  }
0x2: {  	s15 =	rddreg [dreg:$0x1]  }
0x3: {  	s0 =	srdreg.scid;
	s2 =	rddreg [dreg:$0x2]  }
0x4: {  	s1 =	stileid.u32;
	s3 =	simm.s32 $0x0;
	s20 =	simm.s32 $0x1  }
0x5: {  	s13 =	sand.u32 $0x1, s0;
	s0 =	rddreg [dreg:$0x3];
	s6 =	smul.u32 $0x14000, s1  }
0x6: {  	s21 =	simm.s32 $0x2;
	[smem:$0x7FF] =	sst s3;
	s7 =	smul.u32 $0x50000, s1  }
0x7: {  	s14 =	sadd.s32 $0x5B9800, s4;
	s16 =	sshll.u32 s1, $0x7;
	s18 =	sshll.u32 s1, $0x4  }
0x8: {  	s31 =	sshll.u32 s1, $0xB;
	s5 =	smul.u32 $0x140000, s13;
	_ =	strace $0x80000059  }
0x9: {  	s26 =	ssub.s32 $0x2, s13;
	s29 =	sshll.u32 s13, $0x4;
	s8 =	sor.u32 $0x4E000, s16  }
0xa: {  	s17 =	sshll.u32 s13, $0x8;
	s19 =	sshll.u32 s13, $0xF;
	s13 =	sshll.u32 s13, $0xB  }
0xb: {  	s28 =	sshrl.u32 s26, $0x1;
	s30 =	sshrl.u32 s7, $0x2;
	s22 =	sor.u32 s1, s29  }
0xc: {  	s9 =	sshll.u32 s8, $0x4;
	s10 =	sshrl.u32 s8, $0x3;
	s17 =	sadd.s32 s17, s15  }
0xd: {  	s16 =	sor.u32 s16, s13;
	s5 =	sadd.s32 s6, s5;
	s12 =	ssub.s32 s26, s28  }
0xe: {  	s9 =	sadd.s32 s14, s9;
	s10 =	sadd.s32 s15, s10;
	s14 =	sadd.s32 s19, s14  }
0xf: {  	s17 =	sadd.s32 s18, s17;
	s16 =	sshrl.u32 s16, $0x3;
	s18 =	simm.s32 $0x4100  }
0x10: {  	s19 =	simm.s32 $0x80;
	p0 =	sgt.u32 s22, $0x3;
	s22 =	simm.s32 $0x0  }
0x11: {  	s5 =	sshrl.u32 s5, $0x3;
	s12 =	smax.u32 s12, $0x1;
	s14 =	sadd.s32 s31, s14  }
0x12: {  	s13 =	sadd.s32 $0x200, s17;
	s15 =	sadd.s32 s16, s15;
	s16 =	simm.s32 $0x100  }
0x13: {  	s17 =	simm.s32 $0x3;
	s11 =	sadd.s32 s5, s4;
	s4 =	sadd.s32 s30, s2  }
0x14: {  	s14 =	sadd.s32 $0x10000, s14;
	s5 =	sadd.s32 $0x4000, s4;
	s6 =	sadd.s32 $0x8000, s4  }
0x15: {  	v0 =	vimm.f32 $0.0e+00;
	s7 =	sadd.s32 $0xC000, s4;
	s8 =	sadd.s32 $0x10000, s4;
	s11 =	sadd.s32 $0x87800, s11  }
.LBB2_1:
0x16: {  	s23 =	simm.s32 $0x0;
	s24 =	simm.s32 $0x200  }
.LBB2_2:
0x17: {  	p1 =	sne.s32 s24, $0xFE00;
	[tilespmem:s23+$0x170] =	vst v0  }
0x18: {  	[tilespmem:s23+$0x100] =	vst v0  }
0x19: {  	[tilespmem:s23+$0x110] =	vst v0  }
.Ltmp0:
0x1a: {  	[tilespmem:s23+$0x120] =	vst v0;
	(pc) =	sbr.rel @p1 .LBB2_2-.Ltmp0, $4  }
0x1b: {  	[tilespmem:s23+$0x130] =	vst v0  }
0x1c: {  	[tilespmem:s23+$0x140] =	vst v0  }
0x1d: {  	[tilespmem:s23+$0x150] =	vst v0  }
0x1e: {  	[tilespmem:s23+$0x160] =	vst v0;
	s23 =	sshra.s32 s24, $0x2;
	s24 =	sadd.s32 $0x200, s24  }
0x1f: {  	[tilespmem:s23+$0x170] =	vst v0  }
0x20: {  	[tilespmem:s23+$0x100] =	vst v0  }
0x21: {  	[tilespmem:s23+$0x110] =	vst v0  }
0x22: {  	[tilespmem:s23+$0x120] =	vst v0  }
0x23: {  	[tilespmem:s23+$0x130] =	vst v0  }
0x24: {  	[tilespmem:s23+$0x140] =	vst v0  }
0x25: {  	[tilespmem:s23+$0x150] =	vst v0  }
0x26: {  	[tilespmem:s23+$0x160] =	vst v0  }
0x27: {  	[spmem:s4] =	stream.linear.scatter [tilespmem:s16], [sflag:$0x3], $0x4000, $0x38;
	[tilespmem:$0x1C100] =	vst v63  }
0x28: {  	_ =	swait.ge [sflag:s17], $0x4000  }
0x29: {  	[sflag:s17] =	ssyncset.done $0x0  }
0x2a: {  	[sflag:s17] =	ssyncadd.s32 $0xFFFFC000  }
0x2b: {  	[spmem:s5] =	stream.linear.scatter [tilespmem:s16], [sflag:$0x3], $0x4000, $0x38;
	[tilespmem:$0x1C100] =	vst v63  }
0x2c: {  	_ =	swait.ge [sflag:s17], $0x4000  }
0x2d: {  	[sflag:s17] =	ssyncset.done $0x0  }
0x2e: {  	[sflag:s17] =	ssyncadd.s32 $0xFFFFC000  }
0x2f: {  	[spmem:s6] =	stream.linear.scatter [tilespmem:s16], [sflag:$0x3], $0x4000, $0x38;
	[tilespmem:$0x1C100] =	vst v63  }
0x30: {  	_ =	swait.ge [sflag:s17], $0x4000  }
0x31: {  	[sflag:s17] =	ssyncset.done $0x0  }
0x32: {  	[sflag:s17] =	ssyncadd.s32 $0xFFFFC000  }
0x33: {  	[spmem:s7] =	stream.linear.scatter [tilespmem:s16], [sflag:$0x3], $0x4000, $0x38;
	[tilespmem:$0x1C100] =	vst v63  }
0x34: {  	_ =	swait.ge [sflag:s17], $0x4000  }
0x35: {  	[sflag:s17] =	ssyncset.done $0x0  }
0x36: {  	[sflag:s17] =	ssyncadd.s32 $0xFFFFC000  }
0x37: {  	[spmem:s8] =	stream.linear.scatter [tilespmem:s16], [sflag:$0x3], $0x4000, $0x38;
	[tilespmem:$0x1C100] =	vst v63  }
0x38: {  	_ =	swait.ge [sflag:s17], $0x4000  }
0x39: {  	[sflag:s17] =	ssyncset.done $0x0  }
0x3a: {  	[sflag:s17] =	ssyncadd.s32 $0xFFFFC000  }
0x3b: {  	s29 =	sadd.s32 $0xFFFF0000, s14;
	[bflag:$0x0] =	sbarrier.arrive $0xFFFF  }
0x3c: {  	[tilespmem:s16], [sflag:$0x1] =	stream.linear.gather [hbm4b:s29+s3], $0x4000, $0x38;
	[tilespmem:$0x1C100] =	vst v63  }
0x3d: {  	s30 =	sadd.s32 $0x0, s15  }
0x3e: {  	[tilespmem:s3], [sflag:$0x3] =	stream.linear.gather [hbm4b:s30+s3], $0x80, $0x38;
	[tilespmem:$0x1C100] =	vst v63  }
0x3f: {  	_ =	swait.ge [sflag:s17], $0x80  }
0x40: {  	[sflag:s17] =	ssyncset.done $0x0  }
0x41: {  	[sflag:s17] =	ssyncadd.s32 $0xFFFFFF80  }
0x42: {  	[tilespmem:s18], [sflag:$0x2] =	stream.linear.gather [hbm4b:s14+s3], $0x4000, $0x38;
	[tilespmem:$0x1C100] =	vst v63  }
0x43: {  	s31 =	sadd.s32 $0x0, s13  }
0x44: {  	[tilespmem:s19], [sflag:$0x3] =	stream.linear.gather [hbm4b:s31+s3], $0x80, $0x38;
	[tilespmem:$0x1C100] =	vst v63  }
0x45: {  	_ =	swait.ge [sflag:s17], $0x80  }
0x46: {  	[sflag:s17] =	ssyncset.done $0x0  }
0x47: {  	[sflag:s17] =	ssyncadd.s32 $0xFFFFFF80  }
0x48: {  	_ =	swait.ge [sflag:s20], $0x4000  }
0x49: {  	[sflag:s20] =	ssyncset.done $0x0  }
0x4a: {  	[sflag:s20] =	ssyncadd.s32 $0xFFFFC000  }
0x4b: {  	[spmem:s2] =	stream.indirect.scatter.add.f32 [tilespmem:s16], [sflag:$0x3], $0x80, s3, s19, $0xb8;
	[tilespmem:$0x1C100] =	vst v63  }
0x4c: {  	_ =	swait.ge [sflag:s17], $0x4000  }
0x4d: {  	[sflag:s17] =	ssyncset.done $0x0  }
0x4e: {  	[sflag:s17] =	ssyncadd.s32 $0xFFFFC000  }
0x4f: {  	_ =	swait.ge [sflag:s21], $0x4000  }
0x50: {  	[sflag:s21] =	ssyncset.done $0x0  }
0x51: {  	[sflag:s21] =	ssyncadd.s32 $0xFFFFC000  }
0x52: {  	[spmem:s2] =	stream.indirect.scatter.add.f32 [tilespmem:s18], [sflag:$0x3], $0x80, s19, s19, $0xb8;
	[tilespmem:$0x1C100] =	vst v63  }
0x53: {  	s23 =	simm.s32 $0x400;
	_ =	swait.ge [sflag:s17], $0x4000  }
0x54: {  	s25 =	simm.s32 $0x800;
	s24 =	sadd.s32 $0x20000, s14;
	[sflag:s17] =	ssyncset.done $0x0  }
.LBB2_4:
0x55: {  	p1 =	sne.s32 s25, $0x9800;
	s26 =	sadd.s32 $0xFFFF0000, s24;
	[sflag:s17] =	ssyncadd.s32 $0xFFFFC000  }
0x56: {  	[tilespmem:s16], [sflag:$0x1] =	stream.linear.gather [hbm4b:s26+s3], $0x4000, $0x38;
	[tilespmem:$0x1C100] =	vst v63  }
0x57: {  	s28 =	smov.u32 s25;
	s25 =	sadd.s32 $0x400, s25;
	s26 =	sadd.s32 s23, s15  }
0x58: {  	[tilespmem:s3], [sflag:$0x3] =	stream.linear.gather [hbm4b:s26+s3], $0x80, $0x38;
	[tilespmem:$0x1C100] =	vst v63  }
0x59: {  	_ =	swait.ge [sflag:s17], $0x80  }
0x5a: {  	[sflag:s17] =	ssyncset.done $0x0  }
0x5b: {  	[sflag:s17] =	ssyncadd.s32 $0xFFFFFF80  }
0x5c: {  	[tilespmem:s18], [sflag:$0x2] =	stream.linear.gather [hbm4b:s24+s3], $0x4000, $0x38;
	[tilespmem:$0x1C100] =	vst v63  }
0x5d: {  	s26 =	sadd.s32 s23, s13;
	s23 =	smov.u32 s28  }
0x5e: {  	[tilespmem:s19], [sflag:$0x3] =	stream.linear.gather [hbm4b:s26+s3], $0x80, $0x38;
	[tilespmem:$0x1C100] =	vst v63  }
0x5f: {  	_ =	swait.ge [sflag:s17], $0x80  }
0x60: {  	[sflag:s17] =	ssyncset.done $0x0  }
0x61: {  	[sflag:s17] =	ssyncadd.s32 $0xFFFFFF80  }
0x62: {  	_ =	swait.ge [sflag:s20], $0x4000  }
0x63: {  	[sflag:s20] =	ssyncset.done $0x0  }
0x64: {  	[sflag:s20] =	ssyncadd.s32 $0xFFFFC000  }
0x65: {  	[spmem:s2] =	stream.indirect.scatter.add.f32 [tilespmem:s16], [sflag:$0x3], $0x80, s3, s19, $0xb8;
	[tilespmem:$0x1C100] =	vst v63  }
0x66: {  	_ =	swait.ge [sflag:s17], $0x4000  }
0x67: {  	[sflag:s17] =	ssyncset.done $0x0  }
0x68: {  	[sflag:s17] =	ssyncadd.s32 $0xFFFFC000  }
0x69: {  	_ =	swait.ge [sflag:s21], $0x4000  }
.Ltmp1:
0x6a: {  	[sflag:s21] =	ssyncset.done $0x0;
	(pc) =	sbr.rel @p1 .LBB2_4-.Ltmp1, $4  }
0x6b: {  	[sflag:s21] =	ssyncadd.s32 $0xFFFFC000  }
0x6c: {  	[spmem:s2] =	stream.indirect.scatter.add.f32 [tilespmem:s18], [sflag:$0x3], $0x80, s19, s19, $0xb8;
	[tilespmem:$0x1C100] =	vst v63  }
0x6d: {  	_ =	swait.ge [sflag:s17], $0x4000  }
0x6e: {  	s24 =	sadd.s32 $0x20000, s24;
	[sflag:s17] =	ssyncset.done $0x0  }
0x6f: {  	s25 =	sadd.s32 $0xFFFF0000, s24;
	[sflag:s17] =	ssyncadd.s32 $0xFFFFC000  }
0x70: {  	[tilespmem:s16], [sflag:$0x1] =	stream.linear.gather [hbm4b:s25+s3], $0x4000, $0x38;
	[tilespmem:$0x1C100] =	vst v63  }
0x71: {  	s28 =	sadd.s32 s23, s15  }
0x72: {  	[tilespmem:s3], [sflag:$0x3] =	stream.linear.gather [hbm4b:s28+s3], $0x80, $0x38;
	[tilespmem:$0x1C100] =	vst v63  }
0x73: {  	_ =	swait.ge [sflag:s17], $0x80  }
0x74: {  	[sflag:s17] =	ssyncset.done $0x0  }
0x75: {  	[sflag:s17] =	ssyncadd.s32 $0xFFFFFF80  }
0x76: {  	[tilespmem:s18], [sflag:$0x2] =	stream.linear.gather [hbm4b:s24+s3], $0x4000, $0x38;
	[tilespmem:$0x1C100] =	vst v63  }
0x77: {  	s29 =	sadd.s32 s23, s13  }
0x78: {  	[tilespmem:s19], [sflag:$0x3] =	stream.linear.gather [hbm4b:s29+s3], $0x80, $0x38;
	[tilespmem:$0x1C100] =	vst v63  }
0x79: {  	_ =	swait.ge [sflag:s17], $0x80  }
0x7a: {  	[sflag:s17] =	ssyncset.done $0x0  }
0x7b: {  	[sflag:s17] =	ssyncadd.s32 $0xFFFFFF80  }
0x7c: {  	_ =	swait.ge [sflag:s20], $0x4000  }
0x7d: {  	[sflag:s20] =	ssyncset.done $0x0  }
0x7e: {  	[sflag:s20] =	ssyncadd.s32 $0xFFFFC000  }
0x7f: {  	[spmem:s2] =	stream.indirect.scatter.add.f32 [tilespmem:s16], [sflag:$0x3], $0x80, s3, s19, $0xb8;
	[tilespmem:$0x1C100] =	vst v63  }
0x80: {  	_ =	swait.ge [sflag:s17], $0x4000  }
0x81: {  	[sflag:s17] =	ssyncset.done $0x0  }
0x82: {  	[sflag:s17] =	ssyncadd.s32 $0xFFFFC000  }
0x83: {  	_ =	swait.ge [sflag:s21], $0x4000  }
0x84: {  	[sflag:s21] =	ssyncset.done $0x0  }
0x85: {  	[sflag:s21] =	ssyncadd.s32 $0xFFFFC000  }
0x86: {  	[spmem:s2] =	stream.indirect.scatter.add.f32 [tilespmem:s18], [sflag:$0x3], $0x80, s19, s19, $0xb8;
	[tilespmem:$0x1C100] =	vst v63  }
0x87: {  	_ =	swait.ge [sflag:s17], $0x4000  }
0x88: {  	[sflag:s17] =	ssyncset.done $0x0  }
0x89: {  	s23 =	simm.s32 @!p0 $0x0;
	s24 =	simm.s32 @!p0 $0x100;
	[sflag:s17] =	ssyncadd.s32 $0xFFFFC000  }
0x8a: {  	[tilespmem:s24], [sflag:$0x1] =	stream.linear.gather @!p0 [hbm4b:s9+s23], $0x4000, $0x38;
	[tilespmem:$0x1C100] =	vst v63  }
0x8b: {  	s25 =	simm.s32 @!p0 $0x3  }
0x8c: {  	[tilespmem:s23], [sflag:$0x3] =	stream.linear.gather @!p0 [hbm4b:s10+s23], $0x80, $0x38;
	[tilespmem:$0x1C100] =	vst v63  }
0x8d: {  	_ =	swait.ge @!p0 [sflag:s25], $0x80  }
0x8e: {  	[sflag:s25] =	ssyncset.done @!p0 $0x0  }
0x8f: {  	s26 =	simm.s32 @!p0 $0x1;
	[sflag:s25] =	ssyncadd.s32 @!p0 $0xFFFFFF80  }
0x90: {  	_ =	swait.ge @!p0 [sflag:s26], $0x4000  }
0x91: {  	[sflag:s26] =	ssyncset.done @!p0 $0x0  }
0x92: {  	[sflag:s26] =	ssyncadd.s32 @!p0 $0xFFFFC000;
	s26 =	simm.s32 @!p0 $0x80  }
0x93: {  	[spmem:s2] =	stream.indirect.scatter.add.f32 @!p0 [tilespmem:s24], [sflag:$0x3], $0x80, s23, s26, $0xb8;
	[tilespmem:$0x1C100] =	vst v63  }
0x94: {  	_ =	swait.ge @!p0 [sflag:s25], $0x4000  }
0x95: {  	s30 =	sshll.u32 s1, $0x6;
	s22 =	sadd.s32 $0x1, s22;
	[sflag:s25] =	ssyncset.done @!p0 $0x0  }
0x96: {  	s31 =	sshrl.u32 s4, $0x3;
	p1 =	sne.s32 s22, s12;
	[sflag:s25] =	ssyncadd.s32 @!p0 $0xFFFFC000  }
.Ltmp2:
0x97: {  	s23 =	sor.u32 $0x1C03, s30;
	[bflag:$0x0] =	sbarrier.arrive $0xFFFF;
	(pc) =	sbr.rel @p1 .LBB2_1-.Ltmp2, $4  }
0x98: {  	[hbm:s11], [sflag:s23] =	dma.local [spmem:s31], $0x2800  }
0x99: {  	_ =	swait.ge [sflag:s17], $0x2800  }
0x9a: {  	[sflag:s17] =	ssyncset.done $0x0  }
0x9b: {  	[sflag:s17] =	ssyncadd.s32 $0xFFFFD800  }
0x9c: {  	_ =	sfence.sel $0x180000  }
0x9d: {  	[bflag:$0x0] =	sbarrier.arrive $0xFFFF  }
0x9e: {  	p0 =	sne.s32 s1, $0x0;
	_ =	strace $0x90000059  }
0x9f: {  	s0 =	sadd.s32 @!p0 $0x100000, s0;
	[bflag:$0x2] =	sbarrier.arrive $0xFFFF  }
0xa0: {  	[sflag:s0] =	ssyncadd.tile.s32 @!p0 $0x1;
	_ =	shalt  }
.Lfunc_end2:
_tile_overlayer_lowered:
.L_overlay_start_2:
0xa1: {  	(tag) =	ssettag $0x2  }
0xa2: {  	s0 =	rddreg [dreg:$0x0];
	s2 =	stileid.u32  }
0xa3: {  	s1 =	rddreg [dreg:$0x1];
	p0 =	sne.s32 s2, $0x0  }
0xa4: {  	s3 =	rddreg [dreg:$0x2];
	[bflag:$0x3] =	sbarrier.arrive $0xFFFF;
	s2 =	simm.s32 @!p0 $0x1C03  }
0xa5: {  	[timem:s3], [sflag:s2] =	dma.local @!p0 [hbm:s0], s1  }
0xa6: {  	s0 =	simm.s32 @!p0 $0x3  }
0xa7: {  	_ =	swait.ge @!p0 [sflag:s0], s1  }
0xa8: {  	s1 =	ssub.s32 @!p0 $0x0, s1;
	[sflag:s0] =	ssyncset.done @!p0 $0x0  }
0xa9: {  	[sflag:s0] =	ssyncadd.s32 @!p0 s1  }
0xaa: {  	[bflag:$0x3] =	sbarrier.arrive $0xFFFF  }
0xab: {  	_ =	shalt  }

</sc_bundles>
